<compile_context>
chip_gen: v7x
topology: tpu7x:2x2x1
jax: 0.10.2.dev20260603
libtpu: 0.0.44.dev20260713+nightly
codegen_flags: <defaults>
</compile_context>

<pallas_src>
import jax
import jax.numpy as jnp
from jax import lax
from jax.experimental import pallas as pl
from jax.experimental.pallas import tpu as pltpu
from jax.experimental.pallas import tpu_sc as plsc

N = 256
E = 8192
D = 128
EBLK = 1024
NBLK = E // EBLK
NWORK = 32
EPW = E // NWORK


def _relu(x):
    return jnp.maximum(x, 0.0)


def _dot(a, b):
    return jax.lax.dot_general(a, b, (((1,), (0,)), ((), ())),
                               preferred_element_type=jnp.float32)


def _dot_t(a, b):
    return jax.lax.dot_general(a, b, (((1,), (1,)), ((), ())),
                               preferred_element_type=jnp.float32)


def _dot_c0(a, b):
    return jax.lax.dot_general(a, b, (((0,), (0,)), ((), ())),
                               preferred_element_type=jnp.float32)


def _k1a_body(nf_ref, ef_ref, src_ref, dst_ref, pw_ref, poolw_ref,
              poolb_ref, prea_out, h2b_out, nodep1_s):
    i = pl.program_id(0)

    @pl.when(i == 0)
    def _init():
        nodep1_s[...] = _dot(nf_ref[...], pw_ref[0:D, :])

    src_row = src_ref[0]
    dst_row = dst_ref[0]
    iota_n = lax.broadcasted_iota(jnp.int32, (N, EBLK), 0)
    ohs = (iota_n == src_row).astype(jnp.bfloat16)
    ohd = (iota_n == dst_row).astype(jnp.bfloat16)

    ef_b = ef_ref[...]
    p2 = pw_ref[D:2 * D, :]
    p3 = pw_ref[2 * D:3 * D, :]
    a_f = _dot(ef_b, p2)
    b_f = _dot(ef_b, p3)
    np1_bf = nodep1_s[...].astype(jnp.bfloat16)
    n_s = _dot_c0(ohs, np1_bf)
    n_d = _dot_c0(ohd, np1_bf)

    poolb = poolb_ref[...]
    prea_out[...] = (n_s + a_f).astype(jnp.bfloat16)
    h1b = _relu(n_d + b_f)
    h2b_out[...] = _relu(_dot_t(h1b, poolw_ref[...]) + poolb).astype(
        jnp.bfloat16)


def _k1b_body(rvf_ref, prea_ref, h2b_ref, src_ref, dst_ref, rp1_ref,
              pw_ref, poolw_ref, poolb_ref, s_out, sacc_s):
    i = pl.program_id(0)

    @pl.when(i == 0)
    def _init():
        sacc_s[...] = jnp.zeros((N, D), jnp.float32)

    src_row = src_ref[0]
    dst_row = dst_ref[0]
    rp1_row = rp1_ref[0]
    iota_n = lax.broadcasted_iota(jnp.int32, (N, EBLK), 0)
    ohs = (iota_n == src_row).astype(jnp.bfloat16)
    ohd = (iota_n == dst_row).astype(jnp.bfloat16)
    maskb = (rp1_row == 0).astype(jnp.bfloat16)
    ohd_m = ohd * maskb

    rv_b = rvf_ref[...]
    p3 = pw_ref[2 * D:3 * D, :]
    r_f = _dot(rv_b, p3)

    poolb = poolb_ref[...]
    relub = _relu(poolb)
    h1a = _relu(prea_ref[...].astype(jnp.float32) + r_f)
    h2a = _relu(_dot_t(h1a, poolw_ref[...]) + poolb)
    ca = (h2a - relub).astype(jnp.bfloat16)
    cb = (h2b_ref[...].astype(jnp.float32) - relub).astype(jnp.bfloat16)
    sacc_s[...] += _dot(ohs, ca) + _dot(ohd_m, cb)

    @pl.when(i == NBLK - 1)
    def _fin():
        s_out[...] = sacc_s[...]


def _k2_body(nf_ref, ef_ref, src_ref, dst_ref, s_ref, qw_ref, poolb_ref,
             ww_ref, qf_out, wf_out, qf_s, qw2_s, qw3_s):
    i = pl.program_id(0)

    @pl.when(i == 0)
    def _init():
        relub = _relu(poolb_ref[...])
        pf = relub + s_ref[...] * (1.0 / (N - 1))
        qf = _relu(_dot(nf_ref[...], qw_ref[0:D, :]) +
                   _dot(pf, qw_ref[D:2 * D, :]))
        qf_s[...] = qf
        qf_out[...] = qf
        qw2_s[...] = _dot(qf, ww_ref[D:2 * D, :])
        qw3_s[...] = _dot(qf, ww_ref[2 * D:3 * D, :])

    src_row = src_ref[0]
    dst_row = dst_ref[0]
    iota_n = lax.broadcasted_iota(jnp.int32, (N, EBLK), 0)
    ohs = (iota_n == src_row).astype(jnp.bfloat16)
    ohd = (iota_n == dst_row).astype(jnp.bfloat16)
    wf_out[...] = _relu(_dot(ef_ref[...], ww_ref[0:D, :]) +
                        _dot_c0(ohs, qw2_s[...].astype(jnp.bfloat16)) +
                        _dot_c0(ohd, qw3_s[...].astype(jnp.bfloat16)))


def _k1a(nf, ef, src3, dst3, P_weights, pool_W, pool_b):
    return pl.pallas_call(
        _k1a_body,
        grid=(NBLK,),
        in_specs=[
            pl.BlockSpec((N, D), lambda i: (0, 0)),
            pl.BlockSpec((EBLK, D), lambda i: (i, 0)),
            pl.BlockSpec((1, 1, EBLK), lambda i: (i, 0, 0)),
            pl.BlockSpec((1, 1, EBLK), lambda i: (i, 0, 0)),
            pl.BlockSpec((3 * D, D), lambda i: (0, 0)),
            pl.BlockSpec((D, D), lambda i: (0, 0)),
            pl.BlockSpec((1, D), lambda i: (0, 0)),
        ],
        out_specs=[
            pl.BlockSpec((EBLK, D), lambda i: (i, 0)),
            pl.BlockSpec((EBLK, D), lambda i: (i, 0)),
        ],
        out_shape=[
            jax.ShapeDtypeStruct((E, D), jnp.bfloat16),
            jax.ShapeDtypeStruct((E, D), jnp.bfloat16),
        ],
        scratch_shapes=[
            pltpu.VMEM((N, D), jnp.float32),
        ],
    )(nf, ef, src3, dst3, P_weights, pool_W, pool_b)


def _k1b(revfeat, prea, h2b, src3, dst3, rp13, P_weights, pool_W, pool_b):
    return pl.pallas_call(
        _k1b_body,
        grid=(NBLK,),
        in_specs=[
            pl.BlockSpec((EBLK, D), lambda i: (i, 0)),
            pl.BlockSpec((EBLK, D), lambda i: (i, 0)),
            pl.BlockSpec((EBLK, D), lambda i: (i, 0)),
            pl.BlockSpec((1, 1, EBLK), lambda i: (i, 0, 0)),
            pl.BlockSpec((1, 1, EBLK), lambda i: (i, 0, 0)),
            pl.BlockSpec((1, 1, EBLK), lambda i: (i, 0, 0)),
            pl.BlockSpec((3 * D, D), lambda i: (0, 0)),
            pl.BlockSpec((D, D), lambda i: (0, 0)),
            pl.BlockSpec((1, D), lambda i: (0, 0)),
        ],
        out_specs=pl.BlockSpec((N, D), lambda i: (0, 0)),
        out_shape=jax.ShapeDtypeStruct((N, D), jnp.float32),
        scratch_shapes=[
            pltpu.VMEM((N, D), jnp.float32),
        ],
    )(revfeat, prea, h2b, src3, dst3, rp13, P_weights, pool_W, pool_b)


def _qf_wf(nf, ef, src3, dst3, s_sum, Q_weights, pool_b, W_weight):
    return pl.pallas_call(
        _k2_body,
        grid=(NBLK,),
        in_specs=[
            pl.BlockSpec((N, D), lambda i: (0, 0)),
            pl.BlockSpec((EBLK, D), lambda i: (i, 0)),
            pl.BlockSpec((1, 1, EBLK), lambda i: (i, 0, 0)),
            pl.BlockSpec((1, 1, EBLK), lambda i: (i, 0, 0)),
            pl.BlockSpec((N, D), lambda i: (0, 0)),
            pl.BlockSpec((2 * D, D), lambda i: (0, 0)),
            pl.BlockSpec((1, D), lambda i: (0, 0)),
            pl.BlockSpec((3 * D, D), lambda i: (0, 0)),
        ],
        out_specs=[
            pl.BlockSpec((N, D), lambda i: (0, 0)),
            pl.BlockSpec((EBLK, D), lambda i: (i, 0)),
        ],
        out_shape=[
            jax.ShapeDtypeStruct((N, D), jnp.float32),
            jax.ShapeDtypeStruct((E, D), jnp.float32),
        ],
        scratch_shapes=[
            pltpu.VMEM((N, D), jnp.float32),
            pltpu.VMEM((N, D), jnp.float32),
            pltpu.VMEM((N, D), jnp.float32),
        ],
    )(nf, ef, src3, dst3, s_sum, Q_weights, pool_b, W_weight)


_CHUNK = 1024


def _sc_rev_body(src_hbm, dst_hbm, ef_hbm, rp1_hbm, revfeat_hbm,
                 table_v, srcc_v, dstc_v, osrc_v, odst_v, idx_v, rows_v,
                 zrow_v, ef_sp, sem, sem_stage, sem_ping, sem_pong):
    cid = lax.axis_index("c")
    sid = lax.axis_index("s")
    wid = sid * 2 + cid

    @pl.when(sid == 0)
    def _stage():
        pltpu.async_copy(ef_hbm, ef_sp.at[pl.ds(1, E)], sem_stage)

    with jax.named_scope("sc_zero"):
        zeros16 = jnp.zeros((16,), jnp.int32)

        def _zero(i, carry):
            for k in range(8):
                table_v[pl.ds(i * 128 + k * 16, 16)] = zeros16
            return carry

        lax.fori_loop(0, (N * N // 2) // 128, _zero, 0)

    iota = lax.iota(jnp.int32, 16)

    with jax.named_scope("sc_scatter"):
        halfc = _CHUNK // 2
        bufs = [(srcc_v.at[pl.ds(0, halfc)], dstc_v.at[pl.ds(0, halfc)],
                 sem_ping),
                (srcc_v.at[pl.ds(halfc, halfc)],
                 dstc_v.at[pl.ds(halfc, halfc)], sem_pong)]
        nch2 = E // halfc

        def start(c):
            sb, db, sm = bufs[c % 2]
            ds = pltpu.async_copy(src_hbm.at[pl.ds(c * halfc, halfc)], sb, sm)
            dd = pltpu.async_copy(dst_hbm.at[pl.ds(c * halfc, halfc)], db, sm)
            return ds, dd

        pend = start(0)
        for c in range(nch2):
            sb, db, _ = bufs[c % 2]
            for d in pend:
                d.wait()
            if c + 1 < nch2:
                pend = start(c + 1)

            def _scat(i, carry, sb=sb, db=db, c=c):
                for k in range(4):
                    off = i * 64 + k * 16
                    sv = sb[pl.ds(off, 16)]
                    dv = db[pl.ds(off, 16)]
                    linv = sv * N + dv
                    val = ((iota + (c * halfc + 1) + off)
                           << ((linv & 1) * 16))
                    plsc.addupdate_scatter(table_v, [linv >> 1], val)
                return carry

            lax.fori_loop(0, halfc // 64, _scat, 0)

    base = wid * EPW
    with jax.named_scope("sc_resolve"):
        pltpu.sync_copy(src_hbm.at[pl.ds(base, EPW)], osrc_v)
        pltpu.sync_copy(dst_hbm.at[pl.ds(base, EPW)], odst_v)

        def _resolve(i, carry):
            rl = odst_v[pl.ds(i * 16, 16)] * N + osrc_v[pl.ds(i * 16, 16)]
            w = plsc.load_gather(table_v, [rl >> 1])
            rp1 = (w >> ((rl & 1) * 16)) & 0xFFFF
            idx_v[pl.ds(i * 16, 16)] = rp1
            return carry

        lax.fori_loop(0, EPW // 16, _resolve, 0)

    @pl.when(sid == 0)
    def _stage_wait():
        zf = jnp.zeros((16,), jnp.float32)
        for k in range(8):
            zrow_v[pl.ds(k * 16, 16)] = zf
        pltpu.sync_copy(zrow_v, ef_sp.at[0])
        pltpu.make_async_copy(ef_hbm, ef_sp.at[pl.ds(1, E)],
                              sem_stage).wait()

    plsc.subcore_barrier()

    half = EPW // 2
    with jax.named_scope("sc_gather"):
        g0 = pltpu.async_copy(ef_sp.at[idx_v.at[pl.ds(0, half)]],
                              rows_v, sem)
        pltpu.sync_copy(idx_v, rp1_hbm.at[pl.ds(base, EPW)])
        g0.wait()
        pltpu.sync_copy(rows_v, revfeat_hbm.at[pl.ds(base, half)])
        g1 = pltpu.async_copy(ef_sp.at[idx_v.at[pl.ds(half, half)]],
                              rows_v, sem)
        g1.wait()
        pltpu.sync_copy(rows_v, revfeat_hbm.at[pl.ds(base + half, half)])


def _sc_rev(src, dst, ef):
    mesh = plsc.VectorSubcoreMesh(core_axis_name="c", subcore_axis_name="s")
    fn = pl.kernel(
        _sc_rev_body,
        out_type=[
            jax.ShapeDtypeStruct((E,), jnp.int32),
            jax.ShapeDtypeStruct((E, D), jnp.float32),
        ],
        mesh=mesh,
        scratch_types=[
            pltpu.VMEM((N * N // 2,), jnp.int32),
            pltpu.VMEM((_CHUNK,), jnp.int32),
            pltpu.VMEM((_CHUNK,), jnp.int32),
            pltpu.VMEM((EPW,), jnp.int32),
            pltpu.VMEM((EPW,), jnp.int32),
            pltpu.VMEM((EPW,), jnp.int32),
            pltpu.VMEM((EPW // 2, D), jnp.float32),
            pltpu.VMEM((D,), jnp.float32),
            pltpu.VMEM_SHARED((E + 1, D), jnp.float32),
            pltpu.SemaphoreType.DMA,
            pltpu.SemaphoreType.DMA,
            pltpu.SemaphoreType.DMA,
            pltpu.SemaphoreType.DMA,
        ],
        compiler_params=pltpu.CompilerParams(needs_layout_passes=False),
    )
    return fn(src, dst, ef)


def kernel(node_features, edge_features, edge_index, P_weights, Q_weights,
           pool_W, pool_b, W_weight):
    src = edge_index[:, 0]
    dst = edge_index[:, 1]
    rp1, revfeat = _sc_rev(src, dst, edge_features)

    src3 = src.reshape(NBLK, 1, EBLK)
    dst3 = dst.reshape(NBLK, 1, EBLK)
    rp13 = rp1.reshape(NBLK, 1, EBLK)
    pool_b2 = pool_b.reshape(1, D)

    prea, h2b = _k1a(node_features, edge_features, src3, dst3,
                     P_weights, pool_W, pool_b2)
    s_sum = _k1b(revfeat, prea, h2b, src3, dst3, rp13,
                 P_weights, pool_W, pool_b2)
    qf, wf = _qf_wf(node_features, edge_features, src3, dst3, s_sum,
                    Q_weights, pool_b2, W_weight)
    return (qf, wf)

# --- scband reference (transcript-rebuilt; emitter-appended) ---
"""Pipeline reference for scband-edge-graph-sagelayer-37881611550768 (READ-ONLY COPY).

The authoritative reference and input builder live on the scoring server;
editing this copy changes nothing except your own understanding.
"""

import jax, jax.numpy as jnp
import numpy as np

N = 256
E = 8192
D_IN = 128
D_HID = 128
D_OUT = 128


def setup_inputs(seed: int = 0) -> dict:
    key = jax.random.key(seed)
    ks = jax.random.split(key, 7)
    node_features = jax.random.normal(ks[0], (N, D_IN), dtype=jnp.float32)
    edge_features = jax.random.normal(ks[1], (E, D_IN), dtype=jnp.float32)
    # unique directed edges with no self-loops (the original module builds a
    # dict keyed by (src, dst), so duplicate edges would be ill-defined)
    rng = np.random.default_rng(0)
    pair_ids = rng.choice(N * (N - 1), size=E, replace=False)
    i = pair_ids // (N - 1)
    r = pair_ids % (N - 1)
    j = r + (r >= i)
    edge_index = jnp.asarray(np.stack([i, j], axis=1).astype(np.int32))
    P_weights = jax.random.normal(ks[2], (D_IN * 3, D_HID), dtype=jnp.float32) * 0.05
    Q_weights = jax.random.normal(ks[3], (D_IN + D_HID, D_OUT), dtype=jnp.float32) * 0.05
    W_weight = jax.random.normal(ks[4], (D_IN + D_HID * 2, D_OUT), dtype=jnp.float32) * 0.05
    pool_W = jax.random.normal(ks[5], (D_HID, D_HID), dtype=jnp.float32) * 0.05
    pool_b = jax.random.normal(ks[6], (D_HID,), dtype=jnp.float32) * 0.05
    return {
        "node_features": node_features,
        "edge_features": edge_features,
        "edge_index": edge_index,
        "P_weights": P_weights,
        "Q_weights": Q_weights,
        "pool_W": pool_W,
        "pool_b": pool_b,
        "W_weight": W_weight,
    }


def reference(node_features, edge_features, edge_index, P_weights, Q_weights, pool_W, pool_b, W_weight):
    n = node_features.shape[0]
    e = edge_features.shape[0]
    src = edge_index[:, 0]
    dst = edge_index[:, 1]
    # dense (src, dst) -> edge-id lookup table; -1 means edge absent
    M = jnp.full((n, n), -1, dtype=jnp.int32).at[src, dst].set(jnp.arange(e, dtype=jnp.int32))
    ii_np, jj_np = np.meshgrid(np.arange(n), np.arange(n), indexing="ij")
    offdiag_np = ii_np != jj_np
    i_flat = jnp.asarray(ii_np[offdiag_np], dtype=jnp.int32)
    j_flat = jnp.asarray(jj_np[offdiag_np], dtype=jnp.int32)
    start_idx = M[i_flat, j_flat]
    end_idx = M[j_flat, i_flat]
    node_idx = jnp.where((start_idx == -1) & (end_idx == -1), -1, i_flat)
    P_node_index = node_idx + 1
    P_edge_start_index = start_idx + 1
    P_edge_end_index = end_idx + 1
    zrow_n = jnp.zeros((1, node_features.shape[1]), node_features.dtype)
    exp_node = jnp.concatenate([zrow_n, node_features], axis=0)
    zrow_e = jnp.zeros((1, edge_features.shape[1]), edge_features.dtype)
    exp_edge = jnp.concatenate([zrow_e, edge_features], axis=0)
    Psel = jnp.concatenate(
        [
            jnp.take(exp_node, P_node_index, axis=0),
            jnp.take(exp_edge, P_edge_start_index, axis=0),
            jnp.take(exp_edge, P_edge_end_index, axis=0),
        ],
        axis=1,
    )
    Pf = jax.nn.relu(Psel @ P_weights)
    Pf = jax.nn.relu(Pf @ pool_W.T + pool_b)
    Pf = Pf.reshape(n, n - 1, -1).mean(axis=1)
    Qf = jax.nn.relu(jnp.concatenate([node_features, Pf], axis=1) @ Q_weights)
    node_start = jnp.take(Qf, src, axis=0)
    node_end = jnp.take(Qf, dst, axis=0)
    Wf = jax.nn.relu(jnp.concatenate([edge_features, node_start, node_end], axis=1) @ W_weight)
    return (Qf, Wf)

if __name__ == "__main__":
    import jax
    _d = setup_inputs()
    print(jax.jit(kernel)(*tuple(_d.values())))

</pallas_src>

<mosaic_0001>
#map = affine_map<(d0, d1) -> (0)>
#map1 = affine_map<(d0, d1) -> (0, 0)>
module attributes {stable_mosaic.version = 14 : i64} {
  func.func @_sc_rev_body(%arg0: i32, %arg1: i32, %arg2: memref<8192xi32, #tpu.memory_space<hbm>>, %arg3: memref<8192xi32, #tpu.memory_space<hbm>>, %arg4: memref<8192x128xf32, #tpu.memory_space<hbm>>, %arg5: memref<8192xi32, #tpu.memory_space<hbm>>, %arg6: memref<8192x128xf32, #tpu.memory_space<hbm>>, %arg7: memref<32768xi32, #tpu.memory_space<vmem>>, %arg8: memref<1024xi32, #tpu.memory_space<vmem>>, %arg9: memref<1024xi32, #tpu.memory_space<vmem>>, %arg10: memref<256xi32, #tpu.memory_space<vmem>>, %arg11: memref<256xi32, #tpu.memory_space<vmem>>, %arg12: memref<256xi32, #tpu.memory_space<vmem>>, %arg13: memref<128x128xf32, #tpu.memory_space<vmem>>, %arg14: memref<128xf32, #tpu.memory_space<vmem>>, %arg15: memref<8193x128xf32, #tpu.memory_space<vmem_shared>>, %arg16: memref<!tpu.dma_semaphore, #tpu.memory_space<semaphore_mem>>, %arg17: memref<!tpu.dma_semaphore, #tpu.memory_space<semaphore_mem>>, %arg18: memref<!tpu.dma_semaphore, #tpu.memory_space<semaphore_mem>>, %arg19: memref<!tpu.dma_semaphore, #tpu.memory_space<semaphore_mem>>) attributes {dimension_semantics = [#tpu.dimension_semantics<core_parallel>, #tpu.dimension_semantics<subcore_parallel>], iteration_bounds = array<i64: 2, 16>, scalar_prefetch = 0 : i64, scratch_operands = 13 : i64, tpu.core_type = #tpu.core_type<sc_vector_subcore>, window_params = [{transform_indices = #map}, {transform_indices = #map}, {transform_indices = #map1}, {transform_indices = #map}, {transform_indices = #map1}]} {
    %mul3A = arith.constant 2 : i32
    %mul3A_0 = arith.muli %arg1, %mul3A : i32
    %add3A = arith.addi %mul3A_0, %arg0 : i32
    %eq3A = arith.constant 0 : i32
    %eq3A_1 = arith.cmpi eq, %arg1, %eq3A : i32
    %convert_element_type3A = arith.extui %eq3A_1 : i1 to i32
    %cond3A = arith.constant 0 : i32
    %cond3A_2 = arith.cmpi ne, %convert_element_type3A, %cond3A : i32
    scf.if %cond3A_2 {
      %dma_start3A_650 = arith.constant 1 : i32
      %dma_start3A_651 = arith.constant 0 : i32
      %dma_start3A_652 = tpu.memref_slice %arg15[%dma_start3A_650, %dma_start3A_651] : memref<8193x128xf32, #tpu.memory_space<vmem_shared>> -> memref<8192x128xf32, #tpu.memory_space<vmem_shared>>
      tpu.enqueue_dma source(%arg4 : memref<8192x128xf32, #tpu.memory_space<hbm>>) target(%dma_start3A_652 : memref<8192x128xf32, #tpu.memory_space<vmem_shared>>) target_semaphore(%arg17 : memref<!tpu.dma_semaphore, #tpu.memory_space<semaphore_mem>>)
    } else {
    }
    %broadcast_in_dim3A = arith.constant 0 : i32
    "tpu.trace_start"() <{level = 10 : i32, message = "sc_zero"}> : () -> ()
    %broadcast_in_dim3A_3 = vector.broadcast %broadcast_in_dim3A : i32 to vector<16xi32>
    %scan3A = arith.constant 0 : i32
    %scan3A_4 = arith.constant 0 : i32
    %scan3A_5 = arith.constant 256 : i32
    %scan3A_6 = arith.addi %scan3A_4, %scan3A_5 : i32
    %scan3A_7 = arith.constant 1 : i32
    scf.for %scan3A_650 = %scan3A_4 to %scan3A_6 step %scan3A_7  : i32 {
      %mul3A_651 = arith.constant 128 : i32
      %mul3A_652 = arith.muli %scan3A_650, %mul3A_651 : i32
      %add3A_653 = arith.constant 0 : i32
      %add3A_654 = arith.addi %mul3A_652, %add3A_653 : i32
      %swap3A = arith.index_cast %add3A_654 : i32 to index
      %swap3A_655 = tpu.vector_load %arg7[%swap3A] {strides = array<i32>} : memref<32768xi32, #tpu.memory_space<vmem>>, vector<16xi32>,
      tpu.vector_store %arg7[%swap3A], %broadcast_in_dim3A_3 {strides = array<i32>} : memref<32768xi32, #tpu.memory_space<vmem>>, vector<16xi32>,
      %mul3A_656 = arith.constant 128 : i32
      %mul3A_657 = arith.muli %scan3A_650, %mul3A_656 : i32
      %add3A_658 = arith.constant 16 : i32
      %add3A_659 = arith.addi %mul3A_657, %add3A_658 : i32
      %swap3A_660 = arith.index_cast %add3A_659 : i32 to index
      %swap3A_661 = tpu.vector_load %arg7[%swap3A_660] {strides = array<i32>} : memref<32768xi32, #tpu.memory_space<vmem>>, vector<16xi32>,
      tpu.vector_store %arg7[%swap3A_660], %broadcast_in_dim3A_3 {strides = array<i32>} : memref<32768xi32, #tpu.memory_space<vmem>>, vector<16xi32>,
      %mul3A_662 = arith.constant 128 : i32
      %mul3A_663 = arith.muli %scan3A_650, %mul3A_662 : i32
      %add3A_664 = arith.constant 32 : i32
      %add3A_665 = arith.addi %mul3A_663, %add3A_664 : i32
      %swap3A_666 = arith.index_cast %add3A_665 : i32 to index
      %swap3A_667 = tpu.vector_load %arg7[%swap3A_666] {strides = array<i32>} : memref<32768xi32, #tpu.memory_space<vmem>>, vector<16xi32>,
      tpu.vector_store %arg7[%swap3A_666], %broadcast_in_dim3A_3 {strides = array<i32>} : memref<32768xi32, #tpu.memory_space<vmem>>, vector<16xi32>,
      %mul3A_668 = arith.constant 128 : i32
      %mul3A_669 = arith.muli %scan3A_650, %mul3A_668 : i32
      %add3A_670 = arith.constant 48 : i32
      %add3A_671 = arith.addi %mul3A_669, %add3A_670 : i32
      %swap3A_672 = arith.index_cast %add3A_671 : i32 to index
      %swap3A_673 = tpu.vector_load %arg7[%swap3A_672] {strides = array<i32>} : memref<32768xi32, #tpu.memory_space<vmem>>, vector<16xi32>,
      tpu.vector_store %arg7[%swap3A_672], %broadcast_in_dim3A_3 {strides = array<i32>} : memref<32768xi32, #tpu.memory_space<vmem>>, vector<16xi32>,
      %mul3A_674 = arith.constant 128 : i32
      %mul3A_675 = arith.muli %scan3A_650, %mul3A_674 : i32
      %add3A_676 = arith.constant 64 : i32
      %add3A_677 = arith.addi %mul3A_675, %add3A_676 : i32
      %swap3A_678 = arith.index_cast %add3A_677 : i32 to index
      %swap3A_679 = tpu.vector_load %arg7[%swap3A_678] {strides = array<i32>} : memref<32768xi32, #tpu.memory_space<vmem>>, vector<16xi32>,
      tpu.vector_store %arg7[%swap3A_678], %broadcast_in_dim3A_3 {strides = array<i32>} : memref<32768xi32, #tpu.memory_space<vmem>>, vector<16xi32>,
      %mul3A_680 = arith.constant 128 : i32
      %mul3A_681 = arith.muli %scan3A_650, %mul3A_680 : i32
      %add3A_682 = arith.constant 80 : i32
      %add3A_683 = arith.addi %mul3A_681, %add3A_682 : i32
      %swap3A_684 = arith.index_cast %add3A_683 : i32 to index
      %swap3A_685 = tpu.vector_load %arg7[%swap3A_684] {strides = array<i32>} : memref<32768xi32, #tpu.memory_space<vmem>>, vector<16xi32>,
      tpu.vector_store %arg7[%swap3A_684], %broadcast_in_dim3A_3 {strides = array<i32>} : memref<32768xi32, #tpu.memory_space<vmem>>, vector<16xi32>,
      %mul3A_686 = arith.constant 128 : i32
      %mul3A_687 = arith.muli %scan3A_650, %mul3A_686 : i32
      %add3A_688 = arith.constant 96 : i32
      %add3A_689 = arith.addi %mul3A_687, %add3A_688 : i32
      %swap3A_690 = arith.index_cast %add3A_689 : i32 to index
      %swap3A_691 = tpu.vector_load %arg7[%swap3A_690] {strides = array<i32>} : memref<32768xi32, #tpu.memory_space<vmem>>, vector<16xi32>,
      tpu.vector_store %arg7[%swap3A_690], %broadcast_in_dim3A_3 {strides = array<i32>} : memref<32768xi32, #tpu.memory_space<vmem>>, vector<16xi32>,
      %mul3A_692 = arith.constant 128 : i32
      %mul3A_693 = arith.muli %scan3A_650, %mul3A_692 : i32
      %add3A_694 = arith.constant 112 : i32
      %add3A_695 = arith.addi %mul3A_693, %add3A_694 : i32
      %swap3A_696 = arith.index_cast %add3A_695 : i32 to index
      %swap3A_697 = tpu.vector_load %arg7[%swap3A_696] {strides = array<i32>} : memref<32768xi32, #tpu.memory_space<vmem>>, vector<16xi32>,
      tpu.vector_store %arg7[%swap3A_696], %broadcast_in_dim3A_3 {strides = array<i32>} : memref<32768xi32, #tpu.memory_space<vmem>>, vector<16xi32>,
    }
    %scan3A_8 = arith.constant 256 : i32
    "tpu.trace_stop"() : () -> ()
    %iota3A = tpu.iota {dimensions = array<i32: 0>} : vector<16xi32>
    "tpu.trace_start"() <{level = 10 : i32, message = "sc_scatter"}> : () -> ()
    %dma_start3A = arith.constant 0 : i32
    %dma_start3A_9 = tpu.memref_slice %arg8[%dma_start3A] : memref<1024xi32, #tpu.memory_space<vmem>> -> memref<512xi32, #tpu.memory_space<vmem>>
    %dma_start3A_10 = arith.constant 0 : i32
    %dma_start3A_11 = tpu.memref_slice %arg2[%dma_start3A_10] : memref<8192xi32, #tpu.memory_space<hbm>> -> memref<512xi32, #tpu.memory_space<hbm>>
    %dma_start3A_12 = arith.constant 0 : i32
    %dma_start3A_13 = tpu.memref_slice %arg8[%dma_start3A_12] : memref<1024xi32, #tpu.memory_space<vmem>> -> memref<512xi32, #tpu.memory_space<vmem>>
    %dma_start3A_14 = arith.constant 0 : i32
    %dma_start3A_15 = tpu.memref_slice %arg2[%dma_start3A_14] : memref<8192xi32, #tpu.memory_space<hbm>> -> memref<512xi32, #tpu.memory_space<hbm>>
    tpu.enqueue_dma source(%dma_start3A_15 : memref<512xi32, #tpu.memory_space<hbm>>) target(%dma_start3A_13 : memref<512xi32, #tpu.memory_space<vmem>>) target_semaphore(%arg18 : memref<!tpu.dma_semaphore, #tpu.memory_space<semaphore_mem>>)
    %dma_start3A_16 = arith.constant 0 : i32
    %dma_start3A_17 = tpu.memref_slice %arg9[%dma_start3A_16] : memref<1024xi32, #tpu.memory_space<vmem>> -> memref<512xi32, #tpu.memory_space<vmem>>
    %dma_start3A_18 = arith.constant 0 : i32
    %dma_start3A_19 = tpu.memref_slice %arg3[%dma_start3A_18] : memref<8192xi32, #tpu.memory_space<hbm>> -> memref<512xi32, #tpu.memory_space<hbm>>
    %dma_start3A_20 = arith.constant 0 : i32
    %dma_start3A_21 = tpu.memref_slice %arg9[%dma_start3A_20] : memref<1024xi32, #tpu.memory_space<vmem>> -> memref<512xi32, #tpu.memory_space<vmem>>
    %dma_start3A_22 = arith.constant 0 : i32
    %dma_start3A_23 = tpu.memref_slice %arg3[%dma_start3A_22] : memref<8192xi32, #tpu.memory_space<hbm>> -> memref<512xi32, #tpu.memory_space<hbm>>
    tpu.enqueue_dma source(%dma_start3A_23 : memref<512xi32, #tpu.memory_space<hbm>>) target(%dma_start3A_21 : memref<512xi32, #tpu.memory_space<vmem>>) target_semaphore(%arg18 : memref<!tpu.dma_semaphore, #tpu.memory_space<semaphore_mem>>)
    %dma_wait3A = arith.constant 0 : i32
    %dma_wait3A_24 = tpu.memref_slice %arg8[%dma_wait3A] : memref<1024xi32, #tpu.memory_space<vmem>> -> memref<512xi32, #tpu.memory_space<vmem>>
    %dma_wait3A_25 = arith.constant 0 : i32
    %dma_wait3A_26 = tpu.memref_slice %arg2[%dma_wait3A_25] : memref<8192xi32, #tpu.memory_space<hbm>> -> memref<512xi32, #tpu.memory_space<hbm>>
    %dma_wait3A_27 = arith.constant 0 : i32
    %dma_wait3A_28 = tpu.memref_slice %arg8[%dma_wait3A_27] : memref<1024xi32, #tpu.memory_space<vmem>> -> memref<512xi32, #tpu.memory_space<vmem>>
    %dma_wait3A_29 = arith.constant 0 : i32
    %dma_wait3A_30 = tpu.memref_slice %arg2[%dma_wait3A_29] : memref<8192xi32, #tpu.memory_space<hbm>> -> memref<512xi32, #tpu.memory_space<hbm>>
    tpu.wait_dma2 semaphore(%arg18 : memref<!tpu.dma_semaphore, #tpu.memory_space<semaphore_mem>>) src(%dma_wait3A_30 : memref<512xi32, #tpu.memory_space<hbm>>) dst(%dma_wait3A_28 : memref<512xi32, #tpu.memory_space<vmem>>)
    %dma_wait3A_31 = arith.constant 0 : i32
    %dma_wait3A_32 = tpu.memref_slice %arg9[%dma_wait3A_31] : memref<1024xi32, #tpu.memory_space<vmem>> -> memref<512xi32, #tpu.memory_space<vmem>>
    %dma_wait3A_33 = arith.constant 0 : i32
    %dma_wait3A_34 = tpu.memref_slice %arg3[%dma_wait3A_33] : memref<8192xi32, #tpu.memory_space<hbm>> -> memref<512xi32, #tpu.memory_space<hbm>>
    %dma_wait3A_35 = arith.constant 0 : i32
    %dma_wait3A_36 = tpu.memref_slice %arg9[%dma_wait3A_35] : memref<1024xi32, #tpu.memory_space<vmem>> -> memref<512xi32, #tpu.memory_space<vmem>>
    %dma_wait3A_37 = arith.constant 0 : i32
    %dma_wait3A_38 = tpu.memref_slice %arg3[%dma_wait3A_37] : memref<8192xi32, #tpu.memory_space<hbm>> -> memref<512xi32, #tpu.memory_space<hbm>>
    tpu.wait_dma2 semaphore(%arg18 : memref<!tpu.dma_semaphore, #tpu.memory_space<semaphore_mem>>) src(%dma_wait3A_38 : memref<512xi32, #tpu.memory_space<hbm>>) dst(%dma_wait3A_36 : memref<512xi32, #tpu.memory_space<vmem>>)
    %dma_start3A_39 = arith.constant 512 : i32
    %dma_start3A_40 = tpu.memref_slice %arg8[%dma_start3A_39] : memref<1024xi32, #tpu.memory_space<vmem>> -> memref<512xi32, #tpu.memory_space<vmem>>
    %dma_start3A_41 = arith.constant 512 : i32
    %dma_start3A_42 = tpu.memref_slice %arg2[%dma_start3A_41] : memref<8192xi32, #tpu.memory_space<hbm>> -> memref<512xi32, #tpu.memory_space<hbm>>
    %dma_start3A_43 = arith.constant 512 : i32
    %dma_start3A_44 = tpu.memref_slice %arg8[%dma_start3A_43] : memref<1024xi32, #tpu.memory_space<vmem>> -> memref<512xi32, #tpu.memory_space<vmem>>
    %dma_start3A_45 = arith.constant 512 : i32
    %dma_start3A_46 = tpu.memref_slice %arg2[%dma_start3A_45] : memref<8192xi32, #tpu.memory_space<hbm>> -> memref<512xi32, #tpu.memory_space<hbm>>
    tpu.enqueue_dma source(%dma_start3A_46 : memref<512xi32, #tpu.memory_space<hbm>>) target(%dma_start3A_44 : memref<512xi32, #tpu.memory_space<vmem>>) target_semaphore(%arg19 : memref<!tpu.dma_semaphore, #tpu.memory_space<semaphore_mem>>)
    %dma_start3A_47 = arith.constant 512 : i32
    %dma_start3A_48 = tpu.memref_slice %arg9[%dma_start3A_47] : memref<1024xi32, #tpu.memory_space<vmem>> -> memref<512xi32, #tpu.memory_space<vmem>>
    %dma_start3A_49 = arith.constant 512 : i32
    %dma_start3A_50 = tpu.memref_slice %arg3[%dma_start3A_49] : memref<8192xi32, #tpu.memory_space<hbm>> -> memref<512xi32, #tpu.memory_space<hbm>>
    %dma_start3A_51 = arith.constant 512 : i32
    %dma_start3A_52 = tpu.memref_slice %arg9[%dma_start3A_51] : memref<1024xi32, #tpu.memory_space<vmem>> -> memref<512xi32, #tpu.memory_space<vmem>>
    %dma_start3A_53 = arith.constant 512 : i32
    %dma_start3A_54 = tpu.memref_slice %arg3[%dma_start3A_53] : memref<8192xi32, #tpu.memory_space<hbm>> -> memref<512xi32, #tpu.memory_space<hbm>>
    tpu.enqueue_dma source(%dma_start3A_54 : memref<512xi32, #tpu.memory_space<hbm>>) target(%dma_start3A_52 : memref<512xi32, #tpu.memory_space<vmem>>) target_semaphore(%arg19 : memref<!tpu.dma_semaphore, #tpu.memory_space<semaphore_mem>>)
    %scan3A_55 = arith.constant 0 : i32
    %scan3A_56 = arith.constant 0 : i32
    %scan3A_57 = arith.constant 8 : i32
    %scan3A_58 = arith.addi %scan3A_56, %scan3A_57 : i32
    %scan3A_59 = arith.constant 1 : i32
    scf.for %scan3A_650 = %scan3A_56 to %scan3A_58 step %scan3A_59  : i32 {
      %mul3A_651 = arith.constant 64 : i32
      %mul3A_652 = arith.muli %scan3A_650, %mul3A_651 : i32
      %add3A_653 = arith.constant 0 : i32
      %add3A_654 = arith.addi %mul3A_652, %add3A_653 : i32
      %get3A = arith.constant 0 : i32
      %get3A_655 = tpu.memref_slice %arg8[%get3A] : memref<1024xi32, #tpu.memory_space<vmem>> -> memref<512xi32, #tpu.memory_space<vmem>>
      %get3A_656 = arith.index_cast %add3A_654 : i32 to index
      %get3A_657 = tpu.vector_load %get3A_655[%get3A_656] {strides = array<i32>} : memref<512xi32, #tpu.memory_space<vmem>>, vector<16xi32>,
      %get3A_658 = arith.constant 0 : i32
      %get3A_659 = tpu.memref_slice %arg9[%get3A_658] : memref<1024xi32, #tpu.memory_space<vmem>> -> memref<512xi32, #tpu.memory_space<vmem>>
      %get3A_660 = arith.index_cast %add3A_654 : i32 to index
      %get3A_661 = tpu.vector_load %get3A_659[%get3A_660] {strides = array<i32>} : memref<512xi32, #tpu.memory_space<vmem>>, vector<16xi32>,
      %mul3A_662 = arith.constant 256 : i32
      %mul3A_663 = vector.broadcast %mul3A_662 : i32 to vector<16xi32>
      %mul3A_664 = arith.muli %get3A_657, %mul3A_663 : vector<16xi32>
      %add3A_665 = arith.addi %mul3A_664, %get3A_661 : vector<16xi32>
      %add3A_666 = arith.constant 1 : i32
      %add3A_667 = vector.broadcast %add3A_666 : i32 to vector<16xi32>
      %add3A_668 = arith.addi %iota3A, %add3A_667 : vector<16xi32>
      %add3A_669 = vector.broadcast %add3A_654 : i32 to vector<16xi32>
      %add3A_670 = arith.addi %add3A_668, %add3A_669 : vector<16xi32>
      %and3A = arith.constant 1 : i32
      %and3A_671 = vector.broadcast %and3A : i32 to vector<16xi32>
      %and3A_672 = arith.andi %add3A_665, %and3A_671 : vector<16xi32>
      %mul3A_673 = arith.constant 16 : i32
      %mul3A_674 = vector.broadcast %mul3A_673 : i32 to vector<16xi32>
      %mul3A_675 = arith.muli %and3A_672, %mul3A_674 : vector<16xi32>
      %shift_left3A = arith.shli %add3A_670, %mul3A_675 : vector<16xi32>
      %shift_right_arithmetic3A = arith.constant 1 : i32
      %shift_right_arithmetic3A_676 = vector.broadcast %shift_right_arithmetic3A : i32 to vector<16xi32>
      %shift_right_arithmetic3A_677 = arith.shrsi %add3A_665, %shift_right_arithmetic3A_676 : vector<16xi32>
      tpu.vector_store_idx %arg7[%shift_right_arithmetic3A_677], %shift_left3A {add = true} : memref<32768xi32, #tpu.memory_space<vmem>>[vector<16xi32>], vector<16xi32>,
      %mul3A_678 = arith.constant 64 : i32
      %mul3A_679 = arith.muli %scan3A_650, %mul3A_678 : i32
      %add3A_680 = arith.constant 16 : i32
      %add3A_681 = arith.addi %mul3A_679, %add3A_680 : i32
      %get3A_682 = arith.constant 0 : i32
      %get3A_683 = tpu.memref_slice %arg8[%get3A_682] : memref<1024xi32, #tpu.memory_space<vmem>> -> memref<512xi32, #tpu.memory_space<vmem>>
      %get3A_684 = arith.index_cast %add3A_681 : i32 to index
      %get3A_685 = tpu.vector_load %get3A_683[%get3A_684] {strides = array<i32>} : memref<512xi32, #tpu.memory_space<vmem>>, vector<16xi32>,
      %get3A_686 = arith.constant 0 : i32
      %get3A_687 = tpu.memref_slice %arg9[%get3A_686] : memref<1024xi32, #tpu.memory_space<vmem>> -> memref<512xi32, #tpu.memory_space<vmem>>
      %get3A_688 = arith.index_cast %add3A_681 : i32 to index
      %get3A_689 = tpu.vector_load %get3A_687[%get3A_688] {strides = array<i32>} : memref<512xi32, #tpu.memory_space<vmem>>, vector<16xi32>,
      %mul3A_690 = arith.constant 256 : i32
      %mul3A_691 = vector.broadcast %mul3A_690 : i32 to vector<16xi32>
      %mul3A_692 = arith.muli %get3A_685, %mul3A_691 : vector<16xi32>
      %add3A_693 = arith.addi %mul3A_692, %get3A_689 : vector<16xi32>
      %add3A_694 = arith.constant 1 : i32
      %add3A_695 = vector.broadcast %add3A_694 : i32 to vector<16xi32>
      %add3A_696 = arith.addi %iota3A, %add3A_695 : vector<16xi32>
      %add3A_697 = vector.broadcast %add3A_681 : i32 to vector<16xi32>
      %add3A_698 = arith.addi %add3A_696, %add3A_697 : vector<16xi32>
      %and3A_699 = arith.constant 1 : i32
      %and3A_700 = vector.broadcast %and3A_699 : i32 to vector<16xi32>
      %and3A_701 = arith.andi %add3A_693, %and3A_700 : vector<16xi32>
      %mul3A_702 = arith.constant 16 : i32
      %mul3A_703 = vector.broadcast %mul3A_702 : i32 to vector<16xi32>
      %mul3A_704 = arith.muli %and3A_701, %mul3A_703 : vector<16xi32>
      %shift_left3A_705 = arith.shli %add3A_698, %mul3A_704 : vector<16xi32>
      %shift_right_arithmetic3A_706 = arith.constant 1 : i32
      %shift_right_arithmetic3A_707 = vector.broadcast %shift_right_arithmetic3A_706 : i32 to vector<16xi32>
      %shift_right_arithmetic3A_708 = arith.shrsi %add3A_693, %shift_right_arithmetic3A_707 : vector<16xi32>
      tpu.vector_store_idx %arg7[%shift_right_arithmetic3A_708], %shift_left3A_705 {add = true} : memref<32768xi32, #tpu.memory_space<vmem>>[vector<16xi32>], vector<16xi32>,
      %mul3A_709 = arith.constant 64 : i32
      %mul3A_710 = arith.muli %scan3A_650, %mul3A_709 : i32
      %add3A_711 = arith.constant 32 : i32
      %add3A_712 = arith.addi %mul3A_710, %add3A_711 : i32
      %get3A_713 = arith.constant 0 : i32
      %get3A_714 = tpu.memref_slice %arg8[%get3A_713] : memref<1024xi32, #tpu.memory_space<vmem>> -> memref<512xi32, #tpu.memory_space<vmem>>
      %get3A_715 = arith.index_cast %add3A_712 : i32 to index
      %get3A_716 = tpu.vector_load %get3A_714[%get3A_715] {strides = array<i32>} : memref<512xi32, #tpu.memory_space<vmem>>, vector<16xi32>,
      %get3A_717 = arith.constant 0 : i32
      %get3A_718 = tpu.memref_slice %arg9[%get3A_717] : memref<1024xi32, #tpu.memory_space<vmem>> -> memref<512xi32, #tpu.memory_space<vmem>>
      %get3A_719 = arith.index_cast %add3A_712 : i32 to index
      %get3A_720 = tpu.vector_load %get3A_718[%get3A_719] {strides = array<i32>} : memref<512xi32, #tpu.memory_space<vmem>>, vector<16xi32>,
      %mul3A_721 = arith.constant 256 : i32
      %mul3A_722 = vector.broadcast %mul3A_721 : i32 to vector<16xi32>
      %mul3A_723 = arith.muli %get3A_716, %mul3A_722 : vector<16xi32>
      %add3A_724 = arith.addi %mul3A_723, %get3A_720 : vector<16xi32>
      %add3A_725 = arith.constant 1 : i32
      %add3A_726 = vector.broadcast %add3A_725 : i32 to vector<16xi32>
      %add3A_727 = arith.addi %iota3A, %add3A_726 : vector<16xi32>
      %add3A_728 = vector.broadcast %add3A_712 : i32 to vector<16xi32>
      %add3A_729 = arith.addi %add3A_727, %add3A_728 : vector<16xi32>
      %and3A_730 = arith.constant 1 : i32
      %and3A_731 = vector.broadcast %and3A_730 : i32 to vector<16xi32>
      %and3A_732 = arith.andi %add3A_724, %and3A_731 : vector<16xi32>
      %mul3A_733 = arith.constant 16 : i32
      %mul3A_734 = vector.broadcast %mul3A_733 : i32 to vector<16xi32>
      %mul3A_735 = arith.muli %and3A_732, %mul3A_734 : vector<16xi32>
      %shift_left3A_736 = arith.shli %add3A_729, %mul3A_735 : vector<16xi32>
      %shift_right_arithmetic3A_737 = arith.constant 1 : i32
      %shift_right_arithmetic3A_738 = vector.broadcast %shift_right_arithmetic3A_737 : i32 to vector<16xi32>
      %shift_right_arithmetic3A_739 = arith.shrsi %add3A_724, %shift_right_arithmetic3A_738 : vector<16xi32>
      tpu.vector_store_idx %arg7[%shift_right_arithmetic3A_739], %shift_left3A_736 {add = true} : memref<32768xi32, #tpu.memory_space<vmem>>[vector<16xi32>], vector<16xi32>,
      %mul3A_740 = arith.constant 64 : i32
      %mul3A_741 = arith.muli %scan3A_650, %mul3A_740 : i32
      %add3A_742 = arith.constant 48 : i32
      %add3A_743 = arith.addi %mul3A_741, %add3A_742 : i32
      %get3A_744 = arith.constant 0 : i32
      %get3A_745 = tpu.memref_slice %arg8[%get3A_744] : memref<1024xi32, #tpu.memory_space<vmem>> -> memref<512xi32, #tpu.memory_space<vmem>>
      %get3A_746 = arith.index_cast %add3A_743 : i32 to index
      %get3A_747 = tpu.vector_load %get3A_745[%get3A_746] {strides = array<i32>} : memref<512xi32, #tpu.memory_space<vmem>>, vector<16xi32>,
      %get3A_748 = arith.constant 0 : i32
      %get3A_749 = tpu.memref_slice %arg9[%get3A_748] : memref<1024xi32, #tpu.memory_space<vmem>> -> memref<512xi32, #tpu.memory_space<vmem>>
      %get3A_750 = arith.index_cast %add3A_743 : i32 to index
      %get3A_751 = tpu.vector_load %get3A_749[%get3A_750] {strides = array<i32>} : memref<512xi32, #tpu.memory_space<vmem>>, vector<16xi32>,
      %mul3A_752 = arith.constant 256 : i32
      %mul3A_753 = vector.broadcast %mul3A_752 : i32 to vector<16xi32>
      %mul3A_754 = arith.muli %get3A_747, %mul3A_753 : vector<16xi32>
      %add3A_755 = arith.addi %mul3A_754, %get3A_751 : vector<16xi32>
      %add3A_756 = arith.constant 1 : i32
      %add3A_757 = vector.broadcast %add3A_756 : i32 to vector<16xi32>
      %add3A_758 = arith.addi %iota3A, %add3A_757 : vector<16xi32>
      %add3A_759 = vector.broadcast %add3A_743 : i32 to vector<16xi32>
      %add3A_760 = arith.addi %add3A_758, %add3A_759 : vector<16xi32>
      %and3A_761 = arith.constant 1 : i32
      %and3A_762 = vector.broadcast %and3A_761 : i32 to vector<16xi32>
      %and3A_763 = arith.andi %add3A_755, %and3A_762 : vector<16xi32>
      %mul3A_764 = arith.constant 16 : i32
      %mul3A_765 = vector.broadcast %mul3A_764 : i32 to vector<16xi32>
      %mul3A_766 = arith.muli %and3A_763, %mul3A_765 : vector<16xi32>
      %shift_left3A_767 = arith.shli %add3A_760, %mul3A_766 : vector<16xi32>
      %shift_right_arithmetic3A_768 = arith.constant 1 : i32
      %shift_right_arithmetic3A_769 = vector.broadcast %shift_right_arithmetic3A_768 : i32 to vector<16xi32>
      %shift_right_arithmetic3A_770 = arith.shrsi %add3A_755, %shift_right_arithmetic3A_769 : vector<16xi32>
      tpu.vector_store_idx %arg7[%shift_right_arithmetic3A_770], %shift_left3A_767 {add = true} : memref<32768xi32, #tpu.memory_space<vmem>>[vector<16xi32>], vector<16xi32>,
    }
    %scan3A_60 = arith.constant 8 : i32
    %dma_wait3A_61 = arith.constant 512 : i32
    %dma_wait3A_62 = tpu.memref_slice %arg8[%dma_wait3A_61] : memref<1024xi32, #tpu.memory_space<vmem>> -> memref<512xi32, #tpu.memory_space<vmem>>
    %dma_wait3A_63 = arith.constant 512 : i32
    %dma_wait3A_64 = tpu.memref_slice %arg2[%dma_wait3A_63] : memref<8192xi32, #tpu.memory_space<hbm>> -> memref<512xi32, #tpu.memory_space<hbm>>
    %dma_wait3A_65 = arith.constant 512 : i32
    %dma_wait3A_66 = tpu.memref_slice %arg8[%dma_wait3A_65] : memref<1024xi32, #tpu.memory_space<vmem>> -> memref<512xi32, #tpu.memory_space<vmem>>
    %dma_wait3A_67 = arith.constant 512 : i32
    %dma_wait3A_68 = tpu.memref_slice %arg2[%dma_wait3A_67] : memref<8192xi32, #tpu.memory_space<hbm>> -> memref<512xi32, #tpu.memory_space<hbm>>
    tpu.wait_dma2 semaphore(%arg19 : memref<!tpu.dma_semaphore, #tpu.memory_space<semaphore_mem>>) src(%dma_wait3A_68 : memref<512xi32, #tpu.memory_space<hbm>>) dst(%dma_wait3A_66 : memref<512xi32, #tpu.memory_space<vmem>>)
    %dma_wait3A_69 = arith.constant 512 : i32
    %dma_wait3A_70 = tpu.memref_slice %arg9[%dma_wait3A_69] : memref<1024xi32, #tpu.memory_space<vmem>> -> memref<512xi32, #tpu.memory_space<vmem>>
    %dma_wait3A_71 = arith.constant 512 : i32
    %dma_wait3A_72 = tpu.memref_slice %arg3[%dma_wait3A_71] : memref<8192xi32, #tpu.memory_space<hbm>> -> memref<512xi32, #tpu.memory_space<hbm>>
    %dma_wait3A_73 = arith.constant 512 : i32
    %dma_wait3A_74 = tpu.memref_slice %arg9[%dma_wait3A_73] : memref<1024xi32, #tpu.memory_space<vmem>> -> memref<512xi32, #tpu.memory_space<vmem>>
    %dma_wait3A_75 = arith.constant 512 : i32
    %dma_wait3A_76 = tpu.memref_slice %arg3[%dma_wait3A_75] : memref<8192xi32, #tpu.memory_space<hbm>> -> memref<512xi32, #tpu.memory_space<hbm>>
    tpu.wait_dma2 semaphore(%arg19 : memref<!tpu.dma_semaphore, #tpu.memory_space<semaphore_mem>>) src(%dma_wait3A_76 : memref<512xi32, #tpu.memory_space<hbm>>) dst(%dma_wait3A_74 : memref<512xi32, #tpu.memory_space<vmem>>)
    %dma_start3A_77 = arith.constant 0 : i32
    %dma_start3A_78 = tpu.memref_slice %arg8[%dma_start3A_77] : memref<1024xi32, #tpu.memory_space<vmem>> -> memref<512xi32, #tpu.memory_space<vmem>>
    %dma_start3A_79 = arith.constant 1024 : i32
    %dma_start3A_80 = tpu.memref_slice %arg2[%dma_start3A_79] : memref<8192xi32, #tpu.memory_space<hbm>> -> memref<512xi32, #tpu.memory_space<hbm>>
    %dma_start3A_81 = arith.constant 0 : i32
    %dma_start3A_82 = tpu.memref_slice %arg8[%dma_start3A_81] : memref<1024xi32, #tpu.memory_space<vmem>> -> memref<512xi32, #tpu.memory_space<vmem>>
    %dma_start3A_83 = arith.constant 1024 : i32
    %dma_start3A_84 = tpu.memref_slice %arg2[%dma_start3A_83] : memref<8192xi32, #tpu.memory_space<hbm>> -> memref<512xi32, #tpu.memory_space<hbm>>
    tpu.enqueue_dma source(%dma_start3A_84 : memref<512xi32, #tpu.memory_space<hbm>>) target(%dma_start3A_82 : memref<512xi32, #tpu.memory_space<vmem>>) target_semaphore(%arg18 : memref<!tpu.dma_semaphore, #tpu.memory_space<semaphore_mem>>)
    %dma_start3A_85 = arith.constant 0 : i32
    %dma_start3A_86 = tpu.memref_slice %arg9[%dma_start3A_85] : memref<1024xi32, #tpu.memory_space<vmem>> -> memref<512xi32, #tpu.memory_space<vmem>>
    %dma_start3A_87 = arith.constant 1024 : i32
    %dma_start3A_88 = tpu.memref_slice %arg3[%dma_start3A_87] : memref<8192xi32, #tpu.memory_space<hbm>> -> memref<512xi32, #tpu.memory_space<hbm>>
    %dma_start3A_89 = arith.constant 0 : i32
    %dma_start3A_90 = tpu.memref_slice %arg9[%dma_start3A_89] : memref<1024xi32, #tpu.memory_space<vmem>> -> memref<512xi32, #tpu.memory_space<vmem>>
    %dma_start3A_91 = arith.constant 1024 : i32
    %dma_start3A_92 = tpu.memref_slice %arg3[%dma_start3A_91] : memref<8192xi32, #tpu.memory_space<hbm>> -> memref<512xi32, #tpu.memory_space<hbm>>
    tpu.enqueue_dma source(%dma_start3A_92 : memref<512xi32, #tpu.memory_space<hbm>>) target(%dma_start3A_90 : memref<512xi32, #tpu.memory_space<vmem>>) target_semaphore(%arg18 : memref<!tpu.dma_semaphore, #tpu.memory_space<semaphore_mem>>)
    %scan3A_93 = arith.constant 0 : i32
    %scan3A_94 = arith.constant 0 : i32
    %scan3A_95 = arith.constant 8 : i32
    %scan3A_96 = arith.addi %scan3A_94, %scan3A_95 : i32
    %scan3A_97 = arith.constant 1 : i32
    scf.for %scan3A_650 = %scan3A_94 to %scan3A_96 step %scan3A_97  : i32 {
      %mul3A_651 = arith.constant 64 : i32
      %mul3A_652 = arith.muli %scan3A_650, %mul3A_651 : i32
      %add3A_653 = arith.constant 0 : i32
      %add3A_654 = arith.addi %mul3A_652, %add3A_653 : i32
      %get3A = arith.constant 512 : i32
      %get3A_655 = tpu.memref_slice %arg8[%get3A] : memref<1024xi32, #tpu.memory_space<vmem>> -> memref<512xi32, #tpu.memory_space<vmem>>
      %get3A_656 = arith.index_cast %add3A_654 : i32 to index
      %get3A_657 = tpu.vector_load %get3A_655[%get3A_656] {strides = array<i32>} : memref<512xi32, #tpu.memory_space<vmem>>, vector<16xi32>,
      %get3A_658 = arith.constant 512 : i32
      %get3A_659 = tpu.memref_slice %arg9[%get3A_658] : memref<1024xi32, #tpu.memory_space<vmem>> -> memref<512xi32, #tpu.memory_space<vmem>>
      %get3A_660 = arith.index_cast %add3A_654 : i32 to index
      %get3A_661 = tpu.vector_load %get3A_659[%get3A_660] {strides = array<i32>} : memref<512xi32, #tpu.memory_space<vmem>>, vector<16xi32>,
      %mul3A_662 = arith.constant 256 : i32
      %mul3A_663 = vector.broadcast %mul3A_662 : i32 to vector<16xi32>
      %mul3A_664 = arith.muli %get3A_657, %mul3A_663 : vector<16xi32>
      %add3A_665 = arith.addi %mul3A_664, %get3A_661 : vector<16xi32>
      %add3A_666 = arith.constant 513 : i32
      %add3A_667 = vector.broadcast %add3A_666 : i32 to vector<16xi32>
      %add3A_668 = arith.addi %iota3A, %add3A_667 : vector<16xi32>
      %add3A_669 = vector.broadcast %add3A_654 : i32 to vector<16xi32>
      %add3A_670 = arith.addi %add3A_668, %add3A_669 : vector<16xi32>
      %and3A = arith.constant 1 : i32
      %and3A_671 = vector.broadcast %and3A : i32 to vector<16xi32>
      %and3A_672 = arith.andi %add3A_665, %and3A_671 : vector<16xi32>
      %mul3A_673 = arith.constant 16 : i32
      %mul3A_674 = vector.broadcast %mul3A_673 : i32 to vector<16xi32>
      %mul3A_675 = arith.muli %and3A_672, %mul3A_674 : vector<16xi32>
      %shift_left3A = arith.shli %add3A_670, %mul3A_675 : vector<16xi32>
      %shift_right_arithmetic3A = arith.constant 1 : i32
      %shift_right_arithmetic3A_676 = vector.broadcast %shift_right_arithmetic3A : i32 to vector<16xi32>
      %shift_right_arithmetic3A_677 = arith.shrsi %add3A_665, %shift_right_arithmetic3A_676 : vector<16xi32>
      tpu.vector_store_idx %arg7[%shift_right_arithmetic3A_677], %shift_left3A {add = true} : memref<32768xi32, #tpu.memory_space<vmem>>[vector<16xi32>], vector<16xi32>,
      %mul3A_678 = arith.constant 64 : i32
      %mul3A_679 = arith.muli %scan3A_650, %mul3A_678 : i32
      %add3A_680 = arith.constant 16 : i32
      %add3A_681 = arith.addi %mul3A_679, %add3A_680 : i32
      %get3A_682 = arith.constant 512 : i32
      %get3A_683 = tpu.memref_slice %arg8[%get3A_682] : memref<1024xi32, #tpu.memory_space<vmem>> -> memref<512xi32, #tpu.memory_space<vmem>>
      %get3A_684 = arith.index_cast %add3A_681 : i32 to index
      %get3A_685 = tpu.vector_load %get3A_683[%get3A_684] {strides = array<i32>} : memref<512xi32, #tpu.memory_space<vmem>>, vector<16xi32>,
      %get3A_686 = arith.constant 512 : i32
      %get3A_687 = tpu.memref_slice %arg9[%get3A_686] : memref<1024xi32, #tpu.memory_space<vmem>> -> memref<512xi32, #tpu.memory_space<vmem>>
      %get3A_688 = arith.index_cast %add3A_681 : i32 to index
      %get3A_689 = tpu.vector_load %get3A_687[%get3A_688] {strides = array<i32>} : memref<512xi32, #tpu.memory_space<vmem>>, vector<16xi32>,
      %mul3A_690 = arith.constant 256 : i32
      %mul3A_691 = vector.broadcast %mul3A_690 : i32 to vector<16xi32>
      %mul3A_692 = arith.muli %get3A_685, %mul3A_691 : vector<16xi32>
      %add3A_693 = arith.addi %mul3A_692, %get3A_689 : vector<16xi32>
      %add3A_694 = arith.constant 513 : i32
      %add3A_695 = vector.broadcast %add3A_694 : i32 to vector<16xi32>
      %add3A_696 = arith.addi %iota3A, %add3A_695 : vector<16xi32>
      %add3A_697 = vector.broadcast %add3A_681 : i32 to vector<16xi32>
      %add3A_698 = arith.addi %add3A_696, %add3A_697 : vector<16xi32>
      %and3A_699 = arith.constant 1 : i32
      %and3A_700 = vector.broadcast %and3A_699 : i32 to vector<16xi32>
      %and3A_701 = arith.andi %add3A_693, %and3A_700 : vector<16xi32>
      %mul3A_702 = arith.constant 16 : i32
      %mul3A_703 = vector.broadcast %mul3A_702 : i32 to vector<16xi32>
      %mul3A_704 = arith.muli %and3A_701, %mul3A_703 : vector<16xi32>
      %shift_left3A_705 = arith.shli %add3A_698, %mul3A_704 : vector<16xi32>
      %shift_right_arithmetic3A_706 = arith.constant 1 : i32
      %shift_right_arithmetic3A_707 = vector.broadcast %shift_right_arithmetic3A_706 : i32 to vector<16xi32>
      %shift_right_arithmetic3A_708 = arith.shrsi %add3A_693, %shift_right_arithmetic3A_707 : vector<16xi32>
      tpu.vector_store_idx %arg7[%shift_right_arithmetic3A_708], %shift_left3A_705 {add = true} : memref<32768xi32, #tpu.memory_space<vmem>>[vector<16xi32>], vector<16xi32>,
      %mul3A_709 = arith.constant 64 : i32
      %mul3A_710 = arith.muli %scan3A_650, %mul3A_709 : i32
      %add3A_711 = arith.constant 32 : i32
      %add3A_712 = arith.addi %mul3A_710, %add3A_711 : i32
      %get3A_713 = arith.constant 512 : i32
      %get3A_714 = tpu.memref_slice %arg8[%get3A_713] : memref<1024xi32, #tpu.memory_space<vmem>> -> memref<512xi32, #tpu.memory_space<vmem>>
      %get3A_715 = arith.index_cast %add3A_712 : i32 to index
      %get3A_716 = tpu.vector_load %get3A_714[%get3A_715] {strides = array<i32>} : memref<512xi32, #tpu.memory_space<vmem>>, vector<16xi32>,
      %get3A_717 = arith.constant 512 : i32
      %get3A_718 = tpu.memref_slice %arg9[%get3A_717] : memref<1024xi32, #tpu.memory_space<vmem>> -> memref<512xi32, #tpu.memory_space<vmem>>
      %get3A_719 = arith.index_cast %add3A_712 : i32 to index
      %get3A_720 = tpu.vector_load %get3A_718[%get3A_719] {strides = array<i32>} : memref<512xi32, #tpu.memory_space<vmem>>, vector<16xi32>,
      %mul3A_721 = arith.constant 256 : i32
      %mul3A_722 = vector.broadcast %mul3A_721 : i32 to vector<16xi32>
      %mul3A_723 = arith.muli %get3A_716, %mul3A_722 : vector<16xi32>
      %add3A_724 = arith.addi %mul3A_723, %get3A_720 : vector<16xi32>
      %add3A_725 = arith.constant 513 : i32
      %add3A_726 = vector.broadcast %add3A_725 : i32 to vector<16xi32>
      %add3A_727 = arith.addi %iota3A, %add3A_726 : vector<16xi32>
      %add3A_728 = vector.broadcast %add3A_712 : i32 to vector<16xi32>
      %add3A_729 = arith.addi %add3A_727, %add3A_728 : vector<16xi32>
      %and3A_730 = arith.constant 1 : i32
      %and3A_731 = vector.broadcast %and3A_730 : i32 to vector<16xi32>
      %and3A_732 = arith.andi %add3A_724, %and3A_731 : vector<16xi32>
      %mul3A_733 = arith.constant 16 : i32
      %mul3A_734 = vector.broadcast %mul3A_733 : i32 to vector<16xi32>
      %mul3A_735 = arith.muli %and3A_732, %mul3A_734 : vector<16xi32>
      %shift_left3A_736 = arith.shli %add3A_729, %mul3A_735 : vector<16xi32>
      %shift_right_arithmetic3A_737 = arith.constant 1 : i32
      %shift_right_arithmetic3A_738 = vector.broadcast %shift_right_arithmetic3A_737 : i32 to vector<16xi32>
      %shift_right_arithmetic3A_739 = arith.shrsi %add3A_724, %shift_right_arithmetic3A_738 : vector<16xi32>
      tpu.vector_store_idx %arg7[%shift_right_arithmetic3A_739], %shift_left3A_736 {add = true} : memref<32768xi32, #tpu.memory_space<vmem>>[vector<16xi32>], vector<16xi32>,
      %mul3A_740 = arith.constant 64 : i32
      %mul3A_741 = arith.muli %scan3A_650, %mul3A_740 : i32
      %add3A_742 = arith.constant 48 : i32
      %add3A_743 = arith.addi %mul3A_741, %add3A_742 : i32
      %get3A_744 = arith.constant 512 : i32
      %get3A_745 = tpu.memref_slice %arg8[%get3A_744] : memref<1024xi32, #tpu.memory_space<vmem>> -> memref<512xi32, #tpu.memory_space<vmem>>
      %get3A_746 = arith.index_cast %add3A_743 : i32 to index
      %get3A_747 = tpu.vector_load %get3A_745[%get3A_746] {strides = array<i32>} : memref<512xi32, #tpu.memory_space<vmem>>, vector<16xi32>,
      %get3A_748 = arith.constant 512 : i32
      %get3A_749 = tpu.memref_slice %arg9[%get3A_748] : memref<1024xi32, #tpu.memory_space<vmem>> -> memref<512xi32, #tpu.memory_space<vmem>>
      %get3A_750 = arith.index_cast %add3A_743 : i32 to index
      %get3A_751 = tpu.vector_load %get3A_749[%get3A_750] {strides = array<i32>} : memref<512xi32, #tpu.memory_space<vmem>>, vector<16xi32>,
      %mul3A_752 = arith.constant 256 : i32
      %mul3A_753 = vector.broadcast %mul3A_752 : i32 to vector<16xi32>
      %mul3A_754 = arith.muli %get3A_747, %mul3A_753 : vector<16xi32>
      %add3A_755 = arith.addi %mul3A_754, %get3A_751 : vector<16xi32>
      %add3A_756 = arith.constant 513 : i32
      %add3A_757 = vector.broadcast %add3A_756 : i32 to vector<16xi32>
      %add3A_758 = arith.addi %iota3A, %add3A_757 : vector<16xi32>
      %add3A_759 = vector.broadcast %add3A_743 : i32 to vector<16xi32>
      %add3A_760 = arith.addi %add3A_758, %add3A_759 : vector<16xi32>
      %and3A_761 = arith.constant 1 : i32
      %and3A_762 = vector.broadcast %and3A_761 : i32 to vector<16xi32>
      %and3A_763 = arith.andi %add3A_755, %and3A_762 : vector<16xi32>
      %mul3A_764 = arith.constant 16 : i32
      %mul3A_765 = vector.broadcast %mul3A_764 : i32 to vector<16xi32>
      %mul3A_766 = arith.muli %and3A_763, %mul3A_765 : vector<16xi32>
      %shift_left3A_767 = arith.shli %add3A_760, %mul3A_766 : vector<16xi32>
      %shift_right_arithmetic3A_768 = arith.constant 1 : i32
      %shift_right_arithmetic3A_769 = vector.broadcast %shift_right_arithmetic3A_768 : i32 to vector<16xi32>
      %shift_right_arithmetic3A_770 = arith.shrsi %add3A_755, %shift_right_arithmetic3A_769 : vector<16xi32>
      tpu.vector_store_idx %arg7[%shift_right_arithmetic3A_770], %shift_left3A_767 {add = true} : memref<32768xi32, #tpu.memory_space<vmem>>[vector<16xi32>], vector<16xi32>,
    }
    %scan3A_98 = arith.constant 8 : i32
    %dma_wait3A_99 = arith.constant 0 : i32
    %dma_wait3A_100 = tpu.memref_slice %arg8[%dma_wait3A_99] : memref<1024xi32, #tpu.memory_space<vmem>> -> memref<512xi32, #tpu.memory_space<vmem>>
    %dma_wait3A_101 = arith.constant 1024 : i32
    %dma_wait3A_102 = tpu.memref_slice %arg2[%dma_wait3A_101] : memref<8192xi32, #tpu.memory_space<hbm>> -> memref<512xi32, #tpu.memory_space<hbm>>
    %dma_wait3A_103 = arith.constant 0 : i32
    %dma_wait3A_104 = tpu.memref_slice %arg8[%dma_wait3A_103] : memref<1024xi32, #tpu.memory_space<vmem>> -> memref<512xi32, #tpu.memory_space<vmem>>
    %dma_wait3A_105 = arith.constant 1024 : i32
    %dma_wait3A_106 = tpu.memref_slice %arg2[%dma_wait3A_105] : memref<8192xi32, #tpu.memory_space<hbm>> -> memref<512xi32, #tpu.memory_space<hbm>>
    tpu.wait_dma2 semaphore(%arg18 : memref<!tpu.dma_semaphore, #tpu.memory_space<semaphore_mem>>) src(%dma_wait3A_106 : memref<512xi32, #tpu.memory_space<hbm>>) dst(%dma_wait3A_104 : memref<512xi32, #tpu.memory_space<vmem>>)
    %dma_wait3A_107 = arith.constant 0 : i32
    %dma_wait3A_108 = tpu.memref_slice %arg9[%dma_wait3A_107] : memref<1024xi32, #tpu.memory_space<vmem>> -> memref<512xi32, #tpu.memory_space<vmem>>
    %dma_wait3A_109 = arith.constant 1024 : i32
    %dma_wait3A_110 = tpu.memref_slice %arg3[%dma_wait3A_109] : memref<8192xi32, #tpu.memory_space<hbm>> -> memref<512xi32, #tpu.memory_space<hbm>>
    %dma_wait3A_111 = arith.constant 0 : i32
    %dma_wait3A_112 = tpu.memref_slice %arg9[%dma_wait3A_111] : memref<1024xi32, #tpu.memory_space<vmem>> -> memref<512xi32, #tpu.memory_space<vmem>>
    %dma_wait3A_113 = arith.constant 1024 : i32
    %dma_wait3A_114 = tpu.memref_slice %arg3[%dma_wait3A_113] : memref<8192xi32, #tpu.memory_space<hbm>> -> memref<512xi32, #tpu.memory_space<hbm>>
    tpu.wait_dma2 semaphore(%arg18 : memref<!tpu.dma_semaphore, #tpu.memory_space<semaphore_mem>>) src(%dma_wait3A_114 : memref<512xi32, #tpu.memory_space<hbm>>) dst(%dma_wait3A_112 : memref<512xi32, #tpu.memory_space<vmem>>)
    %dma_start3A_115 = arith.constant 512 : i32
    %dma_start3A_116 = tpu.memref_slice %arg8[%dma_start3A_115] : memref<1024xi32, #tpu.memory_space<vmem>> -> memref<512xi32, #tpu.memory_space<vmem>>
    %dma_start3A_117 = arith.constant 1536 : i32
    %dma_start3A_118 = tpu.memref_slice %arg2[%dma_start3A_117] : memref<8192xi32, #tpu.memory_space<hbm>> -> memref<512xi32, #tpu.memory_space<hbm>>
    %dma_start3A_119 = arith.constant 512 : i32
    %dma_start3A_120 = tpu.memref_slice %arg8[%dma_start3A_119] : memref<1024xi32, #tpu.memory_space<vmem>> -> memref<512xi32, #tpu.memory_space<vmem>>
    %dma_start3A_121 = arith.constant 1536 : i32
    %dma_start3A_122 = tpu.memref_slice %arg2[%dma_start3A_121] : memref<8192xi32, #tpu.memory_space<hbm>> -> memref<512xi32, #tpu.memory_space<hbm>>
    tpu.enqueue_dma source(%dma_start3A_122 : memref<512xi32, #tpu.memory_space<hbm>>) target(%dma_start3A_120 : memref<512xi32, #tpu.memory_space<vmem>>) target_semaphore(%arg19 : memref<!tpu.dma_semaphore, #tpu.memory_space<semaphore_mem>>)
    %dma_start3A_123 = arith.constant 512 : i32
    %dma_start3A_124 = tpu.memref_slice %arg9[%dma_start3A_123] : memref<1024xi32, #tpu.memory_space<vmem>> -> memref<512xi32, #tpu.memory_space<vmem>>
    %dma_start3A_125 = arith.constant 1536 : i32
    %dma_start3A_126 = tpu.memref_slice %arg3[%dma_start3A_125] : memref<8192xi32, #tpu.memory_space<hbm>> -> memref<512xi32, #tpu.memory_space<hbm>>
    %dma_start3A_127 = arith.constant 512 : i32
    %dma_start3A_128 = tpu.memref_slice %arg9[%dma_start3A_127] : memref<1024xi32, #tpu.memory_space<vmem>> -> memref<512xi32, #tpu.memory_space<vmem>>
    %dma_start3A_129 = arith.constant 1536 : i32
    %dma_start3A_130 = tpu.memref_slice %arg3[%dma_start3A_129] : memref<8192xi32, #tpu.memory_space<hbm>> -> memref<512xi32, #tpu.memory_space<hbm>>
    tpu.enqueue_dma source(%dma_start3A_130 : memref<512xi32, #tpu.memory_space<hbm>>) target(%dma_start3A_128 : memref<512xi32, #tpu.memory_space<vmem>>) target_semaphore(%arg19 : memref<!tpu.dma_semaphore, #tpu.memory_space<semaphore_mem>>)
    %scan3A_131 = arith.constant 0 : i32
    %scan3A_132 = arith.constant 0 : i32
    %scan3A_133 = arith.constant 8 : i32
    %scan3A_134 = arith.addi %scan3A_132, %scan3A_133 : i32
    %scan3A_135 = arith.constant 1 : i32
    scf.for %scan3A_650 = %scan3A_132 to %scan3A_134 step %scan3A_135  : i32 {
      %mul3A_651 = arith.constant 64 : i32
      %mul3A_652 = arith.muli %scan3A_650, %mul3A_651 : i32
      %add3A_653 = arith.constant 0 : i32
      %add3A_654 = arith.addi %mul3A_652, %add3A_653 : i32
      %get3A = arith.constant 0 : i32
      %get3A_655 = tpu.memref_slice %arg8[%get3A] : memref<1024xi32, #tpu.memory_space<vmem>> -> memref<512xi32, #tpu.memory_space<vmem>>
      %get3A_656 = arith.index_cast %add3A_654 : i32 to index
      %get3A_657 = tpu.vector_load %get3A_655[%get3A_656] {strides = array<i32>} : memref<512xi32, #tpu.memory_space<vmem>>, vector<16xi32>,
      %get3A_658 = arith.constant 0 : i32
      %get3A_659 = tpu.memref_slice %arg9[%get3A_658] : memref<1024xi32, #tpu.memory_space<vmem>> -> memref<512xi32, #tpu.memory_space<vmem>>
      %get3A_660 = arith.index_cast %add3A_654 : i32 to index
      %get3A_661 = tpu.vector_load %get3A_659[%get3A_660] {strides = array<i32>} : memref<512xi32, #tpu.memory_space<vmem>>, vector<16xi32>,
      %mul3A_662 = arith.constant 256 : i32
      %mul3A_663 = vector.broadcast %mul3A_662 : i32 to vector<16xi32>
      %mul3A_664 = arith.muli %get3A_657, %mul3A_663 : vector<16xi32>
      %add3A_665 = arith.addi %mul3A_664, %get3A_661 : vector<16xi32>
      %add3A_666 = arith.constant 1025 : i32
      %add3A_667 = vector.broadcast %add3A_666 : i32 to vector<16xi32>
      %add3A_668 = arith.addi %iota3A, %add3A_667 : vector<16xi32>
      %add3A_669 = vector.broadcast %add3A_654 : i32 to vector<16xi32>
      %add3A_670 = arith.addi %add3A_668, %add3A_669 : vector<16xi32>
      %and3A = arith.constant 1 : i32
      %and3A_671 = vector.broadcast %and3A : i32 to vector<16xi32>
      %and3A_672 = arith.andi %add3A_665, %and3A_671 : vector<16xi32>
      %mul3A_673 = arith.constant 16 : i32
      %mul3A_674 = vector.broadcast %mul3A_673 : i32 to vector<16xi32>
      %mul3A_675 = arith.muli %and3A_672, %mul3A_674 : vector<16xi32>
      %shift_left3A = arith.shli %add3A_670, %mul3A_675 : vector<16xi32>
      %shift_right_arithmetic3A = arith.constant 1 : i32
      %shift_right_arithmetic3A_676 = vector.broadcast %shift_right_arithmetic3A : i32 to vector<16xi32>
      %shift_right_arithmetic3A_677 = arith.shrsi %add3A_665, %shift_right_arithmetic3A_676 : vector<16xi32>
      tpu.vector_store_idx %arg7[%shift_right_arithmetic3A_677], %shift_left3A {add = true} : memref<32768xi32, #tpu.memory_space<vmem>>[vector<16xi32>], vector<16xi32>,
      %mul3A_678 = arith.constant 64 : i32
      %mul3A_679 = arith.muli %scan3A_650, %mul3A_678 : i32
      %add3A_680 = arith.constant 16 : i32
      %add3A_681 = arith.addi %mul3A_679, %add3A_680 : i32
      %get3A_682 = arith.constant 0 : i32
      %get3A_683 = tpu.memref_slice %arg8[%get3A_682] : memref<1024xi32, #tpu.memory_space<vmem>> -> memref<512xi32, #tpu.memory_space<vmem>>
      %get3A_684 = arith.index_cast %add3A_681 : i32 to index
      %get3A_685 = tpu.vector_load %get3A_683[%get3A_684] {strides = array<i32>} : memref<512xi32, #tpu.memory_space<vmem>>, vector<16xi32>,
      %get3A_686 = arith.constant 0 : i32
      %get3A_687 = tpu.memref_slice %arg9[%get3A_686] : memref<1024xi32, #tpu.memory_space<vmem>> -> memref<512xi32, #tpu.memory_space<vmem>>
      %get3A_688 = arith.index_cast %add3A_681 : i32 to index
      %get3A_689 = tpu.vector_load %get3A_687[%get3A_688] {strides = array<i32>} : memref<512xi32, #tpu.memory_space<vmem>>, vector<16xi32>,
      %mul3A_690 = arith.constant 256 : i32
      %mul3A_691 = vector.broadcast %mul3A_690 : i32 to vector<16xi32>
      %mul3A_692 = arith.muli %get3A_685, %mul3A_691 : vector<16xi32>
      %add3A_693 = arith.addi %mul3A_692, %get3A_689 : vector<16xi32>
      %add3A_694 = arith.constant 1025 : i32
      %add3A_695 = vector.broadcast %add3A_694 : i32 to vector<16xi32>
      %add3A_696 = arith.addi %iota3A, %add3A_695 : vector<16xi32>
      %add3A_697 = vector.broadcast %add3A_681 : i32 to vector<16xi32>
      %add3A_698 = arith.addi %add3A_696, %add3A_697 : vector<16xi32>
      %and3A_699 = arith.constant 1 : i32
      %and3A_700 = vector.broadcast %and3A_699 : i32 to vector<16xi32>
      %and3A_701 = arith.andi %add3A_693, %and3A_700 : vector<16xi32>
      %mul3A_702 = arith.constant 16 : i32
      %mul3A_703 = vector.broadcast %mul3A_702 : i32 to vector<16xi32>
      %mul3A_704 = arith.muli %and3A_701, %mul3A_703 : vector<16xi32>
      %shift_left3A_705 = arith.shli %add3A_698, %mul3A_704 : vector<16xi32>
      %shift_right_arithmetic3A_706 = arith.constant 1 : i32
      %shift_right_arithmetic3A_707 = vector.broadcast %shift_right_arithmetic3A_706 : i32 to vector<16xi32>
      %shift_right_arithmetic3A_708 = arith.shrsi %add3A_693, %shift_right_arithmetic3A_707 : vector<16xi32>
      tpu.vector_store_idx %arg7[%shift_right_arithmetic3A_708], %shift_left3A_705 {add = true} : memref<32768xi32, #tpu.memory_space<vmem>>[vector<16xi32>], vector<16xi32>,
      %mul3A_709 = arith.constant 64 : i32
      %mul3A_710 = arith.muli %scan3A_650, %mul3A_709 : i32
      %add3A_711 = arith.constant 32 : i32
      %add3A_712 = arith.addi %mul3A_710, %add3A_711 : i32
      %get3A_713 = arith.constant 0 : i32
      %get3A_714 = tpu.memref_slice %arg8[%get3A_713] : memref<1024xi32, #tpu.memory_space<vmem>> -> memref<512xi32, #tpu.memory_space<vmem>>
      %get3A_715 = arith.index_cast %add3A_712 : i32 to index
      %get3A_716 = tpu.vector_load %get3A_714[%get3A_715] {strides = array<i32>} : memref<512xi32, #tpu.memory_space<vmem>>, vector<16xi32>,
      %get3A_717 = arith.constant 0 : i32
      %get3A_718 = tpu.memref_slice %arg9[%get3A_717] : memref<1024xi32, #tpu.memory_space<vmem>> -> memref<512xi32, #tpu.memory_space<vmem>>
      %get3A_719 = arith.index_cast %add3A_712 : i32 to index
      %get3A_720 = tpu.vector_load %get3A_718[%get3A_719] {strides = array<i32>} : memref<512xi32, #tpu.memory_space<vmem>>, vector<16xi32>,
      %mul3A_721 = arith.constant 256 : i32
      %mul3A_722 = vector.broadcast %mul3A_721 : i32 to vector<16xi32>
      %mul3A_723 = arith.muli %get3A_716, %mul3A_722 : vector<16xi32>
      %add3A_724 = arith.addi %mul3A_723, %get3A_720 : vector<16xi32>
      %add3A_725 = arith.constant 1025 : i32
      %add3A_726 = vector.broadcast %add3A_725 : i32 to vector<16xi32>
      %add3A_727 = arith.addi %iota3A, %add3A_726 : vector<16xi32>
      %add3A_728 = vector.broadcast %add3A_712 : i32 to vector<16xi32>
      %add3A_729 = arith.addi %add3A_727, %add3A_728 : vector<16xi32>
      %and3A_730 = arith.constant 1 : i32
      %and3A_731 = vector.broadcast %and3A_730 : i32 to vector<16xi32>
      %and3A_732 = arith.andi %add3A_724, %and3A_731 : vector<16xi32>
      %mul3A_733 = arith.constant 16 : i32
      %mul3A_734 = vector.broadcast %mul3A_733 : i32 to vector<16xi32>
      %mul3A_735 = arith.muli %and3A_732, %mul3A_734 : vector<16xi32>
      %shift_left3A_736 = arith.shli %add3A_729, %mul3A_735 : vector<16xi32>
      %shift_right_arithmetic3A_737 = arith.constant 1 : i32
      %shift_right_arithmetic3A_738 = vector.broadcast %shift_right_arithmetic3A_737 : i32 to vector<16xi32>
      %shift_right_arithmetic3A_739 = arith.shrsi %add3A_724, %shift_right_arithmetic3A_738 : vector<16xi32>
      tpu.vector_store_idx %arg7[%shift_right_arithmetic3A_739], %shift_left3A_736 {add = true} : memref<32768xi32, #tpu.memory_space<vmem>>[vector<16xi32>], vector<16xi32>,
      %mul3A_740 = arith.constant 64 : i32
      %mul3A_741 = arith.muli %scan3A_650, %mul3A_740 : i32
      %add3A_742 = arith.constant 48 : i32
      %add3A_743 = arith.addi %mul3A_741, %add3A_742 : i32
      %get3A_744 = arith.constant 0 : i32
      %get3A_745 = tpu.memref_slice %arg8[%get3A_744] : memref<1024xi32, #tpu.memory_space<vmem>> -> memref<512xi32, #tpu.memory_space<vmem>>
      %get3A_746 = arith.index_cast %add3A_743 : i32 to index
      %get3A_747 = tpu.vector_load %get3A_745[%get3A_746] {strides = array<i32>} : memref<512xi32, #tpu.memory_space<vmem>>, vector<16xi32>,
      %get3A_748 = arith.constant 0 : i32
      %get3A_749 = tpu.memref_slice %arg9[%get3A_748] : memref<1024xi32, #tpu.memory_space<vmem>> -> memref<512xi32, #tpu.memory_space<vmem>>
      %get3A_750 = arith.index_cast %add3A_743 : i32 to index
      %get3A_751 = tpu.vector_load %get3A_749[%get3A_750] {strides = array<i32>} : memref<512xi32, #tpu.memory_space<vmem>>, vector<16xi32>,
      %mul3A_752 = arith.constant 256 : i32
      %mul3A_753 = vector.broadcast %mul3A_752 : i32 to vector<16xi32>
      %mul3A_754 = arith.muli %get3A_747, %mul3A_753 : vector<16xi32>
      %add3A_755 = arith.addi %mul3A_754, %get3A_751 : vector<16xi32>
      %add3A_756 = arith.constant 1025 : i32
      %add3A_757 = vector.broadcast %add3A_756 : i32 to vector<16xi32>
      %add3A_758 = arith.addi %iota3A, %add3A_757 : vector<16xi32>
      %add3A_759 = vector.broadcast %add3A_743 : i32 to vector<16xi32>
      %add3A_760 = arith.addi %add3A_758, %add3A_759 : vector<16xi32>
      %and3A_761 = arith.constant 1 : i32
      %and3A_762 = vector.broadcast %and3A_761 : i32 to vector<16xi32>
      %and3A_763 = arith.andi %add3A_755, %and3A_762 : vector<16xi32>
      %mul3A_764 = arith.constant 16 : i32
      %mul3A_765 = vector.broadcast %mul3A_764 : i32 to vector<16xi32>
      %mul3A_766 = arith.muli %and3A_763, %mul3A_765 : vector<16xi32>
      %shift_left3A_767 = arith.shli %add3A_760, %mul3A_766 : vector<16xi32>
      %shift_right_arithmetic3A_768 = arith.constant 1 : i32
      %shift_right_arithmetic3A_769 = vector.broadcast %shift_right_arithmetic3A_768 : i32 to vector<16xi32>
      %shift_right_arithmetic3A_770 = arith.shrsi %add3A_755, %shift_right_arithmetic3A_769 : vector<16xi32>
      tpu.vector_store_idx %arg7[%shift_right_arithmetic3A_770], %shift_left3A_767 {add = true} : memref<32768xi32, #tpu.memory_space<vmem>>[vector<16xi32>], vector<16xi32>,
    }
    %scan3A_136 = arith.constant 8 : i32
    %dma_wait3A_137 = arith.constant 512 : i32
    %dma_wait3A_138 = tpu.memref_slice %arg8[%dma_wait3A_137] : memref<1024xi32, #tpu.memory_space<vmem>> -> memref<512xi32, #tpu.memory_space<vmem>>
    %dma_wait3A_139 = arith.constant 1536 : i32
    %dma_wait3A_140 = tpu.memref_slice %arg2[%dma_wait3A_139] : memref<8192xi32, #tpu.memory_space<hbm>> -> memref<512xi32, #tpu.memory_space<hbm>>
    %dma_wait3A_141 = arith.constant 512 : i32
    %dma_wait3A_142 = tpu.memref_slice %arg8[%dma_wait3A_141] : memref<1024xi32, #tpu.memory_space<vmem>> -> memref<512xi32, #tpu.memory_space<vmem>>
    %dma_wait3A_143 = arith.constant 1536 : i32
    %dma_wait3A_144 = tpu.memref_slice %arg2[%dma_wait3A_143] : memref<8192xi32, #tpu.memory_space<hbm>> -> memref<512xi32, #tpu.memory_space<hbm>>
    tpu.wait_dma2 semaphore(%arg19 : memref<!tpu.dma_semaphore, #tpu.memory_space<semaphore_mem>>) src(%dma_wait3A_144 : memref<512xi32, #tpu.memory_space<hbm>>) dst(%dma_wait3A_142 : memref<512xi32, #tpu.memory_space<vmem>>)
    %dma_wait3A_145 = arith.constant 512 : i32
    %dma_wait3A_146 = tpu.memref_slice %arg9[%dma_wait3A_145] : memref<1024xi32, #tpu.memory_space<vmem>> -> memref<512xi32, #tpu.memory_space<vmem>>
    %dma_wait3A_147 = arith.constant 1536 : i32
    %dma_wait3A_148 = tpu.memref_slice %arg3[%dma_wait3A_147] : memref<8192xi32, #tpu.memory_space<hbm>> -> memref<512xi32, #tpu.memory_space<hbm>>
    %dma_wait3A_149 = arith.constant 512 : i32
    %dma_wait3A_150 = tpu.memref_slice %arg9[%dma_wait3A_149] : memref<1024xi32, #tpu.memory_space<vmem>> -> memref<512xi32, #tpu.memory_space<vmem>>
    %dma_wait3A_151 = arith.constant 1536 : i32
    %dma_wait3A_152 = tpu.memref_slice %arg3[%dma_wait3A_151] : memref<8192xi32, #tpu.memory_space<hbm>> -> memref<512xi32, #tpu.memory_space<hbm>>
    tpu.wait_dma2 semaphore(%arg19 : memref<!tpu.dma_semaphore, #tpu.memory_space<semaphore_mem>>) src(%dma_wait3A_152 : memref<512xi32, #tpu.memory_space<hbm>>) dst(%dma_wait3A_150 : memref<512xi32, #tpu.memory_space<vmem>>)
    %dma_start3A_153 = arith.constant 0 : i32
    %dma_start3A_154 = tpu.memref_slice %arg8[%dma_start3A_153] : memref<1024xi32, #tpu.memory_space<vmem>> -> memref<512xi32, #tpu.memory_space<vmem>>
    %dma_start3A_155 = arith.constant 2048 : i32
    %dma_start3A_156 = tpu.memref_slice %arg2[%dma_start3A_155] : memref<8192xi32, #tpu.memory_space<hbm>> -> memref<512xi32, #tpu.memory_space<hbm>>
    %dma_start3A_157 = arith.constant 0 : i32
    %dma_start3A_158 = tpu.memref_slice %arg8[%dma_start3A_157] : memref<1024xi32, #tpu.memory_space<vmem>> -> memref<512xi32, #tpu.memory_space<vmem>>
    %dma_start3A_159 = arith.constant 2048 : i32
    %dma_start3A_160 = tpu.memref_slice %arg2[%dma_start3A_159] : memref<8192xi32, #tpu.memory_space<hbm>> -> memref<512xi32, #tpu.memory_space<hbm>>
    tpu.enqueue_dma source(%dma_start3A_160 : memref<512xi32, #tpu.memory_space<hbm>>) target(%dma_start3A_158 : memref<512xi32, #tpu.memory_space<vmem>>) target_semaphore(%arg18 : memref<!tpu.dma_semaphore, #tpu.memory_space<semaphore_mem>>)
    %dma_start3A_161 = arith.constant 0 : i32
    %dma_start3A_162 = tpu.memref_slice %arg9[%dma_start3A_161] : memref<1024xi32, #tpu.memory_space<vmem>> -> memref<512xi32, #tpu.memory_space<vmem>>
    %dma_start3A_163 = arith.constant 2048 : i32
    %dma_start3A_164 = tpu.memref_slice %arg3[%dma_start3A_163] : memref<8192xi32, #tpu.memory_space<hbm>> -> memref<512xi32, #tpu.memory_space<hbm>>
    %dma_start3A_165 = arith.constant 0 : i32
    %dma_start3A_166 = tpu.memref_slice %arg9[%dma_start3A_165] : memref<1024xi32, #tpu.memory_space<vmem>> -> memref<512xi32, #tpu.memory_space<vmem>>
    %dma_start3A_167 = arith.constant 2048 : i32
    %dma_start3A_168 = tpu.memref_slice %arg3[%dma_start3A_167] : memref<8192xi32, #tpu.memory_space<hbm>> -> memref<512xi32, #tpu.memory_space<hbm>>
    tpu.enqueue_dma source(%dma_start3A_168 : memref<512xi32, #tpu.memory_space<hbm>>) target(%dma_start3A_166 : memref<512xi32, #tpu.memory_space<vmem>>) target_semaphore(%arg18 : memref<!tpu.dma_semaphore, #tpu.memory_space<semaphore_mem>>)
    %scan3A_169 = arith.constant 0 : i32
    %scan3A_170 = arith.constant 0 : i32
    %scan3A_171 = arith.constant 8 : i32
    %scan3A_172 = arith.addi %scan3A_170, %scan3A_171 : i32
    %scan3A_173 = arith.constant 1 : i32
    scf.for %scan3A_650 = %scan3A_170 to %scan3A_172 step %scan3A_173  : i32 {
      %mul3A_651 = arith.constant 64 : i32
      %mul3A_652 = arith.muli %scan3A_650, %mul3A_651 : i32
      %add3A_653 = arith.constant 0 : i32
      %add3A_654 = arith.addi %mul3A_652, %add3A_653 : i32
      %get3A = arith.constant 512 : i32
      %get3A_655 = tpu.memref_slice %arg8[%get3A] : memref<1024xi32, #tpu.memory_space<vmem>> -> memref<512xi32, #tpu.memory_space<vmem>>
      %get3A_656 = arith.index_cast %add3A_654 : i32 to index
      %get3A_657 = tpu.vector_load %get3A_655[%get3A_656] {strides = array<i32>} : memref<512xi32, #tpu.memory_space<vmem>>, vector<16xi32>,
      %get3A_658 = arith.constant 512 : i32
      %get3A_659 = tpu.memref_slice %arg9[%get3A_658] : memref<1024xi32, #tpu.memory_space<vmem>> -> memref<512xi32, #tpu.memory_space<vmem>>
      %get3A_660 = arith.index_cast %add3A_654 : i32 to index
      %get3A_661 = tpu.vector_load %get3A_659[%get3A_660] {strides = array<i32>} : memref<512xi32, #tpu.memory_space<vmem>>, vector<16xi32>,
      %mul3A_662 = arith.constant 256 : i32
      %mul3A_663 = vector.broadcast %mul3A_662 : i32 to vector<16xi32>
      %mul3A_664 = arith.muli %get3A_657, %mul3A_663 : vector<16xi32>
      %add3A_665 = arith.addi %mul3A_664, %get3A_661 : vector<16xi32>
      %add3A_666 = arith.constant 1537 : i32
      %add3A_667 = vector.broadcast %add3A_666 : i32 to vector<16xi32>
      %add3A_668 = arith.addi %iota3A, %add3A_667 : vector<16xi32>
      %add3A_669 = vector.broadcast %add3A_654 : i32 to vector<16xi32>
      %add3A_670 = arith.addi %add3A_668, %add3A_669 : vector<16xi32>
      %and3A = arith.constant 1 : i32
      %and3A_671 = vector.broadcast %and3A : i32 to vector<16xi32>
      %and3A_672 = arith.andi %add3A_665, %and3A_671 : vector<16xi32>
      %mul3A_673 = arith.constant 16 : i32
      %mul3A_674 = vector.broadcast %mul3A_673 : i32 to vector<16xi32>
      %mul3A_675 = arith.muli %and3A_672, %mul3A_674 : vector<16xi32>
      %shift_left3A = arith.shli %add3A_670, %mul3A_675 : vector<16xi32>
      %shift_right_arithmetic3A = arith.constant 1 : i32
      %shift_right_arithmetic3A_676 = vector.broadcast %shift_right_arithmetic3A : i32 to vector<16xi32>
      %shift_right_arithmetic3A_677 = arith.shrsi %add3A_665, %shift_right_arithmetic3A_676 : vector<16xi32>
      tpu.vector_store_idx %arg7[%shift_right_arithmetic3A_677], %shift_left3A {add = true} : memref<32768xi32, #tpu.memory_space<vmem>>[vector<16xi32>], vector<16xi32>,
      %mul3A_678 = arith.constant 64 : i32
      %mul3A_679 = arith.muli %scan3A_650, %mul3A_678 : i32
      %add3A_680 = arith.constant 16 : i32
      %add3A_681 = arith.addi %mul3A_679, %add3A_680 : i32
      %get3A_682 = arith.constant 512 : i32
      %get3A_683 = tpu.memref_slice %arg8[%get3A_682] : memref<1024xi32, #tpu.memory_space<vmem>> -> memref<512xi32, #tpu.memory_space<vmem>>
      %get3A_684 = arith.index_cast %add3A_681 : i32 to index
      %get3A_685 = tpu.vector_load %get3A_683[%get3A_684] {strides = array<i32>} : memref<512xi32, #tpu.memory_space<vmem>>, vector<16xi32>,
      %get3A_686 = arith.constant 512 : i32
      %get3A_687 = tpu.memref_slice %arg9[%get3A_686] : memref<1024xi32, #tpu.memory_space<vmem>> -> memref<512xi32, #tpu.memory_space<vmem>>
      %get3A_688 = arith.index_cast %add3A_681 : i32 to index
      %get3A_689 = tpu.vector_load %get3A_687[%get3A_688] {strides = array<i32>} : memref<512xi32, #tpu.memory_space<vmem>>, vector<16xi32>,
      %mul3A_690 = arith.constant 256 : i32
      %mul3A_691 = vector.broadcast %mul3A_690 : i32 to vector<16xi32>
      %mul3A_692 = arith.muli %get3A_685, %mul3A_691 : vector<16xi32>
      %add3A_693 = arith.addi %mul3A_692, %get3A_689 : vector<16xi32>
      %add3A_694 = arith.constant 1537 : i32
      %add3A_695 = vector.broadcast %add3A_694 : i32 to vector<16xi32>
      %add3A_696 = arith.addi %iota3A, %add3A_695 : vector<16xi32>
      %add3A_697 = vector.broadcast %add3A_681 : i32 to vector<16xi32>
      %add3A_698 = arith.addi %add3A_696, %add3A_697 : vector<16xi32>
      %and3A_699 = arith.constant 1 : i32
      %and3A_700 = vector.broadcast %and3A_699 : i32 to vector<16xi32>
      %and3A_701 = arith.andi %add3A_693, %and3A_700 : vector<16xi32>
      %mul3A_702 = arith.constant 16 : i32
      %mul3A_703 = vector.broadcast %mul3A_702 : i32 to vector<16xi32>
      %mul3A_704 = arith.muli %and3A_701, %mul3A_703 : vector<16xi32>
      %shift_left3A_705 = arith.shli %add3A_698, %mul3A_704 : vector<16xi32>
      %shift_right_arithmetic3A_706 = arith.constant 1 : i32
      %shift_right_arithmetic3A_707 = vector.broadcast %shift_right_arithmetic3A_706 : i32 to vector<16xi32>
      %shift_right_arithmetic3A_708 = arith.shrsi %add3A_693, %shift_right_arithmetic3A_707 : vector<16xi32>
      tpu.vector_store_idx %arg7[%shift_right_arithmetic3A_708], %shift_left3A_705 {add = true} : memref<32768xi32, #tpu.memory_space<vmem>>[vector<16xi32>], vector<16xi32>,
      %mul3A_709 = arith.constant 64 : i32
      %mul3A_710 = arith.muli %scan3A_650, %mul3A_709 : i32
      %add3A_711 = arith.constant 32 : i32
      %add3A_712 = arith.addi %mul3A_710, %add3A_711 : i32
      %get3A_713 = arith.constant 512 : i32
      %get3A_714 = tpu.memref_slice %arg8[%get3A_713] : memref<1024xi32, #tpu.memory_space<vmem>> -> memref<512xi32, #tpu.memory_space<vmem>>
      %get3A_715 = arith.index_cast %add3A_712 : i32 to index
      %get3A_716 = tpu.vector_load %get3A_714[%get3A_715] {strides = array<i32>} : memref<512xi32, #tpu.memory_space<vmem>>, vector<16xi32>,
      %get3A_717 = arith.constant 512 : i32
      %get3A_718 = tpu.memref_slice %arg9[%get3A_717] : memref<1024xi32, #tpu.memory_space<vmem>> -> memref<512xi32, #tpu.memory_space<vmem>>
      %get3A_719 = arith.index_cast %add3A_712 : i32 to index
      %get3A_720 = tpu.vector_load %get3A_718[%get3A_719] {strides = array<i32>} : memref<512xi32, #tpu.memory_space<vmem>>, vector<16xi32>,
      %mul3A_721 = arith.constant 256 : i32
      %mul3A_722 = vector.broadcast %mul3A_721 : i32 to vector<16xi32>
      %mul3A_723 = arith.muli %get3A_716, %mul3A_722 : vector<16xi32>
      %add3A_724 = arith.addi %mul3A_723, %get3A_720 : vector<16xi32>
      %add3A_725 = arith.constant 1537 : i32
      %add3A_726 = vector.broadcast %add3A_725 : i32 to vector<16xi32>
      %add3A_727 = arith.addi %iota3A, %add3A_726 : vector<16xi32>
      %add3A_728 = vector.broadcast %add3A_712 : i32 to vector<16xi32>
      %add3A_729 = arith.addi %add3A_727, %add3A_728 : vector<16xi32>
      %and3A_730 = arith.constant 1 : i32
      %and3A_731 = vector.broadcast %and3A_730 : i32 to vector<16xi32>
      %and3A_732 = arith.andi %add3A_724, %and3A_731 : vector<16xi32>
      %mul3A_733 = arith.constant 16 : i32
      %mul3A_734 = vector.broadcast %mul3A_733 : i32 to vector<16xi32>
      %mul3A_735 = arith.muli %and3A_732, %mul3A_734 : vector<16xi32>
      %shift_left3A_736 = arith.shli %add3A_729, %mul3A_735 : vector<16xi32>
      %shift_right_arithmetic3A_737 = arith.constant 1 : i32
      %shift_right_arithmetic3A_738 = vector.broadcast %shift_right_arithmetic3A_737 : i32 to vector<16xi32>
      %shift_right_arithmetic3A_739 = arith.shrsi %add3A_724, %shift_right_arithmetic3A_738 : vector<16xi32>
      tpu.vector_store_idx %arg7[%shift_right_arithmetic3A_739], %shift_left3A_736 {add = true} : memref<32768xi32, #tpu.memory_space<vmem>>[vector<16xi32>], vector<16xi32>,
      %mul3A_740 = arith.constant 64 : i32
      %mul3A_741 = arith.muli %scan3A_650, %mul3A_740 : i32
      %add3A_742 = arith.constant 48 : i32
      %add3A_743 = arith.addi %mul3A_741, %add3A_742 : i32
      %get3A_744 = arith.constant 512 : i32
      %get3A_745 = tpu.memref_slice %arg8[%get3A_744] : memref<1024xi32, #tpu.memory_space<vmem>> -> memref<512xi32, #tpu.memory_space<vmem>>
      %get3A_746 = arith.index_cast %add3A_743 : i32 to index
      %get3A_747 = tpu.vector_load %get3A_745[%get3A_746] {strides = array<i32>} : memref<512xi32, #tpu.memory_space<vmem>>, vector<16xi32>,
      %get3A_748 = arith.constant 512 : i32
      %get3A_749 = tpu.memref_slice %arg9[%get3A_748] : memref<1024xi32, #tpu.memory_space<vmem>> -> memref<512xi32, #tpu.memory_space<vmem>>
      %get3A_750 = arith.index_cast %add3A_743 : i32 to index
      %get3A_751 = tpu.vector_load %get3A_749[%get3A_750] {strides = array<i32>} : memref<512xi32, #tpu.memory_space<vmem>>, vector<16xi32>,
      %mul3A_752 = arith.constant 256 : i32
      %mul3A_753 = vector.broadcast %mul3A_752 : i32 to vector<16xi32>
      %mul3A_754 = arith.muli %get3A_747, %mul3A_753 : vector<16xi32>
      %add3A_755 = arith.addi %mul3A_754, %get3A_751 : vector<16xi32>
      %add3A_756 = arith.constant 1537 : i32
      %add3A_757 = vector.broadcast %add3A_756 : i32 to vector<16xi32>
      %add3A_758 = arith.addi %iota3A, %add3A_757 : vector<16xi32>
      %add3A_759 = vector.broadcast %add3A_743 : i32 to vector<16xi32>
      %add3A_760 = arith.addi %add3A_758, %add3A_759 : vector<16xi32>
      %and3A_761 = arith.constant 1 : i32
      %and3A_762 = vector.broadcast %and3A_761 : i32 to vector<16xi32>
      %and3A_763 = arith.andi %add3A_755, %and3A_762 : vector<16xi32>
      %mul3A_764 = arith.constant 16 : i32
      %mul3A_765 = vector.broadcast %mul3A_764 : i32 to vector<16xi32>
      %mul3A_766 = arith.muli %and3A_763, %mul3A_765 : vector<16xi32>
      %shift_left3A_767 = arith.shli %add3A_760, %mul3A_766 : vector<16xi32>
      %shift_right_arithmetic3A_768 = arith.constant 1 : i32
      %shift_right_arithmetic3A_769 = vector.broadcast %shift_right_arithmetic3A_768 : i32 to vector<16xi32>
      %shift_right_arithmetic3A_770 = arith.shrsi %add3A_755, %shift_right_arithmetic3A_769 : vector<16xi32>
      tpu.vector_store_idx %arg7[%shift_right_arithmetic3A_770], %shift_left3A_767 {add = true} : memref<32768xi32, #tpu.memory_space<vmem>>[vector<16xi32>], vector<16xi32>,
    }
    %scan3A_174 = arith.constant 8 : i32
    %dma_wait3A_175 = arith.constant 0 : i32
    %dma_wait3A_176 = tpu.memref_slice %arg8[%dma_wait3A_175] : memref<1024xi32, #tpu.memory_space<vmem>> -> memref<512xi32, #tpu.memory_space<vmem>>
    %dma_wait3A_177 = arith.constant 2048 : i32
    %dma_wait3A_178 = tpu.memref_slice %arg2[%dma_wait3A_177] : memref<8192xi32, #tpu.memory_space<hbm>> -> memref<512xi32, #tpu.memory_space<hbm>>
    %dma_wait3A_179 = arith.constant 0 : i32
    %dma_wait3A_180 = tpu.memref_slice %arg8[%dma_wait3A_179] : memref<1024xi32, #tpu.memory_space<vmem>> -> memref<512xi32, #tpu.memory_space<vmem>>
    %dma_wait3A_181 = arith.constant 2048 : i32
    %dma_wait3A_182 = tpu.memref_slice %arg2[%dma_wait3A_181] : memref<8192xi32, #tpu.memory_space<hbm>> -> memref<512xi32, #tpu.memory_space<hbm>>
    tpu.wait_dma2 semaphore(%arg18 : memref<!tpu.dma_semaphore, #tpu.memory_space<semaphore_mem>>) src(%dma_wait3A_182 : memref<512xi32, #tpu.memory_space<hbm>>) dst(%dma_wait3A_180 : memref<512xi32, #tpu.memory_space<vmem>>)
    %dma_wait3A_183 = arith.constant 0 : i32
    %dma_wait3A_184 = tpu.memref_slice %arg9[%dma_wait3A_183] : memref<1024xi32, #tpu.memory_space<vmem>> -> memref<512xi32, #tpu.memory_space<vmem>>
    %dma_wait3A_185 = arith.constant 2048 : i32
    %dma_wait3A_186 = tpu.memref_slice %arg3[%dma_wait3A_185] : memref<8192xi32, #tpu.memory_space<hbm>> -> memref<512xi32, #tpu.memory_space<hbm>>
    %dma_wait3A_187 = arith.constant 0 : i32
    %dma_wait3A_188 = tpu.memref_slice %arg9[%dma_wait3A_187] : memref<1024xi32, #tpu.memory_space<vmem>> -> memref<512xi32, #tpu.memory_space<vmem>>
    %dma_wait3A_189 = arith.constant 2048 : i32
    %dma_wait3A_190 = tpu.memref_slice %arg3[%dma_wait3A_189] : memref<8192xi32, #tpu.memory_space<hbm>> -> memref<512xi32, #tpu.memory_space<hbm>>
    tpu.wait_dma2 semaphore(%arg18 : memref<!tpu.dma_semaphore, #tpu.memory_space<semaphore_mem>>) src(%dma_wait3A_190 : memref<512xi32, #tpu.memory_space<hbm>>) dst(%dma_wait3A_188 : memref<512xi32, #tpu.memory_space<vmem>>)
    %dma_start3A_191 = arith.constant 512 : i32
    %dma_start3A_192 = tpu.memref_slice %arg8[%dma_start3A_191] : memref<1024xi32, #tpu.memory_space<vmem>> -> memref<512xi32, #tpu.memory_space<vmem>>
    %dma_start3A_193 = arith.constant 2560 : i32
    %dma_start3A_194 = tpu.memref_slice %arg2[%dma_start3A_193] : memref<8192xi32, #tpu.memory_space<hbm>> -> memref<512xi32, #tpu.memory_space<hbm>>
    %dma_start3A_195 = arith.constant 512 : i32
    %dma_start3A_196 = tpu.memref_slice %arg8[%dma_start3A_195] : memref<1024xi32, #tpu.memory_space<vmem>> -> memref<512xi32, #tpu.memory_space<vmem>>
    %dma_start3A_197 = arith.constant 2560 : i32
    %dma_start3A_198 = tpu.memref_slice %arg2[%dma_start3A_197] : memref<8192xi32, #tpu.memory_space<hbm>> -> memref<512xi32, #tpu.memory_space<hbm>>
    tpu.enqueue_dma source(%dma_start3A_198 : memref<512xi32, #tpu.memory_space<hbm>>) target(%dma_start3A_196 : memref<512xi32, #tpu.memory_space<vmem>>) target_semaphore(%arg19 : memref<!tpu.dma_semaphore, #tpu.memory_space<semaphore_mem>>)
    %dma_start3A_199 = arith.constant 512 : i32
    %dma_start3A_200 = tpu.memref_slice %arg9[%dma_start3A_199] : memref<1024xi32, #tpu.memory_space<vmem>> -> memref<512xi32, #tpu.memory_space<vmem>>
    %dma_start3A_201 = arith.constant 2560 : i32
    %dma_start3A_202 = tpu.memref_slice %arg3[%dma_start3A_201] : memref<8192xi32, #tpu.memory_space<hbm>> -> memref<512xi32, #tpu.memory_space<hbm>>
    %dma_start3A_203 = arith.constant 512 : i32
    %dma_start3A_204 = tpu.memref_slice %arg9[%dma_start3A_203] : memref<1024xi32, #tpu.memory_space<vmem>> -> memref<512xi32, #tpu.memory_space<vmem>>
    %dma_start3A_205 = arith.constant 2560 : i32
    %dma_start3A_206 = tpu.memref_slice %arg3[%dma_start3A_205] : memref<8192xi32, #tpu.memory_space<hbm>> -> memref<512xi32, #tpu.memory_space<hbm>>
    tpu.enqueue_dma source(%dma_start3A_206 : memref<512xi32, #tpu.memory_space<hbm>>) target(%dma_start3A_204 : memref<512xi32, #tpu.memory_space<vmem>>) target_semaphore(%arg19 : memref<!tpu.dma_semaphore, #tpu.memory_space<semaphore_mem>>)
    %scan3A_207 = arith.constant 0 : i32
    %scan3A_208 = arith.constant 0 : i32
    %scan3A_209 = arith.constant 8 : i32
    %scan3A_210 = arith.addi %scan3A_208, %scan3A_209 : i32
    %scan3A_211 = arith.constant 1 : i32
    scf.for %scan3A_650 = %scan3A_208 to %scan3A_210 step %scan3A_211  : i32 {
      %mul3A_651 = arith.constant 64 : i32
      %mul3A_652 = arith.muli %scan3A_650, %mul3A_651 : i32
      %add3A_653 = arith.constant 0 : i32
      %add3A_654 = arith.addi %mul3A_652, %add3A_653 : i32
      %get3A = arith.constant 0 : i32
      %get3A_655 = tpu.memref_slice %arg8[%get3A] : memref<1024xi32, #tpu.memory_space<vmem>> -> memref<512xi32, #tpu.memory_space<vmem>>
      %get3A_656 = arith.index_cast %add3A_654 : i32 to index
      %get3A_657 = tpu.vector_load %get3A_655[%get3A_656] {strides = array<i32>} : memref<512xi32, #tpu.memory_space<vmem>>, vector<16xi32>,
      %get3A_658 = arith.constant 0 : i32
      %get3A_659 = tpu.memref_slice %arg9[%get3A_658] : memref<1024xi32, #tpu.memory_space<vmem>> -> memref<512xi32, #tpu.memory_space<vmem>>
      %get3A_660 = arith.index_cast %add3A_654 : i32 to index
      %get3A_661 = tpu.vector_load %get3A_659[%get3A_660] {strides = array<i32>} : memref<512xi32, #tpu.memory_space<vmem>>, vector<16xi32>,
      %mul3A_662 = arith.constant 256 : i32
      %mul3A_663 = vector.broadcast %mul3A_662 : i32 to vector<16xi32>
      %mul3A_664 = arith.muli %get3A_657, %mul3A_663 : vector<16xi32>
      %add3A_665 = arith.addi %mul3A_664, %get3A_661 : vector<16xi32>
      %add3A_666 = arith.constant 2049 : i32
      %add3A_667 = vector.broadcast %add3A_666 : i32 to vector<16xi32>
      %add3A_668 = arith.addi %iota3A, %add3A_667 : vector<16xi32>
      %add3A_669 = vector.broadcast %add3A_654 : i32 to vector<16xi32>
      %add3A_670 = arith.addi %add3A_668, %add3A_669 : vector<16xi32>
      %and3A = arith.constant 1 : i32
      %and3A_671 = vector.broadcast %and3A : i32 to vector<16xi32>
      %and3A_672 = arith.andi %add3A_665, %and3A_671 : vector<16xi32>
      %mul3A_673 = arith.constant 16 : i32
      %mul3A_674 = vector.broadcast %mul3A_673 : i32 to vector<16xi32>
      %mul3A_675 = arith.muli %and3A_672, %mul3A_674 : vector<16xi32>
      %shift_left3A = arith.shli %add3A_670, %mul3A_675 : vector<16xi32>
      %shift_right_arithmetic3A = arith.constant 1 : i32
      %shift_right_arithmetic3A_676 = vector.broadcast %shift_right_arithmetic3A : i32 to vector<16xi32>
      %shift_right_arithmetic3A_677 = arith.shrsi %add3A_665, %shift_right_arithmetic3A_676 : vector<16xi32>
      tpu.vector_store_idx %arg7[%shift_right_arithmetic3A_677], %shift_left3A {add = true} : memref<32768xi32, #tpu.memory_space<vmem>>[vector<16xi32>], vector<16xi32>,
      %mul3A_678 = arith.constant 64 : i32
      %mul3A_679 = arith.muli %scan3A_650, %mul3A_678 : i32
      %add3A_680 = arith.constant 16 : i32
      %add3A_681 = arith.addi %mul3A_679, %add3A_680 : i32
      %get3A_682 = arith.constant 0 : i32
      %get3A_683 = tpu.memref_slice %arg8[%get3A_682] : memref<1024xi32, #tpu.memory_space<vmem>> -> memref<512xi32, #tpu.memory_space<vmem>>
      %get3A_684 = arith.index_cast %add3A_681 : i32 to index
      %get3A_685 = tpu.vector_load %get3A_683[%get3A_684] {strides = array<i32>} : memref<512xi32, #tpu.memory_space<vmem>>, vector<16xi32>,
      %get3A_686 = arith.constant 0 : i32
      %get3A_687 = tpu.memref_slice %arg9[%get3A_686] : memref<1024xi32, #tpu.memory_space<vmem>> -> memref<512xi32, #tpu.memory_space<vmem>>
      %get3A_688 = arith.index_cast %add3A_681 : i32 to index
      %get3A_689 = tpu.vector_load %get3A_687[%get3A_688] {strides = array<i32>} : memref<512xi32, #tpu.memory_space<vmem>>, vector<16xi32>,
      %mul3A_690 = arith.constant 256 : i32
      %mul3A_691 = vector.broadcast %mul3A_690 : i32 to vector<16xi32>
      %mul3A_692 = arith.muli %get3A_685, %mul3A_691 : vector<16xi32>
      %add3A_693 = arith.addi %mul3A_692, %get3A_689 : vector<16xi32>
      %add3A_694 = arith.constant 2049 : i32
      %add3A_695 = vector.broadcast %add3A_694 : i32 to vector<16xi32>
      %add3A_696 = arith.addi %iota3A, %add3A_695 : vector<16xi32>
      %add3A_697 = vector.broadcast %add3A_681 : i32 to vector<16xi32>
      %add3A_698 = arith.addi %add3A_696, %add3A_697 : vector<16xi32>
      %and3A_699 = arith.constant 1 : i32
      %and3A_700 = vector.broadcast %and3A_699 : i32 to vector<16xi32>
      %and3A_701 = arith.andi %add3A_693, %and3A_700 : vector<16xi32>
      %mul3A_702 = arith.constant 16 : i32
      %mul3A_703 = vector.broadcast %mul3A_702 : i32 to vector<16xi32>
      %mul3A_704 = arith.muli %and3A_701, %mul3A_703 : vector<16xi32>
      %shift_left3A_705 = arith.shli %add3A_698, %mul3A_704 : vector<16xi32>
      %shift_right_arithmetic3A_706 = arith.constant 1 : i32
      %shift_right_arithmetic3A_707 = vector.broadcast %shift_right_arithmetic3A_706 : i32 to vector<16xi32>
      %shift_right_arithmetic3A_708 = arith.shrsi %add3A_693, %shift_right_arithmetic3A_707 : vector<16xi32>
      tpu.vector_store_idx %arg7[%shift_right_arithmetic3A_708], %shift_left3A_705 {add = true} : memref<32768xi32, #tpu.memory_space<vmem>>[vector<16xi32>], vector<16xi32>,
      %mul3A_709 = arith.constant 64 : i32
      %mul3A_710 = arith.muli %scan3A_650, %mul3A_709 : i32
      %add3A_711 = arith.constant 32 : i32
      %add3A_712 = arith.addi %mul3A_710, %add3A_711 : i32
      %get3A_713 = arith.constant 0 : i32
      %get3A_714 = tpu.memref_slice %arg8[%get3A_713] : memref<1024xi32, #tpu.memory_space<vmem>> -> memref<512xi32, #tpu.memory_space<vmem>>
      %get3A_715 = arith.index_cast %add3A_712 : i32 to index
      %get3A_716 = tpu.vector_load %get3A_714[%get3A_715] {strides = array<i32>} : memref<512xi32, #tpu.memory_space<vmem>>, vector<16xi32>,
      %get3A_717 = arith.constant 0 : i32
      %get3A_718 = tpu.memref_slice %arg9[%get3A_717] : memref<1024xi32, #tpu.memory_space<vmem>> -> memref<512xi32, #tpu.memory_space<vmem>>
      %get3A_719 = arith.index_cast %add3A_712 : i32 to index
      %get3A_720 = tpu.vector_load %get3A_718[%get3A_719] {strides = array<i32>} : memref<512xi32, #tpu.memory_space<vmem>>, vector<16xi32>,
      %mul3A_721 = arith.constant 256 : i32
      %mul3A_722 = vector.broadcast %mul3A_721 : i32 to vector<16xi32>
      %mul3A_723 = arith.muli %get3A_716, %mul3A_722 : vector<16xi32>
      %add3A_724 = arith.addi %mul3A_723, %get3A_720 : vector<16xi32>
      %add3A_725 = arith.constant 2049 : i32
      %add3A_726 = vector.broadcast %add3A_725 : i32 to vector<16xi32>
      %add3A_727 = arith.addi %iota3A, %add3A_726 : vector<16xi32>
      %add3A_728 = vector.broadcast %add3A_712 : i32 to vector<16xi32>
      %add3A_729 = arith.addi %add3A_727, %add3A_728 : vector<16xi32>
      %and3A_730 = arith.constant 1 : i32
      %and3A_731 = vector.broadcast %and3A_730 : i32 to vector<16xi32>
      %and3A_732 = arith.andi %add3A_724, %and3A_731 : vector<16xi32>
      %mul3A_733 = arith.constant 16 : i32
      %mul3A_734 = vector.broadcast %mul3A_733 : i32 to vector<16xi32>
      %mul3A_735 = arith.muli %and3A_732, %mul3A_734 : vector<16xi32>
      %shift_left3A_736 = arith.shli %add3A_729, %mul3A_735 : vector<16xi32>
      %shift_right_arithmetic3A_737 = arith.constant 1 : i32
      %shift_right_arithmetic3A_738 = vector.broadcast %shift_right_arithmetic3A_737 : i32 to vector<16xi32>
      %shift_right_arithmetic3A_739 = arith.shrsi %add3A_724, %shift_right_arithmetic3A_738 : vector<16xi32>
      tpu.vector_store_idx %arg7[%shift_right_arithmetic3A_739], %shift_left3A_736 {add = true} : memref<32768xi32, #tpu.memory_space<vmem>>[vector<16xi32>], vector<16xi32>,
      %mul3A_740 = arith.constant 64 : i32
      %mul3A_741 = arith.muli %scan3A_650, %mul3A_740 : i32
      %add3A_742 = arith.constant 48 : i32
      %add3A_743 = arith.addi %mul3A_741, %add3A_742 : i32
      %get3A_744 = arith.constant 0 : i32
      %get3A_745 = tpu.memref_slice %arg8[%get3A_744] : memref<1024xi32, #tpu.memory_space<vmem>> -> memref<512xi32, #tpu.memory_space<vmem>>
      %get3A_746 = arith.index_cast %add3A_743 : i32 to index
      %get3A_747 = tpu.vector_load %get3A_745[%get3A_746] {strides = array<i32>} : memref<512xi32, #tpu.memory_space<vmem>>, vector<16xi32>,
      %get3A_748 = arith.constant 0 : i32
      %get3A_749 = tpu.memref_slice %arg9[%get3A_748] : memref<1024xi32, #tpu.memory_space<vmem>> -> memref<512xi32, #tpu.memory_space<vmem>>
      %get3A_750 = arith.index_cast %add3A_743 : i32 to index
      %get3A_751 = tpu.vector_load %get3A_749[%get3A_750] {strides = array<i32>} : memref<512xi32, #tpu.memory_space<vmem>>, vector<16xi32>,
      %mul3A_752 = arith.constant 256 : i32
      %mul3A_753 = vector.broadcast %mul3A_752 : i32 to vector<16xi32>
      %mul3A_754 = arith.muli %get3A_747, %mul3A_753 : vector<16xi32>
      %add3A_755 = arith.addi %mul3A_754, %get3A_751 : vector<16xi32>
      %add3A_756 = arith.constant 2049 : i32
      %add3A_757 = vector.broadcast %add3A_756 : i32 to vector<16xi32>
      %add3A_758 = arith.addi %iota3A, %add3A_757 : vector<16xi32>
      %add3A_759 = vector.broadcast %add3A_743 : i32 to vector<16xi32>
      %add3A_760 = arith.addi %add3A_758, %add3A_759 : vector<16xi32>
      %and3A_761 = arith.constant 1 : i32
      %and3A_762 = vector.broadcast %and3A_761 : i32 to vector<16xi32>
      %and3A_763 = arith.andi %add3A_755, %and3A_762 : vector<16xi32>
      %mul3A_764 = arith.constant 16 : i32
      %mul3A_765 = vector.broadcast %mul3A_764 : i32 to vector<16xi32>
      %mul3A_766 = arith.muli %and3A_763, %mul3A_765 : vector<16xi32>
      %shift_left3A_767 = arith.shli %add3A_760, %mul3A_766 : vector<16xi32>
      %shift_right_arithmetic3A_768 = arith.constant 1 : i32
      %shift_right_arithmetic3A_769 = vector.broadcast %shift_right_arithmetic3A_768 : i32 to vector<16xi32>
      %shift_right_arithmetic3A_770 = arith.shrsi %add3A_755, %shift_right_arithmetic3A_769 : vector<16xi32>
      tpu.vector_store_idx %arg7[%shift_right_arithmetic3A_770], %shift_left3A_767 {add = true} : memref<32768xi32, #tpu.memory_space<vmem>>[vector<16xi32>], vector<16xi32>,
    }
    %scan3A_212 = arith.constant 8 : i32
    %dma_wait3A_213 = arith.constant 512 : i32
    %dma_wait3A_214 = tpu.memref_slice %arg8[%dma_wait3A_213] : memref<1024xi32, #tpu.memory_space<vmem>> -> memref<512xi32, #tpu.memory_space<vmem>>
    %dma_wait3A_215 = arith.constant 2560 : i32
    %dma_wait3A_216 = tpu.memref_slice %arg2[%dma_wait3A_215] : memref<8192xi32, #tpu.memory_space<hbm>> -> memref<512xi32, #tpu.memory_space<hbm>>
    %dma_wait3A_217 = arith.constant 512 : i32
    %dma_wait3A_218 = tpu.memref_slice %arg8[%dma_wait3A_217] : memref<1024xi32, #tpu.memory_space<vmem>> -> memref<512xi32, #tpu.memory_space<vmem>>
    %dma_wait3A_219 = arith.constant 2560 : i32
    %dma_wait3A_220 = tpu.memref_slice %arg2[%dma_wait3A_219] : memref<8192xi32, #tpu.memory_space<hbm>> -> memref<512xi32, #tpu.memory_space<hbm>>
    tpu.wait_dma2 semaphore(%arg19 : memref<!tpu.dma_semaphore, #tpu.memory_space<semaphore_mem>>) src(%dma_wait3A_220 : memref<512xi32, #tpu.memory_space<hbm>>) dst(%dma_wait3A_218 : memref<512xi32, #tpu.memory_space<vmem>>)
    %dma_wait3A_221 = arith.constant 512 : i32
    %dma_wait3A_222 = tpu.memref_slice %arg9[%dma_wait3A_221] : memref<1024xi32, #tpu.memory_space<vmem>> -> memref<512xi32, #tpu.memory_space<vmem>>
    %dma_wait3A_223 = arith.constant 2560 : i32
    %dma_wait3A_224 = tpu.memref_slice %arg3[%dma_wait3A_223] : memref<8192xi32, #tpu.memory_space<hbm>> -> memref<512xi32, #tpu.memory_space<hbm>>
    %dma_wait3A_225 = arith.constant 512 : i32
    %dma_wait3A_226 = tpu.memref_slice %arg9[%dma_wait3A_225] : memref<1024xi32, #tpu.memory_space<vmem>> -> memref<512xi32, #tpu.memory_space<vmem>>
    %dma_wait3A_227 = arith.constant 2560 : i32
    %dma_wait3A_228 = tpu.memref_slice %arg3[%dma_wait3A_227] : memref<8192xi32, #tpu.memory_space<hbm>> -> memref<512xi32, #tpu.memory_space<hbm>>
    tpu.wait_dma2 semaphore(%arg19 : memref<!tpu.dma_semaphore, #tpu.memory_space<semaphore_mem>>) src(%dma_wait3A_228 : memref<512xi32, #tpu.memory_space<hbm>>) dst(%dma_wait3A_226 : memref<512xi32, #tpu.memory_space<vmem>>)
    %dma_start3A_229 = arith.constant 0 : i32
    %dma_start3A_230 = tpu.memref_slice %arg8[%dma_start3A_229] : memref<1024xi32, #tpu.memory_space<vmem>> -> memref<512xi32, #tpu.memory_space<vmem>>
    %dma_start3A_231 = arith.constant 3072 : i32
    %dma_start3A_232 = tpu.memref_slice %arg2[%dma_start3A_231] : memref<8192xi32, #tpu.memory_space<hbm>> -> memref<512xi32, #tpu.memory_space<hbm>>
    %dma_start3A_233 = arith.constant 0 : i32
    %dma_start3A_234 = tpu.memref_slice %arg8[%dma_start3A_233] : memref<1024xi32, #tpu.memory_space<vmem>> -> memref<512xi32, #tpu.memory_space<vmem>>
    %dma_start3A_235 = arith.constant 3072 : i32
    %dma_start3A_236 = tpu.memref_slice %arg2[%dma_start3A_235] : memref<8192xi32, #tpu.memory_space<hbm>> -> memref<512xi32, #tpu.memory_space<hbm>>
    tpu.enqueue_dma source(%dma_start3A_236 : memref<512xi32, #tpu.memory_space<hbm>>) target(%dma_start3A_234 : memref<512xi32, #tpu.memory_space<vmem>>) target_semaphore(%arg18 : memref<!tpu.dma_semaphore, #tpu.memory_space<semaphore_mem>>)
    %dma_start3A_237 = arith.constant 0 : i32
    %dma_start3A_238 = tpu.memref_slice %arg9[%dma_start3A_237] : memref<1024xi32, #tpu.memory_space<vmem>> -> memref<512xi32, #tpu.memory_space<vmem>>
    %dma_start3A_239 = arith.constant 3072 : i32
    %dma_start3A_240 = tpu.memref_slice %arg3[%dma_start3A_239] : memref<8192xi32, #tpu.memory_space<hbm>> -> memref<512xi32, #tpu.memory_space<hbm>>
    %dma_start3A_241 = arith.constant 0 : i32
    %dma_start3A_242 = tpu.memref_slice %arg9[%dma_start3A_241] : memref<1024xi32, #tpu.memory_space<vmem>> -> memref<512xi32, #tpu.memory_space<vmem>>
    %dma_start3A_243 = arith.constant 3072 : i32
    %dma_start3A_244 = tpu.memref_slice %arg3[%dma_start3A_243] : memref<8192xi32, #tpu.memory_space<hbm>> -> memref<512xi32, #tpu.memory_space<hbm>>
    tpu.enqueue_dma source(%dma_start3A_244 : memref<512xi32, #tpu.memory_space<hbm>>) target(%dma_start3A_242 : memref<512xi32, #tpu.memory_space<vmem>>) target_semaphore(%arg18 : memref<!tpu.dma_semaphore, #tpu.memory_space<semaphore_mem>>)
    %scan3A_245 = arith.constant 0 : i32
    %scan3A_246 = arith.constant 0 : i32
    %scan3A_247 = arith.constant 8 : i32
    %scan3A_248 = arith.addi %scan3A_246, %scan3A_247 : i32
    %scan3A_249 = arith.constant 1 : i32
    scf.for %scan3A_650 = %scan3A_246 to %scan3A_248 step %scan3A_249  : i32 {
      %mul3A_651 = arith.constant 64 : i32
      %mul3A_652 = arith.muli %scan3A_650, %mul3A_651 : i32
      %add3A_653 = arith.constant 0 : i32
      %add3A_654 = arith.addi %mul3A_652, %add3A_653 : i32
      %get3A = arith.constant 512 : i32
      %get3A_655 = tpu.memref_slice %arg8[%get3A] : memref<1024xi32, #tpu.memory_space<vmem>> -> memref<512xi32, #tpu.memory_space<vmem>>
      %get3A_656 = arith.index_cast %add3A_654 : i32 to index
      %get3A_657 = tpu.vector_load %get3A_655[%get3A_656] {strides = array<i32>} : memref<512xi32, #tpu.memory_space<vmem>>, vector<16xi32>,
      %get3A_658 = arith.constant 512 : i32
      %get3A_659 = tpu.memref_slice %arg9[%get3A_658] : memref<1024xi32, #tpu.memory_space<vmem>> -> memref<512xi32, #tpu.memory_space<vmem>>
      %get3A_660 = arith.index_cast %add3A_654 : i32 to index
      %get3A_661 = tpu.vector_load %get3A_659[%get3A_660] {strides = array<i32>} : memref<512xi32, #tpu.memory_space<vmem>>, vector<16xi32>,
      %mul3A_662 = arith.constant 256 : i32
      %mul3A_663 = vector.broadcast %mul3A_662 : i32 to vector<16xi32>
      %mul3A_664 = arith.muli %get3A_657, %mul3A_663 : vector<16xi32>
      %add3A_665 = arith.addi %mul3A_664, %get3A_661 : vector<16xi32>
      %add3A_666 = arith.constant 2561 : i32
      %add3A_667 = vector.broadcast %add3A_666 : i32 to vector<16xi32>
      %add3A_668 = arith.addi %iota3A, %add3A_667 : vector<16xi32>
      %add3A_669 = vector.broadcast %add3A_654 : i32 to vector<16xi32>
      %add3A_670 = arith.addi %add3A_668, %add3A_669 : vector<16xi32>
      %and3A = arith.constant 1 : i32
      %and3A_671 = vector.broadcast %and3A : i32 to vector<16xi32>
      %and3A_672 = arith.andi %add3A_665, %and3A_671 : vector<16xi32>
      %mul3A_673 = arith.constant 16 : i32
      %mul3A_674 = vector.broadcast %mul3A_673 : i32 to vector<16xi32>
      %mul3A_675 = arith.muli %and3A_672, %mul3A_674 : vector<16xi32>
      %shift_left3A = arith.shli %add3A_670, %mul3A_675 : vector<16xi32>
      %shift_right_arithmetic3A = arith.constant 1 : i32
      %shift_right_arithmetic3A_676 = vector.broadcast %shift_right_arithmetic3A : i32 to vector<16xi32>
      %shift_right_arithmetic3A_677 = arith.shrsi %add3A_665, %shift_right_arithmetic3A_676 : vector<16xi32>
      tpu.vector_store_idx %arg7[%shift_right_arithmetic3A_677], %shift_left3A {add = true} : memref<32768xi32, #tpu.memory_space<vmem>>[vector<16xi32>], vector<16xi32>,
      %mul3A_678 = arith.constant 64 : i32
      %mul3A_679 = arith.muli %scan3A_650, %mul3A_678 : i32
      %add3A_680 = arith.constant 16 : i32
      %add3A_681 = arith.addi %mul3A_679, %add3A_680 : i32
      %get3A_682 = arith.constant 512 : i32
      %get3A_683 = tpu.memref_slice %arg8[%get3A_682] : memref<1024xi32, #tpu.memory_space<vmem>> -> memref<512xi32, #tpu.memory_space<vmem>>
      %get3A_684 = arith.index_cast %add3A_681 : i32 to index
      %get3A_685 = tpu.vector_load %get3A_683[%get3A_684] {strides = array<i32>} : memref<512xi32, #tpu.memory_space<vmem>>, vector<16xi32>,
      %get3A_686 = arith.constant 512 : i32
      %get3A_687 = tpu.memref_slice %arg9[%get3A_686] : memref<1024xi32, #tpu.memory_space<vmem>> -> memref<512xi32, #tpu.memory_space<vmem>>
      %get3A_688 = arith.index_cast %add3A_681 : i32 to index
      %get3A_689 = tpu.vector_load %get3A_687[%get3A_688] {strides = array<i32>} : memref<512xi32, #tpu.memory_space<vmem>>, vector<16xi32>,
      %mul3A_690 = arith.constant 256 : i32
      %mul3A_691 = vector.broadcast %mul3A_690 : i32 to vector<16xi32>
      %mul3A_692 = arith.muli %get3A_685, %mul3A_691 : vector<16xi32>
      %add3A_693 = arith.addi %mul3A_692, %get3A_689 : vector<16xi32>
      %add3A_694 = arith.constant 2561 : i32
      %add3A_695 = vector.broadcast %add3A_694 : i32 to vector<16xi32>
      %add3A_696 = arith.addi %iota3A, %add3A_695 : vector<16xi32>
      %add3A_697 = vector.broadcast %add3A_681 : i32 to vector<16xi32>
      %add3A_698 = arith.addi %add3A_696, %add3A_697 : vector<16xi32>
      %and3A_699 = arith.constant 1 : i32
      %and3A_700 = vector.broadcast %and3A_699 : i32 to vector<16xi32>
      %and3A_701 = arith.andi %add3A_693, %and3A_700 : vector<16xi32>
      %mul3A_702 = arith.constant 16 : i32
      %mul3A_703 = vector.broadcast %mul3A_702 : i32 to vector<16xi32>
      %mul3A_704 = arith.muli %and3A_701, %mul3A_703 : vector<16xi32>
      %shift_left3A_705 = arith.shli %add3A_698, %mul3A_704 : vector<16xi32>
      %shift_right_arithmetic3A_706 = arith.constant 1 : i32
      %shift_right_arithmetic3A_707 = vector.broadcast %shift_right_arithmetic3A_706 : i32 to vector<16xi32>
      %shift_right_arithmetic3A_708 = arith.shrsi %add3A_693, %shift_right_arithmetic3A_707 : vector<16xi32>
      tpu.vector_store_idx %arg7[%shift_right_arithmetic3A_708], %shift_left3A_705 {add = true} : memref<32768xi32, #tpu.memory_space<vmem>>[vector<16xi32>], vector<16xi32>,
      %mul3A_709 = arith.constant 64 : i32
      %mul3A_710 = arith.muli %scan3A_650, %mul3A_709 : i32
      %add3A_711 = arith.constant 32 : i32
      %add3A_712 = arith.addi %mul3A_710, %add3A_711 : i32
      %get3A_713 = arith.constant 512 : i32
      %get3A_714 = tpu.memref_slice %arg8[%get3A_713] : memref<1024xi32, #tpu.memory_space<vmem>> -> memref<512xi32, #tpu.memory_space<vmem>>
      %get3A_715 = arith.index_cast %add3A_712 : i32 to index
      %get3A_716 = tpu.vector_load %get3A_714[%get3A_715] {strides = array<i32>} : memref<512xi32, #tpu.memory_space<vmem>>, vector<16xi32>,
      %get3A_717 = arith.constant 512 : i32
      %get3A_718 = tpu.memref_slice %arg9[%get3A_717] : memref<1024xi32, #tpu.memory_space<vmem>> -> memref<512xi32, #tpu.memory_space<vmem>>
      %get3A_719 = arith.index_cast %add3A_712 : i32 to index
      %get3A_720 = tpu.vector_load %get3A_718[%get3A_719] {strides = array<i32>} : memref<512xi32, #tpu.memory_space<vmem>>, vector<16xi32>,
      %mul3A_721 = arith.constant 256 : i32
      %mul3A_722 = vector.broadcast %mul3A_721 : i32 to vector<16xi32>
      %mul3A_723 = arith.muli %get3A_716, %mul3A_722 : vector<16xi32>
      %add3A_724 = arith.addi %mul3A_723, %get3A_720 : vector<16xi32>
      %add3A_725 = arith.constant 2561 : i32
      %add3A_726 = vector.broadcast %add3A_725 : i32 to vector<16xi32>
      %add3A_727 = arith.addi %iota3A, %add3A_726 : vector<16xi32>
      %add3A_728 = vector.broadcast %add3A_712 : i32 to vector<16xi32>
      %add3A_729 = arith.addi %add3A_727, %add3A_728 : vector<16xi32>
      %and3A_730 = arith.constant 1 : i32
      %and3A_731 = vector.broadcast %and3A_730 : i32 to vector<16xi32>
      %and3A_732 = arith.andi %add3A_724, %and3A_731 : vector<16xi32>
      %mul3A_733 = arith.constant 16 : i32
      %mul3A_734 = vector.broadcast %mul3A_733 : i32 to vector<16xi32>
      %mul3A_735 = arith.muli %and3A_732, %mul3A_734 : vector<16xi32>
      %shift_left3A_736 = arith.shli %add3A_729, %mul3A_735 : vector<16xi32>
      %shift_right_arithmetic3A_737 = arith.constant 1 : i32
      %shift_right_arithmetic3A_738 = vector.broadcast %shift_right_arithmetic3A_737 : i32 to vector<16xi32>
      %shift_right_arithmetic3A_739 = arith.shrsi %add3A_724, %shift_right_arithmetic3A_738 : vector<16xi32>
      tpu.vector_store_idx %arg7[%shift_right_arithmetic3A_739], %shift_left3A_736 {add = true} : memref<32768xi32, #tpu.memory_space<vmem>>[vector<16xi32>], vector<16xi32>,
      %mul3A_740 = arith.constant 64 : i32
      %mul3A_741 = arith.muli %scan3A_650, %mul3A_740 : i32
      %add3A_742 = arith.constant 48 : i32
      %add3A_743 = arith.addi %mul3A_741, %add3A_742 : i32
      %get3A_744 = arith.constant 512 : i32
      %get3A_745 = tpu.memref_slice %arg8[%get3A_744] : memref<1024xi32, #tpu.memory_space<vmem>> -> memref<512xi32, #tpu.memory_space<vmem>>
      %get3A_746 = arith.index_cast %add3A_743 : i32 to index
      %get3A_747 = tpu.vector_load %get3A_745[%get3A_746] {strides = array<i32>} : memref<512xi32, #tpu.memory_space<vmem>>, vector<16xi32>,
      %get3A_748 = arith.constant 512 : i32
      %get3A_749 = tpu.memref_slice %arg9[%get3A_748] : memref<1024xi32, #tpu.memory_space<vmem>> -> memref<512xi32, #tpu.memory_space<vmem>>
      %get3A_750 = arith.index_cast %add3A_743 : i32 to index
      %get3A_751 = tpu.vector_load %get3A_749[%get3A_750] {strides = array<i32>} : memref<512xi32, #tpu.memory_space<vmem>>, vector<16xi32>,
      %mul3A_752 = arith.constant 256 : i32
      %mul3A_753 = vector.broadcast %mul3A_752 : i32 to vector<16xi32>
      %mul3A_754 = arith.muli %get3A_747, %mul3A_753 : vector<16xi32>
      %add3A_755 = arith.addi %mul3A_754, %get3A_751 : vector<16xi32>
      %add3A_756 = arith.constant 2561 : i32
      %add3A_757 = vector.broadcast %add3A_756 : i32 to vector<16xi32>
      %add3A_758 = arith.addi %iota3A, %add3A_757 : vector<16xi32>
      %add3A_759 = vector.broadcast %add3A_743 : i32 to vector<16xi32>
      %add3A_760 = arith.addi %add3A_758, %add3A_759 : vector<16xi32>
      %and3A_761 = arith.constant 1 : i32
      %and3A_762 = vector.broadcast %and3A_761 : i32 to vector<16xi32>
      %and3A_763 = arith.andi %add3A_755, %and3A_762 : vector<16xi32>
      %mul3A_764 = arith.constant 16 : i32
      %mul3A_765 = vector.broadcast %mul3A_764 : i32 to vector<16xi32>
      %mul3A_766 = arith.muli %and3A_763, %mul3A_765 : vector<16xi32>
      %shift_left3A_767 = arith.shli %add3A_760, %mul3A_766 : vector<16xi32>
      %shift_right_arithmetic3A_768 = arith.constant 1 : i32
      %shift_right_arithmetic3A_769 = vector.broadcast %shift_right_arithmetic3A_768 : i32 to vector<16xi32>
      %shift_right_arithmetic3A_770 = arith.shrsi %add3A_755, %shift_right_arithmetic3A_769 : vector<16xi32>
      tpu.vector_store_idx %arg7[%shift_right_arithmetic3A_770], %shift_left3A_767 {add = true} : memref<32768xi32, #tpu.memory_space<vmem>>[vector<16xi32>], vector<16xi32>,
    }
    %scan3A_250 = arith.constant 8 : i32
    %dma_wait3A_251 = arith.constant 0 : i32
    %dma_wait3A_252 = tpu.memref_slice %arg8[%dma_wait3A_251] : memref<1024xi32, #tpu.memory_space<vmem>> -> memref<512xi32, #tpu.memory_space<vmem>>
    %dma_wait3A_253 = arith.constant 3072 : i32
    %dma_wait3A_254 = tpu.memref_slice %arg2[%dma_wait3A_253] : memref<8192xi32, #tpu.memory_space<hbm>> -> memref<512xi32, #tpu.memory_space<hbm>>
    %dma_wait3A_255 = arith.constant 0 : i32
    %dma_wait3A_256 = tpu.memref_slice %arg8[%dma_wait3A_255] : memref<1024xi32, #tpu.memory_space<vmem>> -> memref<512xi32, #tpu.memory_space<vmem>>
    %dma_wait3A_257 = arith.constant 3072 : i32
    %dma_wait3A_258 = tpu.memref_slice %arg2[%dma_wait3A_257] : memref<8192xi32, #tpu.memory_space<hbm>> -> memref<512xi32, #tpu.memory_space<hbm>>
    tpu.wait_dma2 semaphore(%arg18 : memref<!tpu.dma_semaphore, #tpu.memory_space<semaphore_mem>>) src(%dma_wait3A_258 : memref<512xi32, #tpu.memory_space<hbm>>) dst(%dma_wait3A_256 : memref<512xi32, #tpu.memory_space<vmem>>)
    %dma_wait3A_259 = arith.constant 0 : i32
    %dma_wait3A_260 = tpu.memref_slice %arg9[%dma_wait3A_259] : memref<1024xi32, #tpu.memory_space<vmem>> -> memref<512xi32, #tpu.memory_space<vmem>>
    %dma_wait3A_261 = arith.constant 3072 : i32
    %dma_wait3A_262 = tpu.memref_slice %arg3[%dma_wait3A_261] : memref<8192xi32, #tpu.memory_space<hbm>> -> memref<512xi32, #tpu.memory_space<hbm>>
    %dma_wait3A_263 = arith.constant 0 : i32
    %dma_wait3A_264 = tpu.memref_slice %arg9[%dma_wait3A_263] : memref<1024xi32, #tpu.memory_space<vmem>> -> memref<512xi32, #tpu.memory_space<vmem>>
    %dma_wait3A_265 = arith.constant 3072 : i32
    %dma_wait3A_266 = tpu.memref_slice %arg3[%dma_wait3A_265] : memref<8192xi32, #tpu.memory_space<hbm>> -> memref<512xi32, #tpu.memory_space<hbm>>
    tpu.wait_dma2 semaphore(%arg18 : memref<!tpu.dma_semaphore, #tpu.memory_space<semaphore_mem>>) src(%dma_wait3A_266 : memref<512xi32, #tpu.memory_space<hbm>>) dst(%dma_wait3A_264 : memref<512xi32, #tpu.memory_space<vmem>>)
    %dma_start3A_267 = arith.constant 512 : i32
    %dma_start3A_268 = tpu.memref_slice %arg8[%dma_start3A_267] : memref<1024xi32, #tpu.memory_space<vmem>> -> memref<512xi32, #tpu.memory_space<vmem>>
    %dma_start3A_269 = arith.constant 3584 : i32
    %dma_start3A_270 = tpu.memref_slice %arg2[%dma_start3A_269] : memref<8192xi32, #tpu.memory_space<hbm>> -> memref<512xi32, #tpu.memory_space<hbm>>
    %dma_start3A_271 = arith.constant 512 : i32
    %dma_start3A_272 = tpu.memref_slice %arg8[%dma_start3A_271] : memref<1024xi32, #tpu.memory_space<vmem>> -> memref<512xi32, #tpu.memory_space<vmem>>
    %dma_start3A_273 = arith.constant 3584 : i32
    %dma_start3A_274 = tpu.memref_slice %arg2[%dma_start3A_273] : memref<8192xi32, #tpu.memory_space<hbm>> -> memref<512xi32, #tpu.memory_space<hbm>>
    tpu.enqueue_dma source(%dma_start3A_274 : memref<512xi32, #tpu.memory_space<hbm>>) target(%dma_start3A_272 : memref<512xi32, #tpu.memory_space<vmem>>) target_semaphore(%arg19 : memref<!tpu.dma_semaphore, #tpu.memory_space<semaphore_mem>>)
    %dma_start3A_275 = arith.constant 512 : i32
    %dma_start3A_276 = tpu.memref_slice %arg9[%dma_start3A_275] : memref<1024xi32, #tpu.memory_space<vmem>> -> memref<512xi32, #tpu.memory_space<vmem>>
    %dma_start3A_277 = arith.constant 3584 : i32
    %dma_start3A_278 = tpu.memref_slice %arg3[%dma_start3A_277] : memref<8192xi32, #tpu.memory_space<hbm>> -> memref<512xi32, #tpu.memory_space<hbm>>
    %dma_start3A_279 = arith.constant 512 : i32
    %dma_start3A_280 = tpu.memref_slice %arg9[%dma_start3A_279] : memref<1024xi32, #tpu.memory_space<vmem>> -> memref<512xi32, #tpu.memory_space<vmem>>
    %dma_start3A_281 = arith.constant 3584 : i32
    %dma_start3A_282 = tpu.memref_slice %arg3[%dma_start3A_281] : memref<8192xi32, #tpu.memory_space<hbm>> -> memref<512xi32, #tpu.memory_space<hbm>>
    tpu.enqueue_dma source(%dma_start3A_282 : memref<512xi32, #tpu.memory_space<hbm>>) target(%dma_start3A_280 : memref<512xi32, #tpu.memory_space<vmem>>) target_semaphore(%arg19 : memref<!tpu.dma_semaphore, #tpu.memory_space<semaphore_mem>>)
    %scan3A_283 = arith.constant 0 : i32
    %scan3A_284 = arith.constant 0 : i32
    %scan3A_285 = arith.constant 8 : i32
    %scan3A_286 = arith.addi %scan3A_284, %scan3A_285 : i32
    %scan3A_287 = arith.constant 1 : i32
    scf.for %scan3A_650 = %scan3A_284 to %scan3A_286 step %scan3A_287  : i32 {
      %mul3A_651 = arith.constant 64 : i32
      %mul3A_652 = arith.muli %scan3A_650, %mul3A_651 : i32
      %add3A_653 = arith.constant 0 : i32
      %add3A_654 = arith.addi %mul3A_652, %add3A_653 : i32
      %get3A = arith.constant 0 : i32
      %get3A_655 = tpu.memref_slice %arg8[%get3A] : memref<1024xi32, #tpu.memory_space<vmem>> -> memref<512xi32, #tpu.memory_space<vmem>>
      %get3A_656 = arith.index_cast %add3A_654 : i32 to index
      %get3A_657 = tpu.vector_load %get3A_655[%get3A_656] {strides = array<i32>} : memref<512xi32, #tpu.memory_space<vmem>>, vector<16xi32>,
      %get3A_658 = arith.constant 0 : i32
      %get3A_659 = tpu.memref_slice %arg9[%get3A_658] : memref<1024xi32, #tpu.memory_space<vmem>> -> memref<512xi32, #tpu.memory_space<vmem>>
      %get3A_660 = arith.index_cast %add3A_654 : i32 to index
      %get3A_661 = tpu.vector_load %get3A_659[%get3A_660] {strides = array<i32>} : memref<512xi32, #tpu.memory_space<vmem>>, vector<16xi32>,
      %mul3A_662 = arith.constant 256 : i32
      %mul3A_663 = vector.broadcast %mul3A_662 : i32 to vector<16xi32>
      %mul3A_664 = arith.muli %get3A_657, %mul3A_663 : vector<16xi32>
      %add3A_665 = arith.addi %mul3A_664, %get3A_661 : vector<16xi32>
      %add3A_666 = arith.constant 3073 : i32
      %add3A_667 = vector.broadcast %add3A_666 : i32 to vector<16xi32>
      %add3A_668 = arith.addi %iota3A, %add3A_667 : vector<16xi32>
      %add3A_669 = vector.broadcast %add3A_654 : i32 to vector<16xi32>
      %add3A_670 = arith.addi %add3A_668, %add3A_669 : vector<16xi32>
      %and3A = arith.constant 1 : i32
      %and3A_671 = vector.broadcast %and3A : i32 to vector<16xi32>
      %and3A_672 = arith.andi %add3A_665, %and3A_671 : vector<16xi32>
      %mul3A_673 = arith.constant 16 : i32
      %mul3A_674 = vector.broadcast %mul3A_673 : i32 to vector<16xi32>
      %mul3A_675 = arith.muli %and3A_672, %mul3A_674 : vector<16xi32>
      %shift_left3A = arith.shli %add3A_670, %mul3A_675 : vector<16xi32>
      %shift_right_arithmetic3A = arith.constant 1 : i32
      %shift_right_arithmetic3A_676 = vector.broadcast %shift_right_arithmetic3A : i32 to vector<16xi32>
      %shift_right_arithmetic3A_677 = arith.shrsi %add3A_665, %shift_right_arithmetic3A_676 : vector<16xi32>
      tpu.vector_store_idx %arg7[%shift_right_arithmetic3A_677], %shift_left3A {add = true} : memref<32768xi32, #tpu.memory_space<vmem>>[vector<16xi32>], vector<16xi32>,
      %mul3A_678 = arith.constant 64 : i32
      %mul3A_679 = arith.muli %scan3A_650, %mul3A_678 : i32
      %add3A_680 = arith.constant 16 : i32
      %add3A_681 = arith.addi %mul3A_679, %add3A_680 : i32
      %get3A_682 = arith.constant 0 : i32
      %get3A_683 = tpu.memref_slice %arg8[%get3A_682] : memref<1024xi32, #tpu.memory_space<vmem>> -> memref<512xi32, #tpu.memory_space<vmem>>
      %get3A_684 = arith.index_cast %add3A_681 : i32 to index
      %get3A_685 = tpu.vector_load %get3A_683[%get3A_684] {strides = array<i32>} : memref<512xi32, #tpu.memory_space<vmem>>, vector<16xi32>,
      %get3A_686 = arith.constant 0 : i32
      %get3A_687 = tpu.memref_slice %arg9[%get3A_686] : memref<1024xi32, #tpu.memory_space<vmem>> -> memref<512xi32, #tpu.memory_space<vmem>>
      %get3A_688 = arith.index_cast %add3A_681 : i32 to index
      %get3A_689 = tpu.vector_load %get3A_687[%get3A_688] {strides = array<i32>} : memref<512xi32, #tpu.memory_space<vmem>>, vector<16xi32>,
      %mul3A_690 = arith.constant 256 : i32
      %mul3A_691 = vector.broadcast %mul3A_690 : i32 to vector<16xi32>
      %mul3A_692 = arith.muli %get3A_685, %mul3A_691 : vector<16xi32>
      %add3A_693 = arith.addi %mul3A_692, %get3A_689 : vector<16xi32>
      %add3A_694 = arith.constant 3073 : i32
      %add3A_695 = vector.broadcast %add3A_694 : i32 to vector<16xi32>
      %add3A_696 = arith.addi %iota3A, %add3A_695 : vector<16xi32>
      %add3A_697 = vector.broadcast %add3A_681 : i32 to vector<16xi32>
      %add3A_698 = arith.addi %add3A_696, %add3A_697 : vector<16xi32>
      %and3A_699 = arith.constant 1 : i32
      %and3A_700 = vector.broadcast %and3A_699 : i32 to vector<16xi32>
      %and3A_701 = arith.andi %add3A_693, %and3A_700 : vector<16xi32>
      %mul3A_702 = arith.constant 16 : i32
      %mul3A_703 = vector.broadcast %mul3A_702 : i32 to vector<16xi32>
      %mul3A_704 = arith.muli %and3A_701, %mul3A_703 : vector<16xi32>
      %shift_left3A_705 = arith.shli %add3A_698, %mul3A_704 : vector<16xi32>
      %shift_right_arithmetic3A_706 = arith.constant 1 : i32
      %shift_right_arithmetic3A_707 = vector.broadcast %shift_right_arithmetic3A_706 : i32 to vector<16xi32>
      %shift_right_arithmetic3A_708 = arith.shrsi %add3A_693, %shift_right_arithmetic3A_707 : vector<16xi32>
      tpu.vector_store_idx %arg7[%shift_right_arithmetic3A_708], %shift_left3A_705 {add = true} : memref<32768xi32, #tpu.memory_space<vmem>>[vector<16xi32>], vector<16xi32>,
      %mul3A_709 = arith.constant 64 : i32
      %mul3A_710 = arith.muli %scan3A_650, %mul3A_709 : i32
      %add3A_711 = arith.constant 32 : i32
      %add3A_712 = arith.addi %mul3A_710, %add3A_711 : i32
      %get3A_713 = arith.constant 0 : i32
      %get3A_714 = tpu.memref_slice %arg8[%get3A_713] : memref<1024xi32, #tpu.memory_space<vmem>> -> memref<512xi32, #tpu.memory_space<vmem>>
      %get3A_715 = arith.index_cast %add3A_712 : i32 to index
      %get3A_716 = tpu.vector_load %get3A_714[%get3A_715] {strides = array<i32>} : memref<512xi32, #tpu.memory_space<vmem>>, vector<16xi32>,
      %get3A_717 = arith.constant 0 : i32
      %get3A_718 = tpu.memref_slice %arg9[%get3A_717] : memref<1024xi32, #tpu.memory_space<vmem>> -> memref<512xi32, #tpu.memory_space<vmem>>
      %get3A_719 = arith.index_cast %add3A_712 : i32 to index
      %get3A_720 = tpu.vector_load %get3A_718[%get3A_719] {strides = array<i32>} : memref<512xi32, #tpu.memory_space<vmem>>, vector<16xi32>,
      %mul3A_721 = arith.constant 256 : i32
      %mul3A_722 = vector.broadcast %mul3A_721 : i32 to vector<16xi32>
      %mul3A_723 = arith.muli %get3A_716, %mul3A_722 : vector<16xi32>
      %add3A_724 = arith.addi %mul3A_723, %get3A_720 : vector<16xi32>
      %add3A_725 = arith.constant 3073 : i32
      %add3A_726 = vector.broadcast %add3A_725 : i32 to vector<16xi32>
      %add3A_727 = arith.addi %iota3A, %add3A_726 : vector<16xi32>
      %add3A_728 = vector.broadcast %add3A_712 : i32 to vector<16xi32>
      %add3A_729 = arith.addi %add3A_727, %add3A_728 : vector<16xi32>
      %and3A_730 = arith.constant 1 : i32
      %and3A_731 = vector.broadcast %and3A_730 : i32 to vector<16xi32>
      %and3A_732 = arith.andi %add3A_724, %and3A_731 : vector<16xi32>
      %mul3A_733 = arith.constant 16 : i32
      %mul3A_734 = vector.broadcast %mul3A_733 : i32 to vector<16xi32>
      %mul3A_735 = arith.muli %and3A_732, %mul3A_734 : vector<16xi32>
      %shift_left3A_736 = arith.shli %add3A_729, %mul3A_735 : vector<16xi32>
      %shift_right_arithmetic3A_737 = arith.constant 1 : i32
      %shift_right_arithmetic3A_738 = vector.broadcast %shift_right_arithmetic3A_737 : i32 to vector<16xi32>
      %shift_right_arithmetic3A_739 = arith.shrsi %add3A_724, %shift_right_arithmetic3A_738 : vector<16xi32>
      tpu.vector_store_idx %arg7[%shift_right_arithmetic3A_739], %shift_left3A_736 {add = true} : memref<32768xi32, #tpu.memory_space<vmem>>[vector<16xi32>], vector<16xi32>,
      %mul3A_740 = arith.constant 64 : i32
      %mul3A_741 = arith.muli %scan3A_650, %mul3A_740 : i32
      %add3A_742 = arith.constant 48 : i32
      %add3A_743 = arith.addi %mul3A_741, %add3A_742 : i32
      %get3A_744 = arith.constant 0 : i32
      %get3A_745 = tpu.memref_slice %arg8[%get3A_744] : memref<1024xi32, #tpu.memory_space<vmem>> -> memref<512xi32, #tpu.memory_space<vmem>>
      %get3A_746 = arith.index_cast %add3A_743 : i32 to index
      %get3A_747 = tpu.vector_load %get3A_745[%get3A_746] {strides = array<i32>} : memref<512xi32, #tpu.memory_space<vmem>>, vector<16xi32>,
      %get3A_748 = arith.constant 0 : i32
      %get3A_749 = tpu.memref_slice %arg9[%get3A_748] : memref<1024xi32, #tpu.memory_space<vmem>> -> memref<512xi32, #tpu.memory_space<vmem>>
      %get3A_750 = arith.index_cast %add3A_743 : i32 to index
      %get3A_751 = tpu.vector_load %get3A_749[%get3A_750] {strides = array<i32>} : memref<512xi32, #tpu.memory_space<vmem>>, vector<16xi32>,
      %mul3A_752 = arith.constant 256 : i32
      %mul3A_753 = vector.broadcast %mul3A_752 : i32 to vector<16xi32>
      %mul3A_754 = arith.muli %get3A_747, %mul3A_753 : vector<16xi32>
      %add3A_755 = arith.addi %mul3A_754, %get3A_751 : vector<16xi32>
      %add3A_756 = arith.constant 3073 : i32
      %add3A_757 = vector.broadcast %add3A_756 : i32 to vector<16xi32>
      %add3A_758 = arith.addi %iota3A, %add3A_757 : vector<16xi32>
      %add3A_759 = vector.broadcast %add3A_743 : i32 to vector<16xi32>
      %add3A_760 = arith.addi %add3A_758, %add3A_759 : vector<16xi32>
      %and3A_761 = arith.constant 1 : i32
      %and3A_762 = vector.broadcast %and3A_761 : i32 to vector<16xi32>
      %and3A_763 = arith.andi %add3A_755, %and3A_762 : vector<16xi32>
      %mul3A_764 = arith.constant 16 : i32
      %mul3A_765 = vector.broadcast %mul3A_764 : i32 to vector<16xi32>
      %mul3A_766 = arith.muli %and3A_763, %mul3A_765 : vector<16xi32>
      %shift_left3A_767 = arith.shli %add3A_760, %mul3A_766 : vector<16xi32>
      %shift_right_arithmetic3A_768 = arith.constant 1 : i32
      %shift_right_arithmetic3A_769 = vector.broadcast %shift_right_arithmetic3A_768 : i32 to vector<16xi32>
      %shift_right_arithmetic3A_770 = arith.shrsi %add3A_755, %shift_right_arithmetic3A_769 : vector<16xi32>
      tpu.vector_store_idx %arg7[%shift_right_arithmetic3A_770], %shift_left3A_767 {add = true} : memref<32768xi32, #tpu.memory_space<vmem>>[vector<16xi32>], vector<16xi32>,
    }
    %scan3A_288 = arith.constant 8 : i32
    %dma_wait3A_289 = arith.constant 512 : i32
    %dma_wait3A_290 = tpu.memref_slice %arg8[%dma_wait3A_289] : memref<1024xi32, #tpu.memory_space<vmem>> -> memref<512xi32, #tpu.memory_space<vmem>>
    %dma_wait3A_291 = arith.constant 3584 : i32
    %dma_wait3A_292 = tpu.memref_slice %arg2[%dma_wait3A_291] : memref<8192xi32, #tpu.memory_space<hbm>> -> memref<512xi32, #tpu.memory_space<hbm>>
    %dma_wait3A_293 = arith.constant 512 : i32
    %dma_wait3A_294 = tpu.memref_slice %arg8[%dma_wait3A_293] : memref<1024xi32, #tpu.memory_space<vmem>> -> memref<512xi32, #tpu.memory_space<vmem>>
    %dma_wait3A_295 = arith.constant 3584 : i32
    %dma_wait3A_296 = tpu.memref_slice %arg2[%dma_wait3A_295] : memref<8192xi32, #tpu.memory_space<hbm>> -> memref<512xi32, #tpu.memory_space<hbm>>
    tpu.wait_dma2 semaphore(%arg19 : memref<!tpu.dma_semaphore, #tpu.memory_space<semaphore_mem>>) src(%dma_wait3A_296 : memref<512xi32, #tpu.memory_space<hbm>>) dst(%dma_wait3A_294 : memref<512xi32, #tpu.memory_space<vmem>>)
    %dma_wait3A_297 = arith.constant 512 : i32
    %dma_wait3A_298 = tpu.memref_slice %arg9[%dma_wait3A_297] : memref<1024xi32, #tpu.memory_space<vmem>> -> memref<512xi32, #tpu.memory_space<vmem>>
    %dma_wait3A_299 = arith.constant 3584 : i32
    %dma_wait3A_300 = tpu.memref_slice %arg3[%dma_wait3A_299] : memref<8192xi32, #tpu.memory_space<hbm>> -> memref<512xi32, #tpu.memory_space<hbm>>
    %dma_wait3A_301 = arith.constant 512 : i32
    %dma_wait3A_302 = tpu.memref_slice %arg9[%dma_wait3A_301] : memref<1024xi32, #tpu.memory_space<vmem>> -> memref<512xi32, #tpu.memory_space<vmem>>
    %dma_wait3A_303 = arith.constant 3584 : i32
    %dma_wait3A_304 = tpu.memref_slice %arg3[%dma_wait3A_303] : memref<8192xi32, #tpu.memory_space<hbm>> -> memref<512xi32, #tpu.memory_space<hbm>>
    tpu.wait_dma2 semaphore(%arg19 : memref<!tpu.dma_semaphore, #tpu.memory_space<semaphore_mem>>) src(%dma_wait3A_304 : memref<512xi32, #tpu.memory_space<hbm>>) dst(%dma_wait3A_302 : memref<512xi32, #tpu.memory_space<vmem>>)
    %dma_start3A_305 = arith.constant 0 : i32
    %dma_start3A_306 = tpu.memref_slice %arg8[%dma_start3A_305] : memref<1024xi32, #tpu.memory_space<vmem>> -> memref<512xi32, #tpu.memory_space<vmem>>
    %dma_start3A_307 = arith.constant 4096 : i32
    %dma_start3A_308 = tpu.memref_slice %arg2[%dma_start3A_307] : memref<8192xi32, #tpu.memory_space<hbm>> -> memref<512xi32, #tpu.memory_space<hbm>>
    %dma_start3A_309 = arith.constant 0 : i32
    %dma_start3A_310 = tpu.memref_slice %arg8[%dma_start3A_309] : memref<1024xi32, #tpu.memory_space<vmem>> -> memref<512xi32, #tpu.memory_space<vmem>>
    %dma_start3A_311 = arith.constant 4096 : i32
    %dma_start3A_312 = tpu.memref_slice %arg2[%dma_start3A_311] : memref<8192xi32, #tpu.memory_space<hbm>> -> memref<512xi32, #tpu.memory_space<hbm>>
    tpu.enqueue_dma source(%dma_start3A_312 : memref<512xi32, #tpu.memory_space<hbm>>) target(%dma_start3A_310 : memref<512xi32, #tpu.memory_space<vmem>>) target_semaphore(%arg18 : memref<!tpu.dma_semaphore, #tpu.memory_space<semaphore_mem>>)
    %dma_start3A_313 = arith.constant 0 : i32
    %dma_start3A_314 = tpu.memref_slice %arg9[%dma_start3A_313] : memref<1024xi32, #tpu.memory_space<vmem>> -> memref<512xi32, #tpu.memory_space<vmem>>
    %dma_start3A_315 = arith.constant 4096 : i32
    %dma_start3A_316 = tpu.memref_slice %arg3[%dma_start3A_315] : memref<8192xi32, #tpu.memory_space<hbm>> -> memref<512xi32, #tpu.memory_space<hbm>>
    %dma_start3A_317 = arith.constant 0 : i32
    %dma_start3A_318 = tpu.memref_slice %arg9[%dma_start3A_317] : memref<1024xi32, #tpu.memory_space<vmem>> -> memref<512xi32, #tpu.memory_space<vmem>>
    %dma_start3A_319 = arith.constant 4096 : i32
    %dma_start3A_320 = tpu.memref_slice %arg3[%dma_start3A_319] : memref<8192xi32, #tpu.memory_space<hbm>> -> memref<512xi32, #tpu.memory_space<hbm>>
    tpu.enqueue_dma source(%dma_start3A_320 : memref<512xi32, #tpu.memory_space<hbm>>) target(%dma_start3A_318 : memref<512xi32, #tpu.memory_space<vmem>>) target_semaphore(%arg18 : memref<!tpu.dma_semaphore, #tpu.memory_space<semaphore_mem>>)
    %scan3A_321 = arith.constant 0 : i32
    %scan3A_322 = arith.constant 0 : i32
    %scan3A_323 = arith.constant 8 : i32
    %scan3A_324 = arith.addi %scan3A_322, %scan3A_323 : i32
    %scan3A_325 = arith.constant 1 : i32
    scf.for %scan3A_650 = %scan3A_322 to %scan3A_324 step %scan3A_325  : i32 {
      %mul3A_651 = arith.constant 64 : i32
      %mul3A_652 = arith.muli %scan3A_650, %mul3A_651 : i32
      %add3A_653 = arith.constant 0 : i32
      %add3A_654 = arith.addi %mul3A_652, %add3A_653 : i32
      %get3A = arith.constant 512 : i32
      %get3A_655 = tpu.memref_slice %arg8[%get3A] : memref<1024xi32, #tpu.memory_space<vmem>> -> memref<512xi32, #tpu.memory_space<vmem>>
      %get3A_656 = arith.index_cast %add3A_654 : i32 to index
      %get3A_657 = tpu.vector_load %get3A_655[%get3A_656] {strides = array<i32>} : memref<512xi32, #tpu.memory_space<vmem>>, vector<16xi32>,
      %get3A_658 = arith.constant 512 : i32
      %get3A_659 = tpu.memref_slice %arg9[%get3A_658] : memref<1024xi32, #tpu.memory_space<vmem>> -> memref<512xi32, #tpu.memory_space<vmem>>
      %get3A_660 = arith.index_cast %add3A_654 : i32 to index
      %get3A_661 = tpu.vector_load %get3A_659[%get3A_660] {strides = array<i32>} : memref<512xi32, #tpu.memory_space<vmem>>, vector<16xi32>,
      %mul3A_662 = arith.constant 256 : i32
      %mul3A_663 = vector.broadcast %mul3A_662 : i32 to vector<16xi32>
      %mul3A_664 = arith.muli %get3A_657, %mul3A_663 : vector<16xi32>
      %add3A_665 = arith.addi %mul3A_664, %get3A_661 : vector<16xi32>
      %add3A_666 = arith.constant 3585 : i32
      %add3A_667 = vector.broadcast %add3A_666 : i32 to vector<16xi32>
      %add3A_668 = arith.addi %iota3A, %add3A_667 : vector<16xi32>
      %add3A_669 = vector.broadcast %add3A_654 : i32 to vector<16xi32>
      %add3A_670 = arith.addi %add3A_668, %add3A_669 : vector<16xi32>
      %and3A = arith.constant 1 : i32
      %and3A_671 = vector.broadcast %and3A : i32 to vector<16xi32>
      %and3A_672 = arith.andi %add3A_665, %and3A_671 : vector<16xi32>
      %mul3A_673 = arith.constant 16 : i32
      %mul3A_674 = vector.broadcast %mul3A_673 : i32 to vector<16xi32>
      %mul3A_675 = arith.muli %and3A_672, %mul3A_674 : vector<16xi32>
      %shift_left3A = arith.shli %add3A_670, %mul3A_675 : vector<16xi32>
      %shift_right_arithmetic3A = arith.constant 1 : i32
      %shift_right_arithmetic3A_676 = vector.broadcast %shift_right_arithmetic3A : i32 to vector<16xi32>
      %shift_right_arithmetic3A_677 = arith.shrsi %add3A_665, %shift_right_arithmetic3A_676 : vector<16xi32>
      tpu.vector_store_idx %arg7[%shift_right_arithmetic3A_677], %shift_left3A {add = true} : memref<32768xi32, #tpu.memory_space<vmem>>[vector<16xi32>], vector<16xi32>,
      %mul3A_678 = arith.constant 64 : i32
      %mul3A_679 = arith.muli %scan3A_650, %mul3A_678 : i32
      %add3A_680 = arith.constant 16 : i32
      %add3A_681 = arith.addi %mul3A_679, %add3A_680 : i32
      %get3A_682 = arith.constant 512 : i32
      %get3A_683 = tpu.memref_slice %arg8[%get3A_682] : memref<1024xi32, #tpu.memory_space<vmem>> -> memref<512xi32, #tpu.memory_space<vmem>>
      %get3A_684 = arith.index_cast %add3A_681 : i32 to index
      %get3A_685 = tpu.vector_load %get3A_683[%get3A_684] {strides = array<i32>} : memref<512xi32, #tpu.memory_space<vmem>>, vector<16xi32>,
      %get3A_686 = arith.constant 512 : i32
      %get3A_687 = tpu.memref_slice %arg9[%get3A_686] : memref<1024xi32, #tpu.memory_space<vmem>> -> memref<512xi32, #tpu.memory_space<vmem>>
      %get3A_688 = arith.index_cast %add3A_681 : i32 to index
      %get3A_689 = tpu.vector_load %get3A_687[%get3A_688] {strides = array<i32>} : memref<512xi32, #tpu.memory_space<vmem>>, vector<16xi32>,
      %mul3A_690 = arith.constant 256 : i32
      %mul3A_691 = vector.broadcast %mul3A_690 : i32 to vector<16xi32>
      %mul3A_692 = arith.muli %get3A_685, %mul3A_691 : vector<16xi32>
      %add3A_693 = arith.addi %mul3A_692, %get3A_689 : vector<16xi32>
      %add3A_694 = arith.constant 3585 : i32
      %add3A_695 = vector.broadcast %add3A_694 : i32 to vector<16xi32>
      %add3A_696 = arith.addi %iota3A, %add3A_695 : vector<16xi32>
      %add3A_697 = vector.broadcast %add3A_681 : i32 to vector<16xi32>
      %add3A_698 = arith.addi %add3A_696, %add3A_697 : vector<16xi32>
      %and3A_699 = arith.constant 1 : i32
      %and3A_700 = vector.broadcast %and3A_699 : i32 to vector<16xi32>
      %and3A_701 = arith.andi %add3A_693, %and3A_700 : vector<16xi32>
      %mul3A_702 = arith.constant 16 : i32
      %mul3A_703 = vector.broadcast %mul3A_702 : i32 to vector<16xi32>
      %mul3A_704 = arith.muli %and3A_701, %mul3A_703 : vector<16xi32>
      %shift_left3A_705 = arith.shli %add3A_698, %mul3A_704 : vector<16xi32>
      %shift_right_arithmetic3A_706 = arith.constant 1 : i32
      %shift_right_arithmetic3A_707 = vector.broadcast %shift_right_arithmetic3A_706 : i32 to vector<16xi32>
      %shift_right_arithmetic3A_708 = arith.shrsi %add3A_693, %shift_right_arithmetic3A_707 : vector<16xi32>
      tpu.vector_store_idx %arg7[%shift_right_arithmetic3A_708], %shift_left3A_705 {add = true} : memref<32768xi32, #tpu.memory_space<vmem>>[vector<16xi32>], vector<16xi32>,
      %mul3A_709 = arith.constant 64 : i32
      %mul3A_710 = arith.muli %scan3A_650, %mul3A_709 : i32
      %add3A_711 = arith.constant 32 : i32
      %add3A_712 = arith.addi %mul3A_710, %add3A_711 : i32
      %get3A_713 = arith.constant 512 : i32
      %get3A_714 = tpu.memref_slice %arg8[%get3A_713] : memref<1024xi32, #tpu.memory_space<vmem>> -> memref<512xi32, #tpu.memory_space<vmem>>
      %get3A_715 = arith.index_cast %add3A_712 : i32 to index
      %get3A_716 = tpu.vector_load %get3A_714[%get3A_715] {strides = array<i32>} : memref<512xi32, #tpu.memory_space<vmem>>, vector<16xi32>,
      %get3A_717 = arith.constant 512 : i32
      %get3A_718 = tpu.memref_slice %arg9[%get3A_717] : memref<1024xi32, #tpu.memory_space<vmem>> -> memref<512xi32, #tpu.memory_space<vmem>>
      %get3A_719 = arith.index_cast %add3A_712 : i32 to index
      %get3A_720 = tpu.vector_load %get3A_718[%get3A_719] {strides = array<i32>} : memref<512xi32, #tpu.memory_space<vmem>>, vector<16xi32>,
      %mul3A_721 = arith.constant 256 : i32
      %mul3A_722 = vector.broadcast %mul3A_721 : i32 to vector<16xi32>
      %mul3A_723 = arith.muli %get3A_716, %mul3A_722 : vector<16xi32>
      %add3A_724 = arith.addi %mul3A_723, %get3A_720 : vector<16xi32>
      %add3A_725 = arith.constant 3585 : i32
      %add3A_726 = vector.broadcast %add3A_725 : i32 to vector<16xi32>
      %add3A_727 = arith.addi %iota3A, %add3A_726 : vector<16xi32>
      %add3A_728 = vector.broadcast %add3A_712 : i32 to vector<16xi32>
      %add3A_729 = arith.addi %add3A_727, %add3A_728 : vector<16xi32>
      %and3A_730 = arith.constant 1 : i32
      %and3A_731 = vector.broadcast %and3A_730 : i32 to vector<16xi32>
      %and3A_732 = arith.andi %add3A_724, %and3A_731 : vector<16xi32>
      %mul3A_733 = arith.constant 16 : i32
      %mul3A_734 = vector.broadcast %mul3A_733 : i32 to vector<16xi32>
      %mul3A_735 = arith.muli %and3A_732, %mul3A_734 : vector<16xi32>
      %shift_left3A_736 = arith.shli %add3A_729, %mul3A_735 : vector<16xi32>
      %shift_right_arithmetic3A_737 = arith.constant 1 : i32
      %shift_right_arithmetic3A_738 = vector.broadcast %shift_right_arithmetic3A_737 : i32 to vector<16xi32>
      %shift_right_arithmetic3A_739 = arith.shrsi %add3A_724, %shift_right_arithmetic3A_738 : vector<16xi32>
      tpu.vector_store_idx %arg7[%shift_right_arithmetic3A_739], %shift_left3A_736 {add = true} : memref<32768xi32, #tpu.memory_space<vmem>>[vector<16xi32>], vector<16xi32>,
      %mul3A_740 = arith.constant 64 : i32
      %mul3A_741 = arith.muli %scan3A_650, %mul3A_740 : i32
      %add3A_742 = arith.constant 48 : i32
      %add3A_743 = arith.addi %mul3A_741, %add3A_742 : i32
      %get3A_744 = arith.constant 512 : i32
      %get3A_745 = tpu.memref_slice %arg8[%get3A_744] : memref<1024xi32, #tpu.memory_space<vmem>> -> memref<512xi32, #tpu.memory_space<vmem>>
      %get3A_746 = arith.index_cast %add3A_743 : i32 to index
      %get3A_747 = tpu.vector_load %get3A_745[%get3A_746] {strides = array<i32>} : memref<512xi32, #tpu.memory_space<vmem>>, vector<16xi32>,
      %get3A_748 = arith.constant 512 : i32
      %get3A_749 = tpu.memref_slice %arg9[%get3A_748] : memref<1024xi32, #tpu.memory_space<vmem>> -> memref<512xi32, #tpu.memory_space<vmem>>
      %get3A_750 = arith.index_cast %add3A_743 : i32 to index
      %get3A_751 = tpu.vector_load %get3A_749[%get3A_750] {strides = array<i32>} : memref<512xi32, #tpu.memory_space<vmem>>, vector<16xi32>,
      %mul3A_752 = arith.constant 256 : i32
      %mul3A_753 = vector.broadcast %mul3A_752 : i32 to vector<16xi32>
      %mul3A_754 = arith.muli %get3A_747, %mul3A_753 : vector<16xi32>
      %add3A_755 = arith.addi %mul3A_754, %get3A_751 : vector<16xi32>
      %add3A_756 = arith.constant 3585 : i32
      %add3A_757 = vector.broadcast %add3A_756 : i32 to vector<16xi32>
      %add3A_758 = arith.addi %iota3A, %add3A_757 : vector<16xi32>
      %add3A_759 = vector.broadcast %add3A_743 : i32 to vector<16xi32>
      %add3A_760 = arith.addi %add3A_758, %add3A_759 : vector<16xi32>
      %and3A_761 = arith.constant 1 : i32
      %and3A_762 = vector.broadcast %and3A_761 : i32 to vector<16xi32>
      %and3A_763 = arith.andi %add3A_755, %and3A_762 : vector<16xi32>
      %mul3A_764 = arith.constant 16 : i32
      %mul3A_765 = vector.broadcast %mul3A_764 : i32 to vector<16xi32>
      %mul3A_766 = arith.muli %and3A_763, %mul3A_765 : vector<16xi32>
      %shift_left3A_767 = arith.shli %add3A_760, %mul3A_766 : vector<16xi32>
      %shift_right_arithmetic3A_768 = arith.constant 1 : i32
      %shift_right_arithmetic3A_769 = vector.broadcast %shift_right_arithmetic3A_768 : i32 to vector<16xi32>
      %shift_right_arithmetic3A_770 = arith.shrsi %add3A_755, %shift_right_arithmetic3A_769 : vector<16xi32>
      tpu.vector_store_idx %arg7[%shift_right_arithmetic3A_770], %shift_left3A_767 {add = true} : memref<32768xi32, #tpu.memory_space<vmem>>[vector<16xi32>], vector<16xi32>,
    }
    %scan3A_326 = arith.constant 8 : i32
    %dma_wait3A_327 = arith.constant 0 : i32
    %dma_wait3A_328 = tpu.memref_slice %arg8[%dma_wait3A_327] : memref<1024xi32, #tpu.memory_space<vmem>> -> memref<512xi32, #tpu.memory_space<vmem>>
    %dma_wait3A_329 = arith.constant 4096 : i32
    %dma_wait3A_330 = tpu.memref_slice %arg2[%dma_wait3A_329] : memref<8192xi32, #tpu.memory_space<hbm>> -> memref<512xi32, #tpu.memory_space<hbm>>
    %dma_wait3A_331 = arith.constant 0 : i32
    %dma_wait3A_332 = tpu.memref_slice %arg8[%dma_wait3A_331] : memref<1024xi32, #tpu.memory_space<vmem>> -> memref<512xi32, #tpu.memory_space<vmem>>
    %dma_wait3A_333 = arith.constant 4096 : i32
    %dma_wait3A_334 = tpu.memref_slice %arg2[%dma_wait3A_333] : memref<8192xi32, #tpu.memory_space<hbm>> -> memref<512xi32, #tpu.memory_space<hbm>>
    tpu.wait_dma2 semaphore(%arg18 : memref<!tpu.dma_semaphore, #tpu.memory_space<semaphore_mem>>) src(%dma_wait3A_334 : memref<512xi32, #tpu.memory_space<hbm>>) dst(%dma_wait3A_332 : memref<512xi32, #tpu.memory_space<vmem>>)
    %dma_wait3A_335 = arith.constant 0 : i32
    %dma_wait3A_336 = tpu.memref_slice %arg9[%dma_wait3A_335] : memref<1024xi32, #tpu.memory_space<vmem>> -> memref<512xi32, #tpu.memory_space<vmem>>
    %dma_wait3A_337 = arith.constant 4096 : i32
    %dma_wait3A_338 = tpu.memref_slice %arg3[%dma_wait3A_337] : memref<8192xi32, #tpu.memory_space<hbm>> -> memref<512xi32, #tpu.memory_space<hbm>>
    %dma_wait3A_339 = arith.constant 0 : i32
    %dma_wait3A_340 = tpu.memref_slice %arg9[%dma_wait3A_339] : memref<1024xi32, #tpu.memory_space<vmem>> -> memref<512xi32, #tpu.memory_space<vmem>>
    %dma_wait3A_341 = arith.constant 4096 : i32
    %dma_wait3A_342 = tpu.memref_slice %arg3[%dma_wait3A_341] : memref<8192xi32, #tpu.memory_space<hbm>> -> memref<512xi32, #tpu.memory_space<hbm>>
    tpu.wait_dma2 semaphore(%arg18 : memref<!tpu.dma_semaphore, #tpu.memory_space<semaphore_mem>>) src(%dma_wait3A_342 : memref<512xi32, #tpu.memory_space<hbm>>) dst(%dma_wait3A_340 : memref<512xi32, #tpu.memory_space<vmem>>)
    %dma_start3A_343 = arith.constant 512 : i32
    %dma_start3A_344 = tpu.memref_slice %arg8[%dma_start3A_343] : memref<1024xi32, #tpu.memory_space<vmem>> -> memref<512xi32, #tpu.memory_space<vmem>>
    %dma_start3A_345 = arith.constant 4608 : i32
    %dma_start3A_346 = tpu.memref_slice %arg2[%dma_start3A_345] : memref<8192xi32, #tpu.memory_space<hbm>> -> memref<512xi32, #tpu.memory_space<hbm>>
    %dma_start3A_347 = arith.constant 512 : i32
    %dma_start3A_348 = tpu.memref_slice %arg8[%dma_start3A_347] : memref<1024xi32, #tpu.memory_space<vmem>> -> memref<512xi32, #tpu.memory_space<vmem>>
    %dma_start3A_349 = arith.constant 4608 : i32
    %dma_start3A_350 = tpu.memref_slice %arg2[%dma_start3A_349] : memref<8192xi32, #tpu.memory_space<hbm>> -> memref<512xi32, #tpu.memory_space<hbm>>
    tpu.enqueue_dma source(%dma_start3A_350 : memref<512xi32, #tpu.memory_space<hbm>>) target(%dma_start3A_348 : memref<512xi32, #tpu.memory_space<vmem>>) target_semaphore(%arg19 : memref<!tpu.dma_semaphore, #tpu.memory_space<semaphore_mem>>)
    %dma_start3A_351 = arith.constant 512 : i32
    %dma_start3A_352 = tpu.memref_slice %arg9[%dma_start3A_351] : memref<1024xi32, #tpu.memory_space<vmem>> -> memref<512xi32, #tpu.memory_space<vmem>>
    %dma_start3A_353 = arith.constant 4608 : i32
    %dma_start3A_354 = tpu.memref_slice %arg3[%dma_start3A_353] : memref<8192xi32, #tpu.memory_space<hbm>> -> memref<512xi32, #tpu.memory_space<hbm>>
    %dma_start3A_355 = arith.constant 512 : i32
    %dma_start3A_356 = tpu.memref_slice %arg9[%dma_start3A_355] : memref<1024xi32, #tpu.memory_space<vmem>> -> memref<512xi32, #tpu.memory_space<vmem>>
    %dma_start3A_357 = arith.constant 4608 : i32
    %dma_start3A_358 = tpu.memref_slice %arg3[%dma_start3A_357] : memref<8192xi32, #tpu.memory_space<hbm>> -> memref<512xi32, #tpu.memory_space<hbm>>
    tpu.enqueue_dma source(%dma_start3A_358 : memref<512xi32, #tpu.memory_space<hbm>>) target(%dma_start3A_356 : memref<512xi32, #tpu.memory_space<vmem>>) target_semaphore(%arg19 : memref<!tpu.dma_semaphore, #tpu.memory_space<semaphore_mem>>)
    %scan3A_359 = arith.constant 0 : i32
    %scan3A_360 = arith.constant 0 : i32
    %scan3A_361 = arith.constant 8 : i32
    %scan3A_362 = arith.addi %scan3A_360, %scan3A_361 : i32
    %scan3A_363 = arith.constant 1 : i32
    scf.for %scan3A_650 = %scan3A_360 to %scan3A_362 step %scan3A_363  : i32 {
      %mul3A_651 = arith.constant 64 : i32
      %mul3A_652 = arith.muli %scan3A_650, %mul3A_651 : i32
      %add3A_653 = arith.constant 0 : i32
      %add3A_654 = arith.addi %mul3A_652, %add3A_653 : i32
      %get3A = arith.constant 0 : i32
      %get3A_655 = tpu.memref_slice %arg8[%get3A] : memref<1024xi32, #tpu.memory_space<vmem>> -> memref<512xi32, #tpu.memory_space<vmem>>
      %get3A_656 = arith.index_cast %add3A_654 : i32 to index
      %get3A_657 = tpu.vector_load %get3A_655[%get3A_656] {strides = array<i32>} : memref<512xi32, #tpu.memory_space<vmem>>, vector<16xi32>,
      %get3A_658 = arith.constant 0 : i32
      %get3A_659 = tpu.memref_slice %arg9[%get3A_658] : memref<1024xi32, #tpu.memory_space<vmem>> -> memref<512xi32, #tpu.memory_space<vmem>>
      %get3A_660 = arith.index_cast %add3A_654 : i32 to index
      %get3A_661 = tpu.vector_load %get3A_659[%get3A_660] {strides = array<i32>} : memref<512xi32, #tpu.memory_space<vmem>>, vector<16xi32>,
      %mul3A_662 = arith.constant 256 : i32
      %mul3A_663 = vector.broadcast %mul3A_662 : i32 to vector<16xi32>
      %mul3A_664 = arith.muli %get3A_657, %mul3A_663 : vector<16xi32>
      %add3A_665 = arith.addi %mul3A_664, %get3A_661 : vector<16xi32>
      %add3A_666 = arith.constant 4097 : i32
      %add3A_667 = vector.broadcast %add3A_666 : i32 to vector<16xi32>
      %add3A_668 = arith.addi %iota3A, %add3A_667 : vector<16xi32>
      %add3A_669 = vector.broadcast %add3A_654 : i32 to vector<16xi32>
      %add3A_670 = arith.addi %add3A_668, %add3A_669 : vector<16xi32>
      %and3A = arith.constant 1 : i32
      %and3A_671 = vector.broadcast %and3A : i32 to vector<16xi32>
      %and3A_672 = arith.andi %add3A_665, %and3A_671 : vector<16xi32>
      %mul3A_673 = arith.constant 16 : i32
      %mul3A_674 = vector.broadcast %mul3A_673 : i32 to vector<16xi32>
      %mul3A_675 = arith.muli %and3A_672, %mul3A_674 : vector<16xi32>
      %shift_left3A = arith.shli %add3A_670, %mul3A_675 : vector<16xi32>
      %shift_right_arithmetic3A = arith.constant 1 : i32
      %shift_right_arithmetic3A_676 = vector.broadcast %shift_right_arithmetic3A : i32 to vector<16xi32>
      %shift_right_arithmetic3A_677 = arith.shrsi %add3A_665, %shift_right_arithmetic3A_676 : vector<16xi32>
      tpu.vector_store_idx %arg7[%shift_right_arithmetic3A_677], %shift_left3A {add = true} : memref<32768xi32, #tpu.memory_space<vmem>>[vector<16xi32>], vector<16xi32>,
      %mul3A_678 = arith.constant 64 : i32
      %mul3A_679 = arith.muli %scan3A_650, %mul3A_678 : i32
      %add3A_680 = arith.constant 16 : i32
      %add3A_681 = arith.addi %mul3A_679, %add3A_680 : i32
      %get3A_682 = arith.constant 0 : i32
      %get3A_683 = tpu.memref_slice %arg8[%get3A_682] : memref<1024xi32, #tpu.memory_space<vmem>> -> memref<512xi32, #tpu.memory_space<vmem>>
      %get3A_684 = arith.index_cast %add3A_681 : i32 to index
      %get3A_685 = tpu.vector_load %get3A_683[%get3A_684] {strides = array<i32>} : memref<512xi32, #tpu.memory_space<vmem>>, vector<16xi32>,
      %get3A_686 = arith.constant 0 : i32
      %get3A_687 = tpu.memref_slice %arg9[%get3A_686] : memref<1024xi32, #tpu.memory_space<vmem>> -> memref<512xi32, #tpu.memory_space<vmem>>
      %get3A_688 = arith.index_cast %add3A_681 : i32 to index
      %get3A_689 = tpu.vector_load %get3A_687[%get3A_688] {strides = array<i32>} : memref<512xi32, #tpu.memory_space<vmem>>, vector<16xi32>,
      %mul3A_690 = arith.constant 256 : i32
      %mul3A_691 = vector.broadcast %mul3A_690 : i32 to vector<16xi32>
      %mul3A_692 = arith.muli %get3A_685, %mul3A_691 : vector<16xi32>
      %add3A_693 = arith.addi %mul3A_692, %get3A_689 : vector<16xi32>
      %add3A_694 = arith.constant 4097 : i32
      %add3A_695 = vector.broadcast %add3A_694 : i32 to vector<16xi32>
      %add3A_696 = arith.addi %iota3A, %add3A_695 : vector<16xi32>
      %add3A_697 = vector.broadcast %add3A_681 : i32 to vector<16xi32>
      %add3A_698 = arith.addi %add3A_696, %add3A_697 : vector<16xi32>
      %and3A_699 = arith.constant 1 : i32
      %and3A_700 = vector.broadcast %and3A_699 : i32 to vector<16xi32>
      %and3A_701 = arith.andi %add3A_693, %and3A_700 : vector<16xi32>
      %mul3A_702 = arith.constant 16 : i32
      %mul3A_703 = vector.broadcast %mul3A_702 : i32 to vector<16xi32>
      %mul3A_704 = arith.muli %and3A_701, %mul3A_703 : vector<16xi32>
      %shift_left3A_705 = arith.shli %add3A_698, %mul3A_704 : vector<16xi32>
      %shift_right_arithmetic3A_706 = arith.constant 1 : i32
      %shift_right_arithmetic3A_707 = vector.broadcast %shift_right_arithmetic3A_706 : i32 to vector<16xi32>
      %shift_right_arithmetic3A_708 = arith.shrsi %add3A_693, %shift_right_arithmetic3A_707 : vector<16xi32>
      tpu.vector_store_idx %arg7[%shift_right_arithmetic3A_708], %shift_left3A_705 {add = true} : memref<32768xi32, #tpu.memory_space<vmem>>[vector<16xi32>], vector<16xi32>,
      %mul3A_709 = arith.constant 64 : i32
      %mul3A_710 = arith.muli %scan3A_650, %mul3A_709 : i32
      %add3A_711 = arith.constant 32 : i32
      %add3A_712 = arith.addi %mul3A_710, %add3A_711 : i32
      %get3A_713 = arith.constant 0 : i32
      %get3A_714 = tpu.memref_slice %arg8[%get3A_713] : memref<1024xi32, #tpu.memory_space<vmem>> -> memref<512xi32, #tpu.memory_space<vmem>>
      %get3A_715 = arith.index_cast %add3A_712 : i32 to index
      %get3A_716 = tpu.vector_load %get3A_714[%get3A_715] {strides = array<i32>} : memref<512xi32, #tpu.memory_space<vmem>>, vector<16xi32>,
      %get3A_717 = arith.constant 0 : i32
      %get3A_718 = tpu.memref_slice %arg9[%get3A_717] : memref<1024xi32, #tpu.memory_space<vmem>> -> memref<512xi32, #tpu.memory_space<vmem>>
      %get3A_719 = arith.index_cast %add3A_712 : i32 to index
      %get3A_720 = tpu.vector_load %get3A_718[%get3A_719] {strides = array<i32>} : memref<512xi32, #tpu.memory_space<vmem>>, vector<16xi32>,
      %mul3A_721 = arith.constant 256 : i32
      %mul3A_722 = vector.broadcast %mul3A_721 : i32 to vector<16xi32>
      %mul3A_723 = arith.muli %get3A_716, %mul3A_722 : vector<16xi32>
      %add3A_724 = arith.addi %mul3A_723, %get3A_720 : vector<16xi32>
      %add3A_725 = arith.constant 4097 : i32
      %add3A_726 = vector.broadcast %add3A_725 : i32 to vector<16xi32>
      %add3A_727 = arith.addi %iota3A, %add3A_726 : vector<16xi32>
      %add3A_728 = vector.broadcast %add3A_712 : i32 to vector<16xi32>
      %add3A_729 = arith.addi %add3A_727, %add3A_728 : vector<16xi32>
      %and3A_730 = arith.constant 1 : i32
      %and3A_731 = vector.broadcast %and3A_730 : i32 to vector<16xi32>
      %and3A_732 = arith.andi %add3A_724, %and3A_731 : vector<16xi32>
      %mul3A_733 = arith.constant 16 : i32
      %mul3A_734 = vector.broadcast %mul3A_733 : i32 to vector<16xi32>
      %mul3A_735 = arith.muli %and3A_732, %mul3A_734 : vector<16xi32>
      %shift_left3A_736 = arith.shli %add3A_729, %mul3A_735 : vector<16xi32>
      %shift_right_arithmetic3A_737 = arith.constant 1 : i32
      %shift_right_arithmetic3A_738 = vector.broadcast %shift_right_arithmetic3A_737 : i32 to vector<16xi32>
      %shift_right_arithmetic3A_739 = arith.shrsi %add3A_724, %shift_right_arithmetic3A_738 : vector<16xi32>
      tpu.vector_store_idx %arg7[%shift_right_arithmetic3A_739], %shift_left3A_736 {add = true} : memref<32768xi32, #tpu.memory_space<vmem>>[vector<16xi32>], vector<16xi32>,
      %mul3A_740 = arith.constant 64 : i32
      %mul3A_741 = arith.muli %scan3A_650, %mul3A_740 : i32
      %add3A_742 = arith.constant 48 : i32
      %add3A_743 = arith.addi %mul3A_741, %add3A_742 : i32
      %get3A_744 = arith.constant 0 : i32
      %get3A_745 = tpu.memref_slice %arg8[%get3A_744] : memref<1024xi32, #tpu.memory_space<vmem>> -> memref<512xi32, #tpu.memory_space<vmem>>
      %get3A_746 = arith.index_cast %add3A_743 : i32 to index
      %get3A_747 = tpu.vector_load %get3A_745[%get3A_746] {strides = array<i32>} : memref<512xi32, #tpu.memory_space<vmem>>, vector<16xi32>,
      %get3A_748 = arith.constant 0 : i32
      %get3A_749 = tpu.memref_slice %arg9[%get3A_748] : memref<1024xi32, #tpu.memory_space<vmem>> -> memref<512xi32, #tpu.memory_space<vmem>>
      %get3A_750 = arith.index_cast %add3A_743 : i32 to index
      %get3A_751 = tpu.vector_load %get3A_749[%get3A_750] {strides = array<i32>} : memref<512xi32, #tpu.memory_space<vmem>>, vector<16xi32>,
      %mul3A_752 = arith.constant 256 : i32
      %mul3A_753 = vector.broadcast %mul3A_752 : i32 to vector<16xi32>
      %mul3A_754 = arith.muli %get3A_747, %mul3A_753 : vector<16xi32>
      %add3A_755 = arith.addi %mul3A_754, %get3A_751 : vector<16xi32>
      %add3A_756 = arith.constant 4097 : i32
      %add3A_757 = vector.broadcast %add3A_756 : i32 to vector<16xi32>
      %add3A_758 = arith.addi %iota3A, %add3A_757 : vector<16xi32>
      %add3A_759 = vector.broadcast %add3A_743 : i32 to vector<16xi32>
      %add3A_760 = arith.addi %add3A_758, %add3A_759 : vector<16xi32>
      %and3A_761 = arith.constant 1 : i32
      %and3A_762 = vector.broadcast %and3A_761 : i32 to vector<16xi32>
      %and3A_763 = arith.andi %add3A_755, %and3A_762 : vector<16xi32>
      %mul3A_764 = arith.constant 16 : i32
      %mul3A_765 = vector.broadcast %mul3A_764 : i32 to vector<16xi32>
      %mul3A_766 = arith.muli %and3A_763, %mul3A_765 : vector<16xi32>
      %shift_left3A_767 = arith.shli %add3A_760, %mul3A_766 : vector<16xi32>
      %shift_right_arithmetic3A_768 = arith.constant 1 : i32
      %shift_right_arithmetic3A_769 = vector.broadcast %shift_right_arithmetic3A_768 : i32 to vector<16xi32>
      %shift_right_arithmetic3A_770 = arith.shrsi %add3A_755, %shift_right_arithmetic3A_769 : vector<16xi32>
      tpu.vector_store_idx %arg7[%shift_right_arithmetic3A_770], %shift_left3A_767 {add = true} : memref<32768xi32, #tpu.memory_space<vmem>>[vector<16xi32>], vector<16xi32>,
    }
    %scan3A_364 = arith.constant 8 : i32
    %dma_wait3A_365 = arith.constant 512 : i32
    %dma_wait3A_366 = tpu.memref_slice %arg8[%dma_wait3A_365] : memref<1024xi32, #tpu.memory_space<vmem>> -> memref<512xi32, #tpu.memory_space<vmem>>
    %dma_wait3A_367 = arith.constant 4608 : i32
    %dma_wait3A_368 = tpu.memref_slice %arg2[%dma_wait3A_367] : memref<8192xi32, #tpu.memory_space<hbm>> -> memref<512xi32, #tpu.memory_space<hbm>>
    %dma_wait3A_369 = arith.constant 512 : i32
    %dma_wait3A_370 = tpu.memref_slice %arg8[%dma_wait3A_369] : memref<1024xi32, #tpu.memory_space<vmem>> -> memref<512xi32, #tpu.memory_space<vmem>>
    %dma_wait3A_371 = arith.constant 4608 : i32
    %dma_wait3A_372 = tpu.memref_slice %arg2[%dma_wait3A_371] : memref<8192xi32, #tpu.memory_space<hbm>> -> memref<512xi32, #tpu.memory_space<hbm>>
    tpu.wait_dma2 semaphore(%arg19 : memref<!tpu.dma_semaphore, #tpu.memory_space<semaphore_mem>>) src(%dma_wait3A_372 : memref<512xi32, #tpu.memory_space<hbm>>) dst(%dma_wait3A_370 : memref<512xi32, #tpu.memory_space<vmem>>)
    %dma_wait3A_373 = arith.constant 512 : i32
    %dma_wait3A_374 = tpu.memref_slice %arg9[%dma_wait3A_373] : memref<1024xi32, #tpu.memory_space<vmem>> -> memref<512xi32, #tpu.memory_space<vmem>>
    %dma_wait3A_375 = arith.constant 4608 : i32
    %dma_wait3A_376 = tpu.memref_slice %arg3[%dma_wait3A_375] : memref<8192xi32, #tpu.memory_space<hbm>> -> memref<512xi32, #tpu.memory_space<hbm>>
    %dma_wait3A_377 = arith.constant 512 : i32
    %dma_wait3A_378 = tpu.memref_slice %arg9[%dma_wait3A_377] : memref<1024xi32, #tpu.memory_space<vmem>> -> memref<512xi32, #tpu.memory_space<vmem>>
    %dma_wait3A_379 = arith.constant 4608 : i32
    %dma_wait3A_380 = tpu.memref_slice %arg3[%dma_wait3A_379] : memref<8192xi32, #tpu.memory_space<hbm>> -> memref<512xi32, #tpu.memory_space<hbm>>
    tpu.wait_dma2 semaphore(%arg19 : memref<!tpu.dma_semaphore, #tpu.memory_space<semaphore_mem>>) src(%dma_wait3A_380 : memref<512xi32, #tpu.memory_space<hbm>>) dst(%dma_wait3A_378 : memref<512xi32, #tpu.memory_space<vmem>>)
    %dma_start3A_381 = arith.constant 0 : i32
    %dma_start3A_382 = tpu.memref_slice %arg8[%dma_start3A_381] : memref<1024xi32, #tpu.memory_space<vmem>> -> memref<512xi32, #tpu.memory_space<vmem>>
    %dma_start3A_383 = arith.constant 5120 : i32
    %dma_start3A_384 = tpu.memref_slice %arg2[%dma_start3A_383] : memref<8192xi32, #tpu.memory_space<hbm>> -> memref<512xi32, #tpu.memory_space<hbm>>
    %dma_start3A_385 = arith.constant 0 : i32
    %dma_start3A_386 = tpu.memref_slice %arg8[%dma_start3A_385] : memref<1024xi32, #tpu.memory_space<vmem>> -> memref<512xi32, #tpu.memory_space<vmem>>
    %dma_start3A_387 = arith.constant 5120 : i32
    %dma_start3A_388 = tpu.memref_slice %arg2[%dma_start3A_387] : memref<8192xi32, #tpu.memory_space<hbm>> -> memref<512xi32, #tpu.memory_space<hbm>>
    tpu.enqueue_dma source(%dma_start3A_388 : memref<512xi32, #tpu.memory_space<hbm>>) target(%dma_start3A_386 : memref<512xi32, #tpu.memory_space<vmem>>) target_semaphore(%arg18 : memref<!tpu.dma_semaphore, #tpu.memory_space<semaphore_mem>>)
    %dma_start3A_389 = arith.constant 0 : i32
    %dma_start3A_390 = tpu.memref_slice %arg9[%dma_start3A_389] : memref<1024xi32, #tpu.memory_space<vmem>> -> memref<512xi32, #tpu.memory_space<vmem>>
    %dma_start3A_391 = arith.constant 5120 : i32
    %dma_start3A_392 = tpu.memref_slice %arg3[%dma_start3A_391] : memref<8192xi32, #tpu.memory_space<hbm>> -> memref<512xi32, #tpu.memory_space<hbm>>
    %dma_start3A_393 = arith.constant 0 : i32
    %dma_start3A_394 = tpu.memref_slice %arg9[%dma_start3A_393] : memref<1024xi32, #tpu.memory_space<vmem>> -> memref<512xi32, #tpu.memory_space<vmem>>
    %dma_start3A_395 = arith.constant 5120 : i32
    %dma_start3A_396 = tpu.memref_slice %arg3[%dma_start3A_395] : memref<8192xi32, #tpu.memory_space<hbm>> -> memref<512xi32, #tpu.memory_space<hbm>>
    tpu.enqueue_dma source(%dma_start3A_396 : memref<512xi32, #tpu.memory_space<hbm>>) target(%dma_start3A_394 : memref<512xi32, #tpu.memory_space<vmem>>) target_semaphore(%arg18 : memref<!tpu.dma_semaphore, #tpu.memory_space<semaphore_mem>>)
    %scan3A_397 = arith.constant 0 : i32
    %scan3A_398 = arith.constant 0 : i32
    %scan3A_399 = arith.constant 8 : i32
    %scan3A_400 = arith.addi %scan3A_398, %scan3A_399 : i32
    %scan3A_401 = arith.constant 1 : i32
    scf.for %scan3A_650 = %scan3A_398 to %scan3A_400 step %scan3A_401  : i32 {
      %mul3A_651 = arith.constant 64 : i32
      %mul3A_652 = arith.muli %scan3A_650, %mul3A_651 : i32
      %add3A_653 = arith.constant 0 : i32
      %add3A_654 = arith.addi %mul3A_652, %add3A_653 : i32
      %get3A = arith.constant 512 : i32
      %get3A_655 = tpu.memref_slice %arg8[%get3A] : memref<1024xi32, #tpu.memory_space<vmem>> -> memref<512xi32, #tpu.memory_space<vmem>>
      %get3A_656 = arith.index_cast %add3A_654 : i32 to index
      %get3A_657 = tpu.vector_load %get3A_655[%get3A_656] {strides = array<i32>} : memref<512xi32, #tpu.memory_space<vmem>>, vector<16xi32>,
      %get3A_658 = arith.constant 512 : i32
      %get3A_659 = tpu.memref_slice %arg9[%get3A_658] : memref<1024xi32, #tpu.memory_space<vmem>> -> memref<512xi32, #tpu.memory_space<vmem>>
      %get3A_660 = arith.index_cast %add3A_654 : i32 to index
      %get3A_661 = tpu.vector_load %get3A_659[%get3A_660] {strides = array<i32>} : memref<512xi32, #tpu.memory_space<vmem>>, vector<16xi32>,
      %mul3A_662 = arith.constant 256 : i32
      %mul3A_663 = vector.broadcast %mul3A_662 : i32 to vector<16xi32>
      %mul3A_664 = arith.muli %get3A_657, %mul3A_663 : vector<16xi32>
      %add3A_665 = arith.addi %mul3A_664, %get3A_661 : vector<16xi32>
      %add3A_666 = arith.constant 4609 : i32
      %add3A_667 = vector.broadcast %add3A_666 : i32 to vector<16xi32>
      %add3A_668 = arith.addi %iota3A, %add3A_667 : vector<16xi32>
      %add3A_669 = vector.broadcast %add3A_654 : i32 to vector<16xi32>
      %add3A_670 = arith.addi %add3A_668, %add3A_669 : vector<16xi32>
      %and3A = arith.constant 1 : i32
      %and3A_671 = vector.broadcast %and3A : i32 to vector<16xi32>
      %and3A_672 = arith.andi %add3A_665, %and3A_671 : vector<16xi32>
      %mul3A_673 = arith.constant 16 : i32
      %mul3A_674 = vector.broadcast %mul3A_673 : i32 to vector<16xi32>
      %mul3A_675 = arith.muli %and3A_672, %mul3A_674 : vector<16xi32>
      %shift_left3A = arith.shli %add3A_670, %mul3A_675 : vector<16xi32>
      %shift_right_arithmetic3A = arith.constant 1 : i32
      %shift_right_arithmetic3A_676 = vector.broadcast %shift_right_arithmetic3A : i32 to vector<16xi32>
      %shift_right_arithmetic3A_677 = arith.shrsi %add3A_665, %shift_right_arithmetic3A_676 : vector<16xi32>
      tpu.vector_store_idx %arg7[%shift_right_arithmetic3A_677], %shift_left3A {add = true} : memref<32768xi32, #tpu.memory_space<vmem>>[vector<16xi32>], vector<16xi32>,
      %mul3A_678 = arith.constant 64 : i32
      %mul3A_679 = arith.muli %scan3A_650, %mul3A_678 : i32
      %add3A_680 = arith.constant 16 : i32
      %add3A_681 = arith.addi %mul3A_679, %add3A_680 : i32
      %get3A_682 = arith.constant 512 : i32
      %get3A_683 = tpu.memref_slice %arg8[%get3A_682] : memref<1024xi32, #tpu.memory_space<vmem>> -> memref<512xi32, #tpu.memory_space<vmem>>
      %get3A_684 = arith.index_cast %add3A_681 : i32 to index
      %get3A_685 = tpu.vector_load %get3A_683[%get3A_684] {strides = array<i32>} : memref<512xi32, #tpu.memory_space<vmem>>, vector<16xi32>,
      %get3A_686 = arith.constant 512 : i32
      %get3A_687 = tpu.memref_slice %arg9[%get3A_686] : memref<1024xi32, #tpu.memory_space<vmem>> -> memref<512xi32, #tpu.memory_space<vmem>>
      %get3A_688 = arith.index_cast %add3A_681 : i32 to index
      %get3A_689 = tpu.vector_load %get3A_687[%get3A_688] {strides = array<i32>} : memref<512xi32, #tpu.memory_space<vmem>>, vector<16xi32>,
      %mul3A_690 = arith.constant 256 : i32
      %mul3A_691 = vector.broadcast %mul3A_690 : i32 to vector<16xi32>
      %mul3A_692 = arith.muli %get3A_685, %mul3A_691 : vector<16xi32>
      %add3A_693 = arith.addi %mul3A_692, %get3A_689 : vector<16xi32>
      %add3A_694 = arith.constant 4609 : i32
      %add3A_695 = vector.broadcast %add3A_694 : i32 to vector<16xi32>
      %add3A_696 = arith.addi %iota3A, %add3A_695 : vector<16xi32>
      %add3A_697 = vector.broadcast %add3A_681 : i32 to vector<16xi32>
      %add3A_698 = arith.addi %add3A_696, %add3A_697 : vector<16xi32>
      %and3A_699 = arith.constant 1 : i32
      %and3A_700 = vector.broadcast %and3A_699 : i32 to vector<16xi32>
      %and3A_701 = arith.andi %add3A_693, %and3A_700 : vector<16xi32>
      %mul3A_702 = arith.constant 16 : i32
      %mul3A_703 = vector.broadcast %mul3A_702 : i32 to vector<16xi32>
      %mul3A_704 = arith.muli %and3A_701, %mul3A_703 : vector<16xi32>
      %shift_left3A_705 = arith.shli %add3A_698, %mul3A_704 : vector<16xi32>
      %shift_right_arithmetic3A_706 = arith.constant 1 : i32
      %shift_right_arithmetic3A_707 = vector.broadcast %shift_right_arithmetic3A_706 : i32 to vector<16xi32>
      %shift_right_arithmetic3A_708 = arith.shrsi %add3A_693, %shift_right_arithmetic3A_707 : vector<16xi32>
      tpu.vector_store_idx %arg7[%shift_right_arithmetic3A_708], %shift_left3A_705 {add = true} : memref<32768xi32, #tpu.memory_space<vmem>>[vector<16xi32>], vector<16xi32>,
      %mul3A_709 = arith.constant 64 : i32
      %mul3A_710 = arith.muli %scan3A_650, %mul3A_709 : i32
      %add3A_711 = arith.constant 32 : i32
      %add3A_712 = arith.addi %mul3A_710, %add3A_711 : i32
      %get3A_713 = arith.constant 512 : i32
      %get3A_714 = tpu.memref_slice %arg8[%get3A_713] : memref<1024xi32, #tpu.memory_space<vmem>> -> memref<512xi32, #tpu.memory_space<vmem>>
      %get3A_715 = arith.index_cast %add3A_712 : i32 to index
      %get3A_716 = tpu.vector_load %get3A_714[%get3A_715] {strides = array<i32>} : memref<512xi32, #tpu.memory_space<vmem>>, vector<16xi32>,
      %get3A_717 = arith.constant 512 : i32
      %get3A_718 = tpu.memref_slice %arg9[%get3A_717] : memref<1024xi32, #tpu.memory_space<vmem>> -> memref<512xi32, #tpu.memory_space<vmem>>
      %get3A_719 = arith.index_cast %add3A_712 : i32 to index
      %get3A_720 = tpu.vector_load %get3A_718[%get3A_719] {strides = array<i32>} : memref<512xi32, #tpu.memory_space<vmem>>, vector<16xi32>,
      %mul3A_721 = arith.constant 256 : i32
      %mul3A_722 = vector.broadcast %mul3A_721 : i32 to vector<16xi32>
      %mul3A_723 = arith.muli %get3A_716, %mul3A_722 : vector<16xi32>
      %add3A_724 = arith.addi %mul3A_723, %get3A_720 : vector<16xi32>
      %add3A_725 = arith.constant 4609 : i32
      %add3A_726 = vector.broadcast %add3A_725 : i32 to vector<16xi32>
      %add3A_727 = arith.addi %iota3A, %add3A_726 : vector<16xi32>
      %add3A_728 = vector.broadcast %add3A_712 : i32 to vector<16xi32>
      %add3A_729 = arith.addi %add3A_727, %add3A_728 : vector<16xi32>
      %and3A_730 = arith.constant 1 : i32
      %and3A_731 = vector.broadcast %and3A_730 : i32 to vector<16xi32>
      %and3A_732 = arith.andi %add3A_724, %and3A_731 : vector<16xi32>
      %mul3A_733 = arith.constant 16 : i32
      %mul3A_734 = vector.broadcast %mul3A_733 : i32 to vector<16xi32>
      %mul3A_735 = arith.muli %and3A_732, %mul3A_734 : vector<16xi32>
      %shift_left3A_736 = arith.shli %add3A_729, %mul3A_735 : vector<16xi32>
      %shift_right_arithmetic3A_737 = arith.constant 1 : i32
      %shift_right_arithmetic3A_738 = vector.broadcast %shift_right_arithmetic3A_737 : i32 to vector<16xi32>
      %shift_right_arithmetic3A_739 = arith.shrsi %add3A_724, %shift_right_arithmetic3A_738 : vector<16xi32>
      tpu.vector_store_idx %arg7[%shift_right_arithmetic3A_739], %shift_left3A_736 {add = true} : memref<32768xi32, #tpu.memory_space<vmem>>[vector<16xi32>], vector<16xi32>,
      %mul3A_740 = arith.constant 64 : i32
      %mul3A_741 = arith.muli %scan3A_650, %mul3A_740 : i32
      %add3A_742 = arith.constant 48 : i32
      %add3A_743 = arith.addi %mul3A_741, %add3A_742 : i32
      %get3A_744 = arith.constant 512 : i32
      %get3A_745 = tpu.memref_slice %arg8[%get3A_744] : memref<1024xi32, #tpu.memory_space<vmem>> -> memref<512xi32, #tpu.memory_space<vmem>>
      %get3A_746 = arith.index_cast %add3A_743 : i32 to index
      %get3A_747 = tpu.vector_load %get3A_745[%get3A_746] {strides = array<i32>} : memref<512xi32, #tpu.memory_space<vmem>>, vector<16xi32>,
      %get3A_748 = arith.constant 512 : i32
      %get3A_749 = tpu.memref_slice %arg9[%get3A_748] : memref<1024xi32, #tpu.memory_space<vmem>> -> memref<512xi32, #tpu.memory_space<vmem>>
      %get3A_750 = arith.index_cast %add3A_743 : i32 to index
      %get3A_751 = tpu.vector_load %get3A_749[%get3A_750] {strides = array<i32>} : memref<512xi32, #tpu.memory_space<vmem>>, vector<16xi32>,
      %mul3A_752 = arith.constant 256 : i32
      %mul3A_753 = vector.broadcast %mul3A_752 : i32 to vector<16xi32>
      %mul3A_754 = arith.muli %get3A_747, %mul3A_753 : vector<16xi32>
      %add3A_755 = arith.addi %mul3A_754, %get3A_751 : vector<16xi32>
      %add3A_756 = arith.constant 4609 : i32
      %add3A_757 = vector.broadcast %add3A_756 : i32 to vector<16xi32>
      %add3A_758 = arith.addi %iota3A, %add3A_757 : vector<16xi32>
      %add3A_759 = vector.broadcast %add3A_743 : i32 to vector<16xi32>
      %add3A_760 = arith.addi %add3A_758, %add3A_759 : vector<16xi32>
      %and3A_761 = arith.constant 1 : i32
      %and3A_762 = vector.broadcast %and3A_761 : i32 to vector<16xi32>
      %and3A_763 = arith.andi %add3A_755, %and3A_762 : vector<16xi32>
      %mul3A_764 = arith.constant 16 : i32
      %mul3A_765 = vector.broadcast %mul3A_764 : i32 to vector<16xi32>
      %mul3A_766 = arith.muli %and3A_763, %mul3A_765 : vector<16xi32>
      %shift_left3A_767 = arith.shli %add3A_760, %mul3A_766 : vector<16xi32>
      %shift_right_arithmetic3A_768 = arith.constant 1 : i32
      %shift_right_arithmetic3A_769 = vector.broadcast %shift_right_arithmetic3A_768 : i32 to vector<16xi32>
      %shift_right_arithmetic3A_770 = arith.shrsi %add3A_755, %shift_right_arithmetic3A_769 : vector<16xi32>
      tpu.vector_store_idx %arg7[%shift_right_arithmetic3A_770], %shift_left3A_767 {add = true} : memref<32768xi32, #tpu.memory_space<vmem>>[vector<16xi32>], vector<16xi32>,
    }
    %scan3A_402 = arith.constant 8 : i32
    %dma_wait3A_403 = arith.constant 0 : i32
    %dma_wait3A_404 = tpu.memref_slice %arg8[%dma_wait3A_403] : memref<1024xi32, #tpu.memory_space<vmem>> -> memref<512xi32, #tpu.memory_space<vmem>>
    %dma_wait3A_405 = arith.constant 5120 : i32
    %dma_wait3A_406 = tpu.memref_slice %arg2[%dma_wait3A_405] : memref<8192xi32, #tpu.memory_space<hbm>> -> memref<512xi32, #tpu.memory_space<hbm>>
    %dma_wait3A_407 = arith.constant 0 : i32
    %dma_wait3A_408 = tpu.memref_slice %arg8[%dma_wait3A_407] : memref<1024xi32, #tpu.memory_space<vmem>> -> memref<512xi32, #tpu.memory_space<vmem>>
    %dma_wait3A_409 = arith.constant 5120 : i32
    %dma_wait3A_410 = tpu.memref_slice %arg2[%dma_wait3A_409] : memref<8192xi32, #tpu.memory_space<hbm>> -> memref<512xi32, #tpu.memory_space<hbm>>
    tpu.wait_dma2 semaphore(%arg18 : memref<!tpu.dma_semaphore, #tpu.memory_space<semaphore_mem>>) src(%dma_wait3A_410 : memref<512xi32, #tpu.memory_space<hbm>>) dst(%dma_wait3A_408 : memref<512xi32, #tpu.memory_space<vmem>>)
    %dma_wait3A_411 = arith.constant 0 : i32
    %dma_wait3A_412 = tpu.memref_slice %arg9[%dma_wait3A_411] : memref<1024xi32, #tpu.memory_space<vmem>> -> memref<512xi32, #tpu.memory_space<vmem>>
    %dma_wait3A_413 = arith.constant 5120 : i32
    %dma_wait3A_414 = tpu.memref_slice %arg3[%dma_wait3A_413] : memref<8192xi32, #tpu.memory_space<hbm>> -> memref<512xi32, #tpu.memory_space<hbm>>
    %dma_wait3A_415 = arith.constant 0 : i32
    %dma_wait3A_416 = tpu.memref_slice %arg9[%dma_wait3A_415] : memref<1024xi32, #tpu.memory_space<vmem>> -> memref<512xi32, #tpu.memory_space<vmem>>
    %dma_wait3A_417 = arith.constant 5120 : i32
    %dma_wait3A_418 = tpu.memref_slice %arg3[%dma_wait3A_417] : memref<8192xi32, #tpu.memory_space<hbm>> -> memref<512xi32, #tpu.memory_space<hbm>>
    tpu.wait_dma2 semaphore(%arg18 : memref<!tpu.dma_semaphore, #tpu.memory_space<semaphore_mem>>) src(%dma_wait3A_418 : memref<512xi32, #tpu.memory_space<hbm>>) dst(%dma_wait3A_416 : memref<512xi32, #tpu.memory_space<vmem>>)
    %dma_start3A_419 = arith.constant 512 : i32
    %dma_start3A_420 = tpu.memref_slice %arg8[%dma_start3A_419] : memref<1024xi32, #tpu.memory_space<vmem>> -> memref<512xi32, #tpu.memory_space<vmem>>
    %dma_start3A_421 = arith.constant 5632 : i32
    %dma_start3A_422 = tpu.memref_slice %arg2[%dma_start3A_421] : memref<8192xi32, #tpu.memory_space<hbm>> -> memref<512xi32, #tpu.memory_space<hbm>>
    %dma_start3A_423 = arith.constant 512 : i32
    %dma_start3A_424 = tpu.memref_slice %arg8[%dma_start3A_423] : memref<1024xi32, #tpu.memory_space<vmem>> -> memref<512xi32, #tpu.memory_space<vmem>>
    %dma_start3A_425 = arith.constant 5632 : i32
    %dma_start3A_426 = tpu.memref_slice %arg2[%dma_start3A_425] : memref<8192xi32, #tpu.memory_space<hbm>> -> memref<512xi32, #tpu.memory_space<hbm>>
    tpu.enqueue_dma source(%dma_start3A_426 : memref<512xi32, #tpu.memory_space<hbm>>) target(%dma_start3A_424 : memref<512xi32, #tpu.memory_space<vmem>>) target_semaphore(%arg19 : memref<!tpu.dma_semaphore, #tpu.memory_space<semaphore_mem>>)
    %dma_start3A_427 = arith.constant 512 : i32
    %dma_start3A_428 = tpu.memref_slice %arg9[%dma_start3A_427] : memref<1024xi32, #tpu.memory_space<vmem>> -> memref<512xi32, #tpu.memory_space<vmem>>
    %dma_start3A_429 = arith.constant 5632 : i32
    %dma_start3A_430 = tpu.memref_slice %arg3[%dma_start3A_429] : memref<8192xi32, #tpu.memory_space<hbm>> -> memref<512xi32, #tpu.memory_space<hbm>>
    %dma_start3A_431 = arith.constant 512 : i32
    %dma_start3A_432 = tpu.memref_slice %arg9[%dma_start3A_431] : memref<1024xi32, #tpu.memory_space<vmem>> -> memref<512xi32, #tpu.memory_space<vmem>>
    %dma_start3A_433 = arith.constant 5632 : i32
    %dma_start3A_434 = tpu.memref_slice %arg3[%dma_start3A_433] : memref<8192xi32, #tpu.memory_space<hbm>> -> memref<512xi32, #tpu.memory_space<hbm>>
    tpu.enqueue_dma source(%dma_start3A_434 : memref<512xi32, #tpu.memory_space<hbm>>) target(%dma_start3A_432 : memref<512xi32, #tpu.memory_space<vmem>>) target_semaphore(%arg19 : memref<!tpu.dma_semaphore, #tpu.memory_space<semaphore_mem>>)
    %scan3A_435 = arith.constant 0 : i32
    %scan3A_436 = arith.constant 0 : i32
    %scan3A_437 = arith.constant 8 : i32
    %scan3A_438 = arith.addi %scan3A_436, %scan3A_437 : i32
    %scan3A_439 = arith.constant 1 : i32
    scf.for %scan3A_650 = %scan3A_436 to %scan3A_438 step %scan3A_439  : i32 {
      %mul3A_651 = arith.constant 64 : i32
      %mul3A_652 = arith.muli %scan3A_650, %mul3A_651 : i32
      %add3A_653 = arith.constant 0 : i32
      %add3A_654 = arith.addi %mul3A_652, %add3A_653 : i32
      %get3A = arith.constant 0 : i32
      %get3A_655 = tpu.memref_slice %arg8[%get3A] : memref<1024xi32, #tpu.memory_space<vmem>> -> memref<512xi32, #tpu.memory_space<vmem>>
      %get3A_656 = arith.index_cast %add3A_654 : i32 to index
      %get3A_657 = tpu.vector_load %get3A_655[%get3A_656] {strides = array<i32>} : memref<512xi32, #tpu.memory_space<vmem>>, vector<16xi32>,
      %get3A_658 = arith.constant 0 : i32
      %get3A_659 = tpu.memref_slice %arg9[%get3A_658] : memref<1024xi32, #tpu.memory_space<vmem>> -> memref<512xi32, #tpu.memory_space<vmem>>
      %get3A_660 = arith.index_cast %add3A_654 : i32 to index
      %get3A_661 = tpu.vector_load %get3A_659[%get3A_660] {strides = array<i32>} : memref<512xi32, #tpu.memory_space<vmem>>, vector<16xi32>,
      %mul3A_662 = arith.constant 256 : i32
      %mul3A_663 = vector.broadcast %mul3A_662 : i32 to vector<16xi32>
      %mul3A_664 = arith.muli %get3A_657, %mul3A_663 : vector<16xi32>
      %add3A_665 = arith.addi %mul3A_664, %get3A_661 : vector<16xi32>
      %add3A_666 = arith.constant 5121 : i32
      %add3A_667 = vector.broadcast %add3A_666 : i32 to vector<16xi32>
      %add3A_668 = arith.addi %iota3A, %add3A_667 : vector<16xi32>
      %add3A_669 = vector.broadcast %add3A_654 : i32 to vector<16xi32>
      %add3A_670 = arith.addi %add3A_668, %add3A_669 : vector<16xi32>
      %and3A = arith.constant 1 : i32
      %and3A_671 = vector.broadcast %and3A : i32 to vector<16xi32>
      %and3A_672 = arith.andi %add3A_665, %and3A_671 : vector<16xi32>
      %mul3A_673 = arith.constant 16 : i32
      %mul3A_674 = vector.broadcast %mul3A_673 : i32 to vector<16xi32>
      %mul3A_675 = arith.muli %and3A_672, %mul3A_674 : vector<16xi32>
      %shift_left3A = arith.shli %add3A_670, %mul3A_675 : vector<16xi32>
      %shift_right_arithmetic3A = arith.constant 1 : i32
      %shift_right_arithmetic3A_676 = vector.broadcast %shift_right_arithmetic3A : i32 to vector<16xi32>
      %shift_right_arithmetic3A_677 = arith.shrsi %add3A_665, %shift_right_arithmetic3A_676 : vector<16xi32>
      tpu.vector_store_idx %arg7[%shift_right_arithmetic3A_677], %shift_left3A {add = true} : memref<32768xi32, #tpu.memory_space<vmem>>[vector<16xi32>], vector<16xi32>,
      %mul3A_678 = arith.constant 64 : i32
      %mul3A_679 = arith.muli %scan3A_650, %mul3A_678 : i32
      %add3A_680 = arith.constant 16 : i32
      %add3A_681 = arith.addi %mul3A_679, %add3A_680 : i32
      %get3A_682 = arith.constant 0 : i32
      %get3A_683 = tpu.memref_slice %arg8[%get3A_682] : memref<1024xi32, #tpu.memory_space<vmem>> -> memref<512xi32, #tpu.memory_space<vmem>>
      %get3A_684 = arith.index_cast %add3A_681 : i32 to index
      %get3A_685 = tpu.vector_load %get3A_683[%get3A_684] {strides = array<i32>} : memref<512xi32, #tpu.memory_space<vmem>>, vector<16xi32>,
      %get3A_686 = arith.constant 0 : i32
      %get3A_687 = tpu.memref_slice %arg9[%get3A_686] : memref<1024xi32, #tpu.memory_space<vmem>> -> memref<512xi32, #tpu.memory_space<vmem>>
      %get3A_688 = arith.index_cast %add3A_681 : i32 to index
      %get3A_689 = tpu.vector_load %get3A_687[%get3A_688] {strides = array<i32>} : memref<512xi32, #tpu.memory_space<vmem>>, vector<16xi32>,
      %mul3A_690 = arith.constant 256 : i32
      %mul3A_691 = vector.broadcast %mul3A_690 : i32 to vector<16xi32>
      %mul3A_692 = arith.muli %get3A_685, %mul3A_691 : vector<16xi32>
      %add3A_693 = arith.addi %mul3A_692, %get3A_689 : vector<16xi32>
      %add3A_694 = arith.constant 5121 : i32
      %add3A_695 = vector.broadcast %add3A_694 : i32 to vector<16xi32>
      %add3A_696 = arith.addi %iota3A, %add3A_695 : vector<16xi32>
      %add3A_697 = vector.broadcast %add3A_681 : i32 to vector<16xi32>
      %add3A_698 = arith.addi %add3A_696, %add3A_697 : vector<16xi32>
      %and3A_699 = arith.constant 1 : i32
      %and3A_700 = vector.broadcast %and3A_699 : i32 to vector<16xi32>
      %and3A_701 = arith.andi %add3A_693, %and3A_700 : vector<16xi32>
      %mul3A_702 = arith.constant 16 : i32
      %mul3A_703 = vector.broadcast %mul3A_702 : i32 to vector<16xi32>
      %mul3A_704 = arith.muli %and3A_701, %mul3A_703 : vector<16xi32>
      %shift_left3A_705 = arith.shli %add3A_698, %mul3A_704 : vector<16xi32>
      %shift_right_arithmetic3A_706 = arith.constant 1 : i32
      %shift_right_arithmetic3A_707 = vector.broadcast %shift_right_arithmetic3A_706 : i32 to vector<16xi32>
      %shift_right_arithmetic3A_708 = arith.shrsi %add3A_693, %shift_right_arithmetic3A_707 : vector<16xi32>
      tpu.vector_store_idx %arg7[%shift_right_arithmetic3A_708], %shift_left3A_705 {add = true} : memref<32768xi32, #tpu.memory_space<vmem>>[vector<16xi32>], vector<16xi32>,
      %mul3A_709 = arith.constant 64 : i32
      %mul3A_710 = arith.muli %scan3A_650, %mul3A_709 : i32
      %add3A_711 = arith.constant 32 : i32
      %add3A_712 = arith.addi %mul3A_710, %add3A_711 : i32
      %get3A_713 = arith.constant 0 : i32
      %get3A_714 = tpu.memref_slice %arg8[%get3A_713] : memref<1024xi32, #tpu.memory_space<vmem>> -> memref<512xi32, #tpu.memory_space<vmem>>
      %get3A_715 = arith.index_cast %add3A_712 : i32 to index
      %get3A_716 = tpu.vector_load %get3A_714[%get3A_715] {strides = array<i32>} : memref<512xi32, #tpu.memory_space<vmem>>, vector<16xi32>,
      %get3A_717 = arith.constant 0 : i32
      %get3A_718 = tpu.memref_slice %arg9[%get3A_717] : memref<1024xi32, #tpu.memory_space<vmem>> -> memref<512xi32, #tpu.memory_space<vmem>>
      %get3A_719 = arith.index_cast %add3A_712 : i32 to index
      %get3A_720 = tpu.vector_load %get3A_718[%get3A_719] {strides = array<i32>} : memref<512xi32, #tpu.memory_space<vmem>>, vector<16xi32>,
      %mul3A_721 = arith.constant 256 : i32
      %mul3A_722 = vector.broadcast %mul3A_721 : i32 to vector<16xi32>
      %mul3A_723 = arith.muli %get3A_716, %mul3A_722 : vector<16xi32>
      %add3A_724 = arith.addi %mul3A_723, %get3A_720 : vector<16xi32>
      %add3A_725 = arith.constant 5121 : i32
      %add3A_726 = vector.broadcast %add3A_725 : i32 to vector<16xi32>
      %add3A_727 = arith.addi %iota3A, %add3A_726 : vector<16xi32>
      %add3A_728 = vector.broadcast %add3A_712 : i32 to vector<16xi32>
      %add3A_729 = arith.addi %add3A_727, %add3A_728 : vector<16xi32>
      %and3A_730 = arith.constant 1 : i32
      %and3A_731 = vector.broadcast %and3A_730 : i32 to vector<16xi32>
      %and3A_732 = arith.andi %add3A_724, %and3A_731 : vector<16xi32>
      %mul3A_733 = arith.constant 16 : i32
      %mul3A_734 = vector.broadcast %mul3A_733 : i32 to vector<16xi32>
      %mul3A_735 = arith.muli %and3A_732, %mul3A_734 : vector<16xi32>
      %shift_left3A_736 = arith.shli %add3A_729, %mul3A_735 : vector<16xi32>
      %shift_right_arithmetic3A_737 = arith.constant 1 : i32
      %shift_right_arithmetic3A_738 = vector.broadcast %shift_right_arithmetic3A_737 : i32 to vector<16xi32>
      %shift_right_arithmetic3A_739 = arith.shrsi %add3A_724, %shift_right_arithmetic3A_738 : vector<16xi32>
      tpu.vector_store_idx %arg7[%shift_right_arithmetic3A_739], %shift_left3A_736 {add = true} : memref<32768xi32, #tpu.memory_space<vmem>>[vector<16xi32>], vector<16xi32>,
      %mul3A_740 = arith.constant 64 : i32
      %mul3A_741 = arith.muli %scan3A_650, %mul3A_740 : i32
      %add3A_742 = arith.constant 48 : i32
      %add3A_743 = arith.addi %mul3A_741, %add3A_742 : i32
      %get3A_744 = arith.constant 0 : i32
      %get3A_745 = tpu.memref_slice %arg8[%get3A_744] : memref<1024xi32, #tpu.memory_space<vmem>> -> memref<512xi32, #tpu.memory_space<vmem>>
      %get3A_746 = arith.index_cast %add3A_743 : i32 to index
      %get3A_747 = tpu.vector_load %get3A_745[%get3A_746] {strides = array<i32>} : memref<512xi32, #tpu.memory_space<vmem>>, vector<16xi32>,
      %get3A_748 = arith.constant 0 : i32
      %get3A_749 = tpu.memref_slice %arg9[%get3A_748] : memref<1024xi32, #tpu.memory_space<vmem>> -> memref<512xi32, #tpu.memory_space<vmem>>
      %get3A_750 = arith.index_cast %add3A_743 : i32 to index
      %get3A_751 = tpu.vector_load %get3A_749[%get3A_750] {strides = array<i32>} : memref<512xi32, #tpu.memory_space<vmem>>, vector<16xi32>,
      %mul3A_752 = arith.constant 256 : i32
      %mul3A_753 = vector.broadcast %mul3A_752 : i32 to vector<16xi32>
      %mul3A_754 = arith.muli %get3A_747, %mul3A_753 : vector<16xi32>
      %add3A_755 = arith.addi %mul3A_754, %get3A_751 : vector<16xi32>
      %add3A_756 = arith.constant 5121 : i32
      %add3A_757 = vector.broadcast %add3A_756 : i32 to vector<16xi32>
      %add3A_758 = arith.addi %iota3A, %add3A_757 : vector<16xi32>
      %add3A_759 = vector.broadcast %add3A_743 : i32 to vector<16xi32>
      %add3A_760 = arith.addi %add3A_758, %add3A_759 : vector<16xi32>
      %and3A_761 = arith.constant 1 : i32
      %and3A_762 = vector.broadcast %and3A_761 : i32 to vector<16xi32>
      %and3A_763 = arith.andi %add3A_755, %and3A_762 : vector<16xi32>
      %mul3A_764 = arith.constant 16 : i32
      %mul3A_765 = vector.broadcast %mul3A_764 : i32 to vector<16xi32>
      %mul3A_766 = arith.muli %and3A_763, %mul3A_765 : vector<16xi32>
      %shift_left3A_767 = arith.shli %add3A_760, %mul3A_766 : vector<16xi32>
      %shift_right_arithmetic3A_768 = arith.constant 1 : i32
      %shift_right_arithmetic3A_769 = vector.broadcast %shift_right_arithmetic3A_768 : i32 to vector<16xi32>
      %shift_right_arithmetic3A_770 = arith.shrsi %add3A_755, %shift_right_arithmetic3A_769 : vector<16xi32>
      tpu.vector_store_idx %arg7[%shift_right_arithmetic3A_770], %shift_left3A_767 {add = true} : memref<32768xi32, #tpu.memory_space<vmem>>[vector<16xi32>], vector<16xi32>,
    }
    %scan3A_440 = arith.constant 8 : i32
    %dma_wait3A_441 = arith.constant 512 : i32
    %dma_wait3A_442 = tpu.memref_slice %arg8[%dma_wait3A_441] : memref<1024xi32, #tpu.memory_space<vmem>> -> memref<512xi32, #tpu.memory_space<vmem>>
    %dma_wait3A_443 = arith.constant 5632 : i32
    %dma_wait3A_444 = tpu.memref_slice %arg2[%dma_wait3A_443] : memref<8192xi32, #tpu.memory_space<hbm>> -> memref<512xi32, #tpu.memory_space<hbm>>
    %dma_wait3A_445 = arith.constant 512 : i32
    %dma_wait3A_446 = tpu.memref_slice %arg8[%dma_wait3A_445] : memref<1024xi32, #tpu.memory_space<vmem>> -> memref<512xi32, #tpu.memory_space<vmem>>
    %dma_wait3A_447 = arith.constant 5632 : i32
    %dma_wait3A_448 = tpu.memref_slice %arg2[%dma_wait3A_447] : memref<8192xi32, #tpu.memory_space<hbm>> -> memref<512xi32, #tpu.memory_space<hbm>>
    tpu.wait_dma2 semaphore(%arg19 : memref<!tpu.dma_semaphore, #tpu.memory_space<semaphore_mem>>) src(%dma_wait3A_448 : memref<512xi32, #tpu.memory_space<hbm>>) dst(%dma_wait3A_446 : memref<512xi32, #tpu.memory_space<vmem>>)
    %dma_wait3A_449 = arith.constant 512 : i32
    %dma_wait3A_450 = tpu.memref_slice %arg9[%dma_wait3A_449] : memref<1024xi32, #tpu.memory_space<vmem>> -> memref<512xi32, #tpu.memory_space<vmem>>
    %dma_wait3A_451 = arith.constant 5632 : i32
    %dma_wait3A_452 = tpu.memref_slice %arg3[%dma_wait3A_451] : memref<8192xi32, #tpu.memory_space<hbm>> -> memref<512xi32, #tpu.memory_space<hbm>>
    %dma_wait3A_453 = arith.constant 512 : i32
    %dma_wait3A_454 = tpu.memref_slice %arg9[%dma_wait3A_453] : memref<1024xi32, #tpu.memory_space<vmem>> -> memref<512xi32, #tpu.memory_space<vmem>>
    %dma_wait3A_455 = arith.constant 5632 : i32
    %dma_wait3A_456 = tpu.memref_slice %arg3[%dma_wait3A_455] : memref<8192xi32, #tpu.memory_space<hbm>> -> memref<512xi32, #tpu.memory_space<hbm>>
    tpu.wait_dma2 semaphore(%arg19 : memref<!tpu.dma_semaphore, #tpu.memory_space<semaphore_mem>>) src(%dma_wait3A_456 : memref<512xi32, #tpu.memory_space<hbm>>) dst(%dma_wait3A_454 : memref<512xi32, #tpu.memory_space<vmem>>)
    %dma_start3A_457 = arith.constant 0 : i32
    %dma_start3A_458 = tpu.memref_slice %arg8[%dma_start3A_457] : memref<1024xi32, #tpu.memory_space<vmem>> -> memref<512xi32, #tpu.memory_space<vmem>>
    %dma_start3A_459 = arith.constant 6144 : i32
    %dma_start3A_460 = tpu.memref_slice %arg2[%dma_start3A_459] : memref<8192xi32, #tpu.memory_space<hbm>> -> memref<512xi32, #tpu.memory_space<hbm>>
    %dma_start3A_461 = arith.constant 0 : i32
    %dma_start3A_462 = tpu.memref_slice %arg8[%dma_start3A_461] : memref<1024xi32, #tpu.memory_space<vmem>> -> memref<512xi32, #tpu.memory_space<vmem>>
    %dma_start3A_463 = arith.constant 6144 : i32
    %dma_start3A_464 = tpu.memref_slice %arg2[%dma_start3A_463] : memref<8192xi32, #tpu.memory_space<hbm>> -> memref<512xi32, #tpu.memory_space<hbm>>
    tpu.enqueue_dma source(%dma_start3A_464 : memref<512xi32, #tpu.memory_space<hbm>>) target(%dma_start3A_462 : memref<512xi32, #tpu.memory_space<vmem>>) target_semaphore(%arg18 : memref<!tpu.dma_semaphore, #tpu.memory_space<semaphore_mem>>)
    %dma_start3A_465 = arith.constant 0 : i32
    %dma_start3A_466 = tpu.memref_slice %arg9[%dma_start3A_465] : memref<1024xi32, #tpu.memory_space<vmem>> -> memref<512xi32, #tpu.memory_space<vmem>>
    %dma_start3A_467 = arith.constant 6144 : i32
    %dma_start3A_468 = tpu.memref_slice %arg3[%dma_start3A_467] : memref<8192xi32, #tpu.memory_space<hbm>> -> memref<512xi32, #tpu.memory_space<hbm>>
    %dma_start3A_469 = arith.constant 0 : i32
    %dma_start3A_470 = tpu.memref_slice %arg9[%dma_start3A_469] : memref<1024xi32, #tpu.memory_space<vmem>> -> memref<512xi32, #tpu.memory_space<vmem>>
    %dma_start3A_471 = arith.constant 6144 : i32
    %dma_start3A_472 = tpu.memref_slice %arg3[%dma_start3A_471] : memref<8192xi32, #tpu.memory_space<hbm>> -> memref<512xi32, #tpu.memory_space<hbm>>
    tpu.enqueue_dma source(%dma_start3A_472 : memref<512xi32, #tpu.memory_space<hbm>>) target(%dma_start3A_470 : memref<512xi32, #tpu.memory_space<vmem>>) target_semaphore(%arg18 : memref<!tpu.dma_semaphore, #tpu.memory_space<semaphore_mem>>)
    %scan3A_473 = arith.constant 0 : i32
    %scan3A_474 = arith.constant 0 : i32
    %scan3A_475 = arith.constant 8 : i32
    %scan3A_476 = arith.addi %scan3A_474, %scan3A_475 : i32
    %scan3A_477 = arith.constant 1 : i32
    scf.for %scan3A_650 = %scan3A_474 to %scan3A_476 step %scan3A_477  : i32 {
      %mul3A_651 = arith.constant 64 : i32
      %mul3A_652 = arith.muli %scan3A_650, %mul3A_651 : i32
      %add3A_653 = arith.constant 0 : i32
      %add3A_654 = arith.addi %mul3A_652, %add3A_653 : i32
      %get3A = arith.constant 512 : i32
      %get3A_655 = tpu.memref_slice %arg8[%get3A] : memref<1024xi32, #tpu.memory_space<vmem>> -> memref<512xi32, #tpu.memory_space<vmem>>
      %get3A_656 = arith.index_cast %add3A_654 : i32 to index
      %get3A_657 = tpu.vector_load %get3A_655[%get3A_656] {strides = array<i32>} : memref<512xi32, #tpu.memory_space<vmem>>, vector<16xi32>,
      %get3A_658 = arith.constant 512 : i32
      %get3A_659 = tpu.memref_slice %arg9[%get3A_658] : memref<1024xi32, #tpu.memory_space<vmem>> -> memref<512xi32, #tpu.memory_space<vmem>>
      %get3A_660 = arith.index_cast %add3A_654 : i32 to index
      %get3A_661 = tpu.vector_load %get3A_659[%get3A_660] {strides = array<i32>} : memref<512xi32, #tpu.memory_space<vmem>>, vector<16xi32>,
      %mul3A_662 = arith.constant 256 : i32
      %mul3A_663 = vector.broadcast %mul3A_662 : i32 to vector<16xi32>
      %mul3A_664 = arith.muli %get3A_657, %mul3A_663 : vector<16xi32>
      %add3A_665 = arith.addi %mul3A_664, %get3A_661 : vector<16xi32>
      %add3A_666 = arith.constant 5633 : i32
      %add3A_667 = vector.broadcast %add3A_666 : i32 to vector<16xi32>
      %add3A_668 = arith.addi %iota3A, %add3A_667 : vector<16xi32>
      %add3A_669 = vector.broadcast %add3A_654 : i32 to vector<16xi32>
      %add3A_670 = arith.addi %add3A_668, %add3A_669 : vector<16xi32>
      %and3A = arith.constant 1 : i32
      %and3A_671 = vector.broadcast %and3A : i32 to vector<16xi32>
      %and3A_672 = arith.andi %add3A_665, %and3A_671 : vector<16xi32>
      %mul3A_673 = arith.constant 16 : i32
      %mul3A_674 = vector.broadcast %mul3A_673 : i32 to vector<16xi32>
      %mul3A_675 = arith.muli %and3A_672, %mul3A_674 : vector<16xi32>
      %shift_left3A = arith.shli %add3A_670, %mul3A_675 : vector<16xi32>
      %shift_right_arithmetic3A = arith.constant 1 : i32
      %shift_right_arithmetic3A_676 = vector.broadcast %shift_right_arithmetic3A : i32 to vector<16xi32>
      %shift_right_arithmetic3A_677 = arith.shrsi %add3A_665, %shift_right_arithmetic3A_676 : vector<16xi32>
      tpu.vector_store_idx %arg7[%shift_right_arithmetic3A_677], %shift_left3A {add = true} : memref<32768xi32, #tpu.memory_space<vmem>>[vector<16xi32>], vector<16xi32>,
      %mul3A_678 = arith.constant 64 : i32
      %mul3A_679 = arith.muli %scan3A_650, %mul3A_678 : i32
      %add3A_680 = arith.constant 16 : i32
      %add3A_681 = arith.addi %mul3A_679, %add3A_680 : i32
      %get3A_682 = arith.constant 512 : i32
      %get3A_683 = tpu.memref_slice %arg8[%get3A_682] : memref<1024xi32, #tpu.memory_space<vmem>> -> memref<512xi32, #tpu.memory_space<vmem>>
      %get3A_684 = arith.index_cast %add3A_681 : i32 to index
      %get3A_685 = tpu.vector_load %get3A_683[%get3A_684] {strides = array<i32>} : memref<512xi32, #tpu.memory_space<vmem>>, vector<16xi32>,
      %get3A_686 = arith.constant 512 : i32
      %get3A_687 = tpu.memref_slice %arg9[%get3A_686] : memref<1024xi32, #tpu.memory_space<vmem>> -> memref<512xi32, #tpu.memory_space<vmem>>
      %get3A_688 = arith.index_cast %add3A_681 : i32 to index
      %get3A_689 = tpu.vector_load %get3A_687[%get3A_688] {strides = array<i32>} : memref<512xi32, #tpu.memory_space<vmem>>, vector<16xi32>,
      %mul3A_690 = arith.constant 256 : i32
      %mul3A_691 = vector.broadcast %mul3A_690 : i32 to vector<16xi32>
      %mul3A_692 = arith.muli %get3A_685, %mul3A_691 : vector<16xi32>
      %add3A_693 = arith.addi %mul3A_692, %get3A_689 : vector<16xi32>
      %add3A_694 = arith.constant 5633 : i32
      %add3A_695 = vector.broadcast %add3A_694 : i32 to vector<16xi32>
      %add3A_696 = arith.addi %iota3A, %add3A_695 : vector<16xi32>
      %add3A_697 = vector.broadcast %add3A_681 : i32 to vector<16xi32>
      %add3A_698 = arith.addi %add3A_696, %add3A_697 : vector<16xi32>
      %and3A_699 = arith.constant 1 : i32
      %and3A_700 = vector.broadcast %and3A_699 : i32 to vector<16xi32>
      %and3A_701 = arith.andi %add3A_693, %and3A_700 : vector<16xi32>
      %mul3A_702 = arith.constant 16 : i32
      %mul3A_703 = vector.broadcast %mul3A_702 : i32 to vector<16xi32>
      %mul3A_704 = arith.muli %and3A_701, %mul3A_703 : vector<16xi32>
      %shift_left3A_705 = arith.shli %add3A_698, %mul3A_704 : vector<16xi32>
      %shift_right_arithmetic3A_706 = arith.constant 1 : i32
      %shift_right_arithmetic3A_707 = vector.broadcast %shift_right_arithmetic3A_706 : i32 to vector<16xi32>
      %shift_right_arithmetic3A_708 = arith.shrsi %add3A_693, %shift_right_arithmetic3A_707 : vector<16xi32>
      tpu.vector_store_idx %arg7[%shift_right_arithmetic3A_708], %shift_left3A_705 {add = true} : memref<32768xi32, #tpu.memory_space<vmem>>[vector<16xi32>], vector<16xi32>,
      %mul3A_709 = arith.constant 64 : i32
      %mul3A_710 = arith.muli %scan3A_650, %mul3A_709 : i32
      %add3A_711 = arith.constant 32 : i32
      %add3A_712 = arith.addi %mul3A_710, %add3A_711 : i32
      %get3A_713 = arith.constant 512 : i32
      %get3A_714 = tpu.memref_slice %arg8[%get3A_713] : memref<1024xi32, #tpu.memory_space<vmem>> -> memref<512xi32, #tpu.memory_space<vmem>>
      %get3A_715 = arith.index_cast %add3A_712 : i32 to index
      %get3A_716 = tpu.vector_load %get3A_714[%get3A_715] {strides = array<i32>} : memref<512xi32, #tpu.memory_space<vmem>>, vector<16xi32>,
      %get3A_717 = arith.constant 512 : i32
      %get3A_718 = tpu.memref_slice %arg9[%get3A_717] : memref<1024xi32, #tpu.memory_space<vmem>> -> memref<512xi32, #tpu.memory_space<vmem>>
      %get3A_719 = arith.index_cast %add3A_712 : i32 to index
      %get3A_720 = tpu.vector_load %get3A_718[%get3A_719] {strides = array<i32>} : memref<512xi32, #tpu.memory_space<vmem>>, vector<16xi32>,
      %mul3A_721 = arith.constant 256 : i32
      %mul3A_722 = vector.broadcast %mul3A_721 : i32 to vector<16xi32>
      %mul3A_723 = arith.muli %get3A_716, %mul3A_722 : vector<16xi32>
      %add3A_724 = arith.addi %mul3A_723, %get3A_720 : vector<16xi32>
      %add3A_725 = arith.constant 5633 : i32
      %add3A_726 = vector.broadcast %add3A_725 : i32 to vector<16xi32>
      %add3A_727 = arith.addi %iota3A, %add3A_726 : vector<16xi32>
      %add3A_728 = vector.broadcast %add3A_712 : i32 to vector<16xi32>
      %add3A_729 = arith.addi %add3A_727, %add3A_728 : vector<16xi32>
      %and3A_730 = arith.constant 1 : i32
      %and3A_731 = vector.broadcast %and3A_730 : i32 to vector<16xi32>
      %and3A_732 = arith.andi %add3A_724, %and3A_731 : vector<16xi32>
      %mul3A_733 = arith.constant 16 : i32
      %mul3A_734 = vector.broadcast %mul3A_733 : i32 to vector<16xi32>
      %mul3A_735 = arith.muli %and3A_732, %mul3A_734 : vector<16xi32>
      %shift_left3A_736 = arith.shli %add3A_729, %mul3A_735 : vector<16xi32>
      %shift_right_arithmetic3A_737 = arith.constant 1 : i32
      %shift_right_arithmetic3A_738 = vector.broadcast %shift_right_arithmetic3A_737 : i32 to vector<16xi32>
      %shift_right_arithmetic3A_739 = arith.shrsi %add3A_724, %shift_right_arithmetic3A_738 : vector<16xi32>
      tpu.vector_store_idx %arg7[%shift_right_arithmetic3A_739], %shift_left3A_736 {add = true} : memref<32768xi32, #tpu.memory_space<vmem>>[vector<16xi32>], vector<16xi32>,
      %mul3A_740 = arith.constant 64 : i32
      %mul3A_741 = arith.muli %scan3A_650, %mul3A_740 : i32
      %add3A_742 = arith.constant 48 : i32
      %add3A_743 = arith.addi %mul3A_741, %add3A_742 : i32
      %get3A_744 = arith.constant 512 : i32
      %get3A_745 = tpu.memref_slice %arg8[%get3A_744] : memref<1024xi32, #tpu.memory_space<vmem>> -> memref<512xi32, #tpu.memory_space<vmem>>
      %get3A_746 = arith.index_cast %add3A_743 : i32 to index
      %get3A_747 = tpu.vector_load %get3A_745[%get3A_746] {strides = array<i32>} : memref<512xi32, #tpu.memory_space<vmem>>, vector<16xi32>,
      %get3A_748 = arith.constant 512 : i32
      %get3A_749 = tpu.memref_slice %arg9[%get3A_748] : memref<1024xi32, #tpu.memory_space<vmem>> -> memref<512xi32, #tpu.memory_space<vmem>>
      %get3A_750 = arith.index_cast %add3A_743 : i32 to index
      %get3A_751 = tpu.vector_load %get3A_749[%get3A_750] {strides = array<i32>} : memref<512xi32, #tpu.memory_space<vmem>>, vector<16xi32>,
      %mul3A_752 = arith.constant 256 : i32
      %mul3A_753 = vector.broadcast %mul3A_752 : i32 to vector<16xi32>
      %mul3A_754 = arith.muli %get3A_747, %mul3A_753 : vector<16xi32>
      %add3A_755 = arith.addi %mul3A_754, %get3A_751 : vector<16xi32>
      %add3A_756 = arith.constant 5633 : i32
      %add3A_757 = vector.broadcast %add3A_756 : i32 to vector<16xi32>
      %add3A_758 = arith.addi %iota3A, %add3A_757 : vector<16xi32>
      %add3A_759 = vector.broadcast %add3A_743 : i32 to vector<16xi32>
      %add3A_760 = arith.addi %add3A_758, %add3A_759 : vector<16xi32>
      %and3A_761 = arith.constant 1 : i32
      %and3A_762 = vector.broadcast %and3A_761 : i32 to vector<16xi32>
      %and3A_763 = arith.andi %add3A_755, %and3A_762 : vector<16xi32>
      %mul3A_764 = arith.constant 16 : i32
      %mul3A_765 = vector.broadcast %mul3A_764 : i32 to vector<16xi32>
      %mul3A_766 = arith.muli %and3A_763, %mul3A_765 : vector<16xi32>
      %shift_left3A_767 = arith.shli %add3A_760, %mul3A_766 : vector<16xi32>
      %shift_right_arithmetic3A_768 = arith.constant 1 : i32
      %shift_right_arithmetic3A_769 = vector.broadcast %shift_right_arithmetic3A_768 : i32 to vector<16xi32>
      %shift_right_arithmetic3A_770 = arith.shrsi %add3A_755, %shift_right_arithmetic3A_769 : vector<16xi32>
      tpu.vector_store_idx %arg7[%shift_right_arithmetic3A_770], %shift_left3A_767 {add = true} : memref<32768xi32, #tpu.memory_space<vmem>>[vector<16xi32>], vector<16xi32>,
    }
    %scan3A_478 = arith.constant 8 : i32
    %dma_wait3A_479 = arith.constant 0 : i32
    %dma_wait3A_480 = tpu.memref_slice %arg8[%dma_wait3A_479] : memref<1024xi32, #tpu.memory_space<vmem>> -> memref<512xi32, #tpu.memory_space<vmem>>
    %dma_wait3A_481 = arith.constant 6144 : i32
    %dma_wait3A_482 = tpu.memref_slice %arg2[%dma_wait3A_481] : memref<8192xi32, #tpu.memory_space<hbm>> -> memref<512xi32, #tpu.memory_space<hbm>>
    %dma_wait3A_483 = arith.constant 0 : i32
    %dma_wait3A_484 = tpu.memref_slice %arg8[%dma_wait3A_483] : memref<1024xi32, #tpu.memory_space<vmem>> -> memref<512xi32, #tpu.memory_space<vmem>>
    %dma_wait3A_485 = arith.constant 6144 : i32
    %dma_wait3A_486 = tpu.memref_slice %arg2[%dma_wait3A_485] : memref<8192xi32, #tpu.memory_space<hbm>> -> memref<512xi32, #tpu.memory_space<hbm>>
    tpu.wait_dma2 semaphore(%arg18 : memref<!tpu.dma_semaphore, #tpu.memory_space<semaphore_mem>>) src(%dma_wait3A_486 : memref<512xi32, #tpu.memory_space<hbm>>) dst(%dma_wait3A_484 : memref<512xi32, #tpu.memory_space<vmem>>)
    %dma_wait3A_487 = arith.constant 0 : i32
    %dma_wait3A_488 = tpu.memref_slice %arg9[%dma_wait3A_487] : memref<1024xi32, #tpu.memory_space<vmem>> -> memref<512xi32, #tpu.memory_space<vmem>>
    %dma_wait3A_489 = arith.constant 6144 : i32
    %dma_wait3A_490 = tpu.memref_slice %arg3[%dma_wait3A_489] : memref<8192xi32, #tpu.memory_space<hbm>> -> memref<512xi32, #tpu.memory_space<hbm>>
    %dma_wait3A_491 = arith.constant 0 : i32
    %dma_wait3A_492 = tpu.memref_slice %arg9[%dma_wait3A_491] : memref<1024xi32, #tpu.memory_space<vmem>> -> memref<512xi32, #tpu.memory_space<vmem>>
    %dma_wait3A_493 = arith.constant 6144 : i32
    %dma_wait3A_494 = tpu.memref_slice %arg3[%dma_wait3A_493] : memref<8192xi32, #tpu.memory_space<hbm>> -> memref<512xi32, #tpu.memory_space<hbm>>
    tpu.wait_dma2 semaphore(%arg18 : memref<!tpu.dma_semaphore, #tpu.memory_space<semaphore_mem>>) src(%dma_wait3A_494 : memref<512xi32, #tpu.memory_space<hbm>>) dst(%dma_wait3A_492 : memref<512xi32, #tpu.memory_space<vmem>>)
    %dma_start3A_495 = arith.constant 512 : i32
    %dma_start3A_496 = tpu.memref_slice %arg8[%dma_start3A_495] : memref<1024xi32, #tpu.memory_space<vmem>> -> memref<512xi32, #tpu.memory_space<vmem>>
    %dma_start3A_497 = arith.constant 6656 : i32
    %dma_start3A_498 = tpu.memref_slice %arg2[%dma_start3A_497] : memref<8192xi32, #tpu.memory_space<hbm>> -> memref<512xi32, #tpu.memory_space<hbm>>
    %dma_start3A_499 = arith.constant 512 : i32
    %dma_start3A_500 = tpu.memref_slice %arg8[%dma_start3A_499] : memref<1024xi32, #tpu.memory_space<vmem>> -> memref<512xi32, #tpu.memory_space<vmem>>
    %dma_start3A_501 = arith.constant 6656 : i32
    %dma_start3A_502 = tpu.memref_slice %arg2[%dma_start3A_501] : memref<8192xi32, #tpu.memory_space<hbm>> -> memref<512xi32, #tpu.memory_space<hbm>>
    tpu.enqueue_dma source(%dma_start3A_502 : memref<512xi32, #tpu.memory_space<hbm>>) target(%dma_start3A_500 : memref<512xi32, #tpu.memory_space<vmem>>) target_semaphore(%arg19 : memref<!tpu.dma_semaphore, #tpu.memory_space<semaphore_mem>>)
    %dma_start3A_503 = arith.constant 512 : i32
    %dma_start3A_504 = tpu.memref_slice %arg9[%dma_start3A_503] : memref<1024xi32, #tpu.memory_space<vmem>> -> memref<512xi32, #tpu.memory_space<vmem>>
    %dma_start3A_505 = arith.constant 6656 : i32
    %dma_start3A_506 = tpu.memref_slice %arg3[%dma_start3A_505] : memref<8192xi32, #tpu.memory_space<hbm>> -> memref<512xi32, #tpu.memory_space<hbm>>
    %dma_start3A_507 = arith.constant 512 : i32
    %dma_start3A_508 = tpu.memref_slice %arg9[%dma_start3A_507] : memref<1024xi32, #tpu.memory_space<vmem>> -> memref<512xi32, #tpu.memory_space<vmem>>
    %dma_start3A_509 = arith.constant 6656 : i32
    %dma_start3A_510 = tpu.memref_slice %arg3[%dma_start3A_509] : memref<8192xi32, #tpu.memory_space<hbm>> -> memref<512xi32, #tpu.memory_space<hbm>>
    tpu.enqueue_dma source(%dma_start3A_510 : memref<512xi32, #tpu.memory_space<hbm>>) target(%dma_start3A_508 : memref<512xi32, #tpu.memory_space<vmem>>) target_semaphore(%arg19 : memref<!tpu.dma_semaphore, #tpu.memory_space<semaphore_mem>>)
    %scan3A_511 = arith.constant 0 : i32
    %scan3A_512 = arith.constant 0 : i32
    %scan3A_513 = arith.constant 8 : i32
    %scan3A_514 = arith.addi %scan3A_512, %scan3A_513 : i32
    %scan3A_515 = arith.constant 1 : i32
    scf.for %scan3A_650 = %scan3A_512 to %scan3A_514 step %scan3A_515  : i32 {
      %mul3A_651 = arith.constant 64 : i32
      %mul3A_652 = arith.muli %scan3A_650, %mul3A_651 : i32
      %add3A_653 = arith.constant 0 : i32
      %add3A_654 = arith.addi %mul3A_652, %add3A_653 : i32
      %get3A = arith.constant 0 : i32
      %get3A_655 = tpu.memref_slice %arg8[%get3A] : memref<1024xi32, #tpu.memory_space<vmem>> -> memref<512xi32, #tpu.memory_space<vmem>>
      %get3A_656 = arith.index_cast %add3A_654 : i32 to index
      %get3A_657 = tpu.vector_load %get3A_655[%get3A_656] {strides = array<i32>} : memref<512xi32, #tpu.memory_space<vmem>>, vector<16xi32>,
      %get3A_658 = arith.constant 0 : i32
      %get3A_659 = tpu.memref_slice %arg9[%get3A_658] : memref<1024xi32, #tpu.memory_space<vmem>> -> memref<512xi32, #tpu.memory_space<vmem>>
      %get3A_660 = arith.index_cast %add3A_654 : i32 to index
      %get3A_661 = tpu.vector_load %get3A_659[%get3A_660] {strides = array<i32>} : memref<512xi32, #tpu.memory_space<vmem>>, vector<16xi32>,
      %mul3A_662 = arith.constant 256 : i32
      %mul3A_663 = vector.broadcast %mul3A_662 : i32 to vector<16xi32>
      %mul3A_664 = arith.muli %get3A_657, %mul3A_663 : vector<16xi32>
      %add3A_665 = arith.addi %mul3A_664, %get3A_661 : vector<16xi32>
      %add3A_666 = arith.constant 6145 : i32
      %add3A_667 = vector.broadcast %add3A_666 : i32 to vector<16xi32>
      %add3A_668 = arith.addi %iota3A, %add3A_667 : vector<16xi32>
      %add3A_669 = vector.broadcast %add3A_654 : i32 to vector<16xi32>
      %add3A_670 = arith.addi %add3A_668, %add3A_669 : vector<16xi32>
      %and3A = arith.constant 1 : i32
      %and3A_671 = vector.broadcast %and3A : i32 to vector<16xi32>
      %and3A_672 = arith.andi %add3A_665, %and3A_671 : vector<16xi32>
      %mul3A_673 = arith.constant 16 : i32
      %mul3A_674 = vector.broadcast %mul3A_673 : i32 to vector<16xi32>
      %mul3A_675 = arith.muli %and3A_672, %mul3A_674 : vector<16xi32>
      %shift_left3A = arith.shli %add3A_670, %mul3A_675 : vector<16xi32>
      %shift_right_arithmetic3A = arith.constant 1 : i32
      %shift_right_arithmetic3A_676 = vector.broadcast %shift_right_arithmetic3A : i32 to vector<16xi32>
      %shift_right_arithmetic3A_677 = arith.shrsi %add3A_665, %shift_right_arithmetic3A_676 : vector<16xi32>
      tpu.vector_store_idx %arg7[%shift_right_arithmetic3A_677], %shift_left3A {add = true} : memref<32768xi32, #tpu.memory_space<vmem>>[vector<16xi32>], vector<16xi32>,
      %mul3A_678 = arith.constant 64 : i32
      %mul3A_679 = arith.muli %scan3A_650, %mul3A_678 : i32
      %add3A_680 = arith.constant 16 : i32
      %add3A_681 = arith.addi %mul3A_679, %add3A_680 : i32
      %get3A_682 = arith.constant 0 : i32
      %get3A_683 = tpu.memref_slice %arg8[%get3A_682] : memref<1024xi32, #tpu.memory_space<vmem>> -> memref<512xi32, #tpu.memory_space<vmem>>
      %get3A_684 = arith.index_cast %add3A_681 : i32 to index
      %get3A_685 = tpu.vector_load %get3A_683[%get3A_684] {strides = array<i32>} : memref<512xi32, #tpu.memory_space<vmem>>, vector<16xi32>,
      %get3A_686 = arith.constant 0 : i32
      %get3A_687 = tpu.memref_slice %arg9[%get3A_686] : memref<1024xi32, #tpu.memory_space<vmem>> -> memref<512xi32, #tpu.memory_space<vmem>>
      %get3A_688 = arith.index_cast %add3A_681 : i32 to index
      %get3A_689 = tpu.vector_load %get3A_687[%get3A_688] {strides = array<i32>} : memref<512xi32, #tpu.memory_space<vmem>>, vector<16xi32>,
      %mul3A_690 = arith.constant 256 : i32
      %mul3A_691 = vector.broadcast %mul3A_690 : i32 to vector<16xi32>
      %mul3A_692 = arith.muli %get3A_685, %mul3A_691 : vector<16xi32>
      %add3A_693 = arith.addi %mul3A_692, %get3A_689 : vector<16xi32>
      %add3A_694 = arith.constant 6145 : i32
      %add3A_695 = vector.broadcast %add3A_694 : i32 to vector<16xi32>
      %add3A_696 = arith.addi %iota3A, %add3A_695 : vector<16xi32>
      %add3A_697 = vector.broadcast %add3A_681 : i32 to vector<16xi32>
      %add3A_698 = arith.addi %add3A_696, %add3A_697 : vector<16xi32>
      %and3A_699 = arith.constant 1 : i32
      %and3A_700 = vector.broadcast %and3A_699 : i32 to vector<16xi32>
      %and3A_701 = arith.andi %add3A_693, %and3A_700 : vector<16xi32>
      %mul3A_702 = arith.constant 16 : i32
      %mul3A_703 = vector.broadcast %mul3A_702 : i32 to vector<16xi32>
      %mul3A_704 = arith.muli %and3A_701, %mul3A_703 : vector<16xi32>
      %shift_left3A_705 = arith.shli %add3A_698, %mul3A_704 : vector<16xi32>
      %shift_right_arithmetic3A_706 = arith.constant 1 : i32
      %shift_right_arithmetic3A_707 = vector.broadcast %shift_right_arithmetic3A_706 : i32 to vector<16xi32>
      %shift_right_arithmetic3A_708 = arith.shrsi %add3A_693, %shift_right_arithmetic3A_707 : vector<16xi32>
      tpu.vector_store_idx %arg7[%shift_right_arithmetic3A_708], %shift_left3A_705 {add = true} : memref<32768xi32, #tpu.memory_space<vmem>>[vector<16xi32>], vector<16xi32>,
      %mul3A_709 = arith.constant 64 : i32
      %mul3A_710 = arith.muli %scan3A_650, %mul3A_709 : i32
      %add3A_711 = arith.constant 32 : i32
      %add3A_712 = arith.addi %mul3A_710, %add3A_711 : i32
      %get3A_713 = arith.constant 0 : i32
      %get3A_714 = tpu.memref_slice %arg8[%get3A_713] : memref<1024xi32, #tpu.memory_space<vmem>> -> memref<512xi32, #tpu.memory_space<vmem>>
      %get3A_715 = arith.index_cast %add3A_712 : i32 to index
      %get3A_716 = tpu.vector_load %get3A_714[%get3A_715] {strides = array<i32>} : memref<512xi32, #tpu.memory_space<vmem>>, vector<16xi32>,
      %get3A_717 = arith.constant 0 : i32
      %get3A_718 = tpu.memref_slice %arg9[%get3A_717] : memref<1024xi32, #tpu.memory_space<vmem>> -> memref<512xi32, #tpu.memory_space<vmem>>
      %get3A_719 = arith.index_cast %add3A_712 : i32 to index
      %get3A_720 = tpu.vector_load %get3A_718[%get3A_719] {strides = array<i32>} : memref<512xi32, #tpu.memory_space<vmem>>, vector<16xi32>,
      %mul3A_721 = arith.constant 256 : i32
      %mul3A_722 = vector.broadcast %mul3A_721 : i32 to vector<16xi32>
      %mul3A_723 = arith.muli %get3A_716, %mul3A_722 : vector<16xi32>
      %add3A_724 = arith.addi %mul3A_723, %get3A_720 : vector<16xi32>
      %add3A_725 = arith.constant 6145 : i32
      %add3A_726 = vector.broadcast %add3A_725 : i32 to vector<16xi32>
      %add3A_727 = arith.addi %iota3A, %add3A_726 : vector<16xi32>
      %add3A_728 = vector.broadcast %add3A_712 : i32 to vector<16xi32>
      %add3A_729 = arith.addi %add3A_727, %add3A_728 : vector<16xi32>
      %and3A_730 = arith.constant 1 : i32
      %and3A_731 = vector.broadcast %and3A_730 : i32 to vector<16xi32>
      %and3A_732 = arith.andi %add3A_724, %and3A_731 : vector<16xi32>
      %mul3A_733 = arith.constant 16 : i32
      %mul3A_734 = vector.broadcast %mul3A_733 : i32 to vector<16xi32>
      %mul3A_735 = arith.muli %and3A_732, %mul3A_734 : vector<16xi32>
      %shift_left3A_736 = arith.shli %add3A_729, %mul3A_735 : vector<16xi32>
      %shift_right_arithmetic3A_737 = arith.constant 1 : i32
      %shift_right_arithmetic3A_738 = vector.broadcast %shift_right_arithmetic3A_737 : i32 to vector<16xi32>
      %shift_right_arithmetic3A_739 = arith.shrsi %add3A_724, %shift_right_arithmetic3A_738 : vector<16xi32>
      tpu.vector_store_idx %arg7[%shift_right_arithmetic3A_739], %shift_left3A_736 {add = true} : memref<32768xi32, #tpu.memory_space<vmem>>[vector<16xi32>], vector<16xi32>,
      %mul3A_740 = arith.constant 64 : i32
      %mul3A_741 = arith.muli %scan3A_650, %mul3A_740 : i32
      %add3A_742 = arith.constant 48 : i32
      %add3A_743 = arith.addi %mul3A_741, %add3A_742 : i32
      %get3A_744 = arith.constant 0 : i32
      %get3A_745 = tpu.memref_slice %arg8[%get3A_744] : memref<1024xi32, #tpu.memory_space<vmem>> -> memref<512xi32, #tpu.memory_space<vmem>>
      %get3A_746 = arith.index_cast %add3A_743 : i32 to index
      %get3A_747 = tpu.vector_load %get3A_745[%get3A_746] {strides = array<i32>} : memref<512xi32, #tpu.memory_space<vmem>>, vector<16xi32>,
      %get3A_748 = arith.constant 0 : i32
      %get3A_749 = tpu.memref_slice %arg9[%get3A_748] : memref<1024xi32, #tpu.memory_space<vmem>> -> memref<512xi32, #tpu.memory_space<vmem>>
      %get3A_750 = arith.index_cast %add3A_743 : i32 to index
      %get3A_751 = tpu.vector_load %get3A_749[%get3A_750] {strides = array<i32>} : memref<512xi32, #tpu.memory_space<vmem>>, vector<16xi32>,
      %mul3A_752 = arith.constant 256 : i32
      %mul3A_753 = vector.broadcast %mul3A_752 : i32 to vector<16xi32>
      %mul3A_754 = arith.muli %get3A_747, %mul3A_753 : vector<16xi32>
      %add3A_755 = arith.addi %mul3A_754, %get3A_751 : vector<16xi32>
      %add3A_756 = arith.constant 6145 : i32
      %add3A_757 = vector.broadcast %add3A_756 : i32 to vector<16xi32>
      %add3A_758 = arith.addi %iota3A, %add3A_757 : vector<16xi32>
      %add3A_759 = vector.broadcast %add3A_743 : i32 to vector<16xi32>
      %add3A_760 = arith.addi %add3A_758, %add3A_759 : vector<16xi32>
      %and3A_761 = arith.constant 1 : i32
      %and3A_762 = vector.broadcast %and3A_761 : i32 to vector<16xi32>
      %and3A_763 = arith.andi %add3A_755, %and3A_762 : vector<16xi32>
      %mul3A_764 = arith.constant 16 : i32
      %mul3A_765 = vector.broadcast %mul3A_764 : i32 to vector<16xi32>
      %mul3A_766 = arith.muli %and3A_763, %mul3A_765 : vector<16xi32>
      %shift_left3A_767 = arith.shli %add3A_760, %mul3A_766 : vector<16xi32>
      %shift_right_arithmetic3A_768 = arith.constant 1 : i32
      %shift_right_arithmetic3A_769 = vector.broadcast %shift_right_arithmetic3A_768 : i32 to vector<16xi32>
      %shift_right_arithmetic3A_770 = arith.shrsi %add3A_755, %shift_right_arithmetic3A_769 : vector<16xi32>
      tpu.vector_store_idx %arg7[%shift_right_arithmetic3A_770], %shift_left3A_767 {add = true} : memref<32768xi32, #tpu.memory_space<vmem>>[vector<16xi32>], vector<16xi32>,
    }
    %scan3A_516 = arith.constant 8 : i32
    %dma_wait3A_517 = arith.constant 512 : i32
    %dma_wait3A_518 = tpu.memref_slice %arg8[%dma_wait3A_517] : memref<1024xi32, #tpu.memory_space<vmem>> -> memref<512xi32, #tpu.memory_space<vmem>>
    %dma_wait3A_519 = arith.constant 6656 : i32
    %dma_wait3A_520 = tpu.memref_slice %arg2[%dma_wait3A_519] : memref<8192xi32, #tpu.memory_space<hbm>> -> memref<512xi32, #tpu.memory_space<hbm>>
    %dma_wait3A_521 = arith.constant 512 : i32
    %dma_wait3A_522 = tpu.memref_slice %arg8[%dma_wait3A_521] : memref<1024xi32, #tpu.memory_space<vmem>> -> memref<512xi32, #tpu.memory_space<vmem>>
    %dma_wait3A_523 = arith.constant 6656 : i32
    %dma_wait3A_524 = tpu.memref_slice %arg2[%dma_wait3A_523] : memref<8192xi32, #tpu.memory_space<hbm>> -> memref<512xi32, #tpu.memory_space<hbm>>
    tpu.wait_dma2 semaphore(%arg19 : memref<!tpu.dma_semaphore, #tpu.memory_space<semaphore_mem>>) src(%dma_wait3A_524 : memref<512xi32, #tpu.memory_space<hbm>>) dst(%dma_wait3A_522 : memref<512xi32, #tpu.memory_space<vmem>>)
    %dma_wait3A_525 = arith.constant 512 : i32
    %dma_wait3A_526 = tpu.memref_slice %arg9[%dma_wait3A_525] : memref<1024xi32, #tpu.memory_space<vmem>> -> memref<512xi32, #tpu.memory_space<vmem>>
    %dma_wait3A_527 = arith.constant 6656 : i32
    %dma_wait3A_528 = tpu.memref_slice %arg3[%dma_wait3A_527] : memref<8192xi32, #tpu.memory_space<hbm>> -> memref<512xi32, #tpu.memory_space<hbm>>
    %dma_wait3A_529 = arith.constant 512 : i32
    %dma_wait3A_530 = tpu.memref_slice %arg9[%dma_wait3A_529] : memref<1024xi32, #tpu.memory_space<vmem>> -> memref<512xi32, #tpu.memory_space<vmem>>
    %dma_wait3A_531 = arith.constant 6656 : i32
    %dma_wait3A_532 = tpu.memref_slice %arg3[%dma_wait3A_531] : memref<8192xi32, #tpu.memory_space<hbm>> -> memref<512xi32, #tpu.memory_space<hbm>>
    tpu.wait_dma2 semaphore(%arg19 : memref<!tpu.dma_semaphore, #tpu.memory_space<semaphore_mem>>) src(%dma_wait3A_532 : memref<512xi32, #tpu.memory_space<hbm>>) dst(%dma_wait3A_530 : memref<512xi32, #tpu.memory_space<vmem>>)
    %dma_start3A_533 = arith.constant 0 : i32
    %dma_start3A_534 = tpu.memref_slice %arg8[%dma_start3A_533] : memref<1024xi32, #tpu.memory_space<vmem>> -> memref<512xi32, #tpu.memory_space<vmem>>
    %dma_start3A_535 = arith.constant 7168 : i32
    %dma_start3A_536 = tpu.memref_slice %arg2[%dma_start3A_535] : memref<8192xi32, #tpu.memory_space<hbm>> -> memref<512xi32, #tpu.memory_space<hbm>>
    %dma_start3A_537 = arith.constant 0 : i32
    %dma_start3A_538 = tpu.memref_slice %arg8[%dma_start3A_537] : memref<1024xi32, #tpu.memory_space<vmem>> -> memref<512xi32, #tpu.memory_space<vmem>>
    %dma_start3A_539 = arith.constant 7168 : i32
    %dma_start3A_540 = tpu.memref_slice %arg2[%dma_start3A_539] : memref<8192xi32, #tpu.memory_space<hbm>> -> memref<512xi32, #tpu.memory_space<hbm>>
    tpu.enqueue_dma source(%dma_start3A_540 : memref<512xi32, #tpu.memory_space<hbm>>) target(%dma_start3A_538 : memref<512xi32, #tpu.memory_space<vmem>>) target_semaphore(%arg18 : memref<!tpu.dma_semaphore, #tpu.memory_space<semaphore_mem>>)
    %dma_start3A_541 = arith.constant 0 : i32
    %dma_start3A_542 = tpu.memref_slice %arg9[%dma_start3A_541] : memref<1024xi32, #tpu.memory_space<vmem>> -> memref<512xi32, #tpu.memory_space<vmem>>
    %dma_start3A_543 = arith.constant 7168 : i32
    %dma_start3A_544 = tpu.memref_slice %arg3[%dma_start3A_543] : memref<8192xi32, #tpu.memory_space<hbm>> -> memref<512xi32, #tpu.memory_space<hbm>>
    %dma_start3A_545 = arith.constant 0 : i32
    %dma_start3A_546 = tpu.memref_slice %arg9[%dma_start3A_545] : memref<1024xi32, #tpu.memory_space<vmem>> -> memref<512xi32, #tpu.memory_space<vmem>>
    %dma_start3A_547 = arith.constant 7168 : i32
    %dma_start3A_548 = tpu.memref_slice %arg3[%dma_start3A_547] : memref<8192xi32, #tpu.memory_space<hbm>> -> memref<512xi32, #tpu.memory_space<hbm>>
    tpu.enqueue_dma source(%dma_start3A_548 : memref<512xi32, #tpu.memory_space<hbm>>) target(%dma_start3A_546 : memref<512xi32, #tpu.memory_space<vmem>>) target_semaphore(%arg18 : memref<!tpu.dma_semaphore, #tpu.memory_space<semaphore_mem>>)
    %scan3A_549 = arith.constant 0 : i32
    %scan3A_550 = arith.constant 0 : i32
    %scan3A_551 = arith.constant 8 : i32
    %scan3A_552 = arith.addi %scan3A_550, %scan3A_551 : i32
    %scan3A_553 = arith.constant 1 : i32
    scf.for %scan3A_650 = %scan3A_550 to %scan3A_552 step %scan3A_553  : i32 {
      %mul3A_651 = arith.constant 64 : i32
      %mul3A_652 = arith.muli %scan3A_650, %mul3A_651 : i32
      %add3A_653 = arith.constant 0 : i32
      %add3A_654 = arith.addi %mul3A_652, %add3A_653 : i32
      %get3A = arith.constant 512 : i32
      %get3A_655 = tpu.memref_slice %arg8[%get3A] : memref<1024xi32, #tpu.memory_space<vmem>> -> memref<512xi32, #tpu.memory_space<vmem>>
      %get3A_656 = arith.index_cast %add3A_654 : i32 to index
      %get3A_657 = tpu.vector_load %get3A_655[%get3A_656] {strides = array<i32>} : memref<512xi32, #tpu.memory_space<vmem>>, vector<16xi32>,
      %get3A_658 = arith.constant 512 : i32
      %get3A_659 = tpu.memref_slice %arg9[%get3A_658] : memref<1024xi32, #tpu.memory_space<vmem>> -> memref<512xi32, #tpu.memory_space<vmem>>
      %get3A_660 = arith.index_cast %add3A_654 : i32 to index
      %get3A_661 = tpu.vector_load %get3A_659[%get3A_660] {strides = array<i32>} : memref<512xi32, #tpu.memory_space<vmem>>, vector<16xi32>,
      %mul3A_662 = arith.constant 256 : i32
      %mul3A_663 = vector.broadcast %mul3A_662 : i32 to vector<16xi32>
      %mul3A_664 = arith.muli %get3A_657, %mul3A_663 : vector<16xi32>
      %add3A_665 = arith.addi %mul3A_664, %get3A_661 : vector<16xi32>
      %add3A_666 = arith.constant 6657 : i32
      %add3A_667 = vector.broadcast %add3A_666 : i32 to vector<16xi32>
      %add3A_668 = arith.addi %iota3A, %add3A_667 : vector<16xi32>
      %add3A_669 = vector.broadcast %add3A_654 : i32 to vector<16xi32>
      %add3A_670 = arith.addi %add3A_668, %add3A_669 : vector<16xi32>
      %and3A = arith.constant 1 : i32
      %and3A_671 = vector.broadcast %and3A : i32 to vector<16xi32>
      %and3A_672 = arith.andi %add3A_665, %and3A_671 : vector<16xi32>
      %mul3A_673 = arith.constant 16 : i32
      %mul3A_674 = vector.broadcast %mul3A_673 : i32 to vector<16xi32>
      %mul3A_675 = arith.muli %and3A_672, %mul3A_674 : vector<16xi32>
      %shift_left3A = arith.shli %add3A_670, %mul3A_675 : vector<16xi32>
      %shift_right_arithmetic3A = arith.constant 1 : i32
      %shift_right_arithmetic3A_676 = vector.broadcast %shift_right_arithmetic3A : i32 to vector<16xi32>
      %shift_right_arithmetic3A_677 = arith.shrsi %add3A_665, %shift_right_arithmetic3A_676 : vector<16xi32>
      tpu.vector_store_idx %arg7[%shift_right_arithmetic3A_677], %shift_left3A {add = true} : memref<32768xi32, #tpu.memory_space<vmem>>[vector<16xi32>], vector<16xi32>,
      %mul3A_678 = arith.constant 64 : i32
      %mul3A_679 = arith.muli %scan3A_650, %mul3A_678 : i32
      %add3A_680 = arith.constant 16 : i32
      %add3A_681 = arith.addi %mul3A_679, %add3A_680 : i32
      %get3A_682 = arith.constant 512 : i32
      %get3A_683 = tpu.memref_slice %arg8[%get3A_682] : memref<1024xi32, #tpu.memory_space<vmem>> -> memref<512xi32, #tpu.memory_space<vmem>>
      %get3A_684 = arith.index_cast %add3A_681 : i32 to index
      %get3A_685 = tpu.vector_load %get3A_683[%get3A_684] {strides = array<i32>} : memref<512xi32, #tpu.memory_space<vmem>>, vector<16xi32>,
      %get3A_686 = arith.constant 512 : i32
      %get3A_687 = tpu.memref_slice %arg9[%get3A_686] : memref<1024xi32, #tpu.memory_space<vmem>> -> memref<512xi32, #tpu.memory_space<vmem>>
      %get3A_688 = arith.index_cast %add3A_681 : i32 to index
      %get3A_689 = tpu.vector_load %get3A_687[%get3A_688] {strides = array<i32>} : memref<512xi32, #tpu.memory_space<vmem>>, vector<16xi32>,
      %mul3A_690 = arith.constant 256 : i32
      %mul3A_691 = vector.broadcast %mul3A_690 : i32 to vector<16xi32>
      %mul3A_692 = arith.muli %get3A_685, %mul3A_691 : vector<16xi32>
      %add3A_693 = arith.addi %mul3A_692, %get3A_689 : vector<16xi32>
      %add3A_694 = arith.constant 6657 : i32
      %add3A_695 = vector.broadcast %add3A_694 : i32 to vector<16xi32>
      %add3A_696 = arith.addi %iota3A, %add3A_695 : vector<16xi32>
      %add3A_697 = vector.broadcast %add3A_681 : i32 to vector<16xi32>
      %add3A_698 = arith.addi %add3A_696, %add3A_697 : vector<16xi32>
      %and3A_699 = arith.constant 1 : i32
      %and3A_700 = vector.broadcast %and3A_699 : i32 to vector<16xi32>
      %and3A_701 = arith.andi %add3A_693, %and3A_700 : vector<16xi32>
      %mul3A_702 = arith.constant 16 : i32
      %mul3A_703 = vector.broadcast %mul3A_702 : i32 to vector<16xi32>
      %mul3A_704 = arith.muli %and3A_701, %mul3A_703 : vector<16xi32>
      %shift_left3A_705 = arith.shli %add3A_698, %mul3A_704 : vector<16xi32>
      %shift_right_arithmetic3A_706 = arith.constant 1 : i32
      %shift_right_arithmetic3A_707 = vector.broadcast %shift_right_arithmetic3A_706 : i32 to vector<16xi32>
      %shift_right_arithmetic3A_708 = arith.shrsi %add3A_693, %shift_right_arithmetic3A_707 : vector<16xi32>
      tpu.vector_store_idx %arg7[%shift_right_arithmetic3A_708], %shift_left3A_705 {add = true} : memref<32768xi32, #tpu.memory_space<vmem>>[vector<16xi32>], vector<16xi32>,
      %mul3A_709 = arith.constant 64 : i32
      %mul3A_710 = arith.muli %scan3A_650, %mul3A_709 : i32
      %add3A_711 = arith.constant 32 : i32
      %add3A_712 = arith.addi %mul3A_710, %add3A_711 : i32
      %get3A_713 = arith.constant 512 : i32
      %get3A_714 = tpu.memref_slice %arg8[%get3A_713] : memref<1024xi32, #tpu.memory_space<vmem>> -> memref<512xi32, #tpu.memory_space<vmem>>
      %get3A_715 = arith.index_cast %add3A_712 : i32 to index
      %get3A_716 = tpu.vector_load %get3A_714[%get3A_715] {strides = array<i32>} : memref<512xi32, #tpu.memory_space<vmem>>, vector<16xi32>,
      %get3A_717 = arith.constant 512 : i32
      %get3A_718 = tpu.memref_slice %arg9[%get3A_717] : memref<1024xi32, #tpu.memory_space<vmem>> -> memref<512xi32, #tpu.memory_space<vmem>>
      %get3A_719 = arith.index_cast %add3A_712 : i32 to index
      %get3A_720 = tpu.vector_load %get3A_718[%get3A_719] {strides = array<i32>} : memref<512xi32, #tpu.memory_space<vmem>>, vector<16xi32>,
      %mul3A_721 = arith.constant 256 : i32
      %mul3A_722 = vector.broadcast %mul3A_721 : i32 to vector<16xi32>
      %mul3A_723 = arith.muli %get3A_716, %mul3A_722 : vector<16xi32>
      %add3A_724 = arith.addi %mul3A_723, %get3A_720 : vector<16xi32>
      %add3A_725 = arith.constant 6657 : i32
      %add3A_726 = vector.broadcast %add3A_725 : i32 to vector<16xi32>
      %add3A_727 = arith.addi %iota3A, %add3A_726 : vector<16xi32>
      %add3A_728 = vector.broadcast %add3A_712 : i32 to vector<16xi32>
      %add3A_729 = arith.addi %add3A_727, %add3A_728 : vector<16xi32>
      %and3A_730 = arith.constant 1 : i32
      %and3A_731 = vector.broadcast %and3A_730 : i32 to vector<16xi32>
      %and3A_732 = arith.andi %add3A_724, %and3A_731 : vector<16xi32>
      %mul3A_733 = arith.constant 16 : i32
      %mul3A_734 = vector.broadcast %mul3A_733 : i32 to vector<16xi32>
      %mul3A_735 = arith.muli %and3A_732, %mul3A_734 : vector<16xi32>
      %shift_left3A_736 = arith.shli %add3A_729, %mul3A_735 : vector<16xi32>
      %shift_right_arithmetic3A_737 = arith.constant 1 : i32
      %shift_right_arithmetic3A_738 = vector.broadcast %shift_right_arithmetic3A_737 : i32 to vector<16xi32>
      %shift_right_arithmetic3A_739 = arith.shrsi %add3A_724, %shift_right_arithmetic3A_738 : vector<16xi32>
      tpu.vector_store_idx %arg7[%shift_right_arithmetic3A_739], %shift_left3A_736 {add = true} : memref<32768xi32, #tpu.memory_space<vmem>>[vector<16xi32>], vector<16xi32>,
      %mul3A_740 = arith.constant 64 : i32
      %mul3A_741 = arith.muli %scan3A_650, %mul3A_740 : i32
      %add3A_742 = arith.constant 48 : i32
      %add3A_743 = arith.addi %mul3A_741, %add3A_742 : i32
      %get3A_744 = arith.constant 512 : i32
      %get3A_745 = tpu.memref_slice %arg8[%get3A_744] : memref<1024xi32, #tpu.memory_space<vmem>> -> memref<512xi32, #tpu.memory_space<vmem>>
      %get3A_746 = arith.index_cast %add3A_743 : i32 to index
      %get3A_747 = tpu.vector_load %get3A_745[%get3A_746] {strides = array<i32>} : memref<512xi32, #tpu.memory_space<vmem>>, vector<16xi32>,
      %get3A_748 = arith.constant 512 : i32
      %get3A_749 = tpu.memref_slice %arg9[%get3A_748] : memref<1024xi32, #tpu.memory_space<vmem>> -> memref<512xi32, #tpu.memory_space<vmem>>
      %get3A_750 = arith.index_cast %add3A_743 : i32 to index
      %get3A_751 = tpu.vector_load %get3A_749[%get3A_750] {strides = array<i32>} : memref<512xi32, #tpu.memory_space<vmem>>, vector<16xi32>,
      %mul3A_752 = arith.constant 256 : i32
      %mul3A_753 = vector.broadcast %mul3A_752 : i32 to vector<16xi32>
      %mul3A_754 = arith.muli %get3A_747, %mul3A_753 : vector<16xi32>
      %add3A_755 = arith.addi %mul3A_754, %get3A_751 : vector<16xi32>
      %add3A_756 = arith.constant 6657 : i32
      %add3A_757 = vector.broadcast %add3A_756 : i32 to vector<16xi32>
      %add3A_758 = arith.addi %iota3A, %add3A_757 : vector<16xi32>
      %add3A_759 = vector.broadcast %add3A_743 : i32 to vector<16xi32>
      %add3A_760 = arith.addi %add3A_758, %add3A_759 : vector<16xi32>
      %and3A_761 = arith.constant 1 : i32
      %and3A_762 = vector.broadcast %and3A_761 : i32 to vector<16xi32>
      %and3A_763 = arith.andi %add3A_755, %and3A_762 : vector<16xi32>
      %mul3A_764 = arith.constant 16 : i32
      %mul3A_765 = vector.broadcast %mul3A_764 : i32 to vector<16xi32>
      %mul3A_766 = arith.muli %and3A_763, %mul3A_765 : vector<16xi32>
      %shift_left3A_767 = arith.shli %add3A_760, %mul3A_766 : vector<16xi32>
      %shift_right_arithmetic3A_768 = arith.constant 1 : i32
      %shift_right_arithmetic3A_769 = vector.broadcast %shift_right_arithmetic3A_768 : i32 to vector<16xi32>
      %shift_right_arithmetic3A_770 = arith.shrsi %add3A_755, %shift_right_arithmetic3A_769 : vector<16xi32>
      tpu.vector_store_idx %arg7[%shift_right_arithmetic3A_770], %shift_left3A_767 {add = true} : memref<32768xi32, #tpu.memory_space<vmem>>[vector<16xi32>], vector<16xi32>,
    }
    %scan3A_554 = arith.constant 8 : i32
    %dma_wait3A_555 = arith.constant 0 : i32
    %dma_wait3A_556 = tpu.memref_slice %arg8[%dma_wait3A_555] : memref<1024xi32, #tpu.memory_space<vmem>> -> memref<512xi32, #tpu.memory_space<vmem>>
    %dma_wait3A_557 = arith.constant 7168 : i32
    %dma_wait3A_558 = tpu.memref_slice %arg2[%dma_wait3A_557] : memref<8192xi32, #tpu.memory_space<hbm>> -> memref<512xi32, #tpu.memory_space<hbm>>
    %dma_wait3A_559 = arith.constant 0 : i32
    %dma_wait3A_560 = tpu.memref_slice %arg8[%dma_wait3A_559] : memref<1024xi32, #tpu.memory_space<vmem>> -> memref<512xi32, #tpu.memory_space<vmem>>
    %dma_wait3A_561 = arith.constant 7168 : i32
    %dma_wait3A_562 = tpu.memref_slice %arg2[%dma_wait3A_561] : memref<8192xi32, #tpu.memory_space<hbm>> -> memref<512xi32, #tpu.memory_space<hbm>>
    tpu.wait_dma2 semaphore(%arg18 : memref<!tpu.dma_semaphore, #tpu.memory_space<semaphore_mem>>) src(%dma_wait3A_562 : memref<512xi32, #tpu.memory_space<hbm>>) dst(%dma_wait3A_560 : memref<512xi32, #tpu.memory_space<vmem>>)
    %dma_wait3A_563 = arith.constant 0 : i32
    %dma_wait3A_564 = tpu.memref_slice %arg9[%dma_wait3A_563] : memref<1024xi32, #tpu.memory_space<vmem>> -> memref<512xi32, #tpu.memory_space<vmem>>
    %dma_wait3A_565 = arith.constant 7168 : i32
    %dma_wait3A_566 = tpu.memref_slice %arg3[%dma_wait3A_565] : memref<8192xi32, #tpu.memory_space<hbm>> -> memref<512xi32, #tpu.memory_space<hbm>>
    %dma_wait3A_567 = arith.constant 0 : i32
    %dma_wait3A_568 = tpu.memref_slice %arg9[%dma_wait3A_567] : memref<1024xi32, #tpu.memory_space<vmem>> -> memref<512xi32, #tpu.memory_space<vmem>>
    %dma_wait3A_569 = arith.constant 7168 : i32
    %dma_wait3A_570 = tpu.memref_slice %arg3[%dma_wait3A_569] : memref<8192xi32, #tpu.memory_space<hbm>> -> memref<512xi32, #tpu.memory_space<hbm>>
    tpu.wait_dma2 semaphore(%arg18 : memref<!tpu.dma_semaphore, #tpu.memory_space<semaphore_mem>>) src(%dma_wait3A_570 : memref<512xi32, #tpu.memory_space<hbm>>) dst(%dma_wait3A_568 : memref<512xi32, #tpu.memory_space<vmem>>)
    %dma_start3A_571 = arith.constant 512 : i32
    %dma_start3A_572 = tpu.memref_slice %arg8[%dma_start3A_571] : memref<1024xi32, #tpu.memory_space<vmem>> -> memref<512xi32, #tpu.memory_space<vmem>>
    %dma_start3A_573 = arith.constant 7680 : i32
    %dma_start3A_574 = tpu.memref_slice %arg2[%dma_start3A_573] : memref<8192xi32, #tpu.memory_space<hbm>> -> memref<512xi32, #tpu.memory_space<hbm>>
    %dma_start3A_575 = arith.constant 512 : i32
    %dma_start3A_576 = tpu.memref_slice %arg8[%dma_start3A_575] : memref<1024xi32, #tpu.memory_space<vmem>> -> memref<512xi32, #tpu.memory_space<vmem>>
    %dma_start3A_577 = arith.constant 7680 : i32
    %dma_start3A_578 = tpu.memref_slice %arg2[%dma_start3A_577] : memref<8192xi32, #tpu.memory_space<hbm>> -> memref<512xi32, #tpu.memory_space<hbm>>
    tpu.enqueue_dma source(%dma_start3A_578 : memref<512xi32, #tpu.memory_space<hbm>>) target(%dma_start3A_576 : memref<512xi32, #tpu.memory_space<vmem>>) target_semaphore(%arg19 : memref<!tpu.dma_semaphore, #tpu.memory_space<semaphore_mem>>)
    %dma_start3A_579 = arith.constant 512 : i32
    %dma_start3A_580 = tpu.memref_slice %arg9[%dma_start3A_579] : memref<1024xi32, #tpu.memory_space<vmem>> -> memref<512xi32, #tpu.memory_space<vmem>>
    %dma_start3A_581 = arith.constant 7680 : i32
    %dma_start3A_582 = tpu.memref_slice %arg3[%dma_start3A_581] : memref<8192xi32, #tpu.memory_space<hbm>> -> memref<512xi32, #tpu.memory_space<hbm>>
    %dma_start3A_583 = arith.constant 512 : i32
    %dma_start3A_584 = tpu.memref_slice %arg9[%dma_start3A_583] : memref<1024xi32, #tpu.memory_space<vmem>> -> memref<512xi32, #tpu.memory_space<vmem>>
    %dma_start3A_585 = arith.constant 7680 : i32
    %dma_start3A_586 = tpu.memref_slice %arg3[%dma_start3A_585] : memref<8192xi32, #tpu.memory_space<hbm>> -> memref<512xi32, #tpu.memory_space<hbm>>
    tpu.enqueue_dma source(%dma_start3A_586 : memref<512xi32, #tpu.memory_space<hbm>>) target(%dma_start3A_584 : memref<512xi32, #tpu.memory_space<vmem>>) target_semaphore(%arg19 : memref<!tpu.dma_semaphore, #tpu.memory_space<semaphore_mem>>)
    %scan3A_587 = arith.constant 0 : i32
    %scan3A_588 = arith.constant 0 : i32
    %scan3A_589 = arith.constant 8 : i32
    %scan3A_590 = arith.addi %scan3A_588, %scan3A_589 : i32
    %scan3A_591 = arith.constant 1 : i32
    scf.for %scan3A_650 = %scan3A_588 to %scan3A_590 step %scan3A_591  : i32 {
      %mul3A_651 = arith.constant 64 : i32
      %mul3A_652 = arith.muli %scan3A_650, %mul3A_651 : i32
      %add3A_653 = arith.constant 0 : i32
      %add3A_654 = arith.addi %mul3A_652, %add3A_653 : i32
      %get3A = arith.constant 0 : i32
      %get3A_655 = tpu.memref_slice %arg8[%get3A] : memref<1024xi32, #tpu.memory_space<vmem>> -> memref<512xi32, #tpu.memory_space<vmem>>
      %get3A_656 = arith.index_cast %add3A_654 : i32 to index
      %get3A_657 = tpu.vector_load %get3A_655[%get3A_656] {strides = array<i32>} : memref<512xi32, #tpu.memory_space<vmem>>, vector<16xi32>,
      %get3A_658 = arith.constant 0 : i32
      %get3A_659 = tpu.memref_slice %arg9[%get3A_658] : memref<1024xi32, #tpu.memory_space<vmem>> -> memref<512xi32, #tpu.memory_space<vmem>>
      %get3A_660 = arith.index_cast %add3A_654 : i32 to index
      %get3A_661 = tpu.vector_load %get3A_659[%get3A_660] {strides = array<i32>} : memref<512xi32, #tpu.memory_space<vmem>>, vector<16xi32>,
      %mul3A_662 = arith.constant 256 : i32
      %mul3A_663 = vector.broadcast %mul3A_662 : i32 to vector<16xi32>
      %mul3A_664 = arith.muli %get3A_657, %mul3A_663 : vector<16xi32>
      %add3A_665 = arith.addi %mul3A_664, %get3A_661 : vector<16xi32>
      %add3A_666 = arith.constant 7169 : i32
      %add3A_667 = vector.broadcast %add3A_666 : i32 to vector<16xi32>
      %add3A_668 = arith.addi %iota3A, %add3A_667 : vector<16xi32>
      %add3A_669 = vector.broadcast %add3A_654 : i32 to vector<16xi32>
      %add3A_670 = arith.addi %add3A_668, %add3A_669 : vector<16xi32>
      %and3A = arith.constant 1 : i32
      %and3A_671 = vector.broadcast %and3A : i32 to vector<16xi32>
      %and3A_672 = arith.andi %add3A_665, %and3A_671 : vector<16xi32>
      %mul3A_673 = arith.constant 16 : i32
      %mul3A_674 = vector.broadcast %mul3A_673 : i32 to vector<16xi32>
      %mul3A_675 = arith.muli %and3A_672, %mul3A_674 : vector<16xi32>
      %shift_left3A = arith.shli %add3A_670, %mul3A_675 : vector<16xi32>
      %shift_right_arithmetic3A = arith.constant 1 : i32
      %shift_right_arithmetic3A_676 = vector.broadcast %shift_right_arithmetic3A : i32 to vector<16xi32>
      %shift_right_arithmetic3A_677 = arith.shrsi %add3A_665, %shift_right_arithmetic3A_676 : vector<16xi32>
      tpu.vector_store_idx %arg7[%shift_right_arithmetic3A_677], %shift_left3A {add = true} : memref<32768xi32, #tpu.memory_space<vmem>>[vector<16xi32>], vector<16xi32>,
      %mul3A_678 = arith.constant 64 : i32
      %mul3A_679 = arith.muli %scan3A_650, %mul3A_678 : i32
      %add3A_680 = arith.constant 16 : i32
      %add3A_681 = arith.addi %mul3A_679, %add3A_680 : i32
      %get3A_682 = arith.constant 0 : i32
      %get3A_683 = tpu.memref_slice %arg8[%get3A_682] : memref<1024xi32, #tpu.memory_space<vmem>> -> memref<512xi32, #tpu.memory_space<vmem>>
      %get3A_684 = arith.index_cast %add3A_681 : i32 to index
      %get3A_685 = tpu.vector_load %get3A_683[%get3A_684] {strides = array<i32>} : memref<512xi32, #tpu.memory_space<vmem>>, vector<16xi32>,
      %get3A_686 = arith.constant 0 : i32
      %get3A_687 = tpu.memref_slice %arg9[%get3A_686] : memref<1024xi32, #tpu.memory_space<vmem>> -> memref<512xi32, #tpu.memory_space<vmem>>
      %get3A_688 = arith.index_cast %add3A_681 : i32 to index
      %get3A_689 = tpu.vector_load %get3A_687[%get3A_688] {strides = array<i32>} : memref<512xi32, #tpu.memory_space<vmem>>, vector<16xi32>,
      %mul3A_690 = arith.constant 256 : i32
      %mul3A_691 = vector.broadcast %mul3A_690 : i32 to vector<16xi32>
      %mul3A_692 = arith.muli %get3A_685, %mul3A_691 : vector<16xi32>
      %add3A_693 = arith.addi %mul3A_692, %get3A_689 : vector<16xi32>
      %add3A_694 = arith.constant 7169 : i32
      %add3A_695 = vector.broadcast %add3A_694 : i32 to vector<16xi32>
      %add3A_696 = arith.addi %iota3A, %add3A_695 : vector<16xi32>
      %add3A_697 = vector.broadcast %add3A_681 : i32 to vector<16xi32>
      %add3A_698 = arith.addi %add3A_696, %add3A_697 : vector<16xi32>
      %and3A_699 = arith.constant 1 : i32
      %and3A_700 = vector.broadcast %and3A_699 : i32 to vector<16xi32>
      %and3A_701 = arith.andi %add3A_693, %and3A_700 : vector<16xi32>
      %mul3A_702 = arith.constant 16 : i32
      %mul3A_703 = vector.broadcast %mul3A_702 : i32 to vector<16xi32>
      %mul3A_704 = arith.muli %and3A_701, %mul3A_703 : vector<16xi32>
      %shift_left3A_705 = arith.shli %add3A_698, %mul3A_704 : vector<16xi32>
      %shift_right_arithmetic3A_706 = arith.constant 1 : i32
      %shift_right_arithmetic3A_707 = vector.broadcast %shift_right_arithmetic3A_706 : i32 to vector<16xi32>
      %shift_right_arithmetic3A_708 = arith.shrsi %add3A_693, %shift_right_arithmetic3A_707 : vector<16xi32>
      tpu.vector_store_idx %arg7[%shift_right_arithmetic3A_708], %shift_left3A_705 {add = true} : memref<32768xi32, #tpu.memory_space<vmem>>[vector<16xi32>], vector<16xi32>,
      %mul3A_709 = arith.constant 64 : i32
      %mul3A_710 = arith.muli %scan3A_650, %mul3A_709 : i32
      %add3A_711 = arith.constant 32 : i32
      %add3A_712 = arith.addi %mul3A_710, %add3A_711 : i32
      %get3A_713 = arith.constant 0 : i32
      %get3A_714 = tpu.memref_slice %arg8[%get3A_713] : memref<1024xi32, #tpu.memory_space<vmem>> -> memref<512xi32, #tpu.memory_space<vmem>>
      %get3A_715 = arith.index_cast %add3A_712 : i32 to index
      %get3A_716 = tpu.vector_load %get3A_714[%get3A_715] {strides = array<i32>} : memref<512xi32, #tpu.memory_space<vmem>>, vector<16xi32>,
      %get3A_717 = arith.constant 0 : i32
      %get3A_718 = tpu.memref_slice %arg9[%get3A_717] : memref<1024xi32, #tpu.memory_space<vmem>> -> memref<512xi32, #tpu.memory_space<vmem>>
      %get3A_719 = arith.index_cast %add3A_712 : i32 to index
      %get3A_720 = tpu.vector_load %get3A_718[%get3A_719] {strides = array<i32>} : memref<512xi32, #tpu.memory_space<vmem>>, vector<16xi32>,
      %mul3A_721 = arith.constant 256 : i32
      %mul3A_722 = vector.broadcast %mul3A_721 : i32 to vector<16xi32>
      %mul3A_723 = arith.muli %get3A_716, %mul3A_722 : vector<16xi32>
      %add3A_724 = arith.addi %mul3A_723, %get3A_720 : vector<16xi32>
      %add3A_725 = arith.constant 7169 : i32
      %add3A_726 = vector.broadcast %add3A_725 : i32 to vector<16xi32>
      %add3A_727 = arith.addi %iota3A, %add3A_726 : vector<16xi32>
      %add3A_728 = vector.broadcast %add3A_712 : i32 to vector<16xi32>
      %add3A_729 = arith.addi %add3A_727, %add3A_728 : vector<16xi32>
      %and3A_730 = arith.constant 1 : i32
      %and3A_731 = vector.broadcast %and3A_730 : i32 to vector<16xi32>
      %and3A_732 = arith.andi %add3A_724, %and3A_731 : vector<16xi32>
      %mul3A_733 = arith.constant 16 : i32
      %mul3A_734 = vector.broadcast %mul3A_733 : i32 to vector<16xi32>
      %mul3A_735 = arith.muli %and3A_732, %mul3A_734 : vector<16xi32>
      %shift_left3A_736 = arith.shli %add3A_729, %mul3A_735 : vector<16xi32>
      %shift_right_arithmetic3A_737 = arith.constant 1 : i32
      %shift_right_arithmetic3A_738 = vector.broadcast %shift_right_arithmetic3A_737 : i32 to vector<16xi32>
      %shift_right_arithmetic3A_739 = arith.shrsi %add3A_724, %shift_right_arithmetic3A_738 : vector<16xi32>
      tpu.vector_store_idx %arg7[%shift_right_arithmetic3A_739], %shift_left3A_736 {add = true} : memref<32768xi32, #tpu.memory_space<vmem>>[vector<16xi32>], vector<16xi32>,
      %mul3A_740 = arith.constant 64 : i32
      %mul3A_741 = arith.muli %scan3A_650, %mul3A_740 : i32
      %add3A_742 = arith.constant 48 : i32
      %add3A_743 = arith.addi %mul3A_741, %add3A_742 : i32
      %get3A_744 = arith.constant 0 : i32
      %get3A_745 = tpu.memref_slice %arg8[%get3A_744] : memref<1024xi32, #tpu.memory_space<vmem>> -> memref<512xi32, #tpu.memory_space<vmem>>
      %get3A_746 = arith.index_cast %add3A_743 : i32 to index
      %get3A_747 = tpu.vector_load %get3A_745[%get3A_746] {strides = array<i32>} : memref<512xi32, #tpu.memory_space<vmem>>, vector<16xi32>,
      %get3A_748 = arith.constant 0 : i32
      %get3A_749 = tpu.memref_slice %arg9[%get3A_748] : memref<1024xi32, #tpu.memory_space<vmem>> -> memref<512xi32, #tpu.memory_space<vmem>>
      %get3A_750 = arith.index_cast %add3A_743 : i32 to index
      %get3A_751 = tpu.vector_load %get3A_749[%get3A_750] {strides = array<i32>} : memref<512xi32, #tpu.memory_space<vmem>>, vector<16xi32>,
      %mul3A_752 = arith.constant 256 : i32
      %mul3A_753 = vector.broadcast %mul3A_752 : i32 to vector<16xi32>
      %mul3A_754 = arith.muli %get3A_747, %mul3A_753 : vector<16xi32>
      %add3A_755 = arith.addi %mul3A_754, %get3A_751 : vector<16xi32>
      %add3A_756 = arith.constant 7169 : i32
      %add3A_757 = vector.broadcast %add3A_756 : i32 to vector<16xi32>
      %add3A_758 = arith.addi %iota3A, %add3A_757 : vector<16xi32>
      %add3A_759 = vector.broadcast %add3A_743 : i32 to vector<16xi32>
      %add3A_760 = arith.addi %add3A_758, %add3A_759 : vector<16xi32>
      %and3A_761 = arith.constant 1 : i32
      %and3A_762 = vector.broadcast %and3A_761 : i32 to vector<16xi32>
      %and3A_763 = arith.andi %add3A_755, %and3A_762 : vector<16xi32>
      %mul3A_764 = arith.constant 16 : i32
      %mul3A_765 = vector.broadcast %mul3A_764 : i32 to vector<16xi32>
      %mul3A_766 = arith.muli %and3A_763, %mul3A_765 : vector<16xi32>
      %shift_left3A_767 = arith.shli %add3A_760, %mul3A_766 : vector<16xi32>
      %shift_right_arithmetic3A_768 = arith.constant 1 : i32
      %shift_right_arithmetic3A_769 = vector.broadcast %shift_right_arithmetic3A_768 : i32 to vector<16xi32>
      %shift_right_arithmetic3A_770 = arith.shrsi %add3A_755, %shift_right_arithmetic3A_769 : vector<16xi32>
      tpu.vector_store_idx %arg7[%shift_right_arithmetic3A_770], %shift_left3A_767 {add = true} : memref<32768xi32, #tpu.memory_space<vmem>>[vector<16xi32>], vector<16xi32>,
    }
    %scan3A_592 = arith.constant 8 : i32
    %dma_wait3A_593 = arith.constant 512 : i32
    %dma_wait3A_594 = tpu.memref_slice %arg8[%dma_wait3A_593] : memref<1024xi32, #tpu.memory_space<vmem>> -> memref<512xi32, #tpu.memory_space<vmem>>
    %dma_wait3A_595 = arith.constant 7680 : i32
    %dma_wait3A_596 = tpu.memref_slice %arg2[%dma_wait3A_595] : memref<8192xi32, #tpu.memory_space<hbm>> -> memref<512xi32, #tpu.memory_space<hbm>>
    %dma_wait3A_597 = arith.constant 512 : i32
    %dma_wait3A_598 = tpu.memref_slice %arg8[%dma_wait3A_597] : memref<1024xi32, #tpu.memory_space<vmem>> -> memref<512xi32, #tpu.memory_space<vmem>>
    %dma_wait3A_599 = arith.constant 7680 : i32
    %dma_wait3A_600 = tpu.memref_slice %arg2[%dma_wait3A_599] : memref<8192xi32, #tpu.memory_space<hbm>> -> memref<512xi32, #tpu.memory_space<hbm>>
    tpu.wait_dma2 semaphore(%arg19 : memref<!tpu.dma_semaphore, #tpu.memory_space<semaphore_mem>>) src(%dma_wait3A_600 : memref<512xi32, #tpu.memory_space<hbm>>) dst(%dma_wait3A_598 : memref<512xi32, #tpu.memory_space<vmem>>)
    %dma_wait3A_601 = arith.constant 512 : i32
    %dma_wait3A_602 = tpu.memref_slice %arg9[%dma_wait3A_601] : memref<1024xi32, #tpu.memory_space<vmem>> -> memref<512xi32, #tpu.memory_space<vmem>>
    %dma_wait3A_603 = arith.constant 7680 : i32
    %dma_wait3A_604 = tpu.memref_slice %arg3[%dma_wait3A_603] : memref<8192xi32, #tpu.memory_space<hbm>> -> memref<512xi32, #tpu.memory_space<hbm>>
    %dma_wait3A_605 = arith.constant 512 : i32
    %dma_wait3A_606 = tpu.memref_slice %arg9[%dma_wait3A_605] : memref<1024xi32, #tpu.memory_space<vmem>> -> memref<512xi32, #tpu.memory_space<vmem>>
    %dma_wait3A_607 = arith.constant 7680 : i32
    %dma_wait3A_608 = tpu.memref_slice %arg3[%dma_wait3A_607] : memref<8192xi32, #tpu.memory_space<hbm>> -> memref<512xi32, #tpu.memory_space<hbm>>
    tpu.wait_dma2 semaphore(%arg19 : memref<!tpu.dma_semaphore, #tpu.memory_space<semaphore_mem>>) src(%dma_wait3A_608 : memref<512xi32, #tpu.memory_space<hbm>>) dst(%dma_wait3A_606 : memref<512xi32, #tpu.memory_space<vmem>>)
    %scan3A_609 = arith.constant 0 : i32
    %scan3A_610 = arith.constant 0 : i32
    %scan3A_611 = arith.constant 8 : i32
    %scan3A_612 = arith.addi %scan3A_610, %scan3A_611 : i32
    %scan3A_613 = arith.constant 1 : i32
    scf.for %scan3A_650 = %scan3A_610 to %scan3A_612 step %scan3A_613  : i32 {
      %mul3A_651 = arith.constant 64 : i32
      %mul3A_652 = arith.muli %scan3A_650, %mul3A_651 : i32
      %add3A_653 = arith.constant 0 : i32
      %add3A_654 = arith.addi %mul3A_652, %add3A_653 : i32
      %get3A = arith.constant 512 : i32
      %get3A_655 = tpu.memref_slice %arg8[%get3A] : memref<1024xi32, #tpu.memory_space<vmem>> -> memref<512xi32, #tpu.memory_space<vmem>>
      %get3A_656 = arith.index_cast %add3A_654 : i32 to index
      %get3A_657 = tpu.vector_load %get3A_655[%get3A_656] {strides = array<i32>} : memref<512xi32, #tpu.memory_space<vmem>>, vector<16xi32>,
      %get3A_658 = arith.constant 512 : i32
      %get3A_659 = tpu.memref_slice %arg9[%get3A_658] : memref<1024xi32, #tpu.memory_space<vmem>> -> memref<512xi32, #tpu.memory_space<vmem>>
      %get3A_660 = arith.index_cast %add3A_654 : i32 to index
      %get3A_661 = tpu.vector_load %get3A_659[%get3A_660] {strides = array<i32>} : memref<512xi32, #tpu.memory_space<vmem>>, vector<16xi32>,
      %mul3A_662 = arith.constant 256 : i32
      %mul3A_663 = vector.broadcast %mul3A_662 : i32 to vector<16xi32>
      %mul3A_664 = arith.muli %get3A_657, %mul3A_663 : vector<16xi32>
      %add3A_665 = arith.addi %mul3A_664, %get3A_661 : vector<16xi32>
      %add3A_666 = arith.constant 7681 : i32
      %add3A_667 = vector.broadcast %add3A_666 : i32 to vector<16xi32>
      %add3A_668 = arith.addi %iota3A, %add3A_667 : vector<16xi32>
      %add3A_669 = vector.broadcast %add3A_654 : i32 to vector<16xi32>
      %add3A_670 = arith.addi %add3A_668, %add3A_669 : vector<16xi32>
      %and3A = arith.constant 1 : i32
      %and3A_671 = vector.broadcast %and3A : i32 to vector<16xi32>
      %and3A_672 = arith.andi %add3A_665, %and3A_671 : vector<16xi32>
      %mul3A_673 = arith.constant 16 : i32
      %mul3A_674 = vector.broadcast %mul3A_673 : i32 to vector<16xi32>
      %mul3A_675 = arith.muli %and3A_672, %mul3A_674 : vector<16xi32>
      %shift_left3A = arith.shli %add3A_670, %mul3A_675 : vector<16xi32>
      %shift_right_arithmetic3A = arith.constant 1 : i32
      %shift_right_arithmetic3A_676 = vector.broadcast %shift_right_arithmetic3A : i32 to vector<16xi32>
      %shift_right_arithmetic3A_677 = arith.shrsi %add3A_665, %shift_right_arithmetic3A_676 : vector<16xi32>
      tpu.vector_store_idx %arg7[%shift_right_arithmetic3A_677], %shift_left3A {add = true} : memref<32768xi32, #tpu.memory_space<vmem>>[vector<16xi32>], vector<16xi32>,
      %mul3A_678 = arith.constant 64 : i32
      %mul3A_679 = arith.muli %scan3A_650, %mul3A_678 : i32
      %add3A_680 = arith.constant 16 : i32
      %add3A_681 = arith.addi %mul3A_679, %add3A_680 : i32
      %get3A_682 = arith.constant 512 : i32
      %get3A_683 = tpu.memref_slice %arg8[%get3A_682] : memref<1024xi32, #tpu.memory_space<vmem>> -> memref<512xi32, #tpu.memory_space<vmem>>
      %get3A_684 = arith.index_cast %add3A_681 : i32 to index
      %get3A_685 = tpu.vector_load %get3A_683[%get3A_684] {strides = array<i32>} : memref<512xi32, #tpu.memory_space<vmem>>, vector<16xi32>,
      %get3A_686 = arith.constant 512 : i32
      %get3A_687 = tpu.memref_slice %arg9[%get3A_686] : memref<1024xi32, #tpu.memory_space<vmem>> -> memref<512xi32, #tpu.memory_space<vmem>>
      %get3A_688 = arith.index_cast %add3A_681 : i32 to index
      %get3A_689 = tpu.vector_load %get3A_687[%get3A_688] {strides = array<i32>} : memref<512xi32, #tpu.memory_space<vmem>>, vector<16xi32>,
      %mul3A_690 = arith.constant 256 : i32
      %mul3A_691 = vector.broadcast %mul3A_690 : i32 to vector<16xi32>
      %mul3A_692 = arith.muli %get3A_685, %mul3A_691 : vector<16xi32>
      %add3A_693 = arith.addi %mul3A_692, %get3A_689 : vector<16xi32>
      %add3A_694 = arith.constant 7681 : i32
      %add3A_695 = vector.broadcast %add3A_694 : i32 to vector<16xi32>
      %add3A_696 = arith.addi %iota3A, %add3A_695 : vector<16xi32>
      %add3A_697 = vector.broadcast %add3A_681 : i32 to vector<16xi32>
      %add3A_698 = arith.addi %add3A_696, %add3A_697 : vector<16xi32>
      %and3A_699 = arith.constant 1 : i32
      %and3A_700 = vector.broadcast %and3A_699 : i32 to vector<16xi32>
      %and3A_701 = arith.andi %add3A_693, %and3A_700 : vector<16xi32>
      %mul3A_702 = arith.constant 16 : i32
      %mul3A_703 = vector.broadcast %mul3A_702 : i32 to vector<16xi32>
      %mul3A_704 = arith.muli %and3A_701, %mul3A_703 : vector<16xi32>
      %shift_left3A_705 = arith.shli %add3A_698, %mul3A_704 : vector<16xi32>
      %shift_right_arithmetic3A_706 = arith.constant 1 : i32
      %shift_right_arithmetic3A_707 = vector.broadcast %shift_right_arithmetic3A_706 : i32 to vector<16xi32>
      %shift_right_arithmetic3A_708 = arith.shrsi %add3A_693, %shift_right_arithmetic3A_707 : vector<16xi32>
      tpu.vector_store_idx %arg7[%shift_right_arithmetic3A_708], %shift_left3A_705 {add = true} : memref<32768xi32, #tpu.memory_space<vmem>>[vector<16xi32>], vector<16xi32>,
      %mul3A_709 = arith.constant 64 : i32
      %mul3A_710 = arith.muli %scan3A_650, %mul3A_709 : i32
      %add3A_711 = arith.constant 32 : i32
      %add3A_712 = arith.addi %mul3A_710, %add3A_711 : i32
      %get3A_713 = arith.constant 512 : i32
      %get3A_714 = tpu.memref_slice %arg8[%get3A_713] : memref<1024xi32, #tpu.memory_space<vmem>> -> memref<512xi32, #tpu.memory_space<vmem>>
      %get3A_715 = arith.index_cast %add3A_712 : i32 to index
      %get3A_716 = tpu.vector_load %get3A_714[%get3A_715] {strides = array<i32>} : memref<512xi32, #tpu.memory_space<vmem>>, vector<16xi32>,
      %get3A_717 = arith.constant 512 : i32
      %get3A_718 = tpu.memref_slice %arg9[%get3A_717] : memref<1024xi32, #tpu.memory_space<vmem>> -> memref<512xi32, #tpu.memory_space<vmem>>
      %get3A_719 = arith.index_cast %add3A_712 : i32 to index
      %get3A_720 = tpu.vector_load %get3A_718[%get3A_719] {strides = array<i32>} : memref<512xi32, #tpu.memory_space<vmem>>, vector<16xi32>,
      %mul3A_721 = arith.constant 256 : i32
      %mul3A_722 = vector.broadcast %mul3A_721 : i32 to vector<16xi32>
      %mul3A_723 = arith.muli %get3A_716, %mul3A_722 : vector<16xi32>
      %add3A_724 = arith.addi %mul3A_723, %get3A_720 : vector<16xi32>
      %add3A_725 = arith.constant 7681 : i32
      %add3A_726 = vector.broadcast %add3A_725 : i32 to vector<16xi32>
      %add3A_727 = arith.addi %iota3A, %add3A_726 : vector<16xi32>
      %add3A_728 = vector.broadcast %add3A_712 : i32 to vector<16xi32>
      %add3A_729 = arith.addi %add3A_727, %add3A_728 : vector<16xi32>
      %and3A_730 = arith.constant 1 : i32
      %and3A_731 = vector.broadcast %and3A_730 : i32 to vector<16xi32>
      %and3A_732 = arith.andi %add3A_724, %and3A_731 : vector<16xi32>
      %mul3A_733 = arith.constant 16 : i32
      %mul3A_734 = vector.broadcast %mul3A_733 : i32 to vector<16xi32>
      %mul3A_735 = arith.muli %and3A_732, %mul3A_734 : vector<16xi32>
      %shift_left3A_736 = arith.shli %add3A_729, %mul3A_735 : vector<16xi32>
      %shift_right_arithmetic3A_737 = arith.constant 1 : i32
      %shift_right_arithmetic3A_738 = vector.broadcast %shift_right_arithmetic3A_737 : i32 to vector<16xi32>
      %shift_right_arithmetic3A_739 = arith.shrsi %add3A_724, %shift_right_arithmetic3A_738 : vector<16xi32>
      tpu.vector_store_idx %arg7[%shift_right_arithmetic3A_739], %shift_left3A_736 {add = true} : memref<32768xi32, #tpu.memory_space<vmem>>[vector<16xi32>], vector<16xi32>,
      %mul3A_740 = arith.constant 64 : i32
      %mul3A_741 = arith.muli %scan3A_650, %mul3A_740 : i32
      %add3A_742 = arith.constant 48 : i32
      %add3A_743 = arith.addi %mul3A_741, %add3A_742 : i32
      %get3A_744 = arith.constant 512 : i32
      %get3A_745 = tpu.memref_slice %arg8[%get3A_744] : memref<1024xi32, #tpu.memory_space<vmem>> -> memref<512xi32, #tpu.memory_space<vmem>>
      %get3A_746 = arith.index_cast %add3A_743 : i32 to index
      %get3A_747 = tpu.vector_load %get3A_745[%get3A_746] {strides = array<i32>} : memref<512xi32, #tpu.memory_space<vmem>>, vector<16xi32>,
      %get3A_748 = arith.constant 512 : i32
      %get3A_749 = tpu.memref_slice %arg9[%get3A_748] : memref<1024xi32, #tpu.memory_space<vmem>> -> memref<512xi32, #tpu.memory_space<vmem>>
      %get3A_750 = arith.index_cast %add3A_743 : i32 to index
      %get3A_751 = tpu.vector_load %get3A_749[%get3A_750] {strides = array<i32>} : memref<512xi32, #tpu.memory_space<vmem>>, vector<16xi32>,
      %mul3A_752 = arith.constant 256 : i32
      %mul3A_753 = vector.broadcast %mul3A_752 : i32 to vector<16xi32>
      %mul3A_754 = arith.muli %get3A_747, %mul3A_753 : vector<16xi32>
      %add3A_755 = arith.addi %mul3A_754, %get3A_751 : vector<16xi32>
      %add3A_756 = arith.constant 7681 : i32
      %add3A_757 = vector.broadcast %add3A_756 : i32 to vector<16xi32>
      %add3A_758 = arith.addi %iota3A, %add3A_757 : vector<16xi32>
      %add3A_759 = vector.broadcast %add3A_743 : i32 to vector<16xi32>
      %add3A_760 = arith.addi %add3A_758, %add3A_759 : vector<16xi32>
      %and3A_761 = arith.constant 1 : i32
      %and3A_762 = vector.broadcast %and3A_761 : i32 to vector<16xi32>
      %and3A_763 = arith.andi %add3A_755, %and3A_762 : vector<16xi32>
      %mul3A_764 = arith.constant 16 : i32
      %mul3A_765 = vector.broadcast %mul3A_764 : i32 to vector<16xi32>
      %mul3A_766 = arith.muli %and3A_763, %mul3A_765 : vector<16xi32>
      %shift_left3A_767 = arith.shli %add3A_760, %mul3A_766 : vector<16xi32>
      %shift_right_arithmetic3A_768 = arith.constant 1 : i32
      %shift_right_arithmetic3A_769 = vector.broadcast %shift_right_arithmetic3A_768 : i32 to vector<16xi32>
      %shift_right_arithmetic3A_770 = arith.shrsi %add3A_755, %shift_right_arithmetic3A_769 : vector<16xi32>
      tpu.vector_store_idx %arg7[%shift_right_arithmetic3A_770], %shift_left3A_767 {add = true} : memref<32768xi32, #tpu.memory_space<vmem>>[vector<16xi32>], vector<16xi32>,
    }
    %scan3A_614 = arith.constant 8 : i32
    "tpu.trace_stop"() : () -> ()
    %mul3A_615 = arith.constant 256 : i32
    %mul3A_616 = arith.muli %add3A, %mul3A_615 : i32
    "tpu.trace_start"() <{level = 10 : i32, message = "sc_resolve"}> : () -> ()
    "tpu.region"() ({
      %run_scoped3A = tpu.sem_alloc : memref<!tpu.dma_semaphore, #tpu.memory_space<semaphore_mem>>
      %dma_start3A_650 = tpu.memref_slice %arg2[%mul3A_616] : memref<8192xi32, #tpu.memory_space<hbm>> -> memref<256xi32, #tpu.memory_space<hbm>>
      %dma_start3A_651 = tpu.memref_slice %arg2[%mul3A_616] : memref<8192xi32, #tpu.memory_space<hbm>> -> memref<256xi32, #tpu.memory_space<hbm>>
      tpu.enqueue_dma source(%dma_start3A_651 : memref<256xi32, #tpu.memory_space<hbm>>) target(%arg10 : memref<256xi32, #tpu.memory_space<vmem>>) target_semaphore(%run_scoped3A : memref<!tpu.dma_semaphore, #tpu.memory_space<semaphore_mem>>)
      %dma_wait3A_652 = tpu.memref_slice %arg2[%mul3A_616] : memref<8192xi32, #tpu.memory_space<hbm>> -> memref<256xi32, #tpu.memory_space<hbm>>
      %dma_wait3A_653 = tpu.memref_slice %arg2[%mul3A_616] : memref<8192xi32, #tpu.memory_space<hbm>> -> memref<256xi32, #tpu.memory_space<hbm>>
      tpu.wait_dma2 semaphore(%run_scoped3A : memref<!tpu.dma_semaphore, #tpu.memory_space<semaphore_mem>>) src(%dma_wait3A_653 : memref<256xi32, #tpu.memory_space<hbm>>) dst(%arg10 : memref<256xi32, #tpu.memory_space<vmem>>)
      tpu.yield
    }) : () -> ()
    "tpu.region"() ({
      %run_scoped3A = tpu.sem_alloc : memref<!tpu.dma_semaphore, #tpu.memory_space<semaphore_mem>>
      %dma_start3A_650 = tpu.memref_slice %arg3[%mul3A_616] : memref<8192xi32, #tpu.memory_space<hbm>> -> memref<256xi32, #tpu.memory_space<hbm>>
      %dma_start3A_651 = tpu.memref_slice %arg3[%mul3A_616] : memref<8192xi32, #tpu.memory_space<hbm>> -> memref<256xi32, #tpu.memory_space<hbm>>
      tpu.enqueue_dma source(%dma_start3A_651 : memref<256xi32, #tpu.memory_space<hbm>>) target(%arg11 : memref<256xi32, #tpu.memory_space<vmem>>) target_semaphore(%run_scoped3A : memref<!tpu.dma_semaphore, #tpu.memory_space<semaphore_mem>>)
      %dma_wait3A_652 = tpu.memref_slice %arg3[%mul3A_616] : memref<8192xi32, #tpu.memory_space<hbm>> -> memref<256xi32, #tpu.memory_space<hbm>>
      %dma_wait3A_653 = tpu.memref_slice %arg3[%mul3A_616] : memref<8192xi32, #tpu.memory_space<hbm>> -> memref<256xi32, #tpu.memory_space<hbm>>
      tpu.wait_dma2 semaphore(%run_scoped3A : memref<!tpu.dma_semaphore, #tpu.memory_space<semaphore_mem>>) src(%dma_wait3A_653 : memref<256xi32, #tpu.memory_space<hbm>>) dst(%arg11 : memref<256xi32, #tpu.memory_space<vmem>>)
      tpu.yield
    }) : () -> ()
    %scan3A_617 = arith.constant 0 : i32
    %scan3A_618 = arith.constant 0 : i32
    %scan3A_619 = arith.constant 16 : i32
    %scan3A_620 = arith.addi %scan3A_618, %scan3A_619 : i32
    %scan3A_621 = arith.constant 1 : i32
    scf.for %scan3A_650 = %scan3A_618 to %scan3A_620 step %scan3A_621  : i32 {
      %mul3A_651 = arith.constant 16 : i32
      %mul3A_652 = arith.muli %scan3A_650, %mul3A_651 : i32
      %get3A = arith.index_cast %mul3A_652 : i32 to index
      %get3A_653 = tpu.vector_load %arg11[%get3A] {strides = array<i32>} : memref<256xi32, #tpu.memory_space<vmem>>, vector<16xi32>,
      %mul3A_654 = arith.constant 256 : i32
      %mul3A_655 = vector.broadcast %mul3A_654 : i32 to vector<16xi32>
      %mul3A_656 = arith.muli %get3A_653, %mul3A_655 : vector<16xi32>
      %mul3A_657 = arith.constant 16 : i32
      %mul3A_658 = arith.muli %scan3A_650, %mul3A_657 : i32
      %get3A_659 = arith.index_cast %mul3A_658 : i32 to index
      %get3A_660 = tpu.vector_load %arg10[%get3A_659] {strides = array<i32>} : memref<256xi32, #tpu.memory_space<vmem>>, vector<16xi32>,
      %add3A_661 = arith.addi %mul3A_656, %get3A_660 : vector<16xi32>
      %shift_right_arithmetic3A = arith.constant 1 : i32
      %shift_right_arithmetic3A_662 = vector.broadcast %shift_right_arithmetic3A : i32 to vector<16xi32>
      %shift_right_arithmetic3A_663 = arith.shrsi %add3A_661, %shift_right_arithmetic3A_662 : vector<16xi32>
      %gather3A = tpu.vector_load_idx %arg7[%shift_right_arithmetic3A_663] : memref<32768xi32, #tpu.memory_space<vmem>>[vector<16xi32>], vector<16xi32>,
      %and3A = arith.constant 1 : i32
      %and3A_664 = vector.broadcast %and3A : i32 to vector<16xi32>
      %and3A_665 = arith.andi %add3A_661, %and3A_664 : vector<16xi32>
      %mul3A_666 = arith.constant 16 : i32
      %mul3A_667 = vector.broadcast %mul3A_666 : i32 to vector<16xi32>
      %mul3A_668 = arith.muli %and3A_665, %mul3A_667 : vector<16xi32>
      %shift_right_arithmetic3A_669 = arith.shrsi %gather3A, %mul3A_668 : vector<16xi32>
      %and3A_670 = arith.constant 65535 : i32
      %and3A_671 = vector.broadcast %and3A_670 : i32 to vector<16xi32>
      %and3A_672 = arith.andi %shift_right_arithmetic3A_669, %and3A_671 : vector<16xi32>
      %mul3A_673 = arith.constant 16 : i32
      %mul3A_674 = arith.muli %scan3A_650, %mul3A_673 : i32
      %swap3A = arith.index_cast %mul3A_674 : i32 to index
      %swap3A_675 = tpu.vector_load %arg12[%swap3A] {strides = array<i32>} : memref<256xi32, #tpu.memory_space<vmem>>, vector<16xi32>,
      tpu.vector_store %arg12[%swap3A], %and3A_672 {strides = array<i32>} : memref<256xi32, #tpu.memory_space<vmem>>, vector<16xi32>,
    }
    %scan3A_622 = arith.constant 16 : i32
    %eq3A_623 = arith.constant 0 : i32
    "tpu.trace_stop"() : () -> ()
    %eq3A_624 = arith.cmpi eq, %arg1, %eq3A_623 : i32
    %convert_element_type3A_625 = arith.extui %eq3A_624 : i1 to i32
    %cond3A_626 = arith.constant 0 : i32
    %cond3A_627 = arith.cmpi ne, %convert_element_type3A_625, %cond3A_626 : i32
    scf.if %cond3A_627 {
      %broadcast_in_dim3A_650 = arith.constant 0.000000e+00 : f32
      %broadcast_in_dim3A_651 = vector.broadcast %broadcast_in_dim3A_650 : f32 to vector<16xf32>
      %swap3A = arith.constant 0 : index
      %swap3A_652 = tpu.vector_load %arg14[%swap3A] {strides = array<i32>} : memref<128xf32, #tpu.memory_space<vmem>>, vector<16xf32>,
      tpu.vector_store %arg14[%swap3A], %broadcast_in_dim3A_651 {strides = array<i32>} : memref<128xf32, #tpu.memory_space<vmem>>, vector<16xf32>,
      %swap3A_653 = arith.constant 16 : index
      %swap3A_654 = tpu.vector_load %arg14[%swap3A_653] {strides = array<i32>} : memref<128xf32, #tpu.memory_space<vmem>>, vector<16xf32>,
      tpu.vector_store %arg14[%swap3A_653], %broadcast_in_dim3A_651 {strides = array<i32>} : memref<128xf32, #tpu.memory_space<vmem>>, vector<16xf32>,
      %swap3A_655 = arith.constant 32 : index
      %swap3A_656 = tpu.vector_load %arg14[%swap3A_655] {strides = array<i32>} : memref<128xf32, #tpu.memory_space<vmem>>, vector<16xf32>,
      tpu.vector_store %arg14[%swap3A_655], %broadcast_in_dim3A_651 {strides = array<i32>} : memref<128xf32, #tpu.memory_space<vmem>>, vector<16xf32>,
      %swap3A_657 = arith.constant 48 : index
      %swap3A_658 = tpu.vector_load %arg14[%swap3A_657] {strides = array<i32>} : memref<128xf32, #tpu.memory_space<vmem>>, vector<16xf32>,
      tpu.vector_store %arg14[%swap3A_657], %broadcast_in_dim3A_651 {strides = array<i32>} : memref<128xf32, #tpu.memory_space<vmem>>, vector<16xf32>,
      %swap3A_659 = arith.constant 64 : index
      %swap3A_660 = tpu.vector_load %arg14[%swap3A_659] {strides = array<i32>} : memref<128xf32, #tpu.memory_space<vmem>>, vector<16xf32>,
      tpu.vector_store %arg14[%swap3A_659], %broadcast_in_dim3A_651 {strides = array<i32>} : memref<128xf32, #tpu.memory_space<vmem>>, vector<16xf32>,
      %swap3A_661 = arith.constant 80 : index
      %swap3A_662 = tpu.vector_load %arg14[%swap3A_661] {strides = array<i32>} : memref<128xf32, #tpu.memory_space<vmem>>, vector<16xf32>,
      tpu.vector_store %arg14[%swap3A_661], %broadcast_in_dim3A_651 {strides = array<i32>} : memref<128xf32, #tpu.memory_space<vmem>>, vector<16xf32>,
      %swap3A_663 = arith.constant 96 : index
      %swap3A_664 = tpu.vector_load %arg14[%swap3A_663] {strides = array<i32>} : memref<128xf32, #tpu.memory_space<vmem>>, vector<16xf32>,
      tpu.vector_store %arg14[%swap3A_663], %broadcast_in_dim3A_651 {strides = array<i32>} : memref<128xf32, #tpu.memory_space<vmem>>, vector<16xf32>,
      %swap3A_665 = arith.constant 112 : index
      %swap3A_666 = tpu.vector_load %arg14[%swap3A_665] {strides = array<i32>} : memref<128xf32, #tpu.memory_space<vmem>>, vector<16xf32>,
      tpu.vector_store %arg14[%swap3A_665], %broadcast_in_dim3A_651 {strides = array<i32>} : memref<128xf32, #tpu.memory_space<vmem>>, vector<16xf32>,
      %run_scoped3A = arith.constant 0 : i32
      "tpu.region"() ({
        %run_scoped3A_670 = tpu.sem_alloc : memref<!tpu.dma_semaphore, #tpu.memory_space<semaphore_mem>>
        %dma_start3A_671 = arith.constant 0 : i32
        %dma_start3A_672 = tpu.memref_slice %arg15[%run_scoped3A, %dma_start3A_671] : memref<8193x128xf32, #tpu.memory_space<vmem_shared>> -> memref<1x128xf32, #tpu.memory_space<vmem_shared>>
        %dma_start3A_673 = tpu.memref_squeeze %dma_start3A_672 : memref<1x128xf32, #tpu.memory_space<vmem_shared>> -> memref<128xf32, #tpu.memory_space<vmem_shared>>
        %dma_start3A_674 = arith.constant 0 : i32
        %dma_start3A_675 = tpu.memref_slice %arg15[%run_scoped3A, %dma_start3A_674] : memref<8193x128xf32, #tpu.memory_space<vmem_shared>> -> memref<1x128xf32, #tpu.memory_space<vmem_shared>>
        %dma_start3A_676 = tpu.memref_squeeze %dma_start3A_675 : memref<1x128xf32, #tpu.memory_space<vmem_shared>> -> memref<128xf32, #tpu.memory_space<vmem_shared>>
        tpu.enqueue_dma source(%arg14 : memref<128xf32, #tpu.memory_space<vmem>>) target(%dma_start3A_676 : memref<128xf32, #tpu.memory_space<vmem_shared>>) target_semaphore(%run_scoped3A_670 : memref<!tpu.dma_semaphore, #tpu.memory_space<semaphore_mem>>)
        %dma_wait3A_677 = arith.constant 0 : i32
        %dma_wait3A_678 = tpu.memref_slice %arg15[%run_scoped3A, %dma_wait3A_677] : memref<8193x128xf32, #tpu.memory_space<vmem_shared>> -> memref<1x128xf32, #tpu.memory_space<vmem_shared>>
        %dma_wait3A_679 = tpu.memref_squeeze %dma_wait3A_678 : memref<1x128xf32, #tpu.memory_space<vmem_shared>> -> memref<128xf32, #tpu.memory_space<vmem_shared>>
        %dma_wait3A_680 = arith.constant 0 : i32
        %dma_wait3A_681 = tpu.memref_slice %arg15[%run_scoped3A, %dma_wait3A_680] : memref<8193x128xf32, #tpu.memory_space<vmem_shared>> -> memref<1x128xf32, #tpu.memory_space<vmem_shared>>
        %dma_wait3A_682 = tpu.memref_squeeze %dma_wait3A_681 : memref<1x128xf32, #tpu.memory_space<vmem_shared>> -> memref<128xf32, #tpu.memory_space<vmem_shared>>
        tpu.wait_dma2 semaphore(%run_scoped3A_670 : memref<!tpu.dma_semaphore, #tpu.memory_space<semaphore_mem>>) src(%arg14 : memref<128xf32, #tpu.memory_space<vmem>>) dst(%dma_wait3A_682 : memref<128xf32, #tpu.memory_space<vmem_shared>>)
        tpu.yield
      }) : () -> ()
      %dma_wait3A_667 = arith.constant 1 : i32
      %dma_wait3A_668 = arith.constant 0 : i32
      %dma_wait3A_669 = tpu.memref_slice %arg15[%dma_wait3A_667, %dma_wait3A_668] : memref<8193x128xf32, #tpu.memory_space<vmem_shared>> -> memref<8192x128xf32, #tpu.memory_space<vmem_shared>>
      tpu.wait_dma2 semaphore(%arg17 : memref<!tpu.dma_semaphore, #tpu.memory_space<semaphore_mem>>) src(%arg4 : memref<8192x128xf32, #tpu.memory_space<hbm>>) dst(%dma_wait3A_669 : memref<8192x128xf32, #tpu.memory_space<vmem_shared>>)
    } else {
    }
    %barrier3A = arith.constant 0 : index
    tpu.barrier barrier_id(%barrier3A)
    "tpu.trace_start"() <{level = 10 : i32, message = "sc_gather"}> : () -> ()
    %dma_start3A_628 = arith.constant 0 : i32
    %dma_start3A_629 = tpu.memref_slice %arg12[%dma_start3A_628] : memref<256xi32, #tpu.memory_space<vmem>> -> memref<128xi32, #tpu.memory_space<vmem>>
    %dma_start3A_630 = arith.constant 0 : i32
    %dma_start3A_631 = arith.constant 0 : i32
    %dma_start3A_632 = tpu.memref_slice %arg15[%dma_start3A_630, %dma_start3A_631] : memref<8193x128xf32, #tpu.memory_space<vmem_shared>> -> memref<8193x128xf32, #tpu.memory_space<vmem_shared>>
    tpu.enqueue_indirect_dma source(%dma_start3A_632 : memref<8193x128xf32, #tpu.memory_space<vmem_shared>>) target(%arg13 : memref<128x128xf32, #tpu.memory_space<vmem>>) offsets(%dma_start3A_629 : memref<128xi32, #tpu.memory_space<vmem>>) semaphore(%arg16 : memref<!tpu.dma_semaphore, #tpu.memory_space<semaphore_mem>>)
    "tpu.region"() ({
      %run_scoped3A = tpu.sem_alloc : memref<!tpu.dma_semaphore, #tpu.memory_space<semaphore_mem>>
      %dma_start3A_650 = tpu.memref_slice %arg5[%mul3A_616] : memref<8192xi32, #tpu.memory_space<hbm>> -> memref<256xi32, #tpu.memory_space<hbm>>
      %dma_start3A_651 = tpu.memref_slice %arg5[%mul3A_616] : memref<8192xi32, #tpu.memory_space<hbm>> -> memref<256xi32, #tpu.memory_space<hbm>>
      tpu.enqueue_dma source(%arg12 : memref<256xi32, #tpu.memory_space<vmem>>) target(%dma_start3A_651 : memref<256xi32, #tpu.memory_space<hbm>>) target_semaphore(%run_scoped3A : memref<!tpu.dma_semaphore, #tpu.memory_space<semaphore_mem>>)
      %dma_wait3A_652 = tpu.memref_slice %arg5[%mul3A_616] : memref<8192xi32, #tpu.memory_space<hbm>> -> memref<256xi32, #tpu.memory_space<hbm>>
      %dma_wait3A_653 = tpu.memref_slice %arg5[%mul3A_616] : memref<8192xi32, #tpu.memory_space<hbm>> -> memref<256xi32, #tpu.memory_space<hbm>>
      tpu.wait_dma2 semaphore(%run_scoped3A : memref<!tpu.dma_semaphore, #tpu.memory_space<semaphore_mem>>) src(%arg12 : memref<256xi32, #tpu.memory_space<vmem>>) dst(%dma_wait3A_653 : memref<256xi32, #tpu.memory_space<hbm>>)
      tpu.yield
    }) : () -> ()
    %dma_wait3A_633 = arith.constant 0 : i32
    %dma_wait3A_634 = tpu.memref_slice %arg12[%dma_wait3A_633] : memref<256xi32, #tpu.memory_space<vmem>> -> memref<128xi32, #tpu.memory_space<vmem>>
    %dma_wait3A_635 = arith.constant 0 : i32
    %dma_wait3A_636 = arith.constant 0 : i32
    %dma_wait3A_637 = tpu.memref_slice %arg15[%dma_wait3A_635, %dma_wait3A_636] : memref<8193x128xf32, #tpu.memory_space<vmem_shared>> -> memref<8193x128xf32, #tpu.memory_space<vmem_shared>>
    tpu.wait_indirect_dma semaphore(%arg16 : memref<!tpu.dma_semaphore, #tpu.memory_space<semaphore_mem>>) src(%dma_wait3A_637 : memref<8193x128xf32, #tpu.memory_space<vmem_shared>>) dst(%arg13 : memref<128x128xf32, #tpu.memory_space<vmem>>)
    "tpu.region"() ({
      %run_scoped3A = tpu.sem_alloc : memref<!tpu.dma_semaphore, #tpu.memory_space<semaphore_mem>>
      %dma_start3A_650 = arith.constant 0 : i32
      %dma_start3A_651 = tpu.memref_slice %arg6[%mul3A_616, %dma_start3A_650] : memref<8192x128xf32, #tpu.memory_space<hbm>> -> memref<128x128xf32, #tpu.memory_space<hbm>>
      %dma_start3A_652 = arith.constant 0 : i32
      %dma_start3A_653 = tpu.memref_slice %arg6[%mul3A_616, %dma_start3A_652] : memref<8192x128xf32, #tpu.memory_space<hbm>> -> memref<128x128xf32, #tpu.memory_space<hbm>>
      tpu.enqueue_dma source(%arg13 : memref<128x128xf32, #tpu.memory_space<vmem>>) target(%dma_start3A_653 : memref<128x128xf32, #tpu.memory_space<hbm>>) target_semaphore(%run_scoped3A : memref<!tpu.dma_semaphore, #tpu.memory_space<semaphore_mem>>)
      %dma_wait3A_654 = arith.constant 0 : i32
      %dma_wait3A_655 = tpu.memref_slice %arg6[%mul3A_616, %dma_wait3A_654] : memref<8192x128xf32, #tpu.memory_space<hbm>> -> memref<128x128xf32, #tpu.memory_space<hbm>>
      %dma_wait3A_656 = arith.constant 0 : i32
      %dma_wait3A_657 = tpu.memref_slice %arg6[%mul3A_616, %dma_wait3A_656] : memref<8192x128xf32, #tpu.memory_space<hbm>> -> memref<128x128xf32, #tpu.memory_space<hbm>>
      tpu.wait_dma2 semaphore(%run_scoped3A : memref<!tpu.dma_semaphore, #tpu.memory_space<semaphore_mem>>) src(%arg13 : memref<128x128xf32, #tpu.memory_space<vmem>>) dst(%dma_wait3A_657 : memref<128x128xf32, #tpu.memory_space<hbm>>)
      tpu.yield
    }) : () -> ()
    %dma_start3A_638 = arith.constant 128 : i32
    %dma_start3A_639 = tpu.memref_slice %arg12[%dma_start3A_638] : memref<256xi32, #tpu.memory_space<vmem>> -> memref<128xi32, #tpu.memory_space<vmem>>
    %dma_start3A_640 = arith.constant 0 : i32
    %dma_start3A_641 = arith.constant 0 : i32
    %dma_start3A_642 = tpu.memref_slice %arg15[%dma_start3A_640, %dma_start3A_641] : memref<8193x128xf32, #tpu.memory_space<vmem_shared>> -> memref<8193x128xf32, #tpu.memory_space<vmem_shared>>
    tpu.enqueue_indirect_dma source(%dma_start3A_642 : memref<8193x128xf32, #tpu.memory_space<vmem_shared>>) target(%arg13 : memref<128x128xf32, #tpu.memory_space<vmem>>) offsets(%dma_start3A_639 : memref<128xi32, #tpu.memory_space<vmem>>) semaphore(%arg16 : memref<!tpu.dma_semaphore, #tpu.memory_space<semaphore_mem>>)
    %dma_wait3A_643 = arith.constant 128 : i32
    %dma_wait3A_644 = tpu.memref_slice %arg12[%dma_wait3A_643] : memref<256xi32, #tpu.memory_space<vmem>> -> memref<128xi32, #tpu.memory_space<vmem>>
    %dma_wait3A_645 = arith.constant 0 : i32
    %dma_wait3A_646 = arith.constant 0 : i32
    %dma_wait3A_647 = tpu.memref_slice %arg15[%dma_wait3A_645, %dma_wait3A_646] : memref<8193x128xf32, #tpu.memory_space<vmem_shared>> -> memref<8193x128xf32, #tpu.memory_space<vmem_shared>>
    tpu.wait_indirect_dma semaphore(%arg16 : memref<!tpu.dma_semaphore, #tpu.memory_space<semaphore_mem>>) src(%dma_wait3A_647 : memref<8193x128xf32, #tpu.memory_space<vmem_shared>>) dst(%arg13 : memref<128x128xf32, #tpu.memory_space<vmem>>)
    %add3A_648 = arith.constant 128 : i32
    %add3A_649 = arith.addi %mul3A_616, %add3A_648 : i32
    "tpu.region"() ({
      %run_scoped3A = tpu.sem_alloc : memref<!tpu.dma_semaphore, #tpu.memory_space<semaphore_mem>>
      %dma_start3A_650 = arith.constant 0 : i32
      %dma_start3A_651 = tpu.memref_slice %arg6[%add3A_649, %dma_start3A_650] : memref<8192x128xf32, #tpu.memory_space<hbm>> -> memref<128x128xf32, #tpu.memory_space<hbm>>
      %dma_start3A_652 = arith.constant 0 : i32
      %dma_start3A_653 = tpu.memref_slice %arg6[%add3A_649, %dma_start3A_652] : memref<8192x128xf32, #tpu.memory_space<hbm>> -> memref<128x128xf32, #tpu.memory_space<hbm>>
      tpu.enqueue_dma source(%arg13 : memref<128x128xf32, #tpu.memory_space<vmem>>) target(%dma_start3A_653 : memref<128x128xf32, #tpu.memory_space<hbm>>) target_semaphore(%run_scoped3A : memref<!tpu.dma_semaphore, #tpu.memory_space<semaphore_mem>>)
      %dma_wait3A_654 = arith.constant 0 : i32
      %dma_wait3A_655 = tpu.memref_slice %arg6[%add3A_649, %dma_wait3A_654] : memref<8192x128xf32, #tpu.memory_space<hbm>> -> memref<128x128xf32, #tpu.memory_space<hbm>>
      %dma_wait3A_656 = arith.constant 0 : i32
      %dma_wait3A_657 = tpu.memref_slice %arg6[%add3A_649, %dma_wait3A_656] : memref<8192x128xf32, #tpu.memory_space<hbm>> -> memref<128x128xf32, #tpu.memory_space<hbm>>
      tpu.wait_dma2 semaphore(%run_scoped3A : memref<!tpu.dma_semaphore, #tpu.memory_space<semaphore_mem>>) src(%arg13 : memref<128x128xf32, #tpu.memory_space<vmem>>) dst(%dma_wait3A_657 : memref<128x128xf32, #tpu.memory_space<hbm>>)
      tpu.yield
    }) : () -> ()
    "tpu.trace_stop"() : () -> ()
    return
  }
}

module attributes {stable_mosaic.version = 14 : i64} {
  func.func @_k1a_body(%arg0: i32, %arg1: memref<256x128xf32, #tpu.memory_space<vmem>>, %arg2: memref<1024x128xf32, #tpu.memory_space<vmem>>, %arg3: memref<1x1x1024xi32, #tpu.memory_space<vmem>>, %arg4: memref<1x1x1024xi32, #tpu.memory_space<vmem>>, %arg5: memref<384x128xf32, #tpu.memory_space<vmem>>, %arg6: memref<128x128xf32, #tpu.memory_space<vmem>>, %arg7: memref<1x128xf32, #tpu.memory_space<vmem>>, %arg8: memref<1024x128xbf16, #tpu.memory_space<vmem>>, %arg9: memref<1024x128xbf16, #tpu.memory_space<vmem>>, %arg10: memref<256x128xf32, #tpu.memory_space<vmem>>) attributes {dimension_semantics = [#tpu.dimension_semantics<arbitrary>], iteration_bounds = array<i64: 8>, scalar_prefetch = 0 : i64, scratch_operands = 1 : i64, tpu.core_type = #tpu.core_type<tc>, window_params = [{pipeline_mode = #tpu.pipeline_mode<synchronous>, transform_indices = @transform_0, window_bounds = array<i64: 256, 128>}, {transform_indices = @transform_1, window_bounds = array<i64: 1024, 128>}, {transform_indices = @transform_2, window_bounds = array<i64: 1, 1, 1024>}, {transform_indices = @transform_3, window_bounds = array<i64: 1, 1, 1024>}, {pipeline_mode = #tpu.pipeline_mode<synchronous>, transform_indices = @transform_4, window_bounds = array<i64: 384, 128>}, {pipeline_mode = #tpu.pipeline_mode<synchronous>, transform_indices = @transform_5, window_bounds = array<i64: 128, 128>}, {pipeline_mode = #tpu.pipeline_mode<synchronous>, transform_indices = @transform_6, window_bounds = array<i64: 1, 128>}, {transform_indices = @transform_7, window_bounds = array<i64: 1024, 128>}, {transform_indices = @transform_8, window_bounds = array<i64: 1024, 128>}]} {
    %eq3A = arith.constant 0 : i32
    %eq3A_0 = arith.cmpi eq, %arg0, %eq3A : i32
    %convert_element_type3A = arith.extui %eq3A_0 : i1 to i32
    %cond3A = arith.constant 0 : i32
    %cond3A_1 = arith.cmpi ne, %convert_element_type3A, %cond3A : i32
    scf.if %cond3A_1 {
      %get3A_64 = arith.constant 0 : index
      %get3A_65 = arith.constant 0 : index
      %get3A_66 = vector.load %arg1[%get3A_64, %get3A_65] : memref<256x128xf32, #tpu.memory_space<vmem>>, vector<256x128xf32>
      %get3A_67 = arith.constant 0 : index
      %get3A_68 = arith.constant 0 : index
      %get3A_69 = vector.load %arg5[%get3A_67, %get3A_68] : memref<384x128xf32, #tpu.memory_space<vmem>>, vector<128x128xf32>
      %dot_general3A_70 = arith.constant dense<0.000000e+00> : vector<256x128xf32>
      %dot_general3A_71 = tpu.matmul %get3A_66, %get3A_69, %dot_general3A_70 {dimension_numbers = #tpu.dot_dimension_numbers<[1], [0], [0], [1], [0, 0, 1, 1], [], []>, transpose_lhs_hint = false} : vector<256x128xf32>, vector<128x128xf32>, vector<256x128xf32> -> vector<256x128xf32>
      %swap3A_72 = arith.constant 0 : index
      %swap3A_73 = arith.constant 0 : index
      %swap3A_74 = vector.load %arg10[%swap3A_72, %swap3A_73] : memref<256x128xf32, #tpu.memory_space<vmem>>, vector<256x128xf32>
      tpu.vector_store %arg10[%swap3A_72, %swap3A_73], %dot_general3A_71 {strides = array<i32>} : memref<256x128xf32, #tpu.memory_space<vmem>>, vector<256x128xf32>,
    } else {
    }
    %get3A = arith.constant 0 : index
    %get3A_2 = arith.constant 0 : index
    %get3A_3 = arith.constant 0 : index
    %get3A_4 = vector.load %arg3[%get3A, %get3A_2, %get3A_3] : memref<1x1x1024xi32, #tpu.memory_space<vmem>>, vector<1x1x1024xi32>
    %get3A_5 = vector.shape_cast %get3A_4 : vector<1x1x1024xi32> to vector<1x1024xi32>
    %get3A_6 = arith.constant 0 : index
    %get3A_7 = arith.constant 0 : index
    %get3A_8 = arith.constant 0 : index
    %get3A_9 = vector.load %arg4[%get3A_6, %get3A_7, %get3A_8] : memref<1x1x1024xi32, #tpu.memory_space<vmem>>, vector<1x1x1024xi32>
    %get3A_10 = vector.shape_cast %get3A_9 : vector<1x1x1024xi32> to vector<1x1024xi32>
    %iota3A = tpu.iota {dimensions = array<i32: 0>} : vector<256x1024xi32>
    %eq3A_11 = vector.broadcast %get3A_5 : vector<1x1024xi32> to vector<256x1024xi32>
    %eq3A_12 = arith.cmpi eq, %iota3A, %eq3A_11 : vector<256x1024xi32>
    %convert_element_type3A_13 = arith.extui %eq3A_12 : vector<256x1024xi1> to vector<256x1024xi32>
    %convert_element_type3A_14 = arith.sitofp %convert_element_type3A_13 : vector<256x1024xi32> to vector<256x1024xf32>
    %convert_element_type3A_15 = arith.truncf %convert_element_type3A_14 : vector<256x1024xf32> to vector<256x1024xbf16>
    %eq3A_16 = vector.broadcast %get3A_10 : vector<1x1024xi32> to vector<256x1024xi32>
    %eq3A_17 = arith.cmpi eq, %iota3A, %eq3A_16 : vector<256x1024xi32>
    %convert_element_type3A_18 = arith.extui %eq3A_17 : vector<256x1024xi1> to vector<256x1024xi32>
    %convert_element_type3A_19 = arith.sitofp %convert_element_type3A_18 : vector<256x1024xi32> to vector<256x1024xf32>
    %convert_element_type3A_20 = arith.truncf %convert_element_type3A_19 : vector<256x1024xf32> to vector<256x1024xbf16>
    %get3A_21 = arith.constant 0 : index
    %get3A_22 = arith.constant 0 : index
    %get3A_23 = vector.load %arg2[%get3A_21, %get3A_22] : memref<1024x128xf32, #tpu.memory_space<vmem>>, vector<1024x128xf32>
    %get3A_24 = arith.constant 128 : index
    %get3A_25 = arith.constant 0 : index
    %get3A_26 = vector.load %arg5[%get3A_24, %get3A_25] : memref<384x128xf32, #tpu.memory_space<vmem>>, vector<128x128xf32>
    %get3A_27 = arith.constant 256 : index
    %get3A_28 = arith.constant 0 : index
    %get3A_29 = vector.load %arg5[%get3A_27, %get3A_28] : memref<384x128xf32, #tpu.memory_space<vmem>>, vector<128x128xf32>
    %dot_general3A = arith.constant dense<0.000000e+00> : vector<1024x128xf32>
    %dot_general3A_30 = tpu.matmul %get3A_23, %get3A_26, %dot_general3A {dimension_numbers = #tpu.dot_dimension_numbers<[1], [0], [0], [1], [0, 0, 1, 1], [], []>, transpose_lhs_hint = false} : vector<1024x128xf32>, vector<128x128xf32>, vector<1024x128xf32> -> vector<1024x128xf32>
    %dot_general3A_31 = arith.constant dense<0.000000e+00> : vector<1024x128xf32>
    %dot_general3A_32 = tpu.matmul %get3A_23, %get3A_29, %dot_general3A_31 {dimension_numbers = #tpu.dot_dimension_numbers<[1], [0], [0], [1], [0, 0, 1, 1], [], []>, transpose_lhs_hint = false} : vector<1024x128xf32>, vector<128x128xf32>, vector<1024x128xf32> -> vector<1024x128xf32>
    %get3A_33 = arith.constant 0 : index
    %get3A_34 = arith.constant 0 : index
    %get3A_35 = vector.load %arg10[%get3A_33, %get3A_34] : memref<256x128xf32, #tpu.memory_space<vmem>>, vector<256x128xf32>
    %convert_element_type3A_36 = arith.truncf %get3A_35 : vector<256x128xf32> to vector<256x128xbf16>
    %dot_general3A_37 = arith.constant dense<0.000000e+00> : vector<1024x128xf32>
    %dot_general3A_38 = tpu.matmul %convert_element_type3A_15, %convert_element_type3A_36, %dot_general3A_37 {dimension_numbers = #tpu.dot_dimension_numbers<[0], [0], [1], [1], [0, 1, 1, 1], [], []>, transpose_lhs_hint = false} : vector<256x1024xbf16>, vector<256x128xbf16>, vector<1024x128xf32> -> vector<1024x128xf32>
    %dot_general3A_39 = arith.constant dense<0.000000e+00> : vector<1024x128xf32>
    %dot_general3A_40 = tpu.matmul %convert_element_type3A_20, %convert_element_type3A_36, %dot_general3A_39 {dimension_numbers = #tpu.dot_dimension_numbers<[0], [0], [1], [1], [0, 1, 1, 1], [], []>, transpose_lhs_hint = false} : vector<256x1024xbf16>, vector<256x128xbf16>, vector<1024x128xf32> -> vector<1024x128xf32>
    %get3A_41 = arith.constant 0 : index
    %get3A_42 = arith.constant 0 : index
    %get3A_43 = vector.load %arg7[%get3A_41, %get3A_42] : memref<1x128xf32, #tpu.memory_space<vmem>>, vector<1x128xf32>
    %add3A = arith.addf %dot_general3A_38, %dot_general3A_30 : vector<1024x128xf32>
    %convert_element_type3A_44 = arith.truncf %add3A : vector<1024x128xf32> to vector<1024x128xbf16>
    %swap3A = arith.constant 0 : index
    %swap3A_45 = arith.constant 0 : index
    %swap3A_46 = vector.load %arg8[%swap3A, %swap3A_45] : memref<1024x128xbf16, #tpu.memory_space<vmem>>, vector<1024x128xbf16>
    tpu.vector_store %arg8[%swap3A, %swap3A_45], %convert_element_type3A_44 {strides = array<i32>} : memref<1024x128xbf16, #tpu.memory_space<vmem>>, vector<1024x128xbf16>,
    %add3A_47 = arith.addf %dot_general3A_40, %dot_general3A_32 : vector<1024x128xf32>
    %max3A = arith.constant 0.000000e+00 : f32
    %max3A_48 = vector.broadcast %max3A : f32 to vector<1024x128xf32>
    %max3A_49 = arith.maximumf %add3A_47, %max3A_48 : vector<1024x128xf32>
    %get3A_50 = arith.constant 0 : index
    %get3A_51 = arith.constant 0 : index
    %get3A_52 = vector.load %arg6[%get3A_50, %get3A_51] : memref<128x128xf32, #tpu.memory_space<vmem>>, vector<128x128xf32>
    %dot_general3A_53 = arith.constant dense<0.000000e+00> : vector<1024x128xf32>
    %dot_general3A_54 = tpu.matmul %max3A_49, %get3A_52, %dot_general3A_53 {dimension_numbers = #tpu.dot_dimension_numbers<[1], [1], [0], [0], [0, 0, 1, 0], [], []>, transpose_lhs_hint = false} : vector<1024x128xf32>, vector<128x128xf32>, vector<1024x128xf32> -> vector<1024x128xf32>
    %add3A_55 = vector.broadcast %get3A_43 : vector<1x128xf32> to vector<1024x128xf32>
    %add3A_56 = arith.addf %dot_general3A_54, %add3A_55 : vector<1024x128xf32>
    %max3A_57 = arith.constant 0.000000e+00 : f32
    %max3A_58 = vector.broadcast %max3A_57 : f32 to vector<1024x128xf32>
    %max3A_59 = arith.maximumf %add3A_56, %max3A_58 : vector<1024x128xf32>
    %convert_element_type3A_60 = arith.truncf %max3A_59 : vector<1024x128xf32> to vector<1024x128xbf16>
    %swap3A_61 = arith.constant 0 : index
    %swap3A_62 = arith.constant 0 : index
    %swap3A_63 = vector.load %arg9[%swap3A_61, %swap3A_62] : memref<1024x128xbf16, #tpu.memory_space<vmem>>, vector<1024x128xbf16>
    tpu.vector_store %arg9[%swap3A_61, %swap3A_62], %convert_element_type3A_60 {strides = array<i32>} : memref<1024x128xbf16, #tpu.memory_space<vmem>>, vector<1024x128xbf16>,
    return
  }
  func.func @transform_0(%arg0: i32) -> (i32, i32) {
    %c0_i32 = arith.constant 0 : i32
    %c0_i32_0 = arith.constant 0 : i32
    %c0_i32_1 = arith.constant 0 : i32
    return %c0_i32, %c0_i32_0 : i32, i32
  }
  func.func @transform_1(%arg0: i32) -> (i32, i32) {
    %c0_i32 = arith.constant 0 : i32
    %c0_i32_0 = arith.constant 0 : i32
    return %arg0, %c0_i32 : i32, i32
  }
  func.func @transform_2(%arg0: i32) -> (i32, i32, i32) {
    %c0_i32 = arith.constant 0 : i32
    %c0_i32_0 = arith.constant 0 : i32
    %c0_i32_1 = arith.constant 0 : i32
    return %arg0, %c0_i32, %c0_i32_0 : i32, i32, i32
  }
  func.func @transform_3(%arg0: i32) -> (i32, i32, i32) {
    %c0_i32 = arith.constant 0 : i32
    %c0_i32_0 = arith.constant 0 : i32
    %c0_i32_1 = arith.constant 0 : i32
    return %arg0, %c0_i32, %c0_i32_0 : i32, i32, i32
  }
  func.func @transform_4(%arg0: i32) -> (i32, i32) {
    %c0_i32 = arith.constant 0 : i32
    %c0_i32_0 = arith.constant 0 : i32
    %c0_i32_1 = arith.constant 0 : i32
    return %c0_i32, %c0_i32_0 : i32, i32
  }
  func.func @transform_5(%arg0: i32) -> (i32, i32) {
    %c0_i32 = arith.constant 0 : i32
    %c0_i32_0 = arith.constant 0 : i32
    %c0_i32_1 = arith.constant 0 : i32
    return %c0_i32, %c0_i32_0 : i32, i32
  }
  func.func @transform_6(%arg0: i32) -> (i32, i32) {
    %c0_i32 = arith.constant 0 : i32
    %c0_i32_0 = arith.constant 0 : i32
    %c0_i32_1 = arith.constant 0 : i32
    return %c0_i32, %c0_i32_0 : i32, i32
  }
  func.func @transform_7(%arg0: i32) -> (i32, i32) {
    %c0_i32 = arith.constant 0 : i32
    %c0_i32_0 = arith.constant 0 : i32
    return %arg0, %c0_i32 : i32, i32
  }
  func.func @transform_8(%arg0: i32) -> (i32, i32) {
    %c0_i32 = arith.constant 0 : i32
    %c0_i32_0 = arith.constant 0 : i32
    return %arg0, %c0_i32 : i32, i32
  }
}

module attributes {stable_mosaic.version = 14 : i64} {
  func.func @_k1b_body(%arg0: i32, %arg1: memref<1024x128xf32, #tpu.memory_space<vmem>>, %arg2: memref<1024x128xbf16, #tpu.memory_space<vmem>>, %arg3: memref<1024x128xbf16, #tpu.memory_space<vmem>>, %arg4: memref<1x1x1024xi32, #tpu.memory_space<vmem>>, %arg5: memref<1x1x1024xi32, #tpu.memory_space<vmem>>, %arg6: memref<1x1x1024xi32, #tpu.memory_space<vmem>>, %arg7: memref<384x128xf32, #tpu.memory_space<vmem>>, %arg8: memref<128x128xf32, #tpu.memory_space<vmem>>, %arg9: memref<1x128xf32, #tpu.memory_space<vmem>>, %arg10: memref<256x128xf32, #tpu.memory_space<vmem>>, %arg11: memref<256x128xf32, #tpu.memory_space<vmem>>) attributes {dimension_semantics = [#tpu.dimension_semantics<arbitrary>], iteration_bounds = array<i64: 8>, scalar_prefetch = 0 : i64, scratch_operands = 1 : i64, tpu.core_type = #tpu.core_type<tc>, window_params = [{transform_indices = @transform_0, window_bounds = array<i64: 1024, 128>}, {transform_indices = @transform_1, window_bounds = array<i64: 1024, 128>}, {transform_indices = @transform_2, window_bounds = array<i64: 1024, 128>}, {transform_indices = @transform_3, window_bounds = array<i64: 1, 1, 1024>}, {transform_indices = @transform_4, window_bounds = array<i64: 1, 1, 1024>}, {transform_indices = @transform_5, window_bounds = array<i64: 1, 1, 1024>}, {pipeline_mode = #tpu.pipeline_mode<synchronous>, transform_indices = @transform_6, window_bounds = array<i64: 384, 128>}, {pipeline_mode = #tpu.pipeline_mode<synchronous>, transform_indices = @transform_7, window_bounds = array<i64: 128, 128>}, {pipeline_mode = #tpu.pipeline_mode<synchronous>, transform_indices = @transform_8, window_bounds = array<i64: 1, 128>}, {pipeline_mode = #tpu.pipeline_mode<synchronous>, transform_indices = @transform_9, window_bounds = array<i64: 256, 128>}]} {
    %eq3A = arith.constant 0 : i32
    %eq3A_0 = arith.cmpi eq, %arg0, %eq3A : i32
    %convert_element_type3A = arith.extui %eq3A_0 : i1 to i32
    %cond3A = arith.constant 0 : i32
    %cond3A_1 = arith.cmpi ne, %convert_element_type3A, %cond3A : i32
    scf.if %cond3A_1 {
      %broadcast_in_dim3A = arith.constant 0.000000e+00 : f32
      %broadcast_in_dim3A_87 = vector.broadcast %broadcast_in_dim3A : f32 to vector<256x128xf32>
      %swap3A_88 = arith.constant 0 : index
      %swap3A_89 = arith.constant 0 : index
      %swap3A_90 = vector.load %arg11[%swap3A_88, %swap3A_89] : memref<256x128xf32, #tpu.memory_space<vmem>>, vector<256x128xf32>
      tpu.vector_store %arg11[%swap3A_88, %swap3A_89], %broadcast_in_dim3A_87 {strides = array<i32>} : memref<256x128xf32, #tpu.memory_space<vmem>>, vector<256x128xf32>,
    } else {
    }
    %get3A = arith.constant 0 : index
    %get3A_2 = arith.constant 0 : index
    %get3A_3 = arith.constant 0 : index
    %get3A_4 = vector.load %arg4[%get3A, %get3A_2, %get3A_3] : memref<1x1x1024xi32, #tpu.memory_space<vmem>>, vector<1x1x1024xi32>
    %get3A_5 = vector.shape_cast %get3A_4 : vector<1x1x1024xi32> to vector<1x1024xi32>
    %get3A_6 = arith.constant 0 : index
    %get3A_7 = arith.constant 0 : index
    %get3A_8 = arith.constant 0 : index
    %get3A_9 = vector.load %arg5[%get3A_6, %get3A_7, %get3A_8] : memref<1x1x1024xi32, #tpu.memory_space<vmem>>, vector<1x1x1024xi32>
    %get3A_10 = vector.shape_cast %get3A_9 : vector<1x1x1024xi32> to vector<1x1024xi32>
    %get3A_11 = arith.constant 0 : index
    %get3A_12 = arith.constant 0 : index
    %get3A_13 = arith.constant 0 : index
    %get3A_14 = vector.load %arg6[%get3A_11, %get3A_12, %get3A_13] : memref<1x1x1024xi32, #tpu.memory_space<vmem>>, vector<1x1x1024xi32>
    %get3A_15 = vector.shape_cast %get3A_14 : vector<1x1x1024xi32> to vector<1x1024xi32>
    %iota3A = tpu.iota {dimensions = array<i32: 0>} : vector<256x1024xi32>
    %eq3A_16 = vector.broadcast %get3A_5 : vector<1x1024xi32> to vector<256x1024xi32>
    %eq3A_17 = arith.cmpi eq, %iota3A, %eq3A_16 : vector<256x1024xi32>
    %convert_element_type3A_18 = arith.extui %eq3A_17 : vector<256x1024xi1> to vector<256x1024xi32>
    %convert_element_type3A_19 = arith.sitofp %convert_element_type3A_18 : vector<256x1024xi32> to vector<256x1024xf32>
    %convert_element_type3A_20 = arith.truncf %convert_element_type3A_19 : vector<256x1024xf32> to vector<256x1024xbf16>
    %eq3A_21 = vector.broadcast %get3A_10 : vector<1x1024xi32> to vector<256x1024xi32>
    %eq3A_22 = arith.cmpi eq, %iota3A, %eq3A_21 : vector<256x1024xi32>
    %convert_element_type3A_23 = arith.extui %eq3A_22 : vector<256x1024xi1> to vector<256x1024xi32>
    %convert_element_type3A_24 = arith.sitofp %convert_element_type3A_23 : vector<256x1024xi32> to vector<256x1024xf32>
    %convert_element_type3A_25 = arith.truncf %convert_element_type3A_24 : vector<256x1024xf32> to vector<256x1024xbf16>
    %eq3A_26 = arith.constant 0 : i32
    %eq3A_27 = vector.broadcast %eq3A_26 : i32 to vector<1x1024xi32>
    %eq3A_28 = arith.cmpi eq, %get3A_15, %eq3A_27 : vector<1x1024xi32>
    %convert_element_type3A_29 = arith.extui %eq3A_28 : vector<1x1024xi1> to vector<1x1024xi32>
    %convert_element_type3A_30 = arith.sitofp %convert_element_type3A_29 : vector<1x1024xi32> to vector<1x1024xf32>
    %convert_element_type3A_31 = arith.truncf %convert_element_type3A_30 : vector<1x1024xf32> to vector<1x1024xbf16>
    %mul3A = vector.broadcast %convert_element_type3A_31 : vector<1x1024xbf16> to vector<256x1024xbf16>
    %mul3A_32 = arith.mulf %convert_element_type3A_25, %mul3A : vector<256x1024xbf16>
    %get3A_33 = arith.constant 0 : index
    %get3A_34 = arith.constant 0 : index
    %get3A_35 = vector.load %arg1[%get3A_33, %get3A_34] : memref<1024x128xf32, #tpu.memory_space<vmem>>, vector<1024x128xf32>
    %get3A_36 = arith.constant 256 : index
    %get3A_37 = arith.constant 0 : index
    %get3A_38 = vector.load %arg7[%get3A_36, %get3A_37] : memref<384x128xf32, #tpu.memory_space<vmem>>, vector<128x128xf32>
    %dot_general3A = arith.constant dense<0.000000e+00> : vector<1024x128xf32>
    %dot_general3A_39 = tpu.matmul %get3A_35, %get3A_38, %dot_general3A {dimension_numbers = #tpu.dot_dimension_numbers<[1], [0], [0], [1], [0, 0, 1, 1], [], []>, transpose_lhs_hint = false} : vector<1024x128xf32>, vector<128x128xf32>, vector<1024x128xf32> -> vector<1024x128xf32>
    %get3A_40 = arith.constant 0 : index
    %get3A_41 = arith.constant 0 : index
    %get3A_42 = vector.load %arg9[%get3A_40, %get3A_41] : memref<1x128xf32, #tpu.memory_space<vmem>>, vector<1x128xf32>
    %max3A = arith.constant 0.000000e+00 : f32
    %max3A_43 = vector.broadcast %max3A : f32 to vector<1x128xf32>
    %max3A_44 = arith.maximumf %get3A_42, %max3A_43 : vector<1x128xf32>
    %get3A_45 = arith.constant 0 : index
    %get3A_46 = arith.constant 0 : index
    %get3A_47 = vector.load %arg2[%get3A_45, %get3A_46] : memref<1024x128xbf16, #tpu.memory_space<vmem>>, vector<1024x128xbf16>
    %convert_element_type3A_48 = arith.extf %get3A_47 : vector<1024x128xbf16> to vector<1024x128xf32>
    %add3A = arith.addf %convert_element_type3A_48, %dot_general3A_39 : vector<1024x128xf32>
    %max3A_49 = arith.constant 0.000000e+00 : f32
    %max3A_50 = vector.broadcast %max3A_49 : f32 to vector<1024x128xf32>
    %max3A_51 = arith.maximumf %add3A, %max3A_50 : vector<1024x128xf32>
    %get3A_52 = arith.constant 0 : index
    %get3A_53 = arith.constant 0 : index
    %get3A_54 = vector.load %arg8[%get3A_52, %get3A_53] : memref<128x128xf32, #tpu.memory_space<vmem>>, vector<128x128xf32>
    %dot_general3A_55 = arith.constant dense<0.000000e+00> : vector<1024x128xf32>
    %dot_general3A_56 = tpu.matmul %max3A_51, %get3A_54, %dot_general3A_55 {dimension_numbers = #tpu.dot_dimension_numbers<[1], [1], [0], [0], [0, 0, 1, 0], [], []>, transpose_lhs_hint = false} : vector<1024x128xf32>, vector<128x128xf32>, vector<1024x128xf32> -> vector<1024x128xf32>
    %add3A_57 = vector.broadcast %get3A_42 : vector<1x128xf32> to vector<1024x128xf32>
    %add3A_58 = arith.addf %dot_general3A_56, %add3A_57 : vector<1024x128xf32>
    %max3A_59 = arith.constant 0.000000e+00 : f32
    %max3A_60 = vector.broadcast %max3A_59 : f32 to vector<1024x128xf32>
    %max3A_61 = arith.maximumf %add3A_58, %max3A_60 : vector<1024x128xf32>
    %sub3A = vector.broadcast %max3A_44 : vector<1x128xf32> to vector<1024x128xf32>
    %sub3A_62 = arith.subf %max3A_61, %sub3A : vector<1024x128xf32>
    %convert_element_type3A_63 = arith.truncf %sub3A_62 : vector<1024x128xf32> to vector<1024x128xbf16>
    %get3A_64 = arith.constant 0 : index
    %get3A_65 = arith.constant 0 : index
    %get3A_66 = vector.load %arg3[%get3A_64, %get3A_65] : memref<1024x128xbf16, #tpu.memory_space<vmem>>, vector<1024x128xbf16>
    %convert_element_type3A_67 = arith.extf %get3A_66 : vector<1024x128xbf16> to vector<1024x128xf32>
    %sub3A_68 = vector.broadcast %max3A_44 : vector<1x128xf32> to vector<1024x128xf32>
    %sub3A_69 = arith.subf %convert_element_type3A_67, %sub3A_68 : vector<1024x128xf32>
    %convert_element_type3A_70 = arith.truncf %sub3A_69 : vector<1024x128xf32> to vector<1024x128xbf16>
    %get3A_71 = arith.constant 0 : index
    %get3A_72 = arith.constant 0 : index
    %get3A_73 = vector.load %arg11[%get3A_71, %get3A_72] : memref<256x128xf32, #tpu.memory_space<vmem>>, vector<256x128xf32>
    %dot_general3A_74 = arith.constant dense<0.000000e+00> : vector<256x128xf32>
    %dot_general3A_75 = tpu.matmul %convert_element_type3A_20, %convert_element_type3A_63, %dot_general3A_74 {dimension_numbers = #tpu.dot_dimension_numbers<[1], [0], [0], [1], [0, 0, 1, 1], [], []>, transpose_lhs_hint = false} : vector<256x1024xbf16>, vector<1024x128xbf16>, vector<256x128xf32> -> vector<256x128xf32>
    %dot_general3A_76 = arith.constant dense<0.000000e+00> : vector<256x128xf32>
    %dot_general3A_77 = tpu.matmul %mul3A_32, %convert_element_type3A_70, %dot_general3A_76 {dimension_numbers = #tpu.dot_dimension_numbers<[1], [0], [0], [1], [0, 0, 1, 1], [], []>, transpose_lhs_hint = false} : vector<256x1024xbf16>, vector<1024x128xbf16>, vector<256x128xf32> -> vector<256x128xf32>
    %add3A_78 = arith.addf %dot_general3A_75, %dot_general3A_77 : vector<256x128xf32>
    %add3A_79 = arith.addf %get3A_73, %add3A_78 : vector<256x128xf32>
    %swap3A = arith.constant 0 : index
    %swap3A_80 = arith.constant 0 : index
    %swap3A_81 = vector.load %arg11[%swap3A, %swap3A_80] : memref<256x128xf32, #tpu.memory_space<vmem>>, vector<256x128xf32>
    tpu.vector_store %arg11[%swap3A, %swap3A_80], %add3A_79 {strides = array<i32>} : memref<256x128xf32, #tpu.memory_space<vmem>>, vector<256x128xf32>,
    %eq3A_82 = arith.constant 7 : i32
    %eq3A_83 = arith.cmpi eq, %arg0, %eq3A_82 : i32
    %convert_element_type3A_84 = arith.extui %eq3A_83 : i1 to i32
    %cond3A_85 = arith.constant 0 : i32
    %cond3A_86 = arith.cmpi ne, %convert_element_type3A_84, %cond3A_85 : i32
    scf.if %cond3A_86 {
      %get3A_87 = arith.constant 0 : index
      %get3A_88 = arith.constant 0 : index
      %get3A_89 = vector.load %arg11[%get3A_87, %get3A_88] : memref<256x128xf32, #tpu.memory_space<vmem>>, vector<256x128xf32>
      %swap3A_90 = arith.constant 0 : index
      %swap3A_91 = arith.constant 0 : index
      %swap3A_92 = vector.load %arg10[%swap3A_90, %swap3A_91] : memref<256x128xf32, #tpu.memory_space<vmem>>, vector<256x128xf32>
      tpu.vector_store %arg10[%swap3A_90, %swap3A_91], %get3A_89 {strides = array<i32>} : memref<256x128xf32, #tpu.memory_space<vmem>>, vector<256x128xf32>,
    } else {
    }
    return
  }
  func.func @transform_0(%arg0: i32) -> (i32, i32) {
    %c0_i32 = arith.constant 0 : i32
    %c0_i32_0 = arith.constant 0 : i32
    return %arg0, %c0_i32 : i32, i32
  }
  func.func @transform_1(%arg0: i32) -> (i32, i32) {
    %c0_i32 = arith.constant 0 : i32
    %c0_i32_0 = arith.constant 0 : i32
    return %arg0, %c0_i32 : i32, i32
  }
  func.func @transform_2(%arg0: i32) -> (i32, i32) {
    %c0_i32 = arith.constant 0 : i32
    %c0_i32_0 = arith.constant 0 : i32
    return %arg0, %c0_i32 : i32, i32
  }
  func.func @transform_3(%arg0: i32) -> (i32, i32, i32) {
    %c0_i32 = arith.constant 0 : i32
    %c0_i32_0 = arith.constant 0 : i32
    %c0_i32_1 = arith.constant 0 : i32
    return %arg0, %c0_i32, %c0_i32_0 : i32, i32, i32
  }
  func.func @transform_4(%arg0: i32) -> (i32, i32, i32) {
    %c0_i32 = arith.constant 0 : i32
    %c0_i32_0 = arith.constant 0 : i32
    %c0_i32_1 = arith.constant 0 : i32
    return %arg0, %c0_i32, %c0_i32_0 : i32, i32, i32
  }
  func.func @transform_5(%arg0: i32) -> (i32, i32, i32) {
    %c0_i32 = arith.constant 0 : i32
    %c0_i32_0 = arith.constant 0 : i32
    %c0_i32_1 = arith.constant 0 : i32
    return %arg0, %c0_i32, %c0_i32_0 : i32, i32, i32
  }
  func.func @transform_6(%arg0: i32) -> (i32, i32) {
    %c0_i32 = arith.constant 0 : i32
    %c0_i32_0 = arith.constant 0 : i32
    %c0_i32_1 = arith.constant 0 : i32
    return %c0_i32, %c0_i32_0 : i32, i32
  }
  func.func @transform_7(%arg0: i32) -> (i32, i32) {
    %c0_i32 = arith.constant 0 : i32
    %c0_i32_0 = arith.constant 0 : i32
    %c0_i32_1 = arith.constant 0 : i32
    return %c0_i32, %c0_i32_0 : i32, i32
  }
  func.func @transform_8(%arg0: i32) -> (i32, i32) {
    %c0_i32 = arith.constant 0 : i32
    %c0_i32_0 = arith.constant 0 : i32
    %c0_i32_1 = arith.constant 0 : i32
    return %c0_i32, %c0_i32_0 : i32, i32
  }
  func.func @transform_9(%arg0: i32) -> (i32, i32) {
    %c0_i32 = arith.constant 0 : i32
    %c0_i32_0 = arith.constant 0 : i32
    %c0_i32_1 = arith.constant 0 : i32
    return %c0_i32, %c0_i32_0 : i32, i32
  }
}

module attributes {stable_mosaic.version = 14 : i64} {
  func.func @_k2_body(%arg0: i32, %arg1: memref<256x128xf32, #tpu.memory_space<vmem>>, %arg2: memref<1024x128xf32, #tpu.memory_space<vmem>>, %arg3: memref<1x1x1024xi32, #tpu.memory_space<vmem>>, %arg4: memref<1x1x1024xi32, #tpu.memory_space<vmem>>, %arg5: memref<256x128xf32, #tpu.memory_space<vmem>>, %arg6: memref<256x128xf32, #tpu.memory_space<vmem>>, %arg7: memref<1x128xf32, #tpu.memory_space<vmem>>, %arg8: memref<384x128xf32, #tpu.memory_space<vmem>>, %arg9: memref<256x128xf32, #tpu.memory_space<vmem>>, %arg10: memref<1024x128xf32, #tpu.memory_space<vmem>>, %arg11: memref<256x128xf32, #tpu.memory_space<vmem>>, %arg12: memref<256x128xf32, #tpu.memory_space<vmem>>, %arg13: memref<256x128xf32, #tpu.memory_space<vmem>>) attributes {dimension_semantics = [#tpu.dimension_semantics<arbitrary>], iteration_bounds = array<i64: 8>, scalar_prefetch = 0 : i64, scratch_operands = 3 : i64, tpu.core_type = #tpu.core_type<tc>, window_params = [{pipeline_mode = #tpu.pipeline_mode<synchronous>, transform_indices = @transform_0, window_bounds = array<i64: 256, 128>}, {transform_indices = @transform_1, window_bounds = array<i64: 1024, 128>}, {transform_indices = @transform_2, window_bounds = array<i64: 1, 1, 1024>}, {transform_indices = @transform_3, window_bounds = array<i64: 1, 1, 1024>}, {pipeline_mode = #tpu.pipeline_mode<synchronous>, transform_indices = @transform_4, window_bounds = array<i64: 256, 128>}, {pipeline_mode = #tpu.pipeline_mode<synchronous>, transform_indices = @transform_5, window_bounds = array<i64: 256, 128>}, {pipeline_mode = #tpu.pipeline_mode<synchronous>, transform_indices = @transform_6, window_bounds = array<i64: 1, 128>}, {pipeline_mode = #tpu.pipeline_mode<synchronous>, transform_indices = @transform_7, window_bounds = array<i64: 384, 128>}, {pipeline_mode = #tpu.pipeline_mode<synchronous>, transform_indices = @transform_8, window_bounds = array<i64: 256, 128>}, {transform_indices = @transform_9, window_bounds = array<i64: 1024, 128>}]} {
    %eq3A = arith.constant 0 : i32
    %eq3A_0 = arith.cmpi eq, %arg0, %eq3A : i32
    %convert_element_type3A = arith.extui %eq3A_0 : i1 to i32
    %cond3A = arith.constant 0 : i32
    %cond3A_1 = arith.cmpi ne, %convert_element_type3A, %cond3A : i32
    scf.if %cond3A_1 {
      %get3A_45 = arith.constant 0 : index
      %get3A_46 = arith.constant 0 : index
      %get3A_47 = vector.load %arg7[%get3A_45, %get3A_46] : memref<1x128xf32, #tpu.memory_space<vmem>>, vector<1x128xf32>
      %max3A_48 = arith.constant 0.000000e+00 : f32
      %max3A_49 = vector.broadcast %max3A_48 : f32 to vector<1x128xf32>
      %max3A_50 = arith.maximumf %get3A_47, %max3A_49 : vector<1x128xf32>
      %get3A_51 = arith.constant 0 : index
      %get3A_52 = arith.constant 0 : index
      %get3A_53 = vector.load %arg5[%get3A_51, %get3A_52] : memref<256x128xf32, #tpu.memory_space<vmem>>, vector<256x128xf32>
      %mul3A = arith.constant 0.00392156886 : f32
      %mul3A_54 = vector.broadcast %mul3A : f32 to vector<256x128xf32>
      %mul3A_55 = arith.mulf %get3A_53, %mul3A_54 : vector<256x128xf32>
      %add3A_56 = vector.broadcast %max3A_50 : vector<1x128xf32> to vector<256x128xf32>
      %add3A_57 = arith.addf %add3A_56, %mul3A_55 : vector<256x128xf32>
      %get3A_58 = arith.constant 0 : index
      %get3A_59 = arith.constant 0 : index
      %get3A_60 = vector.load %arg1[%get3A_58, %get3A_59] : memref<256x128xf32, #tpu.memory_space<vmem>>, vector<256x128xf32>
      %get3A_61 = arith.constant 0 : index
      %get3A_62 = arith.constant 0 : index
      %get3A_63 = vector.load %arg6[%get3A_61, %get3A_62] : memref<256x128xf32, #tpu.memory_space<vmem>>, vector<128x128xf32>
      %dot_general3A_64 = arith.constant dense<0.000000e+00> : vector<256x128xf32>
      %dot_general3A_65 = tpu.matmul %get3A_60, %get3A_63, %dot_general3A_64 {dimension_numbers = #tpu.dot_dimension_numbers<[1], [0], [0], [1], [0, 0, 1, 1], [], []>, transpose_lhs_hint = false} : vector<256x128xf32>, vector<128x128xf32>, vector<256x128xf32> -> vector<256x128xf32>
      %get3A_66 = arith.constant 128 : index
      %get3A_67 = arith.constant 0 : index
      %get3A_68 = vector.load %arg6[%get3A_66, %get3A_67] : memref<256x128xf32, #tpu.memory_space<vmem>>, vector<128x128xf32>
      %dot_general3A_69 = arith.constant dense<0.000000e+00> : vector<256x128xf32>
      %dot_general3A_70 = tpu.matmul %add3A_57, %get3A_68, %dot_general3A_69 {dimension_numbers = #tpu.dot_dimension_numbers<[1], [0], [0], [1], [0, 0, 1, 1], [], []>, transpose_lhs_hint = false} : vector<256x128xf32>, vector<128x128xf32>, vector<256x128xf32> -> vector<256x128xf32>
      %add3A_71 = arith.addf %dot_general3A_65, %dot_general3A_70 : vector<256x128xf32>
      %max3A_72 = arith.constant 0.000000e+00 : f32
      %max3A_73 = vector.broadcast %max3A_72 : f32 to vector<256x128xf32>
      %max3A_74 = arith.maximumf %add3A_71, %max3A_73 : vector<256x128xf32>
      %swap3A_75 = arith.constant 0 : index
      %swap3A_76 = arith.constant 0 : index
      %swap3A_77 = vector.load %arg11[%swap3A_75, %swap3A_76] : memref<256x128xf32, #tpu.memory_space<vmem>>, vector<256x128xf32>
      tpu.vector_store %arg11[%swap3A_75, %swap3A_76], %max3A_74 {strides = array<i32>} : memref<256x128xf32, #tpu.memory_space<vmem>>, vector<256x128xf32>,
      %swap3A_78 = arith.constant 0 : index
      %swap3A_79 = arith.constant 0 : index
      %swap3A_80 = vector.load %arg9[%swap3A_78, %swap3A_79] : memref<256x128xf32, #tpu.memory_space<vmem>>, vector<256x128xf32>
      tpu.vector_store %arg9[%swap3A_78, %swap3A_79], %max3A_74 {strides = array<i32>} : memref<256x128xf32, #tpu.memory_space<vmem>>, vector<256x128xf32>,
      %get3A_81 = arith.constant 128 : index
      %get3A_82 = arith.constant 0 : index
      %get3A_83 = vector.load %arg8[%get3A_81, %get3A_82] : memref<384x128xf32, #tpu.memory_space<vmem>>, vector<128x128xf32>
      %dot_general3A_84 = arith.constant dense<0.000000e+00> : vector<256x128xf32>
      %dot_general3A_85 = tpu.matmul %max3A_74, %get3A_83, %dot_general3A_84 {dimension_numbers = #tpu.dot_dimension_numbers<[1], [0], [0], [1], [0, 0, 1, 1], [], []>, transpose_lhs_hint = false} : vector<256x128xf32>, vector<128x128xf32>, vector<256x128xf32> -> vector<256x128xf32>
      %swap3A_86 = arith.constant 0 : index
      %swap3A_87 = arith.constant 0 : index
      %swap3A_88 = vector.load %arg12[%swap3A_86, %swap3A_87] : memref<256x128xf32, #tpu.memory_space<vmem>>, vector<256x128xf32>
      tpu.vector_store %arg12[%swap3A_86, %swap3A_87], %dot_general3A_85 {strides = array<i32>} : memref<256x128xf32, #tpu.memory_space<vmem>>, vector<256x128xf32>,
      %get3A_89 = arith.constant 256 : index
      %get3A_90 = arith.constant 0 : index
      %get3A_91 = vector.load %arg8[%get3A_89, %get3A_90] : memref<384x128xf32, #tpu.memory_space<vmem>>, vector<128x128xf32>
      %dot_general3A_92 = arith.constant dense<0.000000e+00> : vector<256x128xf32>
      %dot_general3A_93 = tpu.matmul %max3A_74, %get3A_91, %dot_general3A_92 {dimension_numbers = #tpu.dot_dimension_numbers<[1], [0], [0], [1], [0, 0, 1, 1], [], []>, transpose_lhs_hint = false} : vector<256x128xf32>, vector<128x128xf32>, vector<256x128xf32> -> vector<256x128xf32>
      %swap3A_94 = arith.constant 0 : index
      %swap3A_95 = arith.constant 0 : index
      %swap3A_96 = vector.load %arg13[%swap3A_94, %swap3A_95] : memref<256x128xf32, #tpu.memory_space<vmem>>, vector<256x128xf32>
      tpu.vector_store %arg13[%swap3A_94, %swap3A_95], %dot_general3A_93 {strides = array<i32>} : memref<256x128xf32, #tpu.memory_space<vmem>>, vector<256x128xf32>,
    } else {
    }
    %get3A = arith.constant 0 : index
    %get3A_2 = arith.constant 0 : index
    %get3A_3 = arith.constant 0 : index
    %get3A_4 = vector.load %arg3[%get3A, %get3A_2, %get3A_3] : memref<1x1x1024xi32, #tpu.memory_space<vmem>>, vector<1x1x1024xi32>
    %get3A_5 = vector.shape_cast %get3A_4 : vector<1x1x1024xi32> to vector<1x1024xi32>
    %get3A_6 = arith.constant 0 : index
    %get3A_7 = arith.constant 0 : index
    %get3A_8 = arith.constant 0 : index
    %get3A_9 = vector.load %arg4[%get3A_6, %get3A_7, %get3A_8] : memref<1x1x1024xi32, #tpu.memory_space<vmem>>, vector<1x1x1024xi32>
    %get3A_10 = vector.shape_cast %get3A_9 : vector<1x1x1024xi32> to vector<1x1024xi32>
    %iota3A = tpu.iota {dimensions = array<i32: 0>} : vector<256x1024xi32>
    %eq3A_11 = vector.broadcast %get3A_5 : vector<1x1024xi32> to vector<256x1024xi32>
    %eq3A_12 = arith.cmpi eq, %iota3A, %eq3A_11 : vector<256x1024xi32>
    %convert_element_type3A_13 = arith.extui %eq3A_12 : vector<256x1024xi1> to vector<256x1024xi32>
    %convert_element_type3A_14 = arith.sitofp %convert_element_type3A_13 : vector<256x1024xi32> to vector<256x1024xf32>
    %convert_element_type3A_15 = arith.truncf %convert_element_type3A_14 : vector<256x1024xf32> to vector<256x1024xbf16>
    %eq3A_16 = vector.broadcast %get3A_10 : vector<1x1024xi32> to vector<256x1024xi32>
    %eq3A_17 = arith.cmpi eq, %iota3A, %eq3A_16 : vector<256x1024xi32>
    %convert_element_type3A_18 = arith.extui %eq3A_17 : vector<256x1024xi1> to vector<256x1024xi32>
    %convert_element_type3A_19 = arith.sitofp %convert_element_type3A_18 : vector<256x1024xi32> to vector<256x1024xf32>
    %convert_element_type3A_20 = arith.truncf %convert_element_type3A_19 : vector<256x1024xf32> to vector<256x1024xbf16>
    %get3A_21 = arith.constant 0 : index
    %get3A_22 = arith.constant 0 : index
    %get3A_23 = vector.load %arg2[%get3A_21, %get3A_22] : memref<1024x128xf32, #tpu.memory_space<vmem>>, vector<1024x128xf32>
    %get3A_24 = arith.constant 0 : index
    %get3A_25 = arith.constant 0 : index
    %get3A_26 = vector.load %arg8[%get3A_24, %get3A_25] : memref<384x128xf32, #tpu.memory_space<vmem>>, vector<128x128xf32>
    %dot_general3A = arith.constant dense<0.000000e+00> : vector<1024x128xf32>
    %dot_general3A_27 = tpu.matmul %get3A_23, %get3A_26, %dot_general3A {dimension_numbers = #tpu.dot_dimension_numbers<[1], [0], [0], [1], [0, 0, 1, 1], [], []>, transpose_lhs_hint = false} : vector<1024x128xf32>, vector<128x128xf32>, vector<1024x128xf32> -> vector<1024x128xf32>
    %get3A_28 = arith.constant 0 : index
    %get3A_29 = arith.constant 0 : index
    %get3A_30 = vector.load %arg12[%get3A_28, %get3A_29] : memref<256x128xf32, #tpu.memory_space<vmem>>, vector<256x128xf32>
    %convert_element_type3A_31 = arith.truncf %get3A_30 : vector<256x128xf32> to vector<256x128xbf16>
    %dot_general3A_32 = arith.constant dense<0.000000e+00> : vector<1024x128xf32>
    %dot_general3A_33 = tpu.matmul %convert_element_type3A_15, %convert_element_type3A_31, %dot_general3A_32 {dimension_numbers = #tpu.dot_dimension_numbers<[0], [0], [1], [1], [0, 1, 1, 1], [], []>, transpose_lhs_hint = false} : vector<256x1024xbf16>, vector<256x128xbf16>, vector<1024x128xf32> -> vector<1024x128xf32>
    %add3A = arith.addf %dot_general3A_27, %dot_general3A_33 : vector<1024x128xf32>
    %get3A_34 = arith.constant 0 : index
    %get3A_35 = arith.constant 0 : index
    %get3A_36 = vector.load %arg13[%get3A_34, %get3A_35] : memref<256x128xf32, #tpu.memory_space<vmem>>, vector<256x128xf32>
    %convert_element_type3A_37 = arith.truncf %get3A_36 : vector<256x128xf32> to vector<256x128xbf16>
    %dot_general3A_38 = arith.constant dense<0.000000e+00> : vector<1024x128xf32>
    %dot_general3A_39 = tpu.matmul %convert_element_type3A_20, %convert_element_type3A_37, %dot_general3A_38 {dimension_numbers = #tpu.dot_dimension_numbers<[0], [0], [1], [1], [0, 1, 1, 1], [], []>, transpose_lhs_hint = false} : vector<256x1024xbf16>, vector<256x128xbf16>, vector<1024x128xf32> -> vector<1024x128xf32>
    %add3A_40 = arith.addf %add3A, %dot_general3A_39 : vector<1024x128xf32>
    %max3A = arith.constant 0.000000e+00 : f32
    %max3A_41 = vector.broadcast %max3A : f32 to vector<1024x128xf32>
    %max3A_42 = arith.maximumf %add3A_40, %max3A_41 : vector<1024x128xf32>
    %swap3A = arith.constant 0 : index
    %swap3A_43 = arith.constant 0 : index
    %swap3A_44 = vector.load %arg10[%swap3A, %swap3A_43] : memref<1024x128xf32, #tpu.memory_space<vmem>>, vector<1024x128xf32>
    tpu.vector_store %arg10[%swap3A, %swap3A_43], %max3A_42 {strides = array<i32>} : memref<1024x128xf32, #tpu.memory_space<vmem>>, vector<1024x128xf32>,
    return
  }
  func.func @transform_0(%arg0: i32) -> (i32, i32) {
    %c0_i32 = arith.constant 0 : i32
    %c0_i32_0 = arith.constant 0 : i32
    %c0_i32_1 = arith.constant 0 : i32
    return %c0_i32, %c0_i32_0 : i32, i32
  }
  func.func @transform_1(%arg0: i32) -> (i32, i32) {
    %c0_i32 = arith.constant 0 : i32
    %c0_i32_0 = arith.constant 0 : i32
    return %arg0, %c0_i32 : i32, i32
  }
  func.func @transform_2(%arg0: i32) -> (i32, i32, i32) {
    %c0_i32 = arith.constant 0 : i32
    %c0_i32_0 = arith.constant 0 : i32
    %c0_i32_1 = arith.constant 0 : i32
    return %arg0, %c0_i32, %c0_i32_0 : i32, i32, i32
  }
  func.func @transform_3(%arg0: i32) -> (i32, i32, i32) {
    %c0_i32 = arith.constant 0 : i32
    %c0_i32_0 = arith.constant 0 : i32
    %c0_i32_1 = arith.constant 0 : i32
    return %arg0, %c0_i32, %c0_i32_0 : i32, i32, i32
  }
  func.func @transform_4(%arg0: i32) -> (i32, i32) {
    %c0_i32 = arith.constant 0 : i32
    %c0_i32_0 = arith.constant 0 : i32
    %c0_i32_1 = arith.constant 0 : i32
    return %c0_i32, %c0_i32_0 : i32, i32
  }
  func.func @transform_5(%arg0: i32) -> (i32, i32) {
    %c0_i32 = arith.constant 0 : i32
    %c0_i32_0 = arith.constant 0 : i32
    %c0_i32_1 = arith.constant 0 : i32
    return %c0_i32, %c0_i32_0 : i32, i32
  }
  func.func @transform_6(%arg0: i32) -> (i32, i32) {
    %c0_i32 = arith.constant 0 : i32
    %c0_i32_0 = arith.constant 0 : i32
    %c0_i32_1 = arith.constant 0 : i32
    return %c0_i32, %c0_i32_0 : i32, i32
  }
  func.func @transform_7(%arg0: i32) -> (i32, i32) {
    %c0_i32 = arith.constant 0 : i32
    %c0_i32_0 = arith.constant 0 : i32
    %c0_i32_1 = arith.constant 0 : i32
    return %c0_i32, %c0_i32_0 : i32, i32
  }
  func.func @transform_8(%arg0: i32) -> (i32, i32) {
    %c0_i32 = arith.constant 0 : i32
    %c0_i32_0 = arith.constant 0 : i32
    %c0_i32_1 = arith.constant 0 : i32
    return %c0_i32, %c0_i32_0 : i32, i32
  }
  func.func @transform_9(%arg0: i32) -> (i32, i32) {
    %c0_i32 = arith.constant 0 : i32
    %c0_i32_0 = arith.constant 0 : i32
    return %arg0, %c0_i32 : i32, i32
  }
}

</mosaic_0001>

<sc_bundles>
// kernel: kernel.6.cloned.1.call-start
scs
__scs_entry_jumppad:
0x0: {  	(pc) =	sbr.rel $0x88, $3  }
0x1: {  	(tag) =	ssettag $0x0;
	lr =	simm.s32 $0x1  }
0x2: {  	[smem:$0x3F99] =	sst lr;
	_ =	strace $0xD0000000  }
0x3: {  	_ = 	snop  }
0x4: {  	_ = 	snop  }
0x5: {  	_ = 	snop  }
0x6: {  	_ = 	snop  }
0x7: {  	_ = 	snop  }
__scs_overlays_trampoline_lowered:
0x8: {  	[smem:$0x3FA8] =	sst s0  }
0x9: {  	[smem:$0x3FA9] =	sst s1  }
0xa: {  	[smem:$0x3FAA] =	sst s2  }
0xb: {  	[smem:$0x3FAB] =	sst s3  }
0xc: {  	[smem:$0x3FAC] =	sst s4  }
0xd: {  	[smem:$0x3FAD] =	sst s5  }
0xe: {  	[smem:$0x3FAE] =	sst s6  }
0xf: {  	[smem:$0x3FAF] =	sst s7  }
0x10: {  	[smem:$0x3FB0] =	sst s8  }
0x11: {  	[smem:$0x3FB1] =	sst s9;
	s0 =	simm.s32 @!p0 $0x0  }
0x12: {  	s1 =	sld [smem:$0x3F97];
	s0 =	simm.s32 @p0 $0x1  }
0x13: {  	[smem:$0x3FB2] =	sst s0;
	s0 =	simm.s32 @!p1 $0x0  }
0x14: {  	s2 =	sld [smem:$0x3F96];
	s0 =	simm.s32 @p1 $0x1  }
0x15: {  	[smem:$0x3FB3] =	sst s0;
	s0 =	simm.s32 @!p2 $0x0  }
0x16: {  	s3 =	sld [smem:$0x3FDB];
	s0 =	simm.s32 @p2 $0x1  }
0x17: {  	s4 =	simm.s32 $0x1BF5;
	[smem:$0x3FB5] =	sst s0  }
0x18: {  	s0 =	sld [smem:$0x3F98];
	_ =	swait.ge [sflag:s4], $0x0  }
0x19: {  	s7 =	sld [smem:$0x3F99]  }
0x1a: {  	s8 =	sadd.s32 $0xFFFFE003, lr  }
0x1b: {  	s9 =	sadd.s32 $0xFFFFFEF7, lr;
	s5 =	simm.s32 $0xFFFFFFFF;
	p2 =	slt.u32 s8, $0xFFFFF086  }
0x1c: {  	p1 =	slt.u32 s9, $0xF7A;
	s5 =	simm.s32 @!p2 $0x0  }
0x1d: {  	s5 =	simm.s32 @p1 $0x1;
	p0 =	seq.s32 s7, s2  }
0x1e: {  	s7 =	smul.u32 @!p0 $0xF7A, s2;
	p2 =	seq.s32 @!p0 s5, $0x0  }
0x1f: {  	s9 =	smul.u32 $0xF7A, s1;
	s8 =	simm.s32 @!p0 $0x1BF5;
	p2 =	por !p2, p0  }
0x20: {  	[sflag:s8] =	ssyncset.s32 @!p0 $0xFFFFF086;
	s6 =	sadd.s32 @!p0 s3, s7;
	s7 =	simm.s32 @!p0 $0x108  }
0x21: {  	s3 =	sadd.s32 s3, s9;
	s6 =	sadd.s32 @!p0 $0x88, s6;
	s7 =	simm.s32 @p2 $0x1082  }
0x22: {  	[simem:s7], [sflag:s8] =	dma.local @!p0 [hbm:s6], $0xF7A  }
0x23: {  	s9 =	sor.u32 $0xD0000000, s2;
	s6 =	simm.s32 $0x108;
	_ =	swait.ge @!p0 [sflag:s8], $0x0  }
0x24: {  	s3 =	sadd.s32 $0x88, s3;
	s6 =	simm.s32 @!p1 $0x1082;
	[sflag:s4] =	ssyncset.s32 $0xFFFFF086  }
0x25: {  	[simem:s6], [sflag:s4] =	dma.local [hbm:s3], $0xF7A  }
0x26: {  	[smem:$0x3F99] =	sst s1;
	(tag) =	ssettag s2;
	_ =	strace s9  }
0x27: {  	s1 =	sld [smem:$0x3FA9]  }
0x28: {  	s2 =	sld [smem:$0x3FAA]  }
0x29: {  	s4 =	sld [smem:$0x3FAC]  }
0x2a: {  	p0 =	seq.s32 s5, $0x0;
	s5 =	sld [smem:$0x3FAD]  }
0x2b: {  	s6 =	sld [smem:$0x3FAE]  }
0x2c: {  	s7 =	sld [smem:$0x3FAF]  }
0x2d: {  	s3 =	simm.s32 $0x108;
	s8 =	sld [smem:$0x3FB0]  }
0x2e: {  	s3 =	simm.s32 @!p0 $0x1082;
	s9 =	sld [smem:$0x3FB1]  }
0x2f: {  	lr =	sadd.s32 s0, s3;
	s0 =	sld [smem:$0x3FA8]  }
0x30: {  	s3 =	sld [smem:$0x3FAB]  }
0x31: {  	[smem:$0x3FB4] =	sst s10  }
0x32: {  	s10 =	sld [smem:$0x3FB2];
	_ =	sdelay $0x3  }
0x33: {  	p0 =	seq.s32 s10, $0x1;
	s10 =	sld [smem:$0x3FB4];
	_ =	sdelay $0x3  }
0x34: {  	[smem:$0x3FB4] =	sst s10  }
0x35: {  	s10 =	sld [smem:$0x3FB3];
	_ =	sdelay $0x3  }
0x36: {  	p1 =	seq.s32 s10, $0x1;
	s10 =	sld [smem:$0x3FB4];
	_ =	sdelay $0x3  }
0x37: {  	[smem:$0x3FB4] =	sst s10  }
0x38: {  	s10 =	sld [smem:$0x3FB5]  }
0x39: {  	_ = 	snop;
	(pc) =	sbr.ind lr, $3  }
0x3a: {  	_ = 	snop  }
0x3b: {  	_ = 	snop  }
0x3c: {  	p2 =	seq.s32 s10, $0x1;
	s10 =	sld [smem:$0x3FB4]  }
0x3d: {  	_ =	shalt  }
0x3e: {  	_ =	shalt  }
0x3f: {  	_ =	shalt  }
0x40: {  	_ =	shalt  }
0x41: {  	_ =	shalt  }
0x42: {  	_ =	shalt  }
0x43: {  	_ =	shalt  }
0x44: {  	_ =	shalt  }
0x45: {  	_ =	shalt  }
0x46: {  	_ =	shalt  }
0x47: {  	_ =	shalt  }
0x48: {  	_ =	shalt  }
0x49: {  	_ =	shalt  }
0x4a: {  	_ =	shalt  }
0x4b: {  	_ =	shalt  }
0x4c: {  	_ =	shalt  }
0x4d: {  	_ =	shalt  }
0x4e: {  	_ =	shalt  }
0x4f: {  	_ =	shalt  }
0x50: {  	_ =	shalt  }
0x51: {  	_ =	shalt  }
0x52: {  	_ =	shalt  }
0x53: {  	_ =	shalt  }
0x54: {  	_ =	shalt  }
0x55: {  	_ =	shalt  }
0x56: {  	_ =	shalt  }
0x57: {  	_ =	shalt  }
0x58: {  	_ =	shalt  }
0x59: {  	_ =	shalt  }
0x5a: {  	_ =	shalt  }
0x5b: {  	_ =	shalt  }
0x5c: {  	_ =	shalt  }
0x5d: {  	_ =	shalt  }
0x5e: {  	_ =	shalt  }
0x5f: {  	_ =	shalt  }
0x60: {  	_ =	shalt  }
0x61: {  	_ =	shalt  }
0x62: {  	_ =	shalt  }
0x63: {  	_ =	shalt  }
0x64: {  	_ =	shalt  }
0x65: {  	_ =	shalt  }
0x66: {  	_ =	shalt  }
0x67: {  	_ =	shalt  }
0x68: {  	_ =	shalt  }
0x69: {  	_ =	shalt  }
0x6a: {  	_ =	shalt  }
0x6b: {  	_ =	shalt  }
0x6c: {  	_ =	shalt  }
0x6d: {  	_ =	shalt  }
0x6e: {  	_ =	shalt  }
0x6f: {  	_ =	shalt  }
0x70: {  	_ =	shalt  }
0x71: {  	_ =	shalt  }
0x72: {  	_ =	shalt  }
0x73: {  	_ =	shalt  }
0x74: {  	_ =	shalt  }
0x75: {  	_ =	shalt  }
0x76: {  	_ =	shalt  }
0x77: {  	_ =	shalt  }
0x78: {  	_ =	shalt  }
0x79: {  	_ =	shalt  }
0x7a: {  	_ =	shalt  }
0x7b: {  	_ =	shalt  }
0x7c: {  	_ =	shalt  }
0x7d: {  	_ =	shalt  }
0x7e: {  	_ =	shalt  }
0x7f: {  	_ =	shalt  }
0x80: {  	_ =	shalt  }
0x81: {  	_ =	shalt  }
0x82: {  	_ =	shalt  }
0x83: {  	_ =	shalt  }
0x84: {  	_ =	shalt  }
0x85: {  	_ =	shalt  }
0x86: {  	_ =	shalt  }
0x87: {  	_ =	shalt  }
.Lfunc_end0:
.L_simem_size_0:
called_computation_lowered:
.L_overlay_start_0:
0x88: {  	s2 =	sld [smem:$0x3FD9]  }
0x89: {  	s3 =	sld [smem:$0x3FFE];
	_ =	sdelay $0x1  }
0x8a: {  	s1 =	srdreg.scid  }
0x8b: {  	s0 =	sand.u32 $0x1, s1  }
0x8c: {  	s14 =	sshll.u32 s0, $0xA;
	s2 =	sadd.s32 s3, s2  }
0x8d: {  	s2 =	sadd.s32 s2, s14  }
0x8e: {  	[smem:$0x3FC0] =	sst s2  }
0x8f: {  	_ = 	snop  }
0x90: {  	s2 =	sld [smem:$0x3FD0];
	_ =	sdelay $0x2  }
0x91: {  	s4 =	simm.s32 $0xA;
	s5 =	simm.s32 $0x10;
	s15 =	sld [smem:$0x3FC8]  }
0x92: {  	[smem:s5], [sflag:s4] =	dma.local [hbm:s2], $0x1  }
0x93: {  	_ =	swait.eq [sflag:s4], $0x1  }
0x94: {  	[sflag:s4] =	ssyncset.done $0x0  }
0x95: {  	s16 =	sld [smem:$0x10];
	[sflag:s4] =	ssyncadd.s32 $0xFFFFFFFF  }
0x96: {  	s17 =	sld [smem:$0x11];
	(tm) =	ssettm $0x1  }
0x97: {  	s18 =	sld [smem:$0x3FFB];
	_ =	sdelay $0x3  }
0x98: {  	_ =	strace s18  }
0x99: {  	s5 =	sld [smem:$0x3FFC];
	_ =	sdelay $0x3  }
0x9a: {  	_ =	strace s5  }
0x9b: {  	s5 =	sld [smem:$0x3FFD];
	_ =	sdelay $0x3  }
0x9c: {  	_ =	strace s5  }
0x9d: {  	_ =	strace $0x8FFFFFFF  }
0x9e: {  	s19 =	sld [smem:$0x3FDB];
	_ =	sdelay $0x1  }
0x9f: {  	s6 =	simm.s32 $_scs_section_size  }
0xa0: {  	s7 =	simm.s32 $_size__tile_overlayer_lowered;
	s8 =	simm.s32 $_tile_overlayer_lowered  }
0xa1: {  	s22 =	simm.s32 $0x1BFF;
	s21 =	sshll.u32 s8, $0x1;
	s5 =	sadd.s32 s6, s19  }
0xa2: {  	s9 =	simm.s32 $0x0;
	s20 =	sshll.u32 s7, $0x1;
	s7 =	sadd.s32 s21, s5  }
0xa3: {  	[timem:s9], [sflag:s22] =	dma.local [hbm:s7], s20  }
0xa4: {  	_ =	swait.ge [sflag:s22], s20  }
0xa5: {  	s6 =	ssub.s32 $0x0, s20;
	[sflag:s22] =	ssyncset.done $0x0  }
0xa6: {  	[sflag:s22] =	ssyncadd.s32 s6;
	_ =	sdelay $0x1  }
0xa7: {  	s23 =	simm.s32 $0x1B8B  }
0xa8: {  	_ =	swait.ge [sflag:s23], $0x1  }
0xa9: {  	[sflag:s23] =	ssyncset.done $0x0  }
0xaa: {  	s25 =	simm.s32 $0x1B8E;
	s24 =	sld [smem:$0x3FFE];
	[sflag:s23] =	ssyncadd.s32 $0xFFFFFFFF  }
0xab: {  	s26 =	simm.s32 $execute0_lowered;
	[smem:$0x3FD2] =	sst s25  }
0xac: {  	s7 =	sshll.u32 s26, $0x1;
	_ =	strace $0x80000046;
	[dreg:$0x1] =	wrdreg $0xFFFFFFFF  }
0xad: {  	s28 =	simm.s32 $_size_execute0_lowered;
	s5 =	sadd.s32 s5, s7;
	[dreg:$0x0] =	wrdreg $0x0  }
0xae: {  	s7 =	sshll.u32 s28, $0x1;
	[dreg:$0x2] =	wrdreg s5  }
0xaf: {  	[dreg:$0x3] =	wrdreg s7  }
0xb0: {  	[dreg:$0x4] =	wrdreg $0xC0  }
0xb1: {  	_ =	task [dreg:s9], $0x5FFFF  }
0xb2: {  	[dreg:$0x1] =	wrdreg $0xFFFFFFFF  }
0xb3: {  	[dreg:$0x0] =	wrdreg $0x60  }
0xb4: {  	[dreg:$0x2] =	wrdreg s24  }
0xb5: {  	[dreg:$0x3] =	wrdreg s16  }
0xb6: {  	[dreg:$0x4] =	wrdreg s15  }
0xb7: {  	[dreg:$0x5] =	wrdreg s17  }
0xb8: {  	[dreg:$0x6] =	wrdreg $0xCB800  }
0xb9: {  	[dreg:$0x7] =	wrdreg $0x9  }
0xba: {  	_ =	task.clear_ibuf [dreg:s9], $0x8FFFF;
	_ =	strace $0x90000046  }
0xbb: {  	s29 =	simm.s32 $0x9;
	_ =	strace $0x8000004C  }
0xbc: {  	_ =	swait.ge [sflag:s29], $0x1  }
0xbd: {  	[sflag:s29] =	ssyncadd.s32 $0xFFFFFFFF  }
0xbe: {  	_ =	strace $0x9000004C  }
0xbf: {  	_ =	sfence  }
0xc0: {  	s30 =	sld [smem:$0x0];
	_ =	sdelay $0x2  }
0xc1: {  	s31 =	sshll.u32 s1, $0xD;
	s1 =	sshrl.u32 s1, $0x2  }
0xc2: {  	s3 =	sand.u32 $0x4000, s31;
	s1 =	sadd.s32 s1, s30  }
0xc3: {  	s0 =	sor.u32 s3, s0;
	s1 =	sshll.u32 s1, $0x11  }
0xc4: {  	s0 =	sor.u32 s1, s0  }
0xc5: {  	s0 =	sadd.s32 $0x8F2B, s0  }
0xc6: {  	[sflag:s0] =	ssyncadd.remote.s32 $0x1  }
0xc7: {  	_ =	sfence.sel $0xFFFF  }
0xc8: {  	[dreg:$0x0] =	wrdreg $0xFFFFFFFF;
	(pc) =	sbr.abs _section_cstart, $3  }
0xc9: {  	[dreg:$0x1] =	wrdreg $0xFFFFFFFF  }
0xca: {  	_ =	task.clear_ibuf [dreg:s9], $0x2FFFF;
	_ =	strace $0x9FFFFFFF  }
0xcb: {  	(tm) =	ssettm $0x7FFFFFFF  }
tec
execute0_lowered:
.L_overlay_start_1:
0x0: {  	(tag) =	ssettag $0x1  }
0x1: {  	s0 =	rddreg [dreg:$0x0]  }
0x2: {  	s13 =	rddreg [dreg:$0x1]  }
0x3: {  	s1 =	rddreg [dreg:$0x3]  }
0x4: {  	s3 =	rddreg [dreg:$0x4];
	s4 =	simm.s32 $0x0  }
0x5: {  	[smem:$0x7FF] =	sst s4;
	s25 =	sadd.s32 $0x2240, s0  }
0x6: {  	s26 =	sadd.s32 $0x2280, s0;
	_ =	strace $0x80000047;
	[dreg:$0x6] =	wrdreg s25  }
0x7: {  	s29 =	sadd.s32 $0x22C0, s0;
	[dreg:$0x7] =	wrdreg s26  }
0x8: {  	s30 =	sadd.s32 $0x2300, s0;
	[dreg:$0x8] =	wrdreg s29  }
0x9: {  	s31 =	sadd.s32 $0x2340, s0;
	[dreg:$0x9] =	wrdreg s30  }
0xa: {  	s11 =	sadd.s32 $0x2380, s0;
	[dreg:$0xa] =	wrdreg s31  }
0xb: {  	s2 =	srdreg.scid;
	s12 =	sadd.s32 $0x23C0, s0;
	[dreg:$0xb] =	wrdreg s11  }
0xc: {  	s6 =	stileid.u32;
	s14 =	sadd.s32 $0x2400, s0;
	[dreg:$0xc] =	wrdreg s12  }
0xd: {  	s28 =	simm.s32 $0x0;
	s15 =	sadd.s32 $0x2440, s0;
	[dreg:$0xd] =	wrdreg s14  }
0xe: {  	s2 =	sand.u32 $0x1, s2;
	s16 =	sadd.s32 $0x2480, s0;
	[dreg:$0xe] =	wrdreg s15  }
0xf: {  	s5 =	sshll.u32 s6, $0x9;
	s17 =	sadd.s32 $0x24C0, s0;
	[dreg:$0xf] =	wrdreg s16  }
0x10: {  	s18 =	sadd.s32 $0x2500, s0;
	s19 =	sadd.s32 $0x2540, s0;
	[dreg:$0x10] =	wrdreg s17  }
0x11: {  	s20 =	sadd.s32 $0x2580, s0;
	p0 =	sne.s32 s6, $0x0;
	[dreg:$0x11] =	wrdreg s18  }
0x12: {  	s6 =	sadd.s32 $0x200, s13;
	s7 =	sshll.u32 s2, $0x8;
	[dreg:$0x12] =	wrdreg s19  }
0x13: {  	s2 =	ssub.s32 $0x2, s2;
	[dreg:$0x13] =	wrdreg s20;
	s25 =	sadd.s32 $0x40, s13  }
0x14: {  	s26 =	sadd.s32 $0x80, s13;
	s29 =	sadd.s32 $0xC0, s13;
	s30 =	sadd.s32 $0x100, s13  }
0x15: {  	s31 =	sadd.s32 $0x140, s13;
	s11 =	sadd.s32 $0x340, s13;
	s12 =	sadd.s32 $0x380, s13  }
0x16: {  	s15 =	simm.s32 $0x8000;
	s16 =	simm.s32 $0x8400;
	[dreg:$0x1a] =	wrdreg s25  }
0x17: {  	s17 =	simm.s32 $0x3;
	s18 =	simm.s32 $0x8200;
	[dreg:$0x1b] =	wrdreg s26  }
0x18: {  	s20 =	simm.s32 $0x8600;
	s7 =	sor.u32 s7, s5;
	[dreg:$0x1c] =	wrdreg s29  }
0x19: {  	s5 =	sadd.s32 $0x2200, s0;
	s9 =	sshrl.u32 s2, $0x1;
	[dreg:$0x1d] =	wrdreg s30  }
0x1a: {  	[dreg:$0x1e] =	wrdreg s31;
	s25 =	simm.s32 $0x8B00;
	s26 =	simm.s32 $0x1  }
0x1b: {  	s8 =	sshrl.u32 s7, $0x3;
	s2 =	ssub.s32 s2, s9;
	s7 =	sshll.u32 s7, $0x4  }
0x1c: {  	s9 =	sadd.s32 $0x2C0, s13;
	s10 =	sadd.s32 s8, s0;
	s19 =	sadd.s32 s1, s7  }
0x1d: {  	s0 =	sadd.s32 $0x25C0, s0;
	s21 =	sadd.s32 s5, s8;
	s22 =	sadd.s32 s13, s8  }
0x1e: {  	s24 =	smax.u32 s2, $0x1;
	s2 =	sadd.s32 $0x180, s13;
	[dreg:$0x14] =	wrdreg s0  }
0x1f: {  	v0 =	vlaneseq.u32;
	s1 =	sadd.s32 $0x1C0, s13;
	s7 =	sadd.s32 $0x240, s13;
	[dreg:$0x15] =	wrdreg s21  }
0x20: {  	v1 =	vimm.s32 $0x0;
	v2 =	vadd.s32 $0x1, v0;
	s8 =	sadd.s32 $0x280, s13;
	[dreg:$0x16] =	wrdreg s22;
	s23 =	sadd.s32 $0x2600, s10  }
0x21: {  	v3 =	vadd.s32 $0x201, v0;
	v4 =	vadd.s32 $0x401, v0;
	v5 =	vadd.s32 $0x601, v0;
	s0 =	sadd.s32 $0x80, s3;
	[dreg:$0x18] =	wrdreg s24;
	s10 =	sadd.s32 $0x300, s13  }
0x22: {  	v6 =	vadd.s32 $0x801, v0;
	v7 =	vadd.s32 $0xA01, v0;
	v8 =	vadd.s32 $0xC01, v0;
	s13 =	sadd.s32 $0x3C0, s13;
	s14 =	sadd.s32 $0x800, s19;
	s21 =	simm.s32 $0x4  }
0x23: {  	v9 =	vadd.s32 $0xE01, v0;
	v10 =	vadd.s32 $0x1001, v0;
	v11 =	vadd.s32 $0x1201, v0;
	s22 =	simm.s32 $0x5;
	[dreg:$0x17] =	wrdreg s23;
	s0 =	sshrl.u32 @!p0 s0, $0x3  }
0x24: {  	v12 =	vadd.s32 $0x1401, v0;
	v13 =	vadd.s32 $0x1601, v0;
	v14 =	vadd.s32 $0x1801, v0;
	s24 =	simm.s32 $0x8A00;
	s23 =	simm.s32 $0x80;
	[dreg:$0x19] =	wrdreg s0  }
.LBB2_1:
0x25: {  	s29 =	rddreg [dreg:$0x2]  }
0x26: {  	s0 =	simm.s32 @!p0 $0x1C02;
	s30 =	rddreg [dreg:$0x19]  }
0x27: {  	[spmem:s30], [sflag:s0] =	dma.local @!p0 [hbm:s29], $0x20000  }
0x28: {  	s29 =	simm.s32 $0x0;
	s0 =	simm.s32 $0x200;
	_ =	strace $0x80000048  }
.LBB2_2:
0x29: {  	p1 =	sne.s32 s0, $0x1FE00;
	[tilespmem:s29+$0x70] =	vst v1  }
0x2a: {  	[tilespmem:s29+$0x0] =	vst v1  }
0x2b: {  	[tilespmem:s29+$0x10] =	vst v1  }
.Ltmp0:
0x2c: {  	[tilespmem:s29+$0x20] =	vst v1;
	(pc) =	sbr.rel @p1 .LBB2_2-.Ltmp0, $4  }
0x2d: {  	[tilespmem:s29+$0x30] =	vst v1  }
0x2e: {  	[tilespmem:s29+$0x40] =	vst v1  }
0x2f: {  	[tilespmem:s29+$0x50] =	vst v1  }
0x30: {  	[tilespmem:s29+$0x60] =	vst v1;
	s29 =	sshra.s32 s0, $0x2;
	s0 =	sadd.s32 $0x200, s0  }
0x31: {  	[tilespmem:s29+$0x70] =	vst v1  }
0x32: {  	[tilespmem:s29+$0x0] =	vst v1  }
0x33: {  	[tilespmem:s29+$0x10] =	vst v1  }
0x34: {  	[tilespmem:s29+$0x20] =	vst v1  }
0x35: {  	[tilespmem:s29+$0x30] =	vst v1  }
0x36: {  	[tilespmem:s29+$0x40] =	vst v1  }
0x37: {  	[tilespmem:s29+$0x50] =	vst v1  }
0x38: {  	[tilespmem:s29+$0x60] =	vst v1  }
0x39: {  	_ =	strace $0x90000048  }
0x3a: {  	s29 =	simm.s32 $0x0;
	_ =	strace $0x80000049  }
0x3b: {  	[tilespmem:s15], [sflag:$0x3] =	stream.linear.gather [hbm4b:s5+s29], $0x200, $0x200038;
	[tilespmem:$0x1CB88] =	vst v63  }
0x3c: {  	s0 =	rddreg [dreg:$0x1]  }
0x3d: {  	[tilespmem:s16], [sflag:$0x3] =	stream.linear.gather [hbm4b:s0+s29], $0x200, $0x200038;
	[tilespmem:$0x1CB88] =	vst v63  }
0x3e: {  	_ =	swait.ge [sflag:s17], $0x200  }
0x3f: {  	[sflag:s17] =	ssyncset.done $0x0  }
0x40: {  	[sflag:s17] =	ssyncadd.s32 $0xFFFFFE00  }
0x41: {  	_ =	swait.ge [sflag:s17], $0x200  }
0x42: {  	[sflag:s17] =	ssyncset.done $0x0  }
0x43: {  	s0 =	rddreg [dreg:$0x6];
	[sflag:s17] =	ssyncadd.s32 $0xFFFFFE00  }
0x44: {  	[tilespmem:s18], [sflag:$0x4] =	stream.linear.gather [hbm4b:s0+s29], $0x200, $0x200038;
	[tilespmem:$0x1CB88] =	vst v63  }
0x45: {  	s30 =	simm.s32 $0x8020;
	s31 =	simm.s32 $0x8420;
	s0 =	rddreg [dreg:$0x1a]  }
0x46: {  	[tilespmem:s20], [sflag:$0x4] =	stream.linear.gather [hbm4b:s0+s29], $0x200, $0x200038;
	[tilespmem:$0x1CB88] =	vst v63  }
.LBB2_4:
0x47: {  	v15 =	vld [tilespmem:s30+$0xFFFFFFE0]  }
0x48: {  	v16 =	vld [tilespmem:s31+$0xFFFFFFE0];
	_ =	sdelay $0x3  }
0x49: {  	v15 =	vshll.u32 v15, $0x8  }
0x4a: {  	v15 =	vadd.s32 v16, v15  }
0x4b: {  	v15 =	vshra.s32 v15, $0x1;
	_ =	sdelay $0x1  }
0x4c: {  	v16 =	vshll.u32 v16, $0x4  }
0x4d: {  	v17 =	vor.u32 s29, v2;
	v16 =	vand.u32 $0x10, v16  }
0x4e: {  	v16 =	vshll.u32 v17, v16  }
0x4f: {  	[tilespmem:v15+s4+$0x0] =	vst.idx.add.s32.msk $0xffff, v16  }
0x50: {  	v15 =	vld [tilespmem:s30+$0xFFFFFFF0]  }
0x51: {  	v16 =	vld [tilespmem:s31+$0xFFFFFFF0];
	_ =	sdelay $0x3  }
0x52: {  	v15 =	vshll.u32 v15, $0x8  }
0x53: {  	v15 =	vadd.s32 v16, v15  }
0x54: {  	v15 =	vshra.s32 v15, $0x1;
	_ =	sdelay $0x1  }
0x55: {  	s0 =	sadd.s32 $0x10, s29;
	v16 =	vshll.u32 v16, $0x4  }
0x56: {  	v61 =	vadd.s32 s0, v2;
	v16 =	vand.u32 $0x10, v16  }
0x57: {  	v16 =	vshll.u32 v61, v16  }
0x58: {  	[tilespmem:v15+s4+$0x0] =	vst.idx.add.s32.msk $0xffff, v16  }
0x59: {  	v15 =	vld [tilespmem:s30+$0x0]  }
0x5a: {  	v16 =	vld [tilespmem:s31+$0x0];
	_ =	sdelay $0x3  }
0x5b: {  	v15 =	vshll.u32 v15, $0x8  }
0x5c: {  	v15 =	vadd.s32 v16, v15  }
0x5d: {  	v15 =	vshra.s32 v15, $0x1;
	_ =	sdelay $0x1  }
0x5e: {  	s0 =	sadd.s32 $0x20, s29;
	v16 =	vshll.u32 v16, $0x4  }
0x5f: {  	v62 =	vor.u32 s0, v2;
	v16 =	vand.u32 $0x10, v16  }
0x60: {  	v16 =	vshll.u32 v62, v16  }
0x61: {  	[tilespmem:v15+s4+$0x0] =	vst.idx.add.s32.msk $0xffff, v16  }
0x62: {  	v15 =	vld [tilespmem:s30+$0x10]  }
0x63: {  	v16 =	vld [tilespmem:s31+$0x10];
	_ =	sdelay $0x3  }
0x64: {  	v15 =	vshll.u32 v15, $0x8  }
0x65: {  	v15 =	vadd.s32 v16, v15  }
0x66: {  	p1 =	sne.s32 s29, $0x1C0;
	v15 =	vshra.s32 v15, $0x1  }
.Ltmp1:
0x67: {  	_ = 	snop;
	(pc) =	sbr.rel @p1 .LBB2_4-.Ltmp1, $4  }
0x68: {  	s0 =	sadd.s32 $0x30, s29;
	v16 =	vshll.u32 v16, $0x4  }
0x69: {  	v63 =	vadd.s32 s0, v2;
	v16 =	vand.u32 $0x10, v16  }
0x6a: {  	v16 =	vshll.u32 v63, v16  }
0x6b: {  	s29 =	sadd.s32 $0x40, s29;
	s30 =	sadd.s32 $0x40, s30;
	s31 =	sadd.s32 $0x40, s31;
	[tilespmem:v15+s4+$0x0] =	vst.idx.add.s32.msk $0xffff, v16  }
0x6c: {  	_ =	swait.ge [sflag:s21], $0x200  }
0x6d: {  	[sflag:s21] =	ssyncset.done $0x0  }
0x6e: {  	[sflag:s21] =	ssyncadd.s32 $0xFFFFFE00  }
0x6f: {  	_ =	swait.ge [sflag:s21], $0x200  }
0x70: {  	[sflag:s21] =	ssyncset.done $0x0  }
0x71: {  	s29 =	simm.s32 $0x0;
	s0 =	rddreg [dreg:$0x7];
	[sflag:s21] =	ssyncadd.s32 $0xFFFFFE00  }
0x72: {  	[tilespmem:s15], [sflag:$0x3] =	stream.linear.gather [hbm4b:s0+s29], $0x200, $0x200038;
	[tilespmem:$0x1CB88] =	vst v63  }
0x73: {  	s30 =	simm.s32 $0x8630;
	s31 =	simm.s32 $0x8230;
	s0 =	rddreg [dreg:$0x1b]  }
0x74: {  	[tilespmem:s16], [sflag:$0x3] =	stream.linear.gather [hbm4b:s0+s29], $0x200, $0x200038;
	[tilespmem:$0x1CB88] =	vst v63  }
.LBB2_6:
0x75: {  	v15 =	vld [tilespmem:s31+$0xFFFFFFD0]  }
0x76: {  	v16 =	vld [tilespmem:s30+$0xFFFFFFD0];
	_ =	sdelay $0x3  }
0x77: {  	v15 =	vshll.u32 v15, $0x8  }
0x78: {  	v15 =	vadd.s32 v16, v15  }
0x79: {  	v15 =	vshra.s32 v15, $0x1;
	_ =	sdelay $0x1  }
0x7a: {  	v16 =	vshll.u32 v16, $0x4  }
0x7b: {  	v17 =	vadd.s32 s29, v3;
	v16 =	vand.u32 $0x10, v16  }
0x7c: {  	v16 =	vshll.u32 v17, v16  }
0x7d: {  	[tilespmem:v15+s4+$0x0] =	vst.idx.add.s32.msk $0xffff, v16  }
0x7e: {  	v15 =	vld [tilespmem:s31+$0xFFFFFFE0]  }
0x7f: {  	v16 =	vld [tilespmem:s30+$0xFFFFFFE0];
	_ =	sdelay $0x3  }
0x80: {  	v15 =	vshll.u32 v15, $0x8  }
0x81: {  	v15 =	vadd.s32 v16, v15  }
0x82: {  	v15 =	vshra.s32 v15, $0x1;
	_ =	sdelay $0x1  }
0x83: {  	s0 =	sadd.s32 $0x10, s29;
	v16 =	vshll.u32 v16, $0x4  }
0x84: {  	v61 =	vadd.s32 s0, v3;
	v16 =	vand.u32 $0x10, v16  }
0x85: {  	v16 =	vshll.u32 v61, v16  }
0x86: {  	[tilespmem:v15+s4+$0x0] =	vst.idx.add.s32.msk $0xffff, v16  }
0x87: {  	v15 =	vld [tilespmem:s31+$0xFFFFFFF0]  }
0x88: {  	v16 =	vld [tilespmem:s30+$0xFFFFFFF0];
	_ =	sdelay $0x3  }
0x89: {  	v15 =	vshll.u32 v15, $0x8  }
0x8a: {  	v15 =	vadd.s32 v16, v15  }
0x8b: {  	v15 =	vshra.s32 v15, $0x1;
	_ =	sdelay $0x1  }
0x8c: {  	s0 =	sadd.s32 $0x20, s29;
	v16 =	vshll.u32 v16, $0x4  }
0x8d: {  	v62 =	vadd.s32 s0, v3;
	v16 =	vand.u32 $0x10, v16  }
0x8e: {  	v16 =	vshll.u32 v62, v16  }
0x8f: {  	[tilespmem:v15+s4+$0x0] =	vst.idx.add.s32.msk $0xffff, v16  }
0x90: {  	v15 =	vld [tilespmem:s31+$0x0]  }
0x91: {  	v16 =	vld [tilespmem:s30+$0x0];
	_ =	sdelay $0x3  }
0x92: {  	v15 =	vshll.u32 v15, $0x8  }
0x93: {  	v15 =	vadd.s32 v16, v15  }
0x94: {  	p1 =	sne.s32 s29, $0x1C0;
	v15 =	vshra.s32 v15, $0x1  }
.Ltmp2:
0x95: {  	_ = 	snop;
	(pc) =	sbr.rel @p1 .LBB2_6-.Ltmp2, $4  }
0x96: {  	s0 =	sadd.s32 $0x30, s29;
	v16 =	vshll.u32 v16, $0x4  }
0x97: {  	v63 =	vadd.s32 s0, v3;
	v16 =	vand.u32 $0x10, v16  }
0x98: {  	v16 =	vshll.u32 v63, v16  }
0x99: {  	s29 =	sadd.s32 $0x40, s29;
	s30 =	sadd.s32 $0x40, s30;
	s31 =	sadd.s32 $0x40, s31;
	[tilespmem:v15+s4+$0x0] =	vst.idx.add.s32.msk $0xffff, v16  }
0x9a: {  	_ =	swait.ge [sflag:s17], $0x200  }
0x9b: {  	[sflag:s17] =	ssyncset.done $0x0  }
0x9c: {  	[sflag:s17] =	ssyncadd.s32 $0xFFFFFE00  }
0x9d: {  	_ =	swait.ge [sflag:s17], $0x200  }
0x9e: {  	[sflag:s17] =	ssyncset.done $0x0  }
0x9f: {  	s29 =	simm.s32 $0x0;
	s0 =	rddreg [dreg:$0x8];
	[sflag:s17] =	ssyncadd.s32 $0xFFFFFE00  }
0xa0: {  	[tilespmem:s18], [sflag:$0x4] =	stream.linear.gather [hbm4b:s0+s29], $0x200, $0x200038;
	[tilespmem:$0x1CB88] =	vst v63  }
0xa1: {  	s30 =	simm.s32 $0x8020;
	s31 =	simm.s32 $0x8420;
	s0 =	rddreg [dreg:$0x1c]  }
0xa2: {  	[tilespmem:s20], [sflag:$0x4] =	stream.linear.gather [hbm4b:s0+s29], $0x200, $0x200038;
	[tilespmem:$0x1CB88] =	vst v63  }
.LBB2_8:
0xa3: {  	v15 =	vld [tilespmem:s30+$0xFFFFFFE0]  }
0xa4: {  	v16 =	vld [tilespmem:s31+$0xFFFFFFE0];
	_ =	sdelay $0x3  }
0xa5: {  	v15 =	vshll.u32 v15, $0x8  }
0xa6: {  	v15 =	vadd.s32 v16, v15  }
0xa7: {  	v15 =	vshra.s32 v15, $0x1;
	_ =	sdelay $0x1  }
0xa8: {  	v16 =	vshll.u32 v16, $0x4  }
0xa9: {  	v17 =	vadd.s32 s29, v4;
	v16 =	vand.u32 $0x10, v16  }
0xaa: {  	v16 =	vshll.u32 v17, v16  }
0xab: {  	[tilespmem:v15+s4+$0x0] =	vst.idx.add.s32.msk $0xffff, v16  }
0xac: {  	v15 =	vld [tilespmem:s30+$0xFFFFFFF0]  }
0xad: {  	v16 =	vld [tilespmem:s31+$0xFFFFFFF0];
	_ =	sdelay $0x3  }
0xae: {  	v15 =	vshll.u32 v15, $0x8  }
0xaf: {  	v15 =	vadd.s32 v16, v15  }
0xb0: {  	v15 =	vshra.s32 v15, $0x1;
	_ =	sdelay $0x1  }
0xb1: {  	s0 =	sadd.s32 $0x10, s29;
	v16 =	vshll.u32 v16, $0x4  }
0xb2: {  	v61 =	vadd.s32 s0, v4;
	v16 =	vand.u32 $0x10, v16  }
0xb3: {  	v16 =	vshll.u32 v61, v16  }
0xb4: {  	[tilespmem:v15+s4+$0x0] =	vst.idx.add.s32.msk $0xffff, v16  }
0xb5: {  	v15 =	vld [tilespmem:s30+$0x0]  }
0xb6: {  	v16 =	vld [tilespmem:s31+$0x0];
	_ =	sdelay $0x3  }
0xb7: {  	v15 =	vshll.u32 v15, $0x8  }
0xb8: {  	v15 =	vadd.s32 v16, v15  }
0xb9: {  	v15 =	vshra.s32 v15, $0x1;
	_ =	sdelay $0x1  }
0xba: {  	s0 =	sadd.s32 $0x20, s29;
	v16 =	vshll.u32 v16, $0x4  }
0xbb: {  	v62 =	vadd.s32 s0, v4;
	v16 =	vand.u32 $0x10, v16  }
0xbc: {  	v16 =	vshll.u32 v62, v16  }
0xbd: {  	[tilespmem:v15+s4+$0x0] =	vst.idx.add.s32.msk $0xffff, v16  }
0xbe: {  	v15 =	vld [tilespmem:s30+$0x10]  }
0xbf: {  	v16 =	vld [tilespmem:s31+$0x10];
	_ =	sdelay $0x3  }
0xc0: {  	v15 =	vshll.u32 v15, $0x8  }
0xc1: {  	v15 =	vadd.s32 v16, v15  }
0xc2: {  	p1 =	sne.s32 s29, $0x1C0;
	v15 =	vshra.s32 v15, $0x1  }
.Ltmp3:
0xc3: {  	_ = 	snop;
	(pc) =	sbr.rel @p1 .LBB2_8-.Ltmp3, $4  }
0xc4: {  	s0 =	sadd.s32 $0x30, s29;
	v16 =	vshll.u32 v16, $0x4  }
0xc5: {  	v63 =	vadd.s32 s0, v4;
	v16 =	vand.u32 $0x10, v16  }
0xc6: {  	v16 =	vshll.u32 v63, v16  }
0xc7: {  	s29 =	sadd.s32 $0x40, s29;
	s30 =	sadd.s32 $0x40, s30;
	s31 =	sadd.s32 $0x40, s31;
	[tilespmem:v15+s4+$0x0] =	vst.idx.add.s32.msk $0xffff, v16  }
0xc8: {  	_ =	swait.ge [sflag:s21], $0x200  }
0xc9: {  	[sflag:s21] =	ssyncset.done $0x0  }
0xca: {  	[sflag:s21] =	ssyncadd.s32 $0xFFFFFE00  }
0xcb: {  	_ =	swait.ge [sflag:s21], $0x200  }
0xcc: {  	[sflag:s21] =	ssyncset.done $0x0  }
0xcd: {  	s29 =	simm.s32 $0x0;
	s0 =	rddreg [dreg:$0x9];
	[sflag:s21] =	ssyncadd.s32 $0xFFFFFE00  }
0xce: {  	[tilespmem:s15], [sflag:$0x3] =	stream.linear.gather [hbm4b:s0+s29], $0x200, $0x200038;
	[tilespmem:$0x1CB88] =	vst v63  }
0xcf: {  	s30 =	simm.s32 $0x8630;
	s31 =	simm.s32 $0x8230;
	s0 =	rddreg [dreg:$0x1d]  }
0xd0: {  	[tilespmem:s16], [sflag:$0x3] =	stream.linear.gather [hbm4b:s0+s29], $0x200, $0x200038;
	[tilespmem:$0x1CB88] =	vst v63  }
.LBB2_10:
0xd1: {  	v15 =	vld [tilespmem:s31+$0xFFFFFFD0]  }
0xd2: {  	v16 =	vld [tilespmem:s30+$0xFFFFFFD0];
	_ =	sdelay $0x3  }
0xd3: {  	v15 =	vshll.u32 v15, $0x8  }
0xd4: {  	v15 =	vadd.s32 v16, v15  }
0xd5: {  	v15 =	vshra.s32 v15, $0x1;
	_ =	sdelay $0x1  }
0xd6: {  	v16 =	vshll.u32 v16, $0x4  }
0xd7: {  	v17 =	vadd.s32 s29, v5;
	v16 =	vand.u32 $0x10, v16  }
0xd8: {  	v16 =	vshll.u32 v17, v16  }
0xd9: {  	[tilespmem:v15+s4+$0x0] =	vst.idx.add.s32.msk $0xffff, v16  }
0xda: {  	v15 =	vld [tilespmem:s31+$0xFFFFFFE0]  }
0xdb: {  	v16 =	vld [tilespmem:s30+$0xFFFFFFE0];
	_ =	sdelay $0x3  }
0xdc: {  	v15 =	vshll.u32 v15, $0x8  }
0xdd: {  	v15 =	vadd.s32 v16, v15  }
0xde: {  	v15 =	vshra.s32 v15, $0x1;
	_ =	sdelay $0x1  }
0xdf: {  	s0 =	sadd.s32 $0x10, s29;
	v16 =	vshll.u32 v16, $0x4  }
0xe0: {  	v61 =	vadd.s32 s0, v5;
	v16 =	vand.u32 $0x10, v16  }
0xe1: {  	v16 =	vshll.u32 v61, v16  }
0xe2: {  	[tilespmem:v15+s4+$0x0] =	vst.idx.add.s32.msk $0xffff, v16  }
0xe3: {  	v15 =	vld [tilespmem:s31+$0xFFFFFFF0]  }
0xe4: {  	v16 =	vld [tilespmem:s30+$0xFFFFFFF0];
	_ =	sdelay $0x3  }
0xe5: {  	v15 =	vshll.u32 v15, $0x8  }
0xe6: {  	v15 =	vadd.s32 v16, v15  }
0xe7: {  	v15 =	vshra.s32 v15, $0x1;
	_ =	sdelay $0x1  }
0xe8: {  	s0 =	sadd.s32 $0x20, s29;
	v16 =	vshll.u32 v16, $0x4  }
0xe9: {  	v62 =	vadd.s32 s0, v5;
	v16 =	vand.u32 $0x10, v16  }
0xea: {  	v16 =	vshll.u32 v62, v16  }
0xeb: {  	[tilespmem:v15+s4+$0x0] =	vst.idx.add.s32.msk $0xffff, v16  }
0xec: {  	v15 =	vld [tilespmem:s31+$0x0]  }
0xed: {  	v16 =	vld [tilespmem:s30+$0x0];
	_ =	sdelay $0x3  }
0xee: {  	v15 =	vshll.u32 v15, $0x8  }
0xef: {  	v15 =	vadd.s32 v16, v15  }
0xf0: {  	p1 =	sne.s32 s29, $0x1C0;
	v15 =	vshra.s32 v15, $0x1  }
.Ltmp4:
0xf1: {  	_ = 	snop;
	(pc) =	sbr.rel @p1 .LBB2_10-.Ltmp4, $4  }
0xf2: {  	s0 =	sadd.s32 $0x30, s29;
	v16 =	vshll.u32 v16, $0x4  }
0xf3: {  	v63 =	vadd.s32 s0, v5;
	v16 =	vand.u32 $0x10, v16  }
0xf4: {  	v16 =	vshll.u32 v63, v16  }
0xf5: {  	s29 =	sadd.s32 $0x40, s29;
	s30 =	sadd.s32 $0x40, s30;
	s31 =	sadd.s32 $0x40, s31;
	[tilespmem:v15+s4+$0x0] =	vst.idx.add.s32.msk $0xffff, v16  }
0xf6: {  	_ =	swait.ge [sflag:s17], $0x200  }
0xf7: {  	[sflag:s17] =	ssyncset.done $0x0  }
0xf8: {  	[sflag:s17] =	ssyncadd.s32 $0xFFFFFE00  }
0xf9: {  	_ =	swait.ge [sflag:s17], $0x200  }
0xfa: {  	[sflag:s17] =	ssyncset.done $0x0  }
0xfb: {  	s29 =	simm.s32 $0x0;
	s0 =	rddreg [dreg:$0xa];
	[sflag:s17] =	ssyncadd.s32 $0xFFFFFE00  }
0xfc: {  	[tilespmem:s18], [sflag:$0x4] =	stream.linear.gather [hbm4b:s0+s29], $0x200, $0x200038;
	[tilespmem:$0x1CB88] =	vst v63  }
0xfd: {  	s30 =	simm.s32 $0x8020;
	s31 =	simm.s32 $0x8420;
	s0 =	rddreg [dreg:$0x1e]  }
0xfe: {  	[tilespmem:s20], [sflag:$0x4] =	stream.linear.gather [hbm4b:s0+s29], $0x200, $0x200038;
	[tilespmem:$0x1CB88] =	vst v63  }
.LBB2_12:
0xff: {  	v15 =	vld [tilespmem:s30+$0xFFFFFFE0]  }
0x100: {  	v16 =	vld [tilespmem:s31+$0xFFFFFFE0];
	_ =	sdelay $0x3  }
0x101: {  	v15 =	vshll.u32 v15, $0x8  }
0x102: {  	v15 =	vadd.s32 v16, v15  }
0x103: {  	v15 =	vshra.s32 v15, $0x1;
	_ =	sdelay $0x1  }
0x104: {  	v16 =	vshll.u32 v16, $0x4  }
0x105: {  	v17 =	vadd.s32 s29, v6;
	v16 =	vand.u32 $0x10, v16  }
0x106: {  	v16 =	vshll.u32 v17, v16  }
0x107: {  	[tilespmem:v15+s4+$0x0] =	vst.idx.add.s32.msk $0xffff, v16  }
0x108: {  	v15 =	vld [tilespmem:s30+$0xFFFFFFF0]  }
0x109: {  	v16 =	vld [tilespmem:s31+$0xFFFFFFF0];
	_ =	sdelay $0x3  }
0x10a: {  	v15 =	vshll.u32 v15, $0x8  }
0x10b: {  	v15 =	vadd.s32 v16, v15  }
0x10c: {  	v15 =	vshra.s32 v15, $0x1;
	_ =	sdelay $0x1  }
0x10d: {  	s0 =	sadd.s32 $0x10, s29;
	v16 =	vshll.u32 v16, $0x4  }
0x10e: {  	v61 =	vadd.s32 s0, v6;
	v16 =	vand.u32 $0x10, v16  }
0x10f: {  	v16 =	vshll.u32 v61, v16  }
0x110: {  	[tilespmem:v15+s4+$0x0] =	vst.idx.add.s32.msk $0xffff, v16  }
0x111: {  	v15 =	vld [tilespmem:s30+$0x0]  }
0x112: {  	v16 =	vld [tilespmem:s31+$0x0];
	_ =	sdelay $0x3  }
0x113: {  	v15 =	vshll.u32 v15, $0x8  }
0x114: {  	v15 =	vadd.s32 v16, v15  }
0x115: {  	v15 =	vshra.s32 v15, $0x1;
	_ =	sdelay $0x1  }
0x116: {  	s0 =	sadd.s32 $0x20, s29;
	v16 =	vshll.u32 v16, $0x4  }
0x117: {  	v62 =	vadd.s32 s0, v6;
	v16 =	vand.u32 $0x10, v16  }
0x118: {  	v16 =	vshll.u32 v62, v16  }
0x119: {  	[tilespmem:v15+s4+$0x0] =	vst.idx.add.s32.msk $0xffff, v16  }
0x11a: {  	v15 =	vld [tilespmem:s30+$0x10]  }
0x11b: {  	v16 =	vld [tilespmem:s31+$0x10];
	_ =	sdelay $0x3  }
0x11c: {  	v15 =	vshll.u32 v15, $0x8  }
0x11d: {  	v15 =	vadd.s32 v16, v15  }
0x11e: {  	p1 =	sne.s32 s29, $0x1C0;
	v15 =	vshra.s32 v15, $0x1  }
.Ltmp5:
0x11f: {  	_ = 	snop;
	(pc) =	sbr.rel @p1 .LBB2_12-.Ltmp5, $4  }
0x120: {  	s0 =	sadd.s32 $0x30, s29;
	v16 =	vshll.u32 v16, $0x4  }
0x121: {  	v63 =	vadd.s32 s0, v6;
	v16 =	vand.u32 $0x10, v16  }
0x122: {  	v16 =	vshll.u32 v63, v16  }
0x123: {  	s29 =	sadd.s32 $0x40, s29;
	s30 =	sadd.s32 $0x40, s30;
	s31 =	sadd.s32 $0x40, s31;
	[tilespmem:v15+s4+$0x0] =	vst.idx.add.s32.msk $0xffff, v16  }
0x124: {  	_ =	swait.ge [sflag:s21], $0x200  }
0x125: {  	[sflag:s21] =	ssyncset.done $0x0  }
0x126: {  	[sflag:s21] =	ssyncadd.s32 $0xFFFFFE00  }
0x127: {  	_ =	swait.ge [sflag:s21], $0x200  }
0x128: {  	[sflag:s21] =	ssyncset.done $0x0  }
0x129: {  	s29 =	simm.s32 $0x0;
	s0 =	rddreg [dreg:$0xb];
	[sflag:s21] =	ssyncadd.s32 $0xFFFFFE00  }
0x12a: {  	[tilespmem:s15], [sflag:$0x3] =	stream.linear.gather [hbm4b:s0+s29], $0x200, $0x200038;
	[tilespmem:$0x1CB88] =	vst v63  }
0x12b: {  	s30 =	simm.s32 $0x8630;
	s31 =	simm.s32 $0x8230  }
0x12c: {  	[tilespmem:s16], [sflag:$0x3] =	stream.linear.gather [hbm4b:s2+s29], $0x200, $0x200038;
	[tilespmem:$0x1CB88] =	vst v63  }
.LBB2_14:
0x12d: {  	v15 =	vld [tilespmem:s31+$0xFFFFFFD0]  }
0x12e: {  	v16 =	vld [tilespmem:s30+$0xFFFFFFD0];
	_ =	sdelay $0x3  }
0x12f: {  	v15 =	vshll.u32 v15, $0x8  }
0x130: {  	v15 =	vadd.s32 v16, v15  }
0x131: {  	v15 =	vshra.s32 v15, $0x1;
	_ =	sdelay $0x1  }
0x132: {  	v16 =	vshll.u32 v16, $0x4  }
0x133: {  	v17 =	vadd.s32 s29, v7;
	v16 =	vand.u32 $0x10, v16  }
0x134: {  	v16 =	vshll.u32 v17, v16  }
0x135: {  	[tilespmem:v15+s4+$0x0] =	vst.idx.add.s32.msk $0xffff, v16  }
0x136: {  	v15 =	vld [tilespmem:s31+$0xFFFFFFE0]  }
0x137: {  	v16 =	vld [tilespmem:s30+$0xFFFFFFE0];
	_ =	sdelay $0x3  }
0x138: {  	v15 =	vshll.u32 v15, $0x8  }
0x139: {  	v15 =	vadd.s32 v16, v15  }
0x13a: {  	v15 =	vshra.s32 v15, $0x1;
	_ =	sdelay $0x1  }
0x13b: {  	s0 =	sadd.s32 $0x10, s29;
	v16 =	vshll.u32 v16, $0x4  }
0x13c: {  	v61 =	vadd.s32 s0, v7;
	v16 =	vand.u32 $0x10, v16  }
0x13d: {  	v16 =	vshll.u32 v61, v16  }
0x13e: {  	[tilespmem:v15+s4+$0x0] =	vst.idx.add.s32.msk $0xffff, v16  }
0x13f: {  	v15 =	vld [tilespmem:s31+$0xFFFFFFF0]  }
0x140: {  	v16 =	vld [tilespmem:s30+$0xFFFFFFF0];
	_ =	sdelay $0x3  }
0x141: {  	v15 =	vshll.u32 v15, $0x8  }
0x142: {  	v15 =	vadd.s32 v16, v15  }
0x143: {  	v15 =	vshra.s32 v15, $0x1;
	_ =	sdelay $0x1  }
0x144: {  	s0 =	sadd.s32 $0x20, s29;
	v16 =	vshll.u32 v16, $0x4  }
0x145: {  	v62 =	vadd.s32 s0, v7;
	v16 =	vand.u32 $0x10, v16  }
0x146: {  	v16 =	vshll.u32 v62, v16  }
0x147: {  	[tilespmem:v15+s4+$0x0] =	vst.idx.add.s32.msk $0xffff, v16  }
0x148: {  	v15 =	vld [tilespmem:s31+$0x0]  }
0x149: {  	v16 =	vld [tilespmem:s30+$0x0];
	_ =	sdelay $0x3  }
0x14a: {  	v15 =	vshll.u32 v15, $0x8  }
0x14b: {  	v15 =	vadd.s32 v16, v15  }
0x14c: {  	p1 =	sne.s32 s29, $0x1C0;
	v15 =	vshra.s32 v15, $0x1  }
.Ltmp6:
0x14d: {  	_ = 	snop;
	(pc) =	sbr.rel @p1 .LBB2_14-.Ltmp6, $4  }
0x14e: {  	s0 =	sadd.s32 $0x30, s29;
	v16 =	vshll.u32 v16, $0x4  }
0x14f: {  	v63 =	vadd.s32 s0, v7;
	v16 =	vand.u32 $0x10, v16  }
0x150: {  	v16 =	vshll.u32 v63, v16  }
0x151: {  	s29 =	sadd.s32 $0x40, s29;
	s30 =	sadd.s32 $0x40, s30;
	s31 =	sadd.s32 $0x40, s31;
	[tilespmem:v15+s4+$0x0] =	vst.idx.add.s32.msk $0xffff, v16  }
0x152: {  	_ =	swait.ge [sflag:s17], $0x200  }
0x153: {  	[sflag:s17] =	ssyncset.done $0x0  }
0x154: {  	[sflag:s17] =	ssyncadd.s32 $0xFFFFFE00  }
0x155: {  	_ =	swait.ge [sflag:s17], $0x200  }
0x156: {  	[sflag:s17] =	ssyncset.done $0x0  }
0x157: {  	s29 =	simm.s32 $0x0;
	s0 =	rddreg [dreg:$0xc];
	[sflag:s17] =	ssyncadd.s32 $0xFFFFFE00  }
0x158: {  	[tilespmem:s18], [sflag:$0x4] =	stream.linear.gather [hbm4b:s0+s29], $0x200, $0x200038;
	[tilespmem:$0x1CB88] =	vst v63  }
0x159: {  	s30 =	simm.s32 $0x8020;
	s31 =	simm.s32 $0x8420  }
0x15a: {  	[tilespmem:s20], [sflag:$0x4] =	stream.linear.gather [hbm4b:s1+s29], $0x200, $0x200038;
	[tilespmem:$0x1CB88] =	vst v63  }
.LBB2_16:
0x15b: {  	v15 =	vld [tilespmem:s30+$0xFFFFFFE0]  }
0x15c: {  	v16 =	vld [tilespmem:s31+$0xFFFFFFE0];
	_ =	sdelay $0x3  }
0x15d: {  	v15 =	vshll.u32 v15, $0x8  }
0x15e: {  	v15 =	vadd.s32 v16, v15  }
0x15f: {  	v15 =	vshra.s32 v15, $0x1;
	_ =	sdelay $0x1  }
0x160: {  	v16 =	vshll.u32 v16, $0x4  }
0x161: {  	v17 =	vadd.s32 s29, v8;
	v16 =	vand.u32 $0x10, v16  }
0x162: {  	v16 =	vshll.u32 v17, v16  }
0x163: {  	[tilespmem:v15+s4+$0x0] =	vst.idx.add.s32.msk $0xffff, v16  }
0x164: {  	v15 =	vld [tilespmem:s30+$0xFFFFFFF0]  }
0x165: {  	v16 =	vld [tilespmem:s31+$0xFFFFFFF0];
	_ =	sdelay $0x3  }
0x166: {  	v15 =	vshll.u32 v15, $0x8  }
0x167: {  	v15 =	vadd.s32 v16, v15  }
0x168: {  	v15 =	vshra.s32 v15, $0x1;
	_ =	sdelay $0x1  }
0x169: {  	s0 =	sadd.s32 $0x10, s29;
	v16 =	vshll.u32 v16, $0x4  }
0x16a: {  	v61 =	vadd.s32 s0, v8;
	v16 =	vand.u32 $0x10, v16  }
0x16b: {  	v16 =	vshll.u32 v61, v16  }
0x16c: {  	[tilespmem:v15+s4+$0x0] =	vst.idx.add.s32.msk $0xffff, v16  }
0x16d: {  	v15 =	vld [tilespmem:s30+$0x0]  }
0x16e: {  	v16 =	vld [tilespmem:s31+$0x0];
	_ =	sdelay $0x3  }
0x16f: {  	v15 =	vshll.u32 v15, $0x8  }
0x170: {  	v15 =	vadd.s32 v16, v15  }
0x171: {  	v15 =	vshra.s32 v15, $0x1;
	_ =	sdelay $0x1  }
0x172: {  	s0 =	sadd.s32 $0x20, s29;
	v16 =	vshll.u32 v16, $0x4  }
0x173: {  	v62 =	vadd.s32 s0, v8;
	v16 =	vand.u32 $0x10, v16  }
0x174: {  	v16 =	vshll.u32 v62, v16  }
0x175: {  	[tilespmem:v15+s4+$0x0] =	vst.idx.add.s32.msk $0xffff, v16  }
0x176: {  	v15 =	vld [tilespmem:s30+$0x10]  }
0x177: {  	v16 =	vld [tilespmem:s31+$0x10];
	_ =	sdelay $0x3  }
0x178: {  	v15 =	vshll.u32 v15, $0x8  }
0x179: {  	v15 =	vadd.s32 v16, v15  }
0x17a: {  	p1 =	sne.s32 s29, $0x1C0;
	v15 =	vshra.s32 v15, $0x1  }
.Ltmp7:
0x17b: {  	_ = 	snop;
	(pc) =	sbr.rel @p1 .LBB2_16-.Ltmp7, $4  }
0x17c: {  	s0 =	sadd.s32 $0x30, s29;
	v16 =	vshll.u32 v16, $0x4  }
0x17d: {  	v63 =	vadd.s32 s0, v8;
	v16 =	vand.u32 $0x10, v16  }
0x17e: {  	v16 =	vshll.u32 v63, v16  }
0x17f: {  	s29 =	sadd.s32 $0x40, s29;
	s30 =	sadd.s32 $0x40, s30;
	s31 =	sadd.s32 $0x40, s31;
	[tilespmem:v15+s4+$0x0] =	vst.idx.add.s32.msk $0xffff, v16  }
0x180: {  	_ =	swait.ge [sflag:s21], $0x200  }
0x181: {  	[sflag:s21] =	ssyncset.done $0x0  }
0x182: {  	[sflag:s21] =	ssyncadd.s32 $0xFFFFFE00  }
0x183: {  	_ =	swait.ge [sflag:s21], $0x200  }
0x184: {  	[sflag:s21] =	ssyncset.done $0x0  }
0x185: {  	s29 =	simm.s32 $0x0;
	s0 =	rddreg [dreg:$0xd];
	[sflag:s21] =	ssyncadd.s32 $0xFFFFFE00  }
0x186: {  	[tilespmem:s15], [sflag:$0x3] =	stream.linear.gather [hbm4b:s0+s29], $0x200, $0x200038;
	[tilespmem:$0x1CB88] =	vst v63  }
0x187: {  	s30 =	simm.s32 $0x8630;
	s31 =	simm.s32 $0x8230  }
0x188: {  	[tilespmem:s16], [sflag:$0x3] =	stream.linear.gather [hbm4b:s6+s29], $0x200, $0x200038;
	[tilespmem:$0x1CB88] =	vst v63  }
.LBB2_18:
0x189: {  	v15 =	vld [tilespmem:s31+$0xFFFFFFD0]  }
0x18a: {  	v16 =	vld [tilespmem:s30+$0xFFFFFFD0];
	_ =	sdelay $0x3  }
0x18b: {  	v15 =	vshll.u32 v15, $0x8  }
0x18c: {  	v15 =	vadd.s32 v16, v15  }
0x18d: {  	v15 =	vshra.s32 v15, $0x1;
	_ =	sdelay $0x1  }
0x18e: {  	v16 =	vshll.u32 v16, $0x4  }
0x18f: {  	v17 =	vadd.s32 s29, v9;
	v16 =	vand.u32 $0x10, v16  }
0x190: {  	v16 =	vshll.u32 v17, v16  }
0x191: {  	[tilespmem:v15+s4+$0x0] =	vst.idx.add.s32.msk $0xffff, v16  }
0x192: {  	v15 =	vld [tilespmem:s31+$0xFFFFFFE0]  }
0x193: {  	v16 =	vld [tilespmem:s30+$0xFFFFFFE0];
	_ =	sdelay $0x3  }
0x194: {  	v15 =	vshll.u32 v15, $0x8  }
0x195: {  	v15 =	vadd.s32 v16, v15  }
0x196: {  	v15 =	vshra.s32 v15, $0x1;
	_ =	sdelay $0x1  }
0x197: {  	s0 =	sadd.s32 $0x10, s29;
	v16 =	vshll.u32 v16, $0x4  }
0x198: {  	v61 =	vadd.s32 s0, v9;
	v16 =	vand.u32 $0x10, v16  }
0x199: {  	v16 =	vshll.u32 v61, v16  }
0x19a: {  	[tilespmem:v15+s4+$0x0] =	vst.idx.add.s32.msk $0xffff, v16  }
0x19b: {  	v15 =	vld [tilespmem:s31+$0xFFFFFFF0]  }
0x19c: {  	v16 =	vld [tilespmem:s30+$0xFFFFFFF0];
	_ =	sdelay $0x3  }
0x19d: {  	v15 =	vshll.u32 v15, $0x8  }
0x19e: {  	v15 =	vadd.s32 v16, v15  }
0x19f: {  	v15 =	vshra.s32 v15, $0x1;
	_ =	sdelay $0x1  }
0x1a0: {  	s0 =	sadd.s32 $0x20, s29;
	v16 =	vshll.u32 v16, $0x4  }
0x1a1: {  	v62 =	vadd.s32 s0, v9;
	v16 =	vand.u32 $0x10, v16  }
0x1a2: {  	v16 =	vshll.u32 v62, v16  }
0x1a3: {  	[tilespmem:v15+s4+$0x0] =	vst.idx.add.s32.msk $0xffff, v16  }
0x1a4: {  	v15 =	vld [tilespmem:s31+$0x0]  }
0x1a5: {  	v16 =	vld [tilespmem:s30+$0x0];
	_ =	sdelay $0x3  }
0x1a6: {  	v15 =	vshll.u32 v15, $0x8  }
0x1a7: {  	v15 =	vadd.s32 v16, v15  }
0x1a8: {  	p1 =	sne.s32 s29, $0x1C0;
	v15 =	vshra.s32 v15, $0x1  }
.Ltmp8:
0x1a9: {  	_ = 	snop;
	(pc) =	sbr.rel @p1 .LBB2_18-.Ltmp8, $4  }
0x1aa: {  	s0 =	sadd.s32 $0x30, s29;
	v16 =	vshll.u32 v16, $0x4  }
0x1ab: {  	v63 =	vadd.s32 s0, v9;
	v16 =	vand.u32 $0x10, v16  }
0x1ac: {  	v16 =	vshll.u32 v63, v16  }
0x1ad: {  	s29 =	sadd.s32 $0x40, s29;
	s30 =	sadd.s32 $0x40, s30;
	s31 =	sadd.s32 $0x40, s31;
	[tilespmem:v15+s4+$0x0] =	vst.idx.add.s32.msk $0xffff, v16  }
0x1ae: {  	_ =	swait.ge [sflag:s17], $0x200  }
0x1af: {  	[sflag:s17] =	ssyncset.done $0x0  }
0x1b0: {  	[sflag:s17] =	ssyncadd.s32 $0xFFFFFE00  }
0x1b1: {  	_ =	swait.ge [sflag:s17], $0x200  }
0x1b2: {  	[sflag:s17] =	ssyncset.done $0x0  }
0x1b3: {  	s29 =	simm.s32 $0x0;
	s0 =	rddreg [dreg:$0xe];
	[sflag:s17] =	ssyncadd.s32 $0xFFFFFE00  }
0x1b4: {  	[tilespmem:s18], [sflag:$0x4] =	stream.linear.gather [hbm4b:s0+s29], $0x200, $0x200038;
	[tilespmem:$0x1CB88] =	vst v63  }
0x1b5: {  	s30 =	simm.s32 $0x8020;
	s31 =	simm.s32 $0x8420  }
0x1b6: {  	[tilespmem:s20], [sflag:$0x4] =	stream.linear.gather [hbm4b:s7+s29], $0x200, $0x200038;
	[tilespmem:$0x1CB88] =	vst v63  }
.LBB2_20:
0x1b7: {  	v15 =	vld [tilespmem:s30+$0xFFFFFFE0]  }
0x1b8: {  	v16 =	vld [tilespmem:s31+$0xFFFFFFE0];
	_ =	sdelay $0x3  }
0x1b9: {  	v15 =	vshll.u32 v15, $0x8  }
0x1ba: {  	v15 =	vadd.s32 v16, v15  }
0x1bb: {  	v15 =	vshra.s32 v15, $0x1;
	_ =	sdelay $0x1  }
0x1bc: {  	v16 =	vshll.u32 v16, $0x4  }
0x1bd: {  	v17 =	vadd.s32 s29, v10;
	v16 =	vand.u32 $0x10, v16  }
0x1be: {  	v16 =	vshll.u32 v17, v16  }
0x1bf: {  	[tilespmem:v15+s4+$0x0] =	vst.idx.add.s32.msk $0xffff, v16  }
0x1c0: {  	v15 =	vld [tilespmem:s30+$0xFFFFFFF0]  }
0x1c1: {  	v16 =	vld [tilespmem:s31+$0xFFFFFFF0];
	_ =	sdelay $0x3  }
0x1c2: {  	v15 =	vshll.u32 v15, $0x8  }
0x1c3: {  	v15 =	vadd.s32 v16, v15  }
0x1c4: {  	v15 =	vshra.s32 v15, $0x1;
	_ =	sdelay $0x1  }
0x1c5: {  	s0 =	sadd.s32 $0x10, s29;
	v16 =	vshll.u32 v16, $0x4  }
0x1c6: {  	v61 =	vadd.s32 s0, v10;
	v16 =	vand.u32 $0x10, v16  }
0x1c7: {  	v16 =	vshll.u32 v61, v16  }
0x1c8: {  	[tilespmem:v15+s4+$0x0] =	vst.idx.add.s32.msk $0xffff, v16  }
0x1c9: {  	v15 =	vld [tilespmem:s30+$0x0]  }
0x1ca: {  	v16 =	vld [tilespmem:s31+$0x0];
	_ =	sdelay $0x3  }
0x1cb: {  	v15 =	vshll.u32 v15, $0x8  }
0x1cc: {  	v15 =	vadd.s32 v16, v15  }
0x1cd: {  	v15 =	vshra.s32 v15, $0x1;
	_ =	sdelay $0x1  }
0x1ce: {  	s0 =	sadd.s32 $0x20, s29;
	v16 =	vshll.u32 v16, $0x4  }
0x1cf: {  	v62 =	vadd.s32 s0, v10;
	v16 =	vand.u32 $0x10, v16  }
0x1d0: {  	v16 =	vshll.u32 v62, v16  }
0x1d1: {  	[tilespmem:v15+s4+$0x0] =	vst.idx.add.s32.msk $0xffff, v16  }
0x1d2: {  	v15 =	vld [tilespmem:s30+$0x10]  }
0x1d3: {  	v16 =	vld [tilespmem:s31+$0x10];
	_ =	sdelay $0x3  }
0x1d4: {  	v15 =	vshll.u32 v15, $0x8  }
0x1d5: {  	v15 =	vadd.s32 v16, v15  }
0x1d6: {  	p1 =	sne.s32 s29, $0x1C0;
	v15 =	vshra.s32 v15, $0x1  }
.Ltmp9:
0x1d7: {  	_ = 	snop;
	(pc) =	sbr.rel @p1 .LBB2_20-.Ltmp9, $4  }
0x1d8: {  	s0 =	sadd.s32 $0x30, s29;
	v16 =	vshll.u32 v16, $0x4  }
0x1d9: {  	v63 =	vadd.s32 s0, v10;
	v16 =	vand.u32 $0x10, v16  }
0x1da: {  	v16 =	vshll.u32 v63, v16  }
0x1db: {  	s29 =	sadd.s32 $0x40, s29;
	s30 =	sadd.s32 $0x40, s30;
	s31 =	sadd.s32 $0x40, s31;
	[tilespmem:v15+s4+$0x0] =	vst.idx.add.s32.msk $0xffff, v16  }
0x1dc: {  	_ =	swait.ge [sflag:s21], $0x200  }
0x1dd: {  	[sflag:s21] =	ssyncset.done $0x0  }
0x1de: {  	[sflag:s21] =	ssyncadd.s32 $0xFFFFFE00  }
0x1df: {  	_ =	swait.ge [sflag:s21], $0x200  }
0x1e0: {  	[sflag:s21] =	ssyncset.done $0x0  }
0x1e1: {  	s29 =	simm.s32 $0x0;
	s0 =	rddreg [dreg:$0xf];
	[sflag:s21] =	ssyncadd.s32 $0xFFFFFE00  }
0x1e2: {  	[tilespmem:s15], [sflag:$0x3] =	stream.linear.gather [hbm4b:s0+s29], $0x200, $0x200038;
	[tilespmem:$0x1CB88] =	vst v63  }
0x1e3: {  	s30 =	simm.s32 $0x8630;
	s31 =	simm.s32 $0x8230  }
0x1e4: {  	[tilespmem:s16], [sflag:$0x3] =	stream.linear.gather [hbm4b:s8+s29], $0x200, $0x200038;
	[tilespmem:$0x1CB88] =	vst v63  }
.LBB2_22:
0x1e5: {  	v15 =	vld [tilespmem:s31+$0xFFFFFFD0]  }
0x1e6: {  	v16 =	vld [tilespmem:s30+$0xFFFFFFD0];
	_ =	sdelay $0x3  }
0x1e7: {  	v15 =	vshll.u32 v15, $0x8  }
0x1e8: {  	v15 =	vadd.s32 v16, v15  }
0x1e9: {  	v15 =	vshra.s32 v15, $0x1;
	_ =	sdelay $0x1  }
0x1ea: {  	v16 =	vshll.u32 v16, $0x4  }
0x1eb: {  	v17 =	vadd.s32 s29, v11;
	v16 =	vand.u32 $0x10, v16  }
0x1ec: {  	v16 =	vshll.u32 v17, v16  }
0x1ed: {  	[tilespmem:v15+s4+$0x0] =	vst.idx.add.s32.msk $0xffff, v16  }
0x1ee: {  	v15 =	vld [tilespmem:s31+$0xFFFFFFE0]  }
0x1ef: {  	v16 =	vld [tilespmem:s30+$0xFFFFFFE0];
	_ =	sdelay $0x3  }
0x1f0: {  	v15 =	vshll.u32 v15, $0x8  }
0x1f1: {  	v15 =	vadd.s32 v16, v15  }
0x1f2: {  	v15 =	vshra.s32 v15, $0x1;
	_ =	sdelay $0x1  }
0x1f3: {  	s0 =	sadd.s32 $0x10, s29;
	v16 =	vshll.u32 v16, $0x4  }
0x1f4: {  	v61 =	vadd.s32 s0, v11;
	v16 =	vand.u32 $0x10, v16  }
0x1f5: {  	v16 =	vshll.u32 v61, v16  }
0x1f6: {  	[tilespmem:v15+s4+$0x0] =	vst.idx.add.s32.msk $0xffff, v16  }
0x1f7: {  	v15 =	vld [tilespmem:s31+$0xFFFFFFF0]  }
0x1f8: {  	v16 =	vld [tilespmem:s30+$0xFFFFFFF0];
	_ =	sdelay $0x3  }
0x1f9: {  	v15 =	vshll.u32 v15, $0x8  }
0x1fa: {  	v15 =	vadd.s32 v16, v15  }
0x1fb: {  	v15 =	vshra.s32 v15, $0x1;
	_ =	sdelay $0x1  }
0x1fc: {  	s0 =	sadd.s32 $0x20, s29;
	v16 =	vshll.u32 v16, $0x4  }
0x1fd: {  	v62 =	vadd.s32 s0, v11;
	v16 =	vand.u32 $0x10, v16  }
0x1fe: {  	v16 =	vshll.u32 v62, v16  }
0x1ff: {  	[tilespmem:v15+s4+$0x0] =	vst.idx.add.s32.msk $0xffff, v16  }
0x200: {  	v15 =	vld [tilespmem:s31+$0x0]  }
0x201: {  	v16 =	vld [tilespmem:s30+$0x0];
	_ =	sdelay $0x3  }
0x202: {  	v15 =	vshll.u32 v15, $0x8  }
0x203: {  	v15 =	vadd.s32 v16, v15  }
0x204: {  	p1 =	sne.s32 s29, $0x1C0;
	v15 =	vshra.s32 v15, $0x1  }
.Ltmp10:
0x205: {  	_ = 	snop;
	(pc) =	sbr.rel @p1 .LBB2_22-.Ltmp10, $4  }
0x206: {  	s0 =	sadd.s32 $0x30, s29;
	v16 =	vshll.u32 v16, $0x4  }
0x207: {  	v63 =	vadd.s32 s0, v11;
	v16 =	vand.u32 $0x10, v16  }
0x208: {  	v16 =	vshll.u32 v63, v16  }
0x209: {  	s29 =	sadd.s32 $0x40, s29;
	s30 =	sadd.s32 $0x40, s30;
	s31 =	sadd.s32 $0x40, s31;
	[tilespmem:v15+s4+$0x0] =	vst.idx.add.s32.msk $0xffff, v16  }
0x20a: {  	_ =	swait.ge [sflag:s17], $0x200  }
0x20b: {  	[sflag:s17] =	ssyncset.done $0x0  }
0x20c: {  	[sflag:s17] =	ssyncadd.s32 $0xFFFFFE00  }
0x20d: {  	_ =	swait.ge [sflag:s17], $0x200  }
0x20e: {  	[sflag:s17] =	ssyncset.done $0x0  }
0x20f: {  	s29 =	simm.s32 $0x0;
	s0 =	rddreg [dreg:$0x10];
	[sflag:s17] =	ssyncadd.s32 $0xFFFFFE00  }
0x210: {  	[tilespmem:s18], [sflag:$0x4] =	stream.linear.gather [hbm4b:s0+s29], $0x200, $0x200038;
	[tilespmem:$0x1CB88] =	vst v63  }
0x211: {  	s30 =	simm.s32 $0x8020;
	s31 =	simm.s32 $0x8420  }
0x212: {  	[tilespmem:s20], [sflag:$0x4] =	stream.linear.gather [hbm4b:s9+s29], $0x200, $0x200038;
	[tilespmem:$0x1CB88] =	vst v63  }
.LBB2_24:
0x213: {  	v15 =	vld [tilespmem:s30+$0xFFFFFFE0]  }
0x214: {  	v16 =	vld [tilespmem:s31+$0xFFFFFFE0];
	_ =	sdelay $0x3  }
0x215: {  	v15 =	vshll.u32 v15, $0x8  }
0x216: {  	v15 =	vadd.s32 v16, v15  }
0x217: {  	v15 =	vshra.s32 v15, $0x1;
	_ =	sdelay $0x1  }
0x218: {  	v16 =	vshll.u32 v16, $0x4  }
0x219: {  	v17 =	vadd.s32 s29, v12;
	v16 =	vand.u32 $0x10, v16  }
0x21a: {  	v16 =	vshll.u32 v17, v16  }
0x21b: {  	[tilespmem:v15+s4+$0x0] =	vst.idx.add.s32.msk $0xffff, v16  }
0x21c: {  	v15 =	vld [tilespmem:s30+$0xFFFFFFF0]  }
0x21d: {  	v16 =	vld [tilespmem:s31+$0xFFFFFFF0];
	_ =	sdelay $0x3  }
0x21e: {  	v15 =	vshll.u32 v15, $0x8  }
0x21f: {  	v15 =	vadd.s32 v16, v15  }
0x220: {  	v15 =	vshra.s32 v15, $0x1;
	_ =	sdelay $0x1  }
0x221: {  	s0 =	sadd.s32 $0x10, s29;
	v16 =	vshll.u32 v16, $0x4  }
0x222: {  	v61 =	vadd.s32 s0, v12;
	v16 =	vand.u32 $0x10, v16  }
0x223: {  	v16 =	vshll.u32 v61, v16  }
0x224: {  	[tilespmem:v15+s4+$0x0] =	vst.idx.add.s32.msk $0xffff, v16  }
0x225: {  	v15 =	vld [tilespmem:s30+$0x0]  }
0x226: {  	v16 =	vld [tilespmem:s31+$0x0];
	_ =	sdelay $0x3  }
0x227: {  	v15 =	vshll.u32 v15, $0x8  }
0x228: {  	v15 =	vadd.s32 v16, v15  }
0x229: {  	v15 =	vshra.s32 v15, $0x1;
	_ =	sdelay $0x1  }
0x22a: {  	s0 =	sadd.s32 $0x20, s29;
	v16 =	vshll.u32 v16, $0x4  }
0x22b: {  	v62 =	vadd.s32 s0, v12;
	v16 =	vand.u32 $0x10, v16  }
0x22c: {  	v16 =	vshll.u32 v62, v16  }
0x22d: {  	[tilespmem:v15+s4+$0x0] =	vst.idx.add.s32.msk $0xffff, v16  }
0x22e: {  	v15 =	vld [tilespmem:s30+$0x10]  }
0x22f: {  	v16 =	vld [tilespmem:s31+$0x10];
	_ =	sdelay $0x3  }
0x230: {  	v15 =	vshll.u32 v15, $0x8  }
0x231: {  	v15 =	vadd.s32 v16, v15  }
0x232: {  	p1 =	sne.s32 s29, $0x1C0;
	v15 =	vshra.s32 v15, $0x1  }
.Ltmp11:
0x233: {  	_ = 	snop;
	(pc) =	sbr.rel @p1 .LBB2_24-.Ltmp11, $4  }
0x234: {  	s0 =	sadd.s32 $0x30, s29;
	v16 =	vshll.u32 v16, $0x4  }
0x235: {  	v63 =	vadd.s32 s0, v12;
	v16 =	vand.u32 $0x10, v16  }
0x236: {  	v16 =	vshll.u32 v63, v16  }
0x237: {  	s29 =	sadd.s32 $0x40, s29;
	s30 =	sadd.s32 $0x40, s30;
	s31 =	sadd.s32 $0x40, s31;
	[tilespmem:v15+s4+$0x0] =	vst.idx.add.s32.msk $0xffff, v16  }
0x238: {  	_ =	swait.ge [sflag:s21], $0x200  }
0x239: {  	[sflag:s21] =	ssyncset.done $0x0  }
0x23a: {  	[sflag:s21] =	ssyncadd.s32 $0xFFFFFE00  }
0x23b: {  	_ =	swait.ge [sflag:s21], $0x200  }
0x23c: {  	[sflag:s21] =	ssyncset.done $0x0  }
0x23d: {  	s29 =	simm.s32 $0x0;
	s0 =	rddreg [dreg:$0x11];
	[sflag:s21] =	ssyncadd.s32 $0xFFFFFE00  }
0x23e: {  	[tilespmem:s15], [sflag:$0x3] =	stream.linear.gather [hbm4b:s0+s29], $0x200, $0x200038;
	[tilespmem:$0x1CB88] =	vst v63  }
0x23f: {  	s30 =	simm.s32 $0x8630;
	s31 =	simm.s32 $0x8230  }
0x240: {  	[tilespmem:s16], [sflag:$0x3] =	stream.linear.gather [hbm4b:s10+s29], $0x200, $0x200038;
	[tilespmem:$0x1CB88] =	vst v63  }
.LBB2_26:
0x241: {  	v15 =	vld [tilespmem:s31+$0xFFFFFFD0]  }
0x242: {  	v16 =	vld [tilespmem:s30+$0xFFFFFFD0];
	_ =	sdelay $0x3  }
0x243: {  	v15 =	vshll.u32 v15, $0x8  }
0x244: {  	v15 =	vadd.s32 v16, v15  }
0x245: {  	v15 =	vshra.s32 v15, $0x1;
	_ =	sdelay $0x1  }
0x246: {  	v16 =	vshll.u32 v16, $0x4  }
0x247: {  	v17 =	vadd.s32 s29, v13;
	v16 =	vand.u32 $0x10, v16  }
0x248: {  	v16 =	vshll.u32 v17, v16  }
0x249: {  	[tilespmem:v15+s4+$0x0] =	vst.idx.add.s32.msk $0xffff, v16  }
0x24a: {  	v15 =	vld [tilespmem:s31+$0xFFFFFFE0]  }
0x24b: {  	v16 =	vld [tilespmem:s30+$0xFFFFFFE0];
	_ =	sdelay $0x3  }
0x24c: {  	v15 =	vshll.u32 v15, $0x8  }
0x24d: {  	v15 =	vadd.s32 v16, v15  }
0x24e: {  	v15 =	vshra.s32 v15, $0x1;
	_ =	sdelay $0x1  }
0x24f: {  	s0 =	sadd.s32 $0x10, s29;
	v16 =	vshll.u32 v16, $0x4  }
0x250: {  	v61 =	vadd.s32 s0, v13;
	v16 =	vand.u32 $0x10, v16  }
0x251: {  	v16 =	vshll.u32 v61, v16  }
0x252: {  	[tilespmem:v15+s4+$0x0] =	vst.idx.add.s32.msk $0xffff, v16  }
0x253: {  	v15 =	vld [tilespmem:s31+$0xFFFFFFF0]  }
0x254: {  	v16 =	vld [tilespmem:s30+$0xFFFFFFF0];
	_ =	sdelay $0x3  }
0x255: {  	v15 =	vshll.u32 v15, $0x8  }
0x256: {  	v15 =	vadd.s32 v16, v15  }
0x257: {  	v15 =	vshra.s32 v15, $0x1;
	_ =	sdelay $0x1  }
0x258: {  	s0 =	sadd.s32 $0x20, s29;
	v16 =	vshll.u32 v16, $0x4  }
0x259: {  	v62 =	vadd.s32 s0, v13;
	v16 =	vand.u32 $0x10, v16  }
0x25a: {  	v16 =	vshll.u32 v62, v16  }
0x25b: {  	[tilespmem:v15+s4+$0x0] =	vst.idx.add.s32.msk $0xffff, v16  }
0x25c: {  	v15 =	vld [tilespmem:s31+$0x0]  }
0x25d: {  	v16 =	vld [tilespmem:s30+$0x0];
	_ =	sdelay $0x3  }
0x25e: {  	v15 =	vshll.u32 v15, $0x8  }
0x25f: {  	v15 =	vadd.s32 v16, v15  }
0x260: {  	p1 =	sne.s32 s29, $0x1C0;
	v15 =	vshra.s32 v15, $0x1  }
.Ltmp12:
0x261: {  	_ = 	snop;
	(pc) =	sbr.rel @p1 .LBB2_26-.Ltmp12, $4  }
0x262: {  	s0 =	sadd.s32 $0x30, s29;
	v16 =	vshll.u32 v16, $0x4  }
0x263: {  	v63 =	vadd.s32 s0, v13;
	v16 =	vand.u32 $0x10, v16  }
0x264: {  	v16 =	vshll.u32 v63, v16  }
0x265: {  	s29 =	sadd.s32 $0x40, s29;
	s30 =	sadd.s32 $0x40, s30;
	s31 =	sadd.s32 $0x40, s31;
	[tilespmem:v15+s4+$0x0] =	vst.idx.add.s32.msk $0xffff, v16  }
0x266: {  	_ =	swait.ge [sflag:s17], $0x200  }
0x267: {  	[sflag:s17] =	ssyncset.done $0x0  }
0x268: {  	[sflag:s17] =	ssyncadd.s32 $0xFFFFFE00  }
0x269: {  	_ =	swait.ge [sflag:s17], $0x200  }
0x26a: {  	[sflag:s17] =	ssyncset.done $0x0  }
0x26b: {  	s29 =	simm.s32 $0x0;
	s0 =	rddreg [dreg:$0x12];
	[sflag:s17] =	ssyncadd.s32 $0xFFFFFE00  }
0x26c: {  	[tilespmem:s18], [sflag:$0x4] =	stream.linear.gather [hbm4b:s0+s29], $0x200, $0x200038;
	[tilespmem:$0x1CB88] =	vst v63  }
0x26d: {  	s30 =	simm.s32 $0x8020;
	s31 =	simm.s32 $0x8420  }
0x26e: {  	[tilespmem:s20], [sflag:$0x4] =	stream.linear.gather [hbm4b:s11+s29], $0x200, $0x200038;
	[tilespmem:$0x1CB88] =	vst v63  }
.LBB2_28:
0x26f: {  	v15 =	vld [tilespmem:s30+$0xFFFFFFE0]  }
0x270: {  	v16 =	vld [tilespmem:s31+$0xFFFFFFE0];
	_ =	sdelay $0x3  }
0x271: {  	v15 =	vshll.u32 v15, $0x8  }
0x272: {  	v15 =	vadd.s32 v16, v15  }
0x273: {  	v15 =	vshra.s32 v15, $0x1;
	_ =	sdelay $0x1  }
0x274: {  	v16 =	vshll.u32 v16, $0x4  }
0x275: {  	v17 =	vadd.s32 s29, v14;
	v16 =	vand.u32 $0x10, v16  }
0x276: {  	v16 =	vshll.u32 v17, v16  }
0x277: {  	[tilespmem:v15+s4+$0x0] =	vst.idx.add.s32.msk $0xffff, v16  }
0x278: {  	v15 =	vld [tilespmem:s30+$0xFFFFFFF0]  }
0x279: {  	v16 =	vld [tilespmem:s31+$0xFFFFFFF0];
	_ =	sdelay $0x3  }
0x27a: {  	v15 =	vshll.u32 v15, $0x8  }
0x27b: {  	v15 =	vadd.s32 v16, v15  }
0x27c: {  	v15 =	vshra.s32 v15, $0x1;
	_ =	sdelay $0x1  }
0x27d: {  	s0 =	sadd.s32 $0x10, s29;
	v16 =	vshll.u32 v16, $0x4  }
0x27e: {  	v61 =	vadd.s32 s0, v14;
	v16 =	vand.u32 $0x10, v16  }
0x27f: {  	v16 =	vshll.u32 v61, v16  }
0x280: {  	[tilespmem:v15+s4+$0x0] =	vst.idx.add.s32.msk $0xffff, v16  }
0x281: {  	v15 =	vld [tilespmem:s30+$0x0]  }
0x282: {  	v16 =	vld [tilespmem:s31+$0x0];
	_ =	sdelay $0x3  }
0x283: {  	v15 =	vshll.u32 v15, $0x8  }
0x284: {  	v15 =	vadd.s32 v16, v15  }
0x285: {  	v15 =	vshra.s32 v15, $0x1;
	_ =	sdelay $0x1  }
0x286: {  	s0 =	sadd.s32 $0x20, s29;
	v16 =	vshll.u32 v16, $0x4  }
0x287: {  	v62 =	vadd.s32 s0, v14;
	v16 =	vand.u32 $0x10, v16  }
0x288: {  	v16 =	vshll.u32 v62, v16  }
0x289: {  	[tilespmem:v15+s4+$0x0] =	vst.idx.add.s32.msk $0xffff, v16  }
0x28a: {  	v15 =	vld [tilespmem:s30+$0x10]  }
0x28b: {  	v16 =	vld [tilespmem:s31+$0x10];
	_ =	sdelay $0x3  }
0x28c: {  	v15 =	vshll.u32 v15, $0x8  }
0x28d: {  	v15 =	vadd.s32 v16, v15  }
0x28e: {  	p1 =	sne.s32 s29, $0x1C0;
	v15 =	vshra.s32 v15, $0x1  }
.Ltmp13:
0x28f: {  	_ = 	snop;
	(pc) =	sbr.rel @p1 .LBB2_28-.Ltmp13, $4  }
0x290: {  	s0 =	sadd.s32 $0x30, s29;
	v16 =	vshll.u32 v16, $0x4  }
0x291: {  	v63 =	vadd.s32 s0, v14;
	v16 =	vand.u32 $0x10, v16  }
0x292: {  	v16 =	vshll.u32 v63, v16  }
0x293: {  	s29 =	sadd.s32 $0x40, s29;
	s30 =	sadd.s32 $0x40, s30;
	s31 =	sadd.s32 $0x40, s31;
	[tilespmem:v15+s4+$0x0] =	vst.idx.add.s32.msk $0xffff, v16  }
0x294: {  	_ =	swait.ge [sflag:s21], $0x200  }
0x295: {  	[sflag:s21] =	ssyncset.done $0x0  }
0x296: {  	[sflag:s21] =	ssyncadd.s32 $0xFFFFFE00  }
0x297: {  	_ =	swait.ge [sflag:s21], $0x200  }
0x298: {  	[sflag:s21] =	ssyncset.done $0x0  }
0x299: {  	s29 =	simm.s32 $0x0;
	s0 =	rddreg [dreg:$0x13];
	[sflag:s21] =	ssyncadd.s32 $0xFFFFFE00  }
0x29a: {  	[tilespmem:s15], [sflag:$0x3] =	stream.linear.gather [hbm4b:s0+s29], $0x200, $0x200038;
	[tilespmem:$0x1CB88] =	vst v63  }
0x29b: {  	s30 =	simm.s32 $0x8630;
	s31 =	simm.s32 $0x8230  }
0x29c: {  	[tilespmem:s16], [sflag:$0x3] =	stream.linear.gather [hbm4b:s12+s29], $0x200, $0x200038;
	[tilespmem:$0x1CB88] =	vst v63  }
.LBB2_30:
0x29d: {  	v15 =	vld [tilespmem:s31+$0xFFFFFFD0]  }
0x29e: {  	v16 =	vld [tilespmem:s30+$0xFFFFFFD0];
	_ =	sdelay $0x3  }
0x29f: {  	v15 =	vshll.u32 v15, $0x8  }
0x2a0: {  	v15 =	vadd.s32 v16, v15  }
0x2a1: {  	v15 =	vshra.s32 v15, $0x1;
	_ =	sdelay $0x1  }
0x2a2: {  	v17 =	vadd.s32 $0x1A01, v0;
	v16 =	vshll.u32 v16, $0x4  }
0x2a3: {  	v18 =	vadd.s32 s29, v17;
	v16 =	vand.u32 $0x10, v16  }
0x2a4: {  	v16 =	vshll.u32 v18, v16  }
0x2a5: {  	[tilespmem:v15+s4+$0x0] =	vst.idx.add.s32.msk $0xffff, v16  }
0x2a6: {  	v15 =	vld [tilespmem:s31+$0xFFFFFFE0]  }
0x2a7: {  	v16 =	vld [tilespmem:s30+$0xFFFFFFE0];
	_ =	sdelay $0x3  }
0x2a8: {  	v15 =	vshll.u32 v15, $0x8  }
0x2a9: {  	v15 =	vadd.s32 v16, v15  }
0x2aa: {  	v15 =	vshra.s32 v15, $0x1;
	_ =	sdelay $0x1  }
0x2ab: {  	s0 =	sadd.s32 $0x10, s29;
	v16 =	vshll.u32 v16, $0x4  }
0x2ac: {  	v62 =	vadd.s32 s0, v17;
	v16 =	vand.u32 $0x10, v16  }
0x2ad: {  	v16 =	vshll.u32 v62, v16  }
0x2ae: {  	[tilespmem:v15+s4+$0x0] =	vst.idx.add.s32.msk $0xffff, v16  }
0x2af: {  	v15 =	vld [tilespmem:s31+$0xFFFFFFF0]  }
0x2b0: {  	v16 =	vld [tilespmem:s30+$0xFFFFFFF0];
	_ =	sdelay $0x3  }
0x2b1: {  	v15 =	vshll.u32 v15, $0x8  }
0x2b2: {  	v15 =	vadd.s32 v16, v15  }
0x2b3: {  	v15 =	vshra.s32 v15, $0x1;
	_ =	sdelay $0x1  }
0x2b4: {  	s0 =	sadd.s32 $0x20, s29;
	v16 =	vshll.u32 v16, $0x4  }
0x2b5: {  	v63 =	vadd.s32 s0, v17;
	v16 =	vand.u32 $0x10, v16  }
0x2b6: {  	v16 =	vshll.u32 v63, v16  }
0x2b7: {  	[tilespmem:v15+s4+$0x0] =	vst.idx.add.s32.msk $0xffff, v16  }
0x2b8: {  	v15 =	vld [tilespmem:s31+$0x0]  }
0x2b9: {  	v16 =	vld [tilespmem:s30+$0x0];
	_ =	sdelay $0x3  }
0x2ba: {  	v15 =	vshll.u32 v15, $0x8  }
0x2bb: {  	v15 =	vadd.s32 v16, v15  }
0x2bc: {  	p1 =	sne.s32 s29, $0x1C0;
	v15 =	vshra.s32 v15, $0x1  }
.Ltmp14:
0x2bd: {  	_ = 	snop;
	(pc) =	sbr.rel @p1 .LBB2_30-.Ltmp14, $4  }
0x2be: {  	s0 =	sadd.s32 $0x30, s29;
	v16 =	vshll.u32 v16, $0x4  }
0x2bf: {  	v17 =	vadd.s32 s0, v17;
	v16 =	vand.u32 $0x10, v16  }
0x2c0: {  	v16 =	vshll.u32 v17, v16  }
0x2c1: {  	s29 =	sadd.s32 $0x40, s29;
	s30 =	sadd.s32 $0x40, s30;
	s31 =	sadd.s32 $0x40, s31;
	[tilespmem:v15+s4+$0x0] =	vst.idx.add.s32.msk $0xffff, v16  }
0x2c2: {  	_ =	swait.ge [sflag:s17], $0x200  }
0x2c3: {  	[sflag:s17] =	ssyncset.done $0x0  }
0x2c4: {  	[sflag:s17] =	ssyncadd.s32 $0xFFFFFE00  }
0x2c5: {  	_ =	swait.ge [sflag:s17], $0x200  }
0x2c6: {  	[sflag:s17] =	ssyncset.done $0x0  }
0x2c7: {  	s29 =	simm.s32 $0x0;
	s0 =	rddreg [dreg:$0x14];
	[sflag:s17] =	ssyncadd.s32 $0xFFFFFE00  }
0x2c8: {  	[tilespmem:s18], [sflag:$0x4] =	stream.linear.gather [hbm4b:s0+s29], $0x200, $0x200038;
	[tilespmem:$0x1CB88] =	vst v63  }
0x2c9: {  	s30 =	simm.s32 $0x8020;
	s31 =	simm.s32 $0x8420  }
0x2ca: {  	[tilespmem:s20], [sflag:$0x4] =	stream.linear.gather [hbm4b:s13+s29], $0x200, $0x200038;
	[tilespmem:$0x1CB88] =	vst v63  }
.LBB2_32:
0x2cb: {  	v15 =	vld [tilespmem:s30+$0xFFFFFFE0]  }
0x2cc: {  	v16 =	vld [tilespmem:s31+$0xFFFFFFE0];
	_ =	sdelay $0x3  }
0x2cd: {  	v15 =	vshll.u32 v15, $0x8  }
0x2ce: {  	v15 =	vadd.s32 v16, v15  }
0x2cf: {  	v15 =	vshra.s32 v15, $0x1;
	_ =	sdelay $0x1  }
0x2d0: {  	v17 =	vadd.s32 $0x1C01, v0;
	v16 =	vshll.u32 v16, $0x4  }
0x2d1: {  	v18 =	vadd.s32 s29, v17;
	v16 =	vand.u32 $0x10, v16  }
0x2d2: {  	v16 =	vshll.u32 v18, v16  }
0x2d3: {  	[tilespmem:v15+s4+$0x0] =	vst.idx.add.s32.msk $0xffff, v16  }
0x2d4: {  	v15 =	vld [tilespmem:s30+$0xFFFFFFF0]  }
0x2d5: {  	v16 =	vld [tilespmem:s31+$0xFFFFFFF0];
	_ =	sdelay $0x3  }
0x2d6: {  	v15 =	vshll.u32 v15, $0x8  }
0x2d7: {  	v15 =	vadd.s32 v16, v15  }
0x2d8: {  	v15 =	vshra.s32 v15, $0x1;
	_ =	sdelay $0x1  }
0x2d9: {  	s0 =	sadd.s32 $0x10, s29;
	v16 =	vshll.u32 v16, $0x4  }
0x2da: {  	v62 =	vadd.s32 s0, v17;
	v16 =	vand.u32 $0x10, v16  }
0x2db: {  	v16 =	vshll.u32 v62, v16  }
0x2dc: {  	[tilespmem:v15+s4+$0x0] =	vst.idx.add.s32.msk $0xffff, v16  }
0x2dd: {  	v15 =	vld [tilespmem:s30+$0x0]  }
0x2de: {  	v16 =	vld [tilespmem:s31+$0x0];
	_ =	sdelay $0x3  }
0x2df: {  	v15 =	vshll.u32 v15, $0x8  }
0x2e0: {  	v15 =	vadd.s32 v16, v15  }
0x2e1: {  	v15 =	vshra.s32 v15, $0x1;
	_ =	sdelay $0x1  }
0x2e2: {  	s0 =	sadd.s32 $0x20, s29;
	v16 =	vshll.u32 v16, $0x4  }
0x2e3: {  	v63 =	vadd.s32 s0, v17;
	v16 =	vand.u32 $0x10, v16  }
0x2e4: {  	v16 =	vshll.u32 v63, v16  }
0x2e5: {  	[tilespmem:v15+s4+$0x0] =	vst.idx.add.s32.msk $0xffff, v16  }
0x2e6: {  	v15 =	vld [tilespmem:s30+$0x10]  }
0x2e7: {  	v16 =	vld [tilespmem:s31+$0x10];
	_ =	sdelay $0x3  }
0x2e8: {  	v15 =	vshll.u32 v15, $0x8  }
0x2e9: {  	v15 =	vadd.s32 v16, v15  }
0x2ea: {  	p1 =	sne.s32 s29, $0x1C0;
	v15 =	vshra.s32 v15, $0x1  }
.Ltmp15:
0x2eb: {  	_ = 	snop;
	(pc) =	sbr.rel @p1 .LBB2_32-.Ltmp15, $4  }
0x2ec: {  	s0 =	sadd.s32 $0x30, s29;
	v16 =	vshll.u32 v16, $0x4  }
0x2ed: {  	v17 =	vadd.s32 s0, v17;
	v16 =	vand.u32 $0x10, v16  }
0x2ee: {  	v16 =	vshll.u32 v17, v16  }
0x2ef: {  	s29 =	sadd.s32 $0x40, s29;
	s30 =	sadd.s32 $0x40, s30;
	s31 =	sadd.s32 $0x40, s31;
	[tilespmem:v15+s4+$0x0] =	vst.idx.add.s32.msk $0xffff, v16  }
0x2f0: {  	_ =	swait.ge [sflag:s21], $0x200  }
0x2f1: {  	[sflag:s21] =	ssyncset.done $0x0  }
0x2f2: {  	[sflag:s21] =	ssyncadd.s32 $0xFFFFFE00  }
0x2f3: {  	_ =	swait.ge [sflag:s21], $0x200  }
0x2f4: {  	s29 =	simm.s32 $0x0;
	[sflag:s21] =	ssyncset.done $0x0  }
0x2f5: {  	s30 =	simm.s32 $0x8630;
	s31 =	simm.s32 $0x8230;
	[sflag:s21] =	ssyncadd.s32 $0xFFFFFE00  }
.LBB2_34:
0x2f6: {  	v15 =	vld [tilespmem:s31+$0xFFFFFFD0]  }
0x2f7: {  	v16 =	vld [tilespmem:s30+$0xFFFFFFD0];
	_ =	sdelay $0x3  }
0x2f8: {  	v15 =	vshll.u32 v15, $0x8  }
0x2f9: {  	v15 =	vadd.s32 v16, v15  }
0x2fa: {  	v15 =	vshra.s32 v15, $0x1;
	_ =	sdelay $0x1  }
0x2fb: {  	v17 =	vadd.s32 $0x1E01, v0;
	v16 =	vshll.u32 v16, $0x4  }
0x2fc: {  	v18 =	vadd.s32 s29, v17;
	v16 =	vand.u32 $0x10, v16  }
0x2fd: {  	v16 =	vshll.u32 v18, v16  }
0x2fe: {  	[tilespmem:v15+s4+$0x0] =	vst.idx.add.s32.msk $0xffff, v16  }
0x2ff: {  	v15 =	vld [tilespmem:s31+$0xFFFFFFE0]  }
0x300: {  	v16 =	vld [tilespmem:s30+$0xFFFFFFE0];
	_ =	sdelay $0x3  }
0x301: {  	v15 =	vshll.u32 v15, $0x8  }
0x302: {  	v15 =	vadd.s32 v16, v15  }
0x303: {  	v15 =	vshra.s32 v15, $0x1;
	_ =	sdelay $0x1  }
0x304: {  	s0 =	sadd.s32 $0x10, s29;
	v16 =	vshll.u32 v16, $0x4  }
0x305: {  	v62 =	vadd.s32 s0, v17;
	v16 =	vand.u32 $0x10, v16  }
0x306: {  	v16 =	vshll.u32 v62, v16  }
0x307: {  	[tilespmem:v15+s4+$0x0] =	vst.idx.add.s32.msk $0xffff, v16  }
0x308: {  	v15 =	vld [tilespmem:s31+$0xFFFFFFF0]  }
0x309: {  	v16 =	vld [tilespmem:s30+$0xFFFFFFF0];
	_ =	sdelay $0x3  }
0x30a: {  	v15 =	vshll.u32 v15, $0x8  }
0x30b: {  	v15 =	vadd.s32 v16, v15  }
0x30c: {  	v15 =	vshra.s32 v15, $0x1;
	_ =	sdelay $0x1  }
0x30d: {  	s0 =	sadd.s32 $0x20, s29;
	v16 =	vshll.u32 v16, $0x4  }
0x30e: {  	v63 =	vadd.s32 s0, v17;
	v16 =	vand.u32 $0x10, v16  }
0x30f: {  	v16 =	vshll.u32 v63, v16  }
0x310: {  	[tilespmem:v15+s4+$0x0] =	vst.idx.add.s32.msk $0xffff, v16  }
0x311: {  	v15 =	vld [tilespmem:s31+$0x0]  }
0x312: {  	v16 =	vld [tilespmem:s30+$0x0];
	_ =	sdelay $0x3  }
0x313: {  	v15 =	vshll.u32 v15, $0x8  }
0x314: {  	v15 =	vadd.s32 v16, v15  }
0x315: {  	p1 =	sne.s32 s29, $0x1C0;
	v15 =	vshra.s32 v15, $0x1  }
.Ltmp16:
0x316: {  	_ = 	snop;
	(pc) =	sbr.rel @p1 .LBB2_34-.Ltmp16, $4  }
0x317: {  	s0 =	sadd.s32 $0x30, s29;
	v16 =	vshll.u32 v16, $0x4  }
0x318: {  	v17 =	vadd.s32 s0, v17;
	v16 =	vand.u32 $0x10, v16  }
0x319: {  	v16 =	vshll.u32 v17, v16  }
0x31a: {  	s29 =	sadd.s32 $0x40, s29;
	s30 =	sadd.s32 $0x40, s30;
	s31 =	sadd.s32 $0x40, s31;
	[tilespmem:v15+s4+$0x0] =	vst.idx.add.s32.msk $0xffff, v16  }
0x31b: {  	_ =	strace $0x90000049  }
0x31c: {  	_ =	strace $0x8000004A  }
0x31d: {  	s0 =	simm.s32 $0x0;
	s30 =	simm.s32 $0x8800;
	s29 =	rddreg [dreg:$0x15]  }
0x31e: {  	[tilespmem:s30], [sflag:$0x5] =	stream.linear.gather [hbm4b:s29+s0], $0x100, $0x200038;
	[tilespmem:$0x1CB88] =	vst v63  }
0x31f: {  	_ =	swait.ge [sflag:s22], $0x100  }
0x320: {  	[sflag:s22] =	ssyncset.done $0x0  }
0x321: {  	s30 =	simm.s32 $0x8900;
	s29 =	rddreg [dreg:$0x16];
	[sflag:s22] =	ssyncadd.s32 $0xFFFFFF00  }
0x322: {  	[tilespmem:s30], [sflag:$0x5] =	stream.linear.gather [hbm4b:s29+s0], $0x100, $0x200038;
	[tilespmem:$0x1CB88] =	vst v63  }
0x323: {  	_ =	swait.ge [sflag:s22], $0x100  }
0x324: {  	[sflag:s22] =	ssyncset.done $0x0  }
0x325: {  	s30 =	simm.s32 $0x0;
	[sflag:s22] =	ssyncadd.s32 $0xFFFFFF00  }
0x326: {  	v15 =	vld [tilespmem:s30+$0x8900]  }
0x327: {  	v16 =	vld [tilespmem:s30+$0x8800];
	_ =	sdelay $0x3  }
0x328: {  	s29 =	simm.s32 $0x10;
	v15 =	vshll.u32 v15, $0x8  }
0x329: {  	v17 =	vld [tilespmem:s29+$0x8900];
	v18 =	vadd.s32 v16, v15  }
0x32a: {  	v15 =	vld [tilespmem:s29+$0x8800];
	v18 =	vshra.s32 v18, $0x1;
	_ =	sdelay $0x3  }
0x32b: {  	v17 =	vshll.u32 v17, $0x8  }
0x32c: {  	v19 =	vadd.s32 v15, v17;
	v17 =	vld.idx.msk [tilespmem:v18+s4+$0x0], $0xffff;
	_ =	sdelay $0x2  }
0x32d: {  	v20 =	vshll.u32 v16, $0x4;
	v16 =	vshra.s32 v19, $0x1  }
0x32e: {  	s31 =	simm.s32 $0x20;
	s0 =	simm.s32 $0xC0;
	v18 =	vand.u32 $0x10, v20  }
.LBB2_36:
0x32f: {  	p1 =	sne.s32 s0, $0x3C0;
	v19 =	vld [tilespmem:s31+$0x8900];
	v17 =	vshra.s32 v17, v18  }
0x330: {  	v18 =	vld [tilespmem:s31+$0x8800];
	v17 =	vand.u32 $0xFFFF, v17  }
0x331: {  	[tilespmem:s30+$0x8A00] =	vst v17;
	s30 =	smov.u32 s29;
	s29 =	smov.u32 s31  }
0x332: {  	v17 =	vld.idx.msk [tilespmem:v16+s4+$0x0], $0xffff  }
.Ltmp17:
0x333: {  	(pc) =	sbr.rel @p1 .LBB2_36-.Ltmp17, $4  }
0x334: {  	v16 =	vshll.u32 v19, $0x8  }
0x335: {  	v16 =	vadd.s32 v18, v16  }
0x336: {  	v19 =	vshll.u32 v15, $0x4;
	v15 =	vmov v18;
	v16 =	vshra.s32 v16, $0x1  }
0x337: {  	s31 =	sshra.s32 s0, $0x2;
	s0 =	sadd.s32 $0x40, s0;
	v18 =	vand.u32 $0x10, v19  }
0x338: {  	v19 =	vld [tilespmem:s31+$0x8900]  }
0x339: {  	v17 =	vshra.s32 v17, v18;
	v61 =	vld [tilespmem:s31+$0x8800]  }
0x33a: {  	v17 =	vand.u32 $0xFFFF, v17  }
0x33b: {  	[tilespmem:s30+$0x8A00] =	vst v17  }
0x33c: {  	v16 =	vld.idx.msk [tilespmem:v16+s4+$0x0], $0xffff  }
0x33d: {  	v62 =	vshll.u32 v19, $0x8  }
0x33e: {  	v17 =	vadd.s32 v61, v62  }
0x33f: {  	v15 =	vshll.u32 v15, $0x4;
	v17 =	vshra.s32 v17, $0x1  }
0x340: {  	v15 =	vand.u32 $0x10, v15  }
0x341: {  	v15 =	vshra.s32 v16, v15  }
0x342: {  	v15 =	vand.u32 $0xFFFF, v15  }
0x343: {  	[tilespmem:s29+$0x8A00] =	vst v15  }
0x344: {  	v15 =	vld.idx.msk [tilespmem:v17+s4+$0x0], $0xffff;
	_ =	sdelay $0x2  }
0x345: {  	v63 =	vshll.u32 v61, $0x4  }
0x346: {  	v16 =	vand.u32 $0x10, v63  }
0x347: {  	v15 =	vshra.s32 v15, v16  }
0x348: {  	v15 =	vand.u32 $0xFFFF, v15  }
0x349: {  	[tilespmem:s31+$0x8A00] =	vst v15;
	v15 =	vimm.f32 @!p0 $0.0e+00  }
0x34a: {  	_ =	strace $0x9000004A;
	[tilespmem:$0xCB00] =	vst @!p0 v15  }
0x34b: {  	[tilespmem:$0xCB10] =	vst @!p0 v15  }
0x34c: {  	[tilespmem:$0xCB20] =	vst @!p0 v15  }
0x34d: {  	[tilespmem:$0xCB30] =	vst @!p0 v15  }
0x34e: {  	[tilespmem:$0xCB40] =	vst @!p0 v15  }
0x34f: {  	[tilespmem:$0xCB50] =	vst @!p0 v15  }
0x350: {  	[tilespmem:$0xCB60] =	vst @!p0 v15  }
0x351: {  	s0 =	simm.s32 @!p0 $0xCB00;
	[tilespmem:$0xCB70] =	vst @!p0 v15  }
0x352: {  	[spmem:s3] =	stream.linear.scatter @!p0 [tilespmem:s0], [sflag:$0x5], $0x80, $0x38;
	[tilespmem:$0x1CB88] =	vst v63  }
0x353: {  	s0 =	simm.s32 @!p0 $0x5  }
0x354: {  	_ =	swait.ge @!p0 [sflag:s0], $0x80  }
0x355: {  	[sflag:s0] =	ssyncset.done @!p0 $0x0  }
0x356: {  	[sflag:s0] =	ssyncadd.s32 @!p0 $0xFFFFFF80;
	s0 =	simm.s32 @!p0 $0x2  }
0x357: {  	_ =	swait.ge @!p0 [sflag:s0], $0x20000  }
0x358: {  	[sflag:s0] =	ssyncset.done @!p0 $0x0  }
0x359: {  	[sflag:s0] =	ssyncadd.s32 @!p0 $0xFFFE0000  }
0x35a: {  	[bflag:$0x0] =	sbarrier.arrive $0xFFFF  }
0x35b: {  	_ =	strace $0x8000004B  }
0x35c: {  	[tilespmem:s25], [sflag:$0x1] =	stream.indirect.gather [spmem:s3], $0x80, s24, s23, $0x2000b8;
	[tilespmem:$0x1CB88] =	vst v63  }
0x35d: {  	s29 =	rddreg [dreg:$0x17]  }
0x35e: {  	[hbm4b:s29+s4] =	stream.linear.scatter [tilespmem:s24], [sflag:$0x5], $0x100, $0x200038;
	[tilespmem:$0x1CB88] =	vst v63  }
0x35f: {  	_ =	swait.ge [sflag:s22], $0x100  }
0x360: {  	[sflag:s22] =	ssyncset.done $0x0  }
0x361: {  	[sflag:s22] =	ssyncadd.s32 $0xFFFFFF00  }
0x362: {  	_ =	swait.ge [sflag:s26], $0x4000  }
0x363: {  	[sflag:s26] =	ssyncset.done $0x0  }
0x364: {  	[sflag:s26] =	ssyncadd.s32 $0xFFFFC000  }
0x365: {  	[hbm4b:s19+s4] =	stream.linear.scatter [tilespmem:s25], [sflag:$0x5], $0x4000, $0x200038;
	[tilespmem:$0x1CB88] =	vst v63  }
0x366: {  	_ =	swait.ge [sflag:s22], $0x4000  }
0x367: {  	[sflag:s22] =	ssyncset.done $0x0  }
0x368: {  	s30 =	simm.s32 $0x8A80;
	[sflag:s22] =	ssyncadd.s32 $0xFFFFC000  }
0x369: {  	[tilespmem:s25], [sflag:$0x1] =	stream.indirect.gather [spmem:s3], $0x80, s30, s23, $0x2000b8;
	[tilespmem:$0x1CB88] =	vst v63  }
0x36a: {  	_ =	swait.ge [sflag:s26], $0x4000  }
0x36b: {  	[sflag:s26] =	ssyncset.done $0x0  }
0x36c: {  	[sflag:s26] =	ssyncadd.s32 $0xFFFFC000  }
0x36d: {  	[hbm4b:s14+s4] =	stream.linear.scatter [tilespmem:s25], [sflag:$0x5], $0x4000, $0x200038;
	[tilespmem:$0x1CB88] =	vst v63  }
0x36e: {  	_ =	swait.ge [sflag:s22], $0x4000  }
0x36f: {  	s28 =	sadd.s32 $0x1, s28;
	s31 =	rddreg [dreg:$0x18]  }
0x370: {  	p1 =	sne.s32 s28, s31  }
.Ltmp18:
0x371: {  	_ = 	snop;
	(pc) =	sbr.rel @p1 .LBB2_1-.Ltmp18, $4  }
0x372: {  	_ = 	snop  }
0x373: {  	[sflag:s22] =	ssyncset.done $0x0  }
0x374: {  	[sflag:s22] =	ssyncadd.s32 $0xFFFFC000  }
0x375: {  	_ =	strace $0x9000004B  }
0x376: {  	_ =	sfence.sel $0x180000  }
0x377: {  	[bflag:$0x0] =	sbarrier.arrive $0xFFFF  }
0x378: {  	_ =	strace $0x90000047  }
0x379: {  	[bflag:$0x2] =	sbarrier.arrive $0xFFFF  }
0x37a: {  	s0 =	rddreg [dreg:$0x5]  }
0x37b: {  	s0 =	sadd.s32 @!p0 $0x100000, s0  }
0x37c: {  	[sflag:s0] =	ssyncadd.tile.s32 @!p0 $0x1;
	_ =	shalt  }
.Lfunc_end2:
_tile_overlayer_lowered:
.L_overlay_start_2:
0x37d: {  	(tag) =	ssettag $0x2  }
0x37e: {  	s0 =	rddreg [dreg:$0x0];
	s2 =	stileid.u32  }
0x37f: {  	s1 =	rddreg [dreg:$0x1];
	p0 =	sne.s32 s2, $0x0  }
0x380: {  	s3 =	rddreg [dreg:$0x2];
	[bflag:$0x3] =	sbarrier.arrive $0xFFFF;
	s2 =	simm.s32 @!p0 $0x1C05  }
0x381: {  	[timem:s3], [sflag:s2] =	dma.local @!p0 [hbm:s0], s1  }
0x382: {  	s0 =	simm.s32 @!p0 $0x5  }
0x383: {  	_ =	swait.ge @!p0 [sflag:s0], s1  }
0x384: {  	s1 =	ssub.s32 @!p0 $0x0, s1;
	[sflag:s0] =	ssyncset.done @!p0 $0x0  }
0x385: {  	[sflag:s0] =	ssyncadd.s32 @!p0 s1  }
0x386: {  	[bflag:$0x3] =	sbarrier.arrive $0xFFFF  }
0x387: {  	_ =	shalt  }

</sc_bundles>
